<compile_context>
chip_gen: v7x
topology: tpu7x:2x2x1
jax: 0.10.2.dev20260603
libtpu: 0.0.44.dev20260713+nightly
codegen_flags: <defaults>
</compile_context>

<pallas_src>
import functools

import jax
import jax.numpy as jnp
from jax import lax
from jax.experimental import pallas as pl
from jax.experimental.pallas import tpu as pltpu
from jax.experimental.pallas import tpu_sc as plsc

N = 10000
E = 320000
IN_DIM = 128
HID = 32
NCLS = 2

NC = 2
NS = 16
NW = NC * NS
CHUNK = 128
GK = 4
NCH = 80
E_PAD = NW * NCH * CHUNK
NP = 10112
RPT = NP // NS
DEG_W = 16
DEG_KB = 8

_mesh = plsc.VectorSubcoreMesh(core_axis_name="c", subcore_axis_name="s")
_sc_params = pltpu.CompilerParams(use_tc_tiling_on_sc=False)


def _worker_id():
    return lax.axis_index("s") * NC + lax.axis_index("c")


@functools.partial(
    pl.kernel,
    out_type=jax.ShapeDtypeStruct((NC, NP, DEG_W), jnp.float32),
    mesh=_mesh,
    compiler_params=_sc_params,
    scratch_types=[
        pltpu.VMEM_SHARED((NP, DEG_W), jnp.float32),
        pltpu.VMEM((CHUNK, DEG_W), jnp.float32),
        pltpu.VMEM((NCH, CHUNK), jnp.int32),
        pltpu.SemaphoreType.DMA,
    ],
)
def _sc_degree(dst3, ones_hbm, zeros_hbm, out, acc, ones_v, idx_d, sem):
    cid = lax.axis_index("c")
    sid = lax.axis_index("s")
    wid = _worker_id()
    base = sid * RPT
    pltpu.sync_copy(dst3.at[wid], idx_d)
    pltpu.sync_copy(ones_hbm, ones_v)
    pltpu.sync_copy(zeros_hbm.at[pl.ds(base, RPT)], acc.at[pl.ds(base, RPT)])
    plsc.subcore_barrier()

    def body(j0, carry):
        descs = [
            pltpu.async_copy(ones_v, acc.at[idx_d.at[j0 * DEG_KB + b]], sem,
                             add=True)
            for b in range(DEG_KB)
        ]
        for d in descs:
            d.wait()
        return carry

    lax.fori_loop(0, NCH // DEG_KB, body, 0)
    plsc.subcore_barrier()
    pltpu.sync_copy(acc.at[pl.ds(base, RPT)], out.at[cid, pl.ds(base, RPT)])


def _make_spmm(dim, gk, nhalf, chunk=CHUNK):
    hch = (NCH * CHUNK) // chunk // nhalf

    @functools.partial(
        pl.kernel,
        out_type=jax.ShapeDtypeStruct((NC, NP, dim), jnp.float32),
        mesh=_mesh,
        compiler_params=_sc_params,
        scratch_types=[
            pltpu.VMEM_SHARED((NP, dim), jnp.float32),
            [pltpu.VMEM((chunk, dim), jnp.float32) for _ in range(2 * gk)],
            pltpu.VMEM((hch, chunk), jnp.int32),
            pltpu.VMEM((hch, chunk), jnp.int32),
            pltpu.SemaphoreType.DMA,
            pltpu.SemaphoreType.DMA,
        ],
    )
    def _sc_spmm(xp, src3, dst3, zeros_hbm, out, acc, rows, idx_s, idx_d,
                 gsem, ssem):
        cid = lax.axis_index("c")
        sid = lax.axis_index("s")
        wid = _worker_id()
        base = sid * RPT
        pltpu.sync_copy(zeros_hbm.at[pl.ds(base, RPT)],
                        acc.at[pl.ds(base, RPT)])
        plsc.subcore_barrier()

        def body(j0, carry):
            c0 = j0 * 2 * gk
            ga = [pltpu.async_copy(xp.at[idx_s.at[c0 + b]], rows[b], gsem)
                  for b in range(gk)]
            for d in ga:
                d.wait()
            sa = [pltpu.async_copy(rows[b], acc.at[idx_d.at[c0 + b]], ssem,
                                   add=True) for b in range(gk)]
            gb = [pltpu.async_copy(xp.at[idx_s.at[c0 + gk + b]],
                                   rows[gk + b], gsem) for b in range(gk)]
            for d in gb:
                d.wait()
            sb = [pltpu.async_copy(rows[gk + b],
                                   acc.at[idx_d.at[c0 + gk + b]],
                                   ssem, add=True) for b in range(gk)]
            for d in sa + sb:
                d.wait()
            return carry

        for h in range(nhalf):
            pltpu.sync_copy(src3.at[wid, pl.ds(h * hch, hch)], idx_s)
            pltpu.sync_copy(dst3.at[wid, pl.ds(h * hch, hch)], idx_d)
            lax.fori_loop(0, hch // (2 * gk), body, 0)
        plsc.subcore_barrier()
        pltpu.sync_copy(acc.at[pl.ds(base, RPT)], out.at[cid, pl.ds(base, RPT)])

    return _sc_spmm


_sc_spmm32 = _make_spmm(HID, GK, 1)
_sc_spmm128 = _make_spmm(IN_DIM, 2, 2, chunk=64)


@functools.partial(
    pl.kernel,
    out_type=(
        jax.ShapeDtypeStruct((E_PAD, HID), jnp.float32),
        jax.ShapeDtypeStruct((E_PAD, HID), jnp.float32),
    ),
    mesh=_mesh,
    compiler_params=_sc_params,
    scratch_types=[
        [pltpu.VMEM((CHUNK, HID), jnp.float32) for _ in range(2 * GK)],
        [pltpu.VMEM((CHUNK, HID), jnp.float32) for _ in range(2 * GK)],
        pltpu.VMEM((NCH, CHUNK), jnp.int32),
        pltpu.VMEM((NCH, CHUNK), jnp.int32),
        pltpu.SemaphoreType.DMA,
        pltpu.SemaphoreType.DMA,
    ],
)
def _sc_edge_gather(h3, src3, dst3, gs, gd, rows_s, rows_d, idx_s, idx_d,
                    gsem, wsem):
    wid = _worker_id()
    woff = wid * (NCH * CHUNK)
    pltpu.sync_copy(src3.at[wid], idx_s)
    pltpu.sync_copy(dst3.at[wid], idx_d)

    def grp_gather(c0, lo):
        descs = []
        for b in range(GK):
            descs.append(pltpu.async_copy(h3.at[idx_s.at[c0 + b]],
                                          rows_s[lo + b], gsem))
            descs.append(pltpu.async_copy(h3.at[idx_d.at[c0 + b]],
                                          rows_d[lo + b], gsem))
        return descs

    def grp_write(c0, lo):
        descs = []
        for b in range(GK):
            j = c0 + b
            descs.append(pltpu.async_copy(
                rows_s[lo + b], gs.at[pl.ds(woff + j * CHUNK, CHUNK)], wsem))
            descs.append(pltpu.async_copy(
                rows_d[lo + b], gd.at[pl.ds(woff + j * CHUNK, CHUNK)], wsem))
        return descs

    def body(j0, carry):
        c0 = j0 * 2 * GK
        ga = grp_gather(c0, 0)
        for d in ga:
            d.wait()
        wa = grp_write(c0, 0)
        gb = grp_gather(c0 + GK, GK)
        for d in gb:
            d.wait()
        wb = grp_write(c0 + GK, GK)
        for d in wa + wb:
            d.wait()
        return carry

    lax.fori_loop(0, NCH // (2 * GK), body, 0)


_BLK = 2528
_EPS = 1e-5


def _prep_body(nf, degp, xp, dv):
    deg = degp[0][:, :1] + degp[1][:, :1] + 1.0
    di = lax.rsqrt(deg)
    xp[...] = di * nf[...]
    dv[...] = di


def _tc_prep(nf_p, degp):
    return pl.pallas_call(
        _prep_body,
        grid=(NP // _BLK,),
        in_specs=[
            pl.BlockSpec((_BLK, IN_DIM), lambda i: (i, 0)),
            pl.BlockSpec((NC, _BLK, DEG_W), lambda i: (0, i, 0)),
        ],
        out_specs=[
            pl.BlockSpec((_BLK, IN_DIM), lambda i: (i, 0)),
            pl.BlockSpec((_BLK, 1), lambda i: (i, 0)),
        ],
        out_shape=[
            jax.ShapeDtypeStruct((NP, IN_DIM), jnp.float32),
            jax.ShapeDtypeStruct((NP, 1), jnp.float32),
        ],
    )(nf_p, degp)


def _layer_body(z, tp, dv, wb, b, g, be, out, *, scale_out):
    di = dv[...]
    zz = di * (z[0] + z[1] + tp[...])
    s = jnp.dot(zz.astype(jnp.bfloat16), wb[...],
                preferred_element_type=jnp.float32) + b[...]
    mu = jnp.mean(s, axis=-1, keepdims=True)
    var = jnp.mean((s - mu) ** 2, axis=-1, keepdims=True)
    h = jnp.maximum((s - mu) / jnp.sqrt(var + _EPS) * g[...] + be[...], 0.0)
    out[...] = di * h if scale_out else h


def _tc_layer(z, tp, dv, wb, b, g, be, scale_out):
    dim = wb.shape[0]
    vec_spec = pl.BlockSpec((1, HID), lambda i: (0, 0))
    in_specs = [pl.BlockSpec((NC, _BLK, dim), lambda i: (0, i, 0)),
                pl.BlockSpec((_BLK, dim), lambda i: (i, 0)),
                pl.BlockSpec((_BLK, 1), lambda i: (i, 0)),
                pl.BlockSpec((dim, HID), lambda i: (0, 0)),
                vec_spec, vec_spec, vec_spec]
    body = functools.partial(_layer_body, scale_out=scale_out)
    return pl.pallas_call(
        body,
        grid=(NP // _BLK,),
        in_specs=in_specs,
        out_specs=pl.BlockSpec((_BLK, HID), lambda i: (i, 0)),
        out_shape=jax.ShapeDtypeStruct((NP, HID), jnp.float32),
    )(z, tp, dv, wb, b, g, be)


_EBLK = 640


def _head_body(gs, gd, w4, b4, out):
    p = (gs[...] * gd[...]).astype(jnp.bfloat16)
    out[...] = (jnp.dot(p, w4[...], preferred_element_type=jnp.float32)
                + b4[...])


def _tc_head(gs4, gd4, w4, b4):
    return pl.pallas_call(
        _head_body,
        grid=(E // (4 * _EBLK),),
        in_specs=[
            pl.BlockSpec((_EBLK, 128), lambda i: (i, 0)),
            pl.BlockSpec((_EBLK, 128), lambda i: (i, 0)),
            pl.BlockSpec((128, 4 * NCLS), lambda i: (0, 0)),
            pl.BlockSpec((1, 4 * NCLS), lambda i: (0, 0)),
        ],
        out_specs=pl.BlockSpec((_EBLK, 4 * NCLS), lambda i: (i, 0)),
        out_shape=jax.ShapeDtypeStruct((E // 4, 4 * NCLS), jnp.float32),
    )(gs4, gd4, w4, b4)


def kernel(node_feat, edge_index, fc1_w, fc1_b, fc2_w, fc2_b, fc3_w, fc3_b,
           ln1_g, ln1_b, ln2_g, ln2_b, ln3_g, ln3_b, cls_w, cls_b):
    ei = edge_index.astype(jnp.int32)
    src = jnp.concatenate(
        [ei[0], jnp.zeros((E_PAD - E,), jnp.int32)]).reshape(NW, NCH, CHUNK)
    dst = jnp.concatenate(
        [ei[1], jnp.full((E_PAD - E,), N, jnp.int32)]).reshape(NW, NCH, CHUNK)

    nf_p = jnp.pad(node_feat, ((0, NP - N), (0, 0)))
    zeros_deg = jnp.zeros((NP, DEG_W), jnp.float32)
    ones_deg = jnp.ones((CHUNK, DEG_W), jnp.float32)
    zeros_hid = jnp.zeros((NP, HID), jnp.float32)
    zeros_in = jnp.zeros((NP, IN_DIM), jnp.float32)

    degp = _sc_degree(dst, ones_deg, zeros_deg)

    xp, dv = _tc_prep(nf_p, degp)
    src64 = src.reshape(NW, 2 * NCH, 64)
    dst64 = dst.reshape(NW, 2 * NCH, 64)
    z = _sc_spmm128(xp, src64, dst64, zeros_in)
    xp = _tc_layer(z, xp, dv, fc1_w.T.astype(jnp.bfloat16),
                   fc1_b.reshape(1, HID), ln1_g.reshape(1, HID),
                   ln1_b.reshape(1, HID), True)
    z = _sc_spmm32(xp, src, dst, zeros_hid)
    xp = _tc_layer(z, xp, dv, fc2_w.T.astype(jnp.bfloat16),
                   fc2_b.reshape(1, HID), ln2_g.reshape(1, HID),
                   ln2_b.reshape(1, HID), True)
    z = _sc_spmm32(xp, src, dst, zeros_hid)
    h3 = _tc_layer(z, xp, dv, fc3_w.T.astype(jnp.bfloat16),
                   fc3_b.reshape(1, HID), ln3_g.reshape(1, HID),
                   ln3_b.reshape(1, HID), False)

    gs, gd = _sc_edge_gather(h3, src, dst)
    w4 = jnp.kron(jnp.eye(4, dtype=jnp.float32),
                  cls_w.T).astype(jnp.bfloat16)
    b4 = jnp.tile(cls_b, 4).reshape(1, 4 * NCLS)
    out = _tc_head(gs.reshape(E_PAD // 4, 128), gd.reshape(E_PAD // 4, 128),
                   w4, b4)
    return out.reshape(E, NCLS)

# --- scband reference (transcript-rebuilt; emitter-appended) ---
"""Pipeline reference for scband-oracle-gnn-69217692942962 (READ-ONLY COPY).

The authoritative reference and input builder live on the scoring server;
editing this copy changes nothing except your own understanding.
"""

import jax, jax.numpy as jnp
import numpy as np

N_NODES = 10000
N_EDGES = 320000
IN_DIM = 128
HIDDEN = 32
NUM_CLASSES = 2


def setup_inputs(seed: int = 0) -> dict:
    key = jax.random.key(seed)
    ks = jax.random.split(key, 12)
    node_feat = jax.random.normal(ks[0], (N_NODES, IN_DIM), dtype=jnp.float32)
    edge_index = jax.random.randint(ks[1], (2, N_EDGES), 0, N_NODES, dtype=jnp.int64)
    s1 = 1.0 / np.sqrt(IN_DIM)
    s2 = 1.0 / np.sqrt(HIDDEN)
    return {
        "node_feat": node_feat,
        "edge_index": edge_index,
        "fc1_w": jax.random.uniform(ks[2], (HIDDEN, IN_DIM), jnp.float32, -s1, s1),
        "fc1_b": jax.random.uniform(ks[3], (HIDDEN,), jnp.float32, -s1, s1),
        "fc2_w": jax.random.uniform(ks[4], (HIDDEN, HIDDEN), jnp.float32, -s2, s2),
        "fc2_b": jax.random.uniform(ks[5], (HIDDEN,), jnp.float32, -s2, s2),
        "fc3_w": jax.random.uniform(ks[6], (HIDDEN, HIDDEN), jnp.float32, -s2, s2),
        "fc3_b": jax.random.uniform(ks[7], (HIDDEN,), jnp.float32, -s2, s2),
        "ln1_g": jnp.ones((HIDDEN,), jnp.float32),
        "ln1_b": jnp.zeros((HIDDEN,), jnp.float32),
        "ln2_g": jnp.ones((HIDDEN,), jnp.float32),
        "ln2_b": jnp.zeros((HIDDEN,), jnp.float32),
        "ln3_g": jnp.ones((HIDDEN,), jnp.float32),
        "ln3_b": jnp.zeros((HIDDEN,), jnp.float32),
        "cls_w": jax.random.uniform(ks[8], (NUM_CLASSES, HIDDEN), jnp.float32, -s2, s2),
        "cls_b": jax.random.uniform(ks[9], (NUM_CLASSES,), jnp.float32, -s2, s2),
    }


def _layer_norm(x, g, b, eps=1e-5):
    m = jnp.mean(x, axis=-1, keepdims=True)
    v = jnp.mean((x - m) ** 2, axis=-1, keepdims=True)
    return (x - m) / jnp.sqrt(v + eps) * g + b


def reference(node_feat, edge_index, fc1_w, fc1_b, fc2_w, fc2_b, fc3_w, fc3_b,
              ln1_g, ln1_b, ln2_g, ln2_b, ln3_g, ln3_b, cls_w, cls_b):
    N = node_feat.shape[0]
    src, dst = edge_index[0], edge_index[1]
    # gcn_norm: add self-loops, symmetric normalization D^-1/2 A D^-1/2
    loop = jnp.arange(N, dtype=edge_index.dtype)
    src_f = jnp.concatenate([src, loop])
    dst_f = jnp.concatenate([dst, loop])
    deg = jnp.zeros((N,), jnp.float32).at[dst_f].add(1.0)
    dinv = jnp.where(deg > 0, deg ** -0.5, 0.0)
    norm = dinv[src_f] * dinv[dst_f]

    def spmm(x):
        return jnp.zeros((N, x.shape[1]), x.dtype).at[dst_f].add(norm[:, None] * x[src_f])

    h = jax.nn.relu(_layer_norm(spmm(node_feat) @ fc1_w.T + fc1_b, ln1_g, ln1_b))
    h = jax.nn.relu(_layer_norm(spmm(h) @ fc2_w.T + fc2_b, ln2_g, ln2_b))
    h = jax.nn.relu(_layer_norm(spmm(h) @ fc3_w.T + fc3_b, ln3_g, ln3_b))
    h_edge = h[src] * h[dst]
    logits = h_edge @ cls_w.T + cls_b
    return logits

if __name__ == "__main__":
    import jax
    _d = setup_inputs()
    print(jax.jit(kernel)(*tuple(_d.values())))

</pallas_src>

<mosaic_0001>
#map = affine_map<(d0, d1) -> (0, 0)>
#map1 = affine_map<(d0, d1) -> (0, 0, 0)>
module attributes {stable_mosaic.version = 14 : i64} {
  func.func @_sc_spmm(%arg0: i32, %arg1: i32, %arg2: memref<10112x32xf32, #tpu.memory_space<hbm>>, %arg3: memref<32x80x128xi32, #tpu.memory_space<hbm>>, %arg4: memref<32x80x128xi32, #tpu.memory_space<hbm>>, %arg5: memref<10112x32xf32, #tpu.memory_space<hbm>>, %arg6: memref<2x10112x32xf32, #tpu.memory_space<hbm>>, %arg7: memref<10112x32xf32, #tpu.memory_space<vmem_shared>>, %arg8: memref<128x32xf32, #tpu.memory_space<vmem>>, %arg9: memref<128x32xf32, #tpu.memory_space<vmem>>, %arg10: memref<128x32xf32, #tpu.memory_space<vmem>>, %arg11: memref<128x32xf32, #tpu.memory_space<vmem>>, %arg12: memref<128x32xf32, #tpu.memory_space<vmem>>, %arg13: memref<128x32xf32, #tpu.memory_space<vmem>>, %arg14: memref<128x32xf32, #tpu.memory_space<vmem>>, %arg15: memref<128x32xf32, #tpu.memory_space<vmem>>, %arg16: memref<80x128xi32, #tpu.memory_space<vmem>>, %arg17: memref<80x128xi32, #tpu.memory_space<vmem>>, %arg18: memref<!tpu.dma_semaphore, #tpu.memory_space<semaphore_mem>>, %arg19: memref<!tpu.dma_semaphore, #tpu.memory_space<semaphore_mem>>) attributes {dimension_semantics = [#tpu.dimension_semantics<core_parallel>, #tpu.dimension_semantics<subcore_parallel>], iteration_bounds = array<i64: 2, 16>, scalar_prefetch = 0 : i64, scratch_operands = 13 : i64, tpu.core_type = #tpu.core_type<sc_vector_subcore>, window_params = [{transform_indices = #map}, {transform_indices = #map1}, {transform_indices = #map1}, {transform_indices = #map}, {transform_indices = #map1}]} {
    %mul3A = arith.constant 2 : i32
    %mul3A_0 = arith.muli %arg1, %mul3A : i32
    %add3A = arith.addi %mul3A_0, %arg0 : i32
    %mul3A_1 = arith.constant 632 : i32
    %mul3A_2 = arith.muli %arg1, %mul3A_1 : i32
    "tpu.region"() ({
      %run_scoped3A = tpu.sem_alloc : memref<!tpu.dma_semaphore, #tpu.memory_space<semaphore_mem>>
      %dma_start3A = arith.constant 0 : i32
      %dma_start3A_9 = tpu.memref_slice %arg7[%mul3A_2, %dma_start3A] : memref<10112x32xf32, #tpu.memory_space<vmem_shared>> -> memref<632x32xf32, #tpu.memory_space<vmem_shared>>
      %dma_start3A_10 = arith.constant 0 : i32
      %dma_start3A_11 = tpu.memref_slice %arg5[%mul3A_2, %dma_start3A_10] : memref<10112x32xf32, #tpu.memory_space<hbm>> -> memref<632x32xf32, #tpu.memory_space<hbm>>
      tpu.enqueue_dma source(%dma_start3A_11 : memref<632x32xf32, #tpu.memory_space<hbm>>) target(%dma_start3A_9 : memref<632x32xf32, #tpu.memory_space<vmem_shared>>) target_semaphore(%run_scoped3A : memref<!tpu.dma_semaphore, #tpu.memory_space<semaphore_mem>>)
      %dma_wait3A = arith.constant 0 : i32
      %dma_wait3A_12 = tpu.memref_slice %arg7[%mul3A_2, %dma_wait3A] : memref<10112x32xf32, #tpu.memory_space<vmem_shared>> -> memref<632x32xf32, #tpu.memory_space<vmem_shared>>
      %dma_wait3A_13 = arith.constant 0 : i32
      %dma_wait3A_14 = tpu.memref_slice %arg5[%mul3A_2, %dma_wait3A_13] : memref<10112x32xf32, #tpu.memory_space<hbm>> -> memref<632x32xf32, #tpu.memory_space<hbm>>
      tpu.wait_dma2 semaphore(%run_scoped3A : memref<!tpu.dma_semaphore, #tpu.memory_space<semaphore_mem>>) src(%dma_wait3A_14 : memref<632x32xf32, #tpu.memory_space<hbm>>) dst(%dma_wait3A_12 : memref<632x32xf32, #tpu.memory_space<vmem_shared>>)
      tpu.yield
    }) : () -> ()
    %barrier3A = arith.constant 0 : index
    tpu.barrier barrier_id(%barrier3A)
    "tpu.region"() ({
      %run_scoped3A = tpu.sem_alloc : memref<!tpu.dma_semaphore, #tpu.memory_space<semaphore_mem>>
      %dma_start3A = arith.constant 0 : i32
      %dma_start3A_9 = arith.constant 0 : i32
      %dma_start3A_10 = tpu.memref_slice %arg3[%add3A, %dma_start3A, %dma_start3A_9] : memref<32x80x128xi32, #tpu.memory_space<hbm>> -> memref<1x80x128xi32, #tpu.memory_space<hbm>>
      %dma_start3A_11 = tpu.memref_squeeze %dma_start3A_10 : memref<1x80x128xi32, #tpu.memory_space<hbm>> -> memref<80x128xi32, #tpu.memory_space<hbm>>
      %dma_start3A_12 = arith.constant 0 : i32
      %dma_start3A_13 = arith.constant 0 : i32
      %dma_start3A_14 = tpu.memref_slice %arg3[%add3A, %dma_start3A_12, %dma_start3A_13] : memref<32x80x128xi32, #tpu.memory_space<hbm>> -> memref<1x80x128xi32, #tpu.memory_space<hbm>>
      %dma_start3A_15 = tpu.memref_squeeze %dma_start3A_14 : memref<1x80x128xi32, #tpu.memory_space<hbm>> -> memref<80x128xi32, #tpu.memory_space<hbm>>
      tpu.enqueue_dma source(%dma_start3A_15 : memref<80x128xi32, #tpu.memory_space<hbm>>) target(%arg16 : memref<80x128xi32, #tpu.memory_space<vmem>>) target_semaphore(%run_scoped3A : memref<!tpu.dma_semaphore, #tpu.memory_space<semaphore_mem>>)
      %dma_wait3A = arith.constant 0 : i32
      %dma_wait3A_16 = arith.constant 0 : i32
      %dma_wait3A_17 = tpu.memref_slice %arg3[%add3A, %dma_wait3A, %dma_wait3A_16] : memref<32x80x128xi32, #tpu.memory_space<hbm>> -> memref<1x80x128xi32, #tpu.memory_space<hbm>>
      %dma_wait3A_18 = tpu.memref_squeeze %dma_wait3A_17 : memref<1x80x128xi32, #tpu.memory_space<hbm>> -> memref<80x128xi32, #tpu.memory_space<hbm>>
      %dma_wait3A_19 = arith.constant 0 : i32
      %dma_wait3A_20 = arith.constant 0 : i32
      %dma_wait3A_21 = tpu.memref_slice %arg3[%add3A, %dma_wait3A_19, %dma_wait3A_20] : memref<32x80x128xi32, #tpu.memory_space<hbm>> -> memref<1x80x128xi32, #tpu.memory_space<hbm>>
      %dma_wait3A_22 = tpu.memref_squeeze %dma_wait3A_21 : memref<1x80x128xi32, #tpu.memory_space<hbm>> -> memref<80x128xi32, #tpu.memory_space<hbm>>
      tpu.wait_dma2 semaphore(%run_scoped3A : memref<!tpu.dma_semaphore, #tpu.memory_space<semaphore_mem>>) src(%dma_wait3A_22 : memref<80x128xi32, #tpu.memory_space<hbm>>) dst(%arg16 : memref<80x128xi32, #tpu.memory_space<vmem>>)
      tpu.yield
    }) : () -> ()
    "tpu.region"() ({
      %run_scoped3A = tpu.sem_alloc : memref<!tpu.dma_semaphore, #tpu.memory_space<semaphore_mem>>
      %dma_start3A = arith.constant 0 : i32
      %dma_start3A_9 = arith.constant 0 : i32
      %dma_start3A_10 = tpu.memref_slice %arg4[%add3A, %dma_start3A, %dma_start3A_9] : memref<32x80x128xi32, #tpu.memory_space<hbm>> -> memref<1x80x128xi32, #tpu.memory_space<hbm>>
      %dma_start3A_11 = tpu.memref_squeeze %dma_start3A_10 : memref<1x80x128xi32, #tpu.memory_space<hbm>> -> memref<80x128xi32, #tpu.memory_space<hbm>>
      %dma_start3A_12 = arith.constant 0 : i32
      %dma_start3A_13 = arith.constant 0 : i32
      %dma_start3A_14 = tpu.memref_slice %arg4[%add3A, %dma_start3A_12, %dma_start3A_13] : memref<32x80x128xi32, #tpu.memory_space<hbm>> -> memref<1x80x128xi32, #tpu.memory_space<hbm>>
      %dma_start3A_15 = tpu.memref_squeeze %dma_start3A_14 : memref<1x80x128xi32, #tpu.memory_space<hbm>> -> memref<80x128xi32, #tpu.memory_space<hbm>>
      tpu.enqueue_dma source(%dma_start3A_15 : memref<80x128xi32, #tpu.memory_space<hbm>>) target(%arg17 : memref<80x128xi32, #tpu.memory_space<vmem>>) target_semaphore(%run_scoped3A : memref<!tpu.dma_semaphore, #tpu.memory_space<semaphore_mem>>)
      %dma_wait3A = arith.constant 0 : i32
      %dma_wait3A_16 = arith.constant 0 : i32
      %dma_wait3A_17 = tpu.memref_slice %arg4[%add3A, %dma_wait3A, %dma_wait3A_16] : memref<32x80x128xi32, #tpu.memory_space<hbm>> -> memref<1x80x128xi32, #tpu.memory_space<hbm>>
      %dma_wait3A_18 = tpu.memref_squeeze %dma_wait3A_17 : memref<1x80x128xi32, #tpu.memory_space<hbm>> -> memref<80x128xi32, #tpu.memory_space<hbm>>
      %dma_wait3A_19 = arith.constant 0 : i32
      %dma_wait3A_20 = arith.constant 0 : i32
      %dma_wait3A_21 = tpu.memref_slice %arg4[%add3A, %dma_wait3A_19, %dma_wait3A_20] : memref<32x80x128xi32, #tpu.memory_space<hbm>> -> memref<1x80x128xi32, #tpu.memory_space<hbm>>
      %dma_wait3A_22 = tpu.memref_squeeze %dma_wait3A_21 : memref<1x80x128xi32, #tpu.memory_space<hbm>> -> memref<80x128xi32, #tpu.memory_space<hbm>>
      tpu.wait_dma2 semaphore(%run_scoped3A : memref<!tpu.dma_semaphore, #tpu.memory_space<semaphore_mem>>) src(%dma_wait3A_22 : memref<80x128xi32, #tpu.memory_space<hbm>>) dst(%arg17 : memref<80x128xi32, #tpu.memory_space<vmem>>)
      tpu.yield
    }) : () -> ()
    %scan3A = arith.constant 0 : i32
    %scan3A_3 = arith.constant 0 : i32
    %scan3A_4 = arith.constant 10 : i32
    %scan3A_5 = arith.addi %scan3A_3, %scan3A_4 : i32
    %scan3A_6 = arith.constant 1 : i32
    scf.for %scan3A_9 = %scan3A_3 to %scan3A_5 step %scan3A_6  : i32 {
      %mul3A_10 = arith.constant 2 : i32
      %mul3A_11 = arith.muli %scan3A_9, %mul3A_10 : i32
      %mul3A_12 = arith.constant 4 : i32
      %mul3A_13 = arith.muli %mul3A_11, %mul3A_12 : i32
      %add3A_14 = arith.constant 0 : i32
      %add3A_15 = arith.addi %mul3A_13, %add3A_14 : i32
      %dma_start3A = arith.constant 0 : i32
      %dma_start3A_16 = tpu.memref_slice %arg16[%add3A_15, %dma_start3A] : memref<80x128xi32, #tpu.memory_space<vmem>> -> memref<1x128xi32, #tpu.memory_space<vmem>>
      %dma_start3A_17 = tpu.memref_squeeze %dma_start3A_16 : memref<1x128xi32, #tpu.memory_space<vmem>> -> memref<128xi32, #tpu.memory_space<vmem>>
      %dma_start3A_18 = arith.constant 0 : i32
      %dma_start3A_19 = arith.constant 0 : i32
      %dma_start3A_20 = tpu.memref_slice %arg2[%dma_start3A_18, %dma_start3A_19] : memref<10112x32xf32, #tpu.memory_space<hbm>> -> memref<10112x32xf32, #tpu.memory_space<hbm>>
      tpu.enqueue_indirect_dma source(%dma_start3A_20 : memref<10112x32xf32, #tpu.memory_space<hbm>>) target(%arg8 : memref<128x32xf32, #tpu.memory_space<vmem>>) offsets(%dma_start3A_17 : memref<128xi32, #tpu.memory_space<vmem>>) semaphore(%arg18 : memref<!tpu.dma_semaphore, #tpu.memory_space<semaphore_mem>>)
      %add3A_21 = arith.constant 1 : i32
      %add3A_22 = arith.addi %mul3A_13, %add3A_21 : i32
      %dma_start3A_23 = arith.constant 0 : i32
      %dma_start3A_24 = tpu.memref_slice %arg16[%add3A_22, %dma_start3A_23] : memref<80x128xi32, #tpu.memory_space<vmem>> -> memref<1x128xi32, #tpu.memory_space<vmem>>
      %dma_start3A_25 = tpu.memref_squeeze %dma_start3A_24 : memref<1x128xi32, #tpu.memory_space<vmem>> -> memref<128xi32, #tpu.memory_space<vmem>>
      %dma_start3A_26 = arith.constant 0 : i32
      %dma_start3A_27 = arith.constant 0 : i32
      %dma_start3A_28 = tpu.memref_slice %arg2[%dma_start3A_26, %dma_start3A_27] : memref<10112x32xf32, #tpu.memory_space<hbm>> -> memref<10112x32xf32, #tpu.memory_space<hbm>>
      tpu.enqueue_indirect_dma source(%dma_start3A_28 : memref<10112x32xf32, #tpu.memory_space<hbm>>) target(%arg9 : memref<128x32xf32, #tpu.memory_space<vmem>>) offsets(%dma_start3A_25 : memref<128xi32, #tpu.memory_space<vmem>>) semaphore(%arg18 : memref<!tpu.dma_semaphore, #tpu.memory_space<semaphore_mem>>)
      %add3A_29 = arith.constant 2 : i32
      %add3A_30 = arith.addi %mul3A_13, %add3A_29 : i32
      %dma_start3A_31 = arith.constant 0 : i32
      %dma_start3A_32 = tpu.memref_slice %arg16[%add3A_30, %dma_start3A_31] : memref<80x128xi32, #tpu.memory_space<vmem>> -> memref<1x128xi32, #tpu.memory_space<vmem>>
      %dma_start3A_33 = tpu.memref_squeeze %dma_start3A_32 : memref<1x128xi32, #tpu.memory_space<vmem>> -> memref<128xi32, #tpu.memory_space<vmem>>
      %dma_start3A_34 = arith.constant 0 : i32
      %dma_start3A_35 = arith.constant 0 : i32
      %dma_start3A_36 = tpu.memref_slice %arg2[%dma_start3A_34, %dma_start3A_35] : memref<10112x32xf32, #tpu.memory_space<hbm>> -> memref<10112x32xf32, #tpu.memory_space<hbm>>
      tpu.enqueue_indirect_dma source(%dma_start3A_36 : memref<10112x32xf32, #tpu.memory_space<hbm>>) target(%arg10 : memref<128x32xf32, #tpu.memory_space<vmem>>) offsets(%dma_start3A_33 : memref<128xi32, #tpu.memory_space<vmem>>) semaphore(%arg18 : memref<!tpu.dma_semaphore, #tpu.memory_space<semaphore_mem>>)
      %add3A_37 = arith.constant 3 : i32
      %add3A_38 = arith.addi %mul3A_13, %add3A_37 : i32
      %dma_start3A_39 = arith.constant 0 : i32
      %dma_start3A_40 = tpu.memref_slice %arg16[%add3A_38, %dma_start3A_39] : memref<80x128xi32, #tpu.memory_space<vmem>> -> memref<1x128xi32, #tpu.memory_space<vmem>>
      %dma_start3A_41 = tpu.memref_squeeze %dma_start3A_40 : memref<1x128xi32, #tpu.memory_space<vmem>> -> memref<128xi32, #tpu.memory_space<vmem>>
      %dma_start3A_42 = arith.constant 0 : i32
      %dma_start3A_43 = arith.constant 0 : i32
      %dma_start3A_44 = tpu.memref_slice %arg2[%dma_start3A_42, %dma_start3A_43] : memref<10112x32xf32, #tpu.memory_space<hbm>> -> memref<10112x32xf32, #tpu.memory_space<hbm>>
      tpu.enqueue_indirect_dma source(%dma_start3A_44 : memref<10112x32xf32, #tpu.memory_space<hbm>>) target(%arg11 : memref<128x32xf32, #tpu.memory_space<vmem>>) offsets(%dma_start3A_41 : memref<128xi32, #tpu.memory_space<vmem>>) semaphore(%arg18 : memref<!tpu.dma_semaphore, #tpu.memory_space<semaphore_mem>>)
      %dma_wait3A = arith.constant 0 : i32
      %dma_wait3A_45 = tpu.memref_slice %arg16[%add3A_15, %dma_wait3A] : memref<80x128xi32, #tpu.memory_space<vmem>> -> memref<1x128xi32, #tpu.memory_space<vmem>>
      %dma_wait3A_46 = tpu.memref_squeeze %dma_wait3A_45 : memref<1x128xi32, #tpu.memory_space<vmem>> -> memref<128xi32, #tpu.memory_space<vmem>>
      %dma_wait3A_47 = arith.constant 0 : i32
      %dma_wait3A_48 = arith.constant 0 : i32
      %dma_wait3A_49 = tpu.memref_slice %arg2[%dma_wait3A_47, %dma_wait3A_48] : memref<10112x32xf32, #tpu.memory_space<hbm>> -> memref<10112x32xf32, #tpu.memory_space<hbm>>
      tpu.wait_indirect_dma semaphore(%arg18 : memref<!tpu.dma_semaphore, #tpu.memory_space<semaphore_mem>>) src(%dma_wait3A_49 : memref<10112x32xf32, #tpu.memory_space<hbm>>) dst(%arg8 : memref<128x32xf32, #tpu.memory_space<vmem>>)
      %dma_wait3A_50 = arith.constant 0 : i32
      %dma_wait3A_51 = tpu.memref_slice %arg16[%add3A_22, %dma_wait3A_50] : memref<80x128xi32, #tpu.memory_space<vmem>> -> memref<1x128xi32, #tpu.memory_space<vmem>>
      %dma_wait3A_52 = tpu.memref_squeeze %dma_wait3A_51 : memref<1x128xi32, #tpu.memory_space<vmem>> -> memref<128xi32, #tpu.memory_space<vmem>>
      %dma_wait3A_53 = arith.constant 0 : i32
      %dma_wait3A_54 = arith.constant 0 : i32
      %dma_wait3A_55 = tpu.memref_slice %arg2[%dma_wait3A_53, %dma_wait3A_54] : memref<10112x32xf32, #tpu.memory_space<hbm>> -> memref<10112x32xf32, #tpu.memory_space<hbm>>
      tpu.wait_indirect_dma semaphore(%arg18 : memref<!tpu.dma_semaphore, #tpu.memory_space<semaphore_mem>>) src(%dma_wait3A_55 : memref<10112x32xf32, #tpu.memory_space<hbm>>) dst(%arg9 : memref<128x32xf32, #tpu.memory_space<vmem>>)
      %dma_wait3A_56 = arith.constant 0 : i32
      %dma_wait3A_57 = tpu.memref_slice %arg16[%add3A_30, %dma_wait3A_56] : memref<80x128xi32, #tpu.memory_space<vmem>> -> memref<1x128xi32, #tpu.memory_space<vmem>>
      %dma_wait3A_58 = tpu.memref_squeeze %dma_wait3A_57 : memref<1x128xi32, #tpu.memory_space<vmem>> -> memref<128xi32, #tpu.memory_space<vmem>>
      %dma_wait3A_59 = arith.constant 0 : i32
      %dma_wait3A_60 = arith.constant 0 : i32
      %dma_wait3A_61 = tpu.memref_slice %arg2[%dma_wait3A_59, %dma_wait3A_60] : memref<10112x32xf32, #tpu.memory_space<hbm>> -> memref<10112x32xf32, #tpu.memory_space<hbm>>
      tpu.wait_indirect_dma semaphore(%arg18 : memref<!tpu.dma_semaphore, #tpu.memory_space<semaphore_mem>>) src(%dma_wait3A_61 : memref<10112x32xf32, #tpu.memory_space<hbm>>) dst(%arg10 : memref<128x32xf32, #tpu.memory_space<vmem>>)
      %dma_wait3A_62 = arith.constant 0 : i32
      %dma_wait3A_63 = tpu.memref_slice %arg16[%add3A_38, %dma_wait3A_62] : memref<80x128xi32, #tpu.memory_space<vmem>> -> memref<1x128xi32, #tpu.memory_space<vmem>>
      %dma_wait3A_64 = tpu.memref_squeeze %dma_wait3A_63 : memref<1x128xi32, #tpu.memory_space<vmem>> -> memref<128xi32, #tpu.memory_space<vmem>>
      %dma_wait3A_65 = arith.constant 0 : i32
      %dma_wait3A_66 = arith.constant 0 : i32
      %dma_wait3A_67 = tpu.memref_slice %arg2[%dma_wait3A_65, %dma_wait3A_66] : memref<10112x32xf32, #tpu.memory_space<hbm>> -> memref<10112x32xf32, #tpu.memory_space<hbm>>
      tpu.wait_indirect_dma semaphore(%arg18 : memref<!tpu.dma_semaphore, #tpu.memory_space<semaphore_mem>>) src(%dma_wait3A_67 : memref<10112x32xf32, #tpu.memory_space<hbm>>) dst(%arg11 : memref<128x32xf32, #tpu.memory_space<vmem>>)
      %add3A_68 = arith.constant 0 : i32
      %add3A_69 = arith.addi %mul3A_13, %add3A_68 : i32
      %dma_start3A_70 = arith.constant 0 : i32
      %dma_start3A_71 = tpu.memref_slice %arg17[%add3A_69, %dma_start3A_70] : memref<80x128xi32, #tpu.memory_space<vmem>> -> memref<1x128xi32, #tpu.memory_space<vmem>>
      %dma_start3A_72 = tpu.memref_squeeze %dma_start3A_71 : memref<1x128xi32, #tpu.memory_space<vmem>> -> memref<128xi32, #tpu.memory_space<vmem>>
      %dma_start3A_73 = arith.constant 0 : i32
      %dma_start3A_74 = arith.constant 0 : i32
      %dma_start3A_75 = tpu.memref_slice %arg7[%dma_start3A_73, %dma_start3A_74] : memref<10112x32xf32, #tpu.memory_space<vmem_shared>> -> memref<10112x32xf32, #tpu.memory_space<vmem_shared>>
      tpu.enqueue_indirect_dma source(%arg8 : memref<128x32xf32, #tpu.memory_space<vmem>>) target(%dma_start3A_75 : memref<10112x32xf32, #tpu.memory_space<vmem_shared>>) offsets(%dma_start3A_72 : memref<128xi32, #tpu.memory_space<vmem>>) semaphore(%arg19 : memref<!tpu.dma_semaphore, #tpu.memory_space<semaphore_mem>>) {add = true}
      %add3A_76 = arith.constant 1 : i32
      %add3A_77 = arith.addi %mul3A_13, %add3A_76 : i32
      %dma_start3A_78 = arith.constant 0 : i32
      %dma_start3A_79 = tpu.memref_slice %arg17[%add3A_77, %dma_start3A_78] : memref<80x128xi32, #tpu.memory_space<vmem>> -> memref<1x128xi32, #tpu.memory_space<vmem>>
      %dma_start3A_80 = tpu.memref_squeeze %dma_start3A_79 : memref<1x128xi32, #tpu.memory_space<vmem>> -> memref<128xi32, #tpu.memory_space<vmem>>
      %dma_start3A_81 = arith.constant 0 : i32
      %dma_start3A_82 = arith.constant 0 : i32
      %dma_start3A_83 = tpu.memref_slice %arg7[%dma_start3A_81, %dma_start3A_82] : memref<10112x32xf32, #tpu.memory_space<vmem_shared>> -> memref<10112x32xf32, #tpu.memory_space<vmem_shared>>
      tpu.enqueue_indirect_dma source(%arg9 : memref<128x32xf32, #tpu.memory_space<vmem>>) target(%dma_start3A_83 : memref<10112x32xf32, #tpu.memory_space<vmem_shared>>) offsets(%dma_start3A_80 : memref<128xi32, #tpu.memory_space<vmem>>) semaphore(%arg19 : memref<!tpu.dma_semaphore, #tpu.memory_space<semaphore_mem>>) {add = true}
      %add3A_84 = arith.constant 2 : i32
      %add3A_85 = arith.addi %mul3A_13, %add3A_84 : i32
      %dma_start3A_86 = arith.constant 0 : i32
      %dma_start3A_87 = tpu.memref_slice %arg17[%add3A_85, %dma_start3A_86] : memref<80x128xi32, #tpu.memory_space<vmem>> -> memref<1x128xi32, #tpu.memory_space<vmem>>
      %dma_start3A_88 = tpu.memref_squeeze %dma_start3A_87 : memref<1x128xi32, #tpu.memory_space<vmem>> -> memref<128xi32, #tpu.memory_space<vmem>>
      %dma_start3A_89 = arith.constant 0 : i32
      %dma_start3A_90 = arith.constant 0 : i32
      %dma_start3A_91 = tpu.memref_slice %arg7[%dma_start3A_89, %dma_start3A_90] : memref<10112x32xf32, #tpu.memory_space<vmem_shared>> -> memref<10112x32xf32, #tpu.memory_space<vmem_shared>>
      tpu.enqueue_indirect_dma source(%arg10 : memref<128x32xf32, #tpu.memory_space<vmem>>) target(%dma_start3A_91 : memref<10112x32xf32, #tpu.memory_space<vmem_shared>>) offsets(%dma_start3A_88 : memref<128xi32, #tpu.memory_space<vmem>>) semaphore(%arg19 : memref<!tpu.dma_semaphore, #tpu.memory_space<semaphore_mem>>) {add = true}
      %add3A_92 = arith.constant 3 : i32
      %add3A_93 = arith.addi %mul3A_13, %add3A_92 : i32
      %dma_start3A_94 = arith.constant 0 : i32
      %dma_start3A_95 = tpu.memref_slice %arg17[%add3A_93, %dma_start3A_94] : memref<80x128xi32, #tpu.memory_space<vmem>> -> memref<1x128xi32, #tpu.memory_space<vmem>>
      %dma_start3A_96 = tpu.memref_squeeze %dma_start3A_95 : memref<1x128xi32, #tpu.memory_space<vmem>> -> memref<128xi32, #tpu.memory_space<vmem>>
      %dma_start3A_97 = arith.constant 0 : i32
      %dma_start3A_98 = arith.constant 0 : i32
      %dma_start3A_99 = tpu.memref_slice %arg7[%dma_start3A_97, %dma_start3A_98] : memref<10112x32xf32, #tpu.memory_space<vmem_shared>> -> memref<10112x32xf32, #tpu.memory_space<vmem_shared>>
      tpu.enqueue_indirect_dma source(%arg11 : memref<128x32xf32, #tpu.memory_space<vmem>>) target(%dma_start3A_99 : memref<10112x32xf32, #tpu.memory_space<vmem_shared>>) offsets(%dma_start3A_96 : memref<128xi32, #tpu.memory_space<vmem>>) semaphore(%arg19 : memref<!tpu.dma_semaphore, #tpu.memory_space<semaphore_mem>>) {add = true}
      %add3A_100 = arith.constant 4 : i32
      %add3A_101 = arith.addi %mul3A_13, %add3A_100 : i32
      %add3A_102 = arith.constant 0 : i32
      %add3A_103 = arith.addi %add3A_101, %add3A_102 : i32
      %dma_start3A_104 = arith.constant 0 : i32
      %dma_start3A_105 = tpu.memref_slice %arg16[%add3A_103, %dma_start3A_104] : memref<80x128xi32, #tpu.memory_space<vmem>> -> memref<1x128xi32, #tpu.memory_space<vmem>>
      %dma_start3A_106 = tpu.memref_squeeze %dma_start3A_105 : memref<1x128xi32, #tpu.memory_space<vmem>> -> memref<128xi32, #tpu.memory_space<vmem>>
      %dma_start3A_107 = arith.constant 0 : i32
      %dma_start3A_108 = arith.constant 0 : i32
      %dma_start3A_109 = tpu.memref_slice %arg2[%dma_start3A_107, %dma_start3A_108] : memref<10112x32xf32, #tpu.memory_space<hbm>> -> memref<10112x32xf32, #tpu.memory_space<hbm>>
      tpu.enqueue_indirect_dma source(%dma_start3A_109 : memref<10112x32xf32, #tpu.memory_space<hbm>>) target(%arg12 : memref<128x32xf32, #tpu.memory_space<vmem>>) offsets(%dma_start3A_106 : memref<128xi32, #tpu.memory_space<vmem>>) semaphore(%arg18 : memref<!tpu.dma_semaphore, #tpu.memory_space<semaphore_mem>>)
      %add3A_110 = arith.constant 4 : i32
      %add3A_111 = arith.addi %mul3A_13, %add3A_110 : i32
      %add3A_112 = arith.constant 1 : i32
      %add3A_113 = arith.addi %add3A_111, %add3A_112 : i32
      %dma_start3A_114 = arith.constant 0 : i32
      %dma_start3A_115 = tpu.memref_slice %arg16[%add3A_113, %dma_start3A_114] : memref<80x128xi32, #tpu.memory_space<vmem>> -> memref<1x128xi32, #tpu.memory_space<vmem>>
      %dma_start3A_116 = tpu.memref_squeeze %dma_start3A_115 : memref<1x128xi32, #tpu.memory_space<vmem>> -> memref<128xi32, #tpu.memory_space<vmem>>
      %dma_start3A_117 = arith.constant 0 : i32
      %dma_start3A_118 = arith.constant 0 : i32
      %dma_start3A_119 = tpu.memref_slice %arg2[%dma_start3A_117, %dma_start3A_118] : memref<10112x32xf32, #tpu.memory_space<hbm>> -> memref<10112x32xf32, #tpu.memory_space<hbm>>
      tpu.enqueue_indirect_dma source(%dma_start3A_119 : memref<10112x32xf32, #tpu.memory_space<hbm>>) target(%arg13 : memref<128x32xf32, #tpu.memory_space<vmem>>) offsets(%dma_start3A_116 : memref<128xi32, #tpu.memory_space<vmem>>) semaphore(%arg18 : memref<!tpu.dma_semaphore, #tpu.memory_space<semaphore_mem>>)
      %add3A_120 = arith.constant 4 : i32
      %add3A_121 = arith.addi %mul3A_13, %add3A_120 : i32
      %add3A_122 = arith.constant 2 : i32
      %add3A_123 = arith.addi %add3A_121, %add3A_122 : i32
      %dma_start3A_124 = arith.constant 0 : i32
      %dma_start3A_125 = tpu.memref_slice %arg16[%add3A_123, %dma_start3A_124] : memref<80x128xi32, #tpu.memory_space<vmem>> -> memref<1x128xi32, #tpu.memory_space<vmem>>
      %dma_start3A_126 = tpu.memref_squeeze %dma_start3A_125 : memref<1x128xi32, #tpu.memory_space<vmem>> -> memref<128xi32, #tpu.memory_space<vmem>>
      %dma_start3A_127 = arith.constant 0 : i32
      %dma_start3A_128 = arith.constant 0 : i32
      %dma_start3A_129 = tpu.memref_slice %arg2[%dma_start3A_127, %dma_start3A_128] : memref<10112x32xf32, #tpu.memory_space<hbm>> -> memref<10112x32xf32, #tpu.memory_space<hbm>>
      tpu.enqueue_indirect_dma source(%dma_start3A_129 : memref<10112x32xf32, #tpu.memory_space<hbm>>) target(%arg14 : memref<128x32xf32, #tpu.memory_space<vmem>>) offsets(%dma_start3A_126 : memref<128xi32, #tpu.memory_space<vmem>>) semaphore(%arg18 : memref<!tpu.dma_semaphore, #tpu.memory_space<semaphore_mem>>)
      %add3A_130 = arith.constant 4 : i32
      %add3A_131 = arith.addi %mul3A_13, %add3A_130 : i32
      %add3A_132 = arith.constant 3 : i32
      %add3A_133 = arith.addi %add3A_131, %add3A_132 : i32
      %dma_start3A_134 = arith.constant 0 : i32
      %dma_start3A_135 = tpu.memref_slice %arg16[%add3A_133, %dma_start3A_134] : memref<80x128xi32, #tpu.memory_space<vmem>> -> memref<1x128xi32, #tpu.memory_space<vmem>>
      %dma_start3A_136 = tpu.memref_squeeze %dma_start3A_135 : memref<1x128xi32, #tpu.memory_space<vmem>> -> memref<128xi32, #tpu.memory_space<vmem>>
      %dma_start3A_137 = arith.constant 0 : i32
      %dma_start3A_138 = arith.constant 0 : i32
      %dma_start3A_139 = tpu.memref_slice %arg2[%dma_start3A_137, %dma_start3A_138] : memref<10112x32xf32, #tpu.memory_space<hbm>> -> memref<10112x32xf32, #tpu.memory_space<hbm>>
      tpu.enqueue_indirect_dma source(%dma_start3A_139 : memref<10112x32xf32, #tpu.memory_space<hbm>>) target(%arg15 : memref<128x32xf32, #tpu.memory_space<vmem>>) offsets(%dma_start3A_136 : memref<128xi32, #tpu.memory_space<vmem>>) semaphore(%arg18 : memref<!tpu.dma_semaphore, #tpu.memory_space<semaphore_mem>>)
      %dma_wait3A_140 = arith.constant 0 : i32
      %dma_wait3A_141 = tpu.memref_slice %arg16[%add3A_103, %dma_wait3A_140] : memref<80x128xi32, #tpu.memory_space<vmem>> -> memref<1x128xi32, #tpu.memory_space<vmem>>
      %dma_wait3A_142 = tpu.memref_squeeze %dma_wait3A_141 : memref<1x128xi32, #tpu.memory_space<vmem>> -> memref<128xi32, #tpu.memory_space<vmem>>
      %dma_wait3A_143 = arith.constant 0 : i32
      %dma_wait3A_144 = arith.constant 0 : i32
      %dma_wait3A_145 = tpu.memref_slice %arg2[%dma_wait3A_143, %dma_wait3A_144] : memref<10112x32xf32, #tpu.memory_space<hbm>> -> memref<10112x32xf32, #tpu.memory_space<hbm>>
      tpu.wait_indirect_dma semaphore(%arg18 : memref<!tpu.dma_semaphore, #tpu.memory_space<semaphore_mem>>) src(%dma_wait3A_145 : memref<10112x32xf32, #tpu.memory_space<hbm>>) dst(%arg12 : memref<128x32xf32, #tpu.memory_space<vmem>>)
      %dma_wait3A_146 = arith.constant 0 : i32
      %dma_wait3A_147 = tpu.memref_slice %arg16[%add3A_113, %dma_wait3A_146] : memref<80x128xi32, #tpu.memory_space<vmem>> -> memref<1x128xi32, #tpu.memory_space<vmem>>
      %dma_wait3A_148 = tpu.memref_squeeze %dma_wait3A_147 : memref<1x128xi32, #tpu.memory_space<vmem>> -> memref<128xi32, #tpu.memory_space<vmem>>
      %dma_wait3A_149 = arith.constant 0 : i32
      %dma_wait3A_150 = arith.constant 0 : i32
      %dma_wait3A_151 = tpu.memref_slice %arg2[%dma_wait3A_149, %dma_wait3A_150] : memref<10112x32xf32, #tpu.memory_space<hbm>> -> memref<10112x32xf32, #tpu.memory_space<hbm>>
      tpu.wait_indirect_dma semaphore(%arg18 : memref<!tpu.dma_semaphore, #tpu.memory_space<semaphore_mem>>) src(%dma_wait3A_151 : memref<10112x32xf32, #tpu.memory_space<hbm>>) dst(%arg13 : memref<128x32xf32, #tpu.memory_space<vmem>>)
      %dma_wait3A_152 = arith.constant 0 : i32
      %dma_wait3A_153 = tpu.memref_slice %arg16[%add3A_123, %dma_wait3A_152] : memref<80x128xi32, #tpu.memory_space<vmem>> -> memref<1x128xi32, #tpu.memory_space<vmem>>
      %dma_wait3A_154 = tpu.memref_squeeze %dma_wait3A_153 : memref<1x128xi32, #tpu.memory_space<vmem>> -> memref<128xi32, #tpu.memory_space<vmem>>
      %dma_wait3A_155 = arith.constant 0 : i32
      %dma_wait3A_156 = arith.constant 0 : i32
      %dma_wait3A_157 = tpu.memref_slice %arg2[%dma_wait3A_155, %dma_wait3A_156] : memref<10112x32xf32, #tpu.memory_space<hbm>> -> memref<10112x32xf32, #tpu.memory_space<hbm>>
      tpu.wait_indirect_dma semaphore(%arg18 : memref<!tpu.dma_semaphore, #tpu.memory_space<semaphore_mem>>) src(%dma_wait3A_157 : memref<10112x32xf32, #tpu.memory_space<hbm>>) dst(%arg14 : memref<128x32xf32, #tpu.memory_space<vmem>>)
      %dma_wait3A_158 = arith.constant 0 : i32
      %dma_wait3A_159 = tpu.memref_slice %arg16[%add3A_133, %dma_wait3A_158] : memref<80x128xi32, #tpu.memory_space<vmem>> -> memref<1x128xi32, #tpu.memory_space<vmem>>
      %dma_wait3A_160 = tpu.memref_squeeze %dma_wait3A_159 : memref<1x128xi32, #tpu.memory_space<vmem>> -> memref<128xi32, #tpu.memory_space<vmem>>
      %dma_wait3A_161 = arith.constant 0 : i32
      %dma_wait3A_162 = arith.constant 0 : i32
      %dma_wait3A_163 = tpu.memref_slice %arg2[%dma_wait3A_161, %dma_wait3A_162] : memref<10112x32xf32, #tpu.memory_space<hbm>> -> memref<10112x32xf32, #tpu.memory_space<hbm>>
      tpu.wait_indirect_dma semaphore(%arg18 : memref<!tpu.dma_semaphore, #tpu.memory_space<semaphore_mem>>) src(%dma_wait3A_163 : memref<10112x32xf32, #tpu.memory_space<hbm>>) dst(%arg15 : memref<128x32xf32, #tpu.memory_space<vmem>>)
      %add3A_164 = arith.constant 4 : i32
      %add3A_165 = arith.addi %mul3A_13, %add3A_164 : i32
      %add3A_166 = arith.constant 0 : i32
      %add3A_167 = arith.addi %add3A_165, %add3A_166 : i32
      %dma_start3A_168 = arith.constant 0 : i32
      %dma_start3A_169 = tpu.memref_slice %arg17[%add3A_167, %dma_start3A_168] : memref<80x128xi32, #tpu.memory_space<vmem>> -> memref<1x128xi32, #tpu.memory_space<vmem>>
      %dma_start3A_170 = tpu.memref_squeeze %dma_start3A_169 : memref<1x128xi32, #tpu.memory_space<vmem>> -> memref<128xi32, #tpu.memory_space<vmem>>
      %dma_start3A_171 = arith.constant 0 : i32
      %dma_start3A_172 = arith.constant 0 : i32
      %dma_start3A_173 = tpu.memref_slice %arg7[%dma_start3A_171, %dma_start3A_172] : memref<10112x32xf32, #tpu.memory_space<vmem_shared>> -> memref<10112x32xf32, #tpu.memory_space<vmem_shared>>
      tpu.enqueue_indirect_dma source(%arg12 : memref<128x32xf32, #tpu.memory_space<vmem>>) target(%dma_start3A_173 : memref<10112x32xf32, #tpu.memory_space<vmem_shared>>) offsets(%dma_start3A_170 : memref<128xi32, #tpu.memory_space<vmem>>) semaphore(%arg19 : memref<!tpu.dma_semaphore, #tpu.memory_space<semaphore_mem>>) {add = true}
      %add3A_174 = arith.constant 4 : i32
      %add3A_175 = arith.addi %mul3A_13, %add3A_174 : i32
      %add3A_176 = arith.constant 1 : i32
      %add3A_177 = arith.addi %add3A_175, %add3A_176 : i32
      %dma_start3A_178 = arith.constant 0 : i32
      %dma_start3A_179 = tpu.memref_slice %arg17[%add3A_177, %dma_start3A_178] : memref<80x128xi32, #tpu.memory_space<vmem>> -> memref<1x128xi32, #tpu.memory_space<vmem>>
      %dma_start3A_180 = tpu.memref_squeeze %dma_start3A_179 : memref<1x128xi32, #tpu.memory_space<vmem>> -> memref<128xi32, #tpu.memory_space<vmem>>
      %dma_start3A_181 = arith.constant 0 : i32
      %dma_start3A_182 = arith.constant 0 : i32
      %dma_start3A_183 = tpu.memref_slice %arg7[%dma_start3A_181, %dma_start3A_182] : memref<10112x32xf32, #tpu.memory_space<vmem_shared>> -> memref<10112x32xf32, #tpu.memory_space<vmem_shared>>
      tpu.enqueue_indirect_dma source(%arg13 : memref<128x32xf32, #tpu.memory_space<vmem>>) target(%dma_start3A_183 : memref<10112x32xf32, #tpu.memory_space<vmem_shared>>) offsets(%dma_start3A_180 : memref<128xi32, #tpu.memory_space<vmem>>) semaphore(%arg19 : memref<!tpu.dma_semaphore, #tpu.memory_space<semaphore_mem>>) {add = true}
      %add3A_184 = arith.constant 4 : i32
      %add3A_185 = arith.addi %mul3A_13, %add3A_184 : i32
      %add3A_186 = arith.constant 2 : i32
      %add3A_187 = arith.addi %add3A_185, %add3A_186 : i32
      %dma_start3A_188 = arith.constant 0 : i32
      %dma_start3A_189 = tpu.memref_slice %arg17[%add3A_187, %dma_start3A_188] : memref<80x128xi32, #tpu.memory_space<vmem>> -> memref<1x128xi32, #tpu.memory_space<vmem>>
      %dma_start3A_190 = tpu.memref_squeeze %dma_start3A_189 : memref<1x128xi32, #tpu.memory_space<vmem>> -> memref<128xi32, #tpu.memory_space<vmem>>
      %dma_start3A_191 = arith.constant 0 : i32
      %dma_start3A_192 = arith.constant 0 : i32
      %dma_start3A_193 = tpu.memref_slice %arg7[%dma_start3A_191, %dma_start3A_192] : memref<10112x32xf32, #tpu.memory_space<vmem_shared>> -> memref<10112x32xf32, #tpu.memory_space<vmem_shared>>
      tpu.enqueue_indirect_dma source(%arg14 : memref<128x32xf32, #tpu.memory_space<vmem>>) target(%dma_start3A_193 : memref<10112x32xf32, #tpu.memory_space<vmem_shared>>) offsets(%dma_start3A_190 : memref<128xi32, #tpu.memory_space<vmem>>) semaphore(%arg19 : memref<!tpu.dma_semaphore, #tpu.memory_space<semaphore_mem>>) {add = true}
      %add3A_194 = arith.constant 4 : i32
      %add3A_195 = arith.addi %mul3A_13, %add3A_194 : i32
      %add3A_196 = arith.constant 3 : i32
      %add3A_197 = arith.addi %add3A_195, %add3A_196 : i32
      %dma_start3A_198 = arith.constant 0 : i32
      %dma_start3A_199 = tpu.memref_slice %arg17[%add3A_197, %dma_start3A_198] : memref<80x128xi32, #tpu.memory_space<vmem>> -> memref<1x128xi32, #tpu.memory_space<vmem>>
      %dma_start3A_200 = tpu.memref_squeeze %dma_start3A_199 : memref<1x128xi32, #tpu.memory_space<vmem>> -> memref<128xi32, #tpu.memory_space<vmem>>
      %dma_start3A_201 = arith.constant 0 : i32
      %dma_start3A_202 = arith.constant 0 : i32
      %dma_start3A_203 = tpu.memref_slice %arg7[%dma_start3A_201, %dma_start3A_202] : memref<10112x32xf32, #tpu.memory_space<vmem_shared>> -> memref<10112x32xf32, #tpu.memory_space<vmem_shared>>
      tpu.enqueue_indirect_dma source(%arg15 : memref<128x32xf32, #tpu.memory_space<vmem>>) target(%dma_start3A_203 : memref<10112x32xf32, #tpu.memory_space<vmem_shared>>) offsets(%dma_start3A_200 : memref<128xi32, #tpu.memory_space<vmem>>) semaphore(%arg19 : memref<!tpu.dma_semaphore, #tpu.memory_space<semaphore_mem>>) {add = true}
      %dma_wait3A_204 = arith.constant 0 : i32
      %dma_wait3A_205 = tpu.memref_slice %arg17[%add3A_69, %dma_wait3A_204] : memref<80x128xi32, #tpu.memory_space<vmem>> -> memref<1x128xi32, #tpu.memory_space<vmem>>
      %dma_wait3A_206 = tpu.memref_squeeze %dma_wait3A_205 : memref<1x128xi32, #tpu.memory_space<vmem>> -> memref<128xi32, #tpu.memory_space<vmem>>
      %dma_wait3A_207 = arith.constant 0 : i32
      %dma_wait3A_208 = arith.constant 0 : i32
      %dma_wait3A_209 = tpu.memref_slice %arg7[%dma_wait3A_207, %dma_wait3A_208] : memref<10112x32xf32, #tpu.memory_space<vmem_shared>> -> memref<10112x32xf32, #tpu.memory_space<vmem_shared>>
      tpu.wait_indirect_dma semaphore(%arg19 : memref<!tpu.dma_semaphore, #tpu.memory_space<semaphore_mem>>) src(%arg8 : memref<128x32xf32, #tpu.memory_space<vmem>>) dst(%dma_wait3A_209 : memref<10112x32xf32, #tpu.memory_space<vmem_shared>>)
      %dma_wait3A_210 = arith.constant 0 : i32
      %dma_wait3A_211 = tpu.memref_slice %arg17[%add3A_77, %dma_wait3A_210] : memref<80x128xi32, #tpu.memory_space<vmem>> -> memref<1x128xi32, #tpu.memory_space<vmem>>
      %dma_wait3A_212 = tpu.memref_squeeze %dma_wait3A_211 : memref<1x128xi32, #tpu.memory_space<vmem>> -> memref<128xi32, #tpu.memory_space<vmem>>
      %dma_wait3A_213 = arith.constant 0 : i32
      %dma_wait3A_214 = arith.constant 0 : i32
      %dma_wait3A_215 = tpu.memref_slice %arg7[%dma_wait3A_213, %dma_wait3A_214] : memref<10112x32xf32, #tpu.memory_space<vmem_shared>> -> memref<10112x32xf32, #tpu.memory_space<vmem_shared>>
      tpu.wait_indirect_dma semaphore(%arg19 : memref<!tpu.dma_semaphore, #tpu.memory_space<semaphore_mem>>) src(%arg9 : memref<128x32xf32, #tpu.memory_space<vmem>>) dst(%dma_wait3A_215 : memref<10112x32xf32, #tpu.memory_space<vmem_shared>>)
      %dma_wait3A_216 = arith.constant 0 : i32
      %dma_wait3A_217 = tpu.memref_slice %arg17[%add3A_85, %dma_wait3A_216] : memref<80x128xi32, #tpu.memory_space<vmem>> -> memref<1x128xi32, #tpu.memory_space<vmem>>
      %dma_wait3A_218 = tpu.memref_squeeze %dma_wait3A_217 : memref<1x128xi32, #tpu.memory_space<vmem>> -> memref<128xi32, #tpu.memory_space<vmem>>
      %dma_wait3A_219 = arith.constant 0 : i32
      %dma_wait3A_220 = arith.constant 0 : i32
      %dma_wait3A_221 = tpu.memref_slice %arg7[%dma_wait3A_219, %dma_wait3A_220] : memref<10112x32xf32, #tpu.memory_space<vmem_shared>> -> memref<10112x32xf32, #tpu.memory_space<vmem_shared>>
      tpu.wait_indirect_dma semaphore(%arg19 : memref<!tpu.dma_semaphore, #tpu.memory_space<semaphore_mem>>) src(%arg10 : memref<128x32xf32, #tpu.memory_space<vmem>>) dst(%dma_wait3A_221 : memref<10112x32xf32, #tpu.memory_space<vmem_shared>>)
      %dma_wait3A_222 = arith.constant 0 : i32
      %dma_wait3A_223 = tpu.memref_slice %arg17[%add3A_93, %dma_wait3A_222] : memref<80x128xi32, #tpu.memory_space<vmem>> -> memref<1x128xi32, #tpu.memory_space<vmem>>
      %dma_wait3A_224 = tpu.memref_squeeze %dma_wait3A_223 : memref<1x128xi32, #tpu.memory_space<vmem>> -> memref<128xi32, #tpu.memory_space<vmem>>
      %dma_wait3A_225 = arith.constant 0 : i32
      %dma_wait3A_226 = arith.constant 0 : i32
      %dma_wait3A_227 = tpu.memref_slice %arg7[%dma_wait3A_225, %dma_wait3A_226] : memref<10112x32xf32, #tpu.memory_space<vmem_shared>> -> memref<10112x32xf32, #tpu.memory_space<vmem_shared>>
      tpu.wait_indirect_dma semaphore(%arg19 : memref<!tpu.dma_semaphore, #tpu.memory_space<semaphore_mem>>) src(%arg11 : memref<128x32xf32, #tpu.memory_space<vmem>>) dst(%dma_wait3A_227 : memref<10112x32xf32, #tpu.memory_space<vmem_shared>>)
      %dma_wait3A_228 = arith.constant 0 : i32
      %dma_wait3A_229 = tpu.memref_slice %arg17[%add3A_167, %dma_wait3A_228] : memref<80x128xi32, #tpu.memory_space<vmem>> -> memref<1x128xi32, #tpu.memory_space<vmem>>
      %dma_wait3A_230 = tpu.memref_squeeze %dma_wait3A_229 : memref<1x128xi32, #tpu.memory_space<vmem>> -> memref<128xi32, #tpu.memory_space<vmem>>
      %dma_wait3A_231 = arith.constant 0 : i32
      %dma_wait3A_232 = arith.constant 0 : i32
      %dma_wait3A_233 = tpu.memref_slice %arg7[%dma_wait3A_231, %dma_wait3A_232] : memref<10112x32xf32, #tpu.memory_space<vmem_shared>> -> memref<10112x32xf32, #tpu.memory_space<vmem_shared>>
      tpu.wait_indirect_dma semaphore(%arg19 : memref<!tpu.dma_semaphore, #tpu.memory_space<semaphore_mem>>) src(%arg12 : memref<128x32xf32, #tpu.memory_space<vmem>>) dst(%dma_wait3A_233 : memref<10112x32xf32, #tpu.memory_space<vmem_shared>>)
      %dma_wait3A_234 = arith.constant 0 : i32
      %dma_wait3A_235 = tpu.memref_slice %arg17[%add3A_177, %dma_wait3A_234] : memref<80x128xi32, #tpu.memory_space<vmem>> -> memref<1x128xi32, #tpu.memory_space<vmem>>
      %dma_wait3A_236 = tpu.memref_squeeze %dma_wait3A_235 : memref<1x128xi32, #tpu.memory_space<vmem>> -> memref<128xi32, #tpu.memory_space<vmem>>
      %dma_wait3A_237 = arith.constant 0 : i32
      %dma_wait3A_238 = arith.constant 0 : i32
      %dma_wait3A_239 = tpu.memref_slice %arg7[%dma_wait3A_237, %dma_wait3A_238] : memref<10112x32xf32, #tpu.memory_space<vmem_shared>> -> memref<10112x32xf32, #tpu.memory_space<vmem_shared>>
      tpu.wait_indirect_dma semaphore(%arg19 : memref<!tpu.dma_semaphore, #tpu.memory_space<semaphore_mem>>) src(%arg13 : memref<128x32xf32, #tpu.memory_space<vmem>>) dst(%dma_wait3A_239 : memref<10112x32xf32, #tpu.memory_space<vmem_shared>>)
      %dma_wait3A_240 = arith.constant 0 : i32
      %dma_wait3A_241 = tpu.memref_slice %arg17[%add3A_187, %dma_wait3A_240] : memref<80x128xi32, #tpu.memory_space<vmem>> -> memref<1x128xi32, #tpu.memory_space<vmem>>
      %dma_wait3A_242 = tpu.memref_squeeze %dma_wait3A_241 : memref<1x128xi32, #tpu.memory_space<vmem>> -> memref<128xi32, #tpu.memory_space<vmem>>
      %dma_wait3A_243 = arith.constant 0 : i32
      %dma_wait3A_244 = arith.constant 0 : i32
      %dma_wait3A_245 = tpu.memref_slice %arg7[%dma_wait3A_243, %dma_wait3A_244] : memref<10112x32xf32, #tpu.memory_space<vmem_shared>> -> memref<10112x32xf32, #tpu.memory_space<vmem_shared>>
      tpu.wait_indirect_dma semaphore(%arg19 : memref<!tpu.dma_semaphore, #tpu.memory_space<semaphore_mem>>) src(%arg14 : memref<128x32xf32, #tpu.memory_space<vmem>>) dst(%dma_wait3A_245 : memref<10112x32xf32, #tpu.memory_space<vmem_shared>>)
      %dma_wait3A_246 = arith.constant 0 : i32
      %dma_wait3A_247 = tpu.memref_slice %arg17[%add3A_197, %dma_wait3A_246] : memref<80x128xi32, #tpu.memory_space<vmem>> -> memref<1x128xi32, #tpu.memory_space<vmem>>
      %dma_wait3A_248 = tpu.memref_squeeze %dma_wait3A_247 : memref<1x128xi32, #tpu.memory_space<vmem>> -> memref<128xi32, #tpu.memory_space<vmem>>
      %dma_wait3A_249 = arith.constant 0 : i32
      %dma_wait3A_250 = arith.constant 0 : i32
      %dma_wait3A_251 = tpu.memref_slice %arg7[%dma_wait3A_249, %dma_wait3A_250] : memref<10112x32xf32, #tpu.memory_space<vmem_shared>> -> memref<10112x32xf32, #tpu.memory_space<vmem_shared>>
      tpu.wait_indirect_dma semaphore(%arg19 : memref<!tpu.dma_semaphore, #tpu.memory_space<semaphore_mem>>) src(%arg15 : memref<128x32xf32, #tpu.memory_space<vmem>>) dst(%dma_wait3A_251 : memref<10112x32xf32, #tpu.memory_space<vmem_shared>>)
    }
    %scan3A_7 = arith.constant 10 : i32
    %barrier3A_8 = arith.constant 0 : index
    tpu.barrier barrier_id(%barrier3A_8)
    "tpu.region"() ({
      %run_scoped3A = tpu.sem_alloc : memref<!tpu.dma_semaphore, #tpu.memory_space<semaphore_mem>>
      %dma_start3A = arith.constant 0 : i32
      %dma_start3A_9 = tpu.memref_slice %arg6[%arg0, %mul3A_2, %dma_start3A] : memref<2x10112x32xf32, #tpu.memory_space<hbm>> -> memref<1x632x32xf32, #tpu.memory_space<hbm>>
      %dma_start3A_10 = tpu.memref_squeeze %dma_start3A_9 : memref<1x632x32xf32, #tpu.memory_space<hbm>> -> memref<632x32xf32, #tpu.memory_space<hbm>>
      %dma_start3A_11 = arith.constant 0 : i32
      %dma_start3A_12 = tpu.memref_slice %arg7[%mul3A_2, %dma_start3A_11] : memref<10112x32xf32, #tpu.memory_space<vmem_shared>> -> memref<632x32xf32, #tpu.memory_space<vmem_shared>>
      tpu.enqueue_dma source(%dma_start3A_12 : memref<632x32xf32, #tpu.memory_space<vmem_shared>>) target(%dma_start3A_10 : memref<632x32xf32, #tpu.memory_space<hbm>>) target_semaphore(%run_scoped3A : memref<!tpu.dma_semaphore, #tpu.memory_space<semaphore_mem>>)
      %dma_wait3A = arith.constant 0 : i32
      %dma_wait3A_13 = tpu.memref_slice %arg6[%arg0, %mul3A_2, %dma_wait3A] : memref<2x10112x32xf32, #tpu.memory_space<hbm>> -> memref<1x632x32xf32, #tpu.memory_space<hbm>>
      %dma_wait3A_14 = tpu.memref_squeeze %dma_wait3A_13 : memref<1x632x32xf32, #tpu.memory_space<hbm>> -> memref<632x32xf32, #tpu.memory_space<hbm>>
      %dma_wait3A_15 = arith.constant 0 : i32
      %dma_wait3A_16 = tpu.memref_slice %arg7[%mul3A_2, %dma_wait3A_15] : memref<10112x32xf32, #tpu.memory_space<vmem_shared>> -> memref<632x32xf32, #tpu.memory_space<vmem_shared>>
      tpu.wait_dma2 semaphore(%run_scoped3A : memref<!tpu.dma_semaphore, #tpu.memory_space<semaphore_mem>>) src(%dma_wait3A_16 : memref<632x32xf32, #tpu.memory_space<vmem_shared>>) dst(%dma_wait3A_14 : memref<632x32xf32, #tpu.memory_space<hbm>>)
      tpu.yield
    }) : () -> ()
    return
  }
}

#map = affine_map<(d0, d1) -> (0, 0)>
#map1 = affine_map<(d0, d1) -> (0, 0, 0)>
module attributes {stable_mosaic.version = 14 : i64} {
  func.func @_sc_spmm(%arg0: i32, %arg1: i32, %arg2: memref<10112x128xf32, #tpu.memory_space<hbm>>, %arg3: memref<32x160x64xi32, #tpu.memory_space<hbm>>, %arg4: memref<32x160x64xi32, #tpu.memory_space<hbm>>, %arg5: memref<10112x128xf32, #tpu.memory_space<hbm>>, %arg6: memref<2x10112x128xf32, #tpu.memory_space<hbm>>, %arg7: memref<10112x128xf32, #tpu.memory_space<vmem_shared>>, %arg8: memref<64x128xf32, #tpu.memory_space<vmem>>, %arg9: memref<64x128xf32, #tpu.memory_space<vmem>>, %arg10: memref<64x128xf32, #tpu.memory_space<vmem>>, %arg11: memref<64x128xf32, #tpu.memory_space<vmem>>, %arg12: memref<80x64xi32, #tpu.memory_space<vmem>>, %arg13: memref<80x64xi32, #tpu.memory_space<vmem>>, %arg14: memref<!tpu.dma_semaphore, #tpu.memory_space<semaphore_mem>>, %arg15: memref<!tpu.dma_semaphore, #tpu.memory_space<semaphore_mem>>) attributes {dimension_semantics = [#tpu.dimension_semantics<core_parallel>, #tpu.dimension_semantics<subcore_parallel>], iteration_bounds = array<i64: 2, 16>, scalar_prefetch = 0 : i64, scratch_operands = 9 : i64, tpu.core_type = #tpu.core_type<sc_vector_subcore>, window_params = [{transform_indices = #map}, {transform_indices = #map1}, {transform_indices = #map1}, {transform_indices = #map}, {transform_indices = #map1}]} {
    %mul3A = arith.constant 2 : i32
    %mul3A_0 = arith.muli %arg1, %mul3A : i32
    %add3A = arith.addi %mul3A_0, %arg0 : i32
    %mul3A_1 = arith.constant 632 : i32
    %mul3A_2 = arith.muli %arg1, %mul3A_1 : i32
    "tpu.region"() ({
      %run_scoped3A = tpu.sem_alloc : memref<!tpu.dma_semaphore, #tpu.memory_space<semaphore_mem>>
      %dma_start3A = arith.constant 0 : i32
      %dma_start3A_15 = tpu.memref_slice %arg7[%mul3A_2, %dma_start3A] : memref<10112x128xf32, #tpu.memory_space<vmem_shared>> -> memref<632x128xf32, #tpu.memory_space<vmem_shared>>
      %dma_start3A_16 = arith.constant 0 : i32
      %dma_start3A_17 = tpu.memref_slice %arg5[%mul3A_2, %dma_start3A_16] : memref<10112x128xf32, #tpu.memory_space<hbm>> -> memref<632x128xf32, #tpu.memory_space<hbm>>
      tpu.enqueue_dma source(%dma_start3A_17 : memref<632x128xf32, #tpu.memory_space<hbm>>) target(%dma_start3A_15 : memref<632x128xf32, #tpu.memory_space<vmem_shared>>) target_semaphore(%run_scoped3A : memref<!tpu.dma_semaphore, #tpu.memory_space<semaphore_mem>>)
      %dma_wait3A = arith.constant 0 : i32
      %dma_wait3A_18 = tpu.memref_slice %arg7[%mul3A_2, %dma_wait3A] : memref<10112x128xf32, #tpu.memory_space<vmem_shared>> -> memref<632x128xf32, #tpu.memory_space<vmem_shared>>
      %dma_wait3A_19 = arith.constant 0 : i32
      %dma_wait3A_20 = tpu.memref_slice %arg5[%mul3A_2, %dma_wait3A_19] : memref<10112x128xf32, #tpu.memory_space<hbm>> -> memref<632x128xf32, #tpu.memory_space<hbm>>
      tpu.wait_dma2 semaphore(%run_scoped3A : memref<!tpu.dma_semaphore, #tpu.memory_space<semaphore_mem>>) src(%dma_wait3A_20 : memref<632x128xf32, #tpu.memory_space<hbm>>) dst(%dma_wait3A_18 : memref<632x128xf32, #tpu.memory_space<vmem_shared>>)
      tpu.yield
    }) : () -> ()
    %barrier3A = arith.constant 0 : index
    tpu.barrier barrier_id(%barrier3A)
    "tpu.region"() ({
      %run_scoped3A = tpu.sem_alloc : memref<!tpu.dma_semaphore, #tpu.memory_space<semaphore_mem>>
      %dma_start3A = arith.constant 0 : i32
      %dma_start3A_15 = arith.constant 0 : i32
      %dma_start3A_16 = tpu.memref_slice %arg3[%add3A, %dma_start3A, %dma_start3A_15] : memref<32x160x64xi32, #tpu.memory_space<hbm>> -> memref<1x80x64xi32, #tpu.memory_space<hbm>>
      %dma_start3A_17 = tpu.memref_squeeze %dma_start3A_16 : memref<1x80x64xi32, #tpu.memory_space<hbm>> -> memref<80x64xi32, #tpu.memory_space<hbm>>
      %dma_start3A_18 = arith.constant 0 : i32
      %dma_start3A_19 = arith.constant 0 : i32
      %dma_start3A_20 = tpu.memref_slice %arg3[%add3A, %dma_start3A_18, %dma_start3A_19] : memref<32x160x64xi32, #tpu.memory_space<hbm>> -> memref<1x80x64xi32, #tpu.memory_space<hbm>>
      %dma_start3A_21 = tpu.memref_squeeze %dma_start3A_20 : memref<1x80x64xi32, #tpu.memory_space<hbm>> -> memref<80x64xi32, #tpu.memory_space<hbm>>
      tpu.enqueue_dma source(%dma_start3A_21 : memref<80x64xi32, #tpu.memory_space<hbm>>) target(%arg12 : memref<80x64xi32, #tpu.memory_space<vmem>>) target_semaphore(%run_scoped3A : memref<!tpu.dma_semaphore, #tpu.memory_space<semaphore_mem>>)
      %dma_wait3A = arith.constant 0 : i32
      %dma_wait3A_22 = arith.constant 0 : i32
      %dma_wait3A_23 = tpu.memref_slice %arg3[%add3A, %dma_wait3A, %dma_wait3A_22] : memref<32x160x64xi32, #tpu.memory_space<hbm>> -> memref<1x80x64xi32, #tpu.memory_space<hbm>>
      %dma_wait3A_24 = tpu.memref_squeeze %dma_wait3A_23 : memref<1x80x64xi32, #tpu.memory_space<hbm>> -> memref<80x64xi32, #tpu.memory_space<hbm>>
      %dma_wait3A_25 = arith.constant 0 : i32
      %dma_wait3A_26 = arith.constant 0 : i32
      %dma_wait3A_27 = tpu.memref_slice %arg3[%add3A, %dma_wait3A_25, %dma_wait3A_26] : memref<32x160x64xi32, #tpu.memory_space<hbm>> -> memref<1x80x64xi32, #tpu.memory_space<hbm>>
      %dma_wait3A_28 = tpu.memref_squeeze %dma_wait3A_27 : memref<1x80x64xi32, #tpu.memory_space<hbm>> -> memref<80x64xi32, #tpu.memory_space<hbm>>
      tpu.wait_dma2 semaphore(%run_scoped3A : memref<!tpu.dma_semaphore, #tpu.memory_space<semaphore_mem>>) src(%dma_wait3A_28 : memref<80x64xi32, #tpu.memory_space<hbm>>) dst(%arg12 : memref<80x64xi32, #tpu.memory_space<vmem>>)
      tpu.yield
    }) : () -> ()
    "tpu.region"() ({
      %run_scoped3A = tpu.sem_alloc : memref<!tpu.dma_semaphore, #tpu.memory_space<semaphore_mem>>
      %dma_start3A = arith.constant 0 : i32
      %dma_start3A_15 = arith.constant 0 : i32
      %dma_start3A_16 = tpu.memref_slice %arg4[%add3A, %dma_start3A, %dma_start3A_15] : memref<32x160x64xi32, #tpu.memory_space<hbm>> -> memref<1x80x64xi32, #tpu.memory_space<hbm>>
      %dma_start3A_17 = tpu.memref_squeeze %dma_start3A_16 : memref<1x80x64xi32, #tpu.memory_space<hbm>> -> memref<80x64xi32, #tpu.memory_space<hbm>>
      %dma_start3A_18 = arith.constant 0 : i32
      %dma_start3A_19 = arith.constant 0 : i32
      %dma_start3A_20 = tpu.memref_slice %arg4[%add3A, %dma_start3A_18, %dma_start3A_19] : memref<32x160x64xi32, #tpu.memory_space<hbm>> -> memref<1x80x64xi32, #tpu.memory_space<hbm>>
      %dma_start3A_21 = tpu.memref_squeeze %dma_start3A_20 : memref<1x80x64xi32, #tpu.memory_space<hbm>> -> memref<80x64xi32, #tpu.memory_space<hbm>>
      tpu.enqueue_dma source(%dma_start3A_21 : memref<80x64xi32, #tpu.memory_space<hbm>>) target(%arg13 : memref<80x64xi32, #tpu.memory_space<vmem>>) target_semaphore(%run_scoped3A : memref<!tpu.dma_semaphore, #tpu.memory_space<semaphore_mem>>)
      %dma_wait3A = arith.constant 0 : i32
      %dma_wait3A_22 = arith.constant 0 : i32
      %dma_wait3A_23 = tpu.memref_slice %arg4[%add3A, %dma_wait3A, %dma_wait3A_22] : memref<32x160x64xi32, #tpu.memory_space<hbm>> -> memref<1x80x64xi32, #tpu.memory_space<hbm>>
      %dma_wait3A_24 = tpu.memref_squeeze %dma_wait3A_23 : memref<1x80x64xi32, #tpu.memory_space<hbm>> -> memref<80x64xi32, #tpu.memory_space<hbm>>
      %dma_wait3A_25 = arith.constant 0 : i32
      %dma_wait3A_26 = arith.constant 0 : i32
      %dma_wait3A_27 = tpu.memref_slice %arg4[%add3A, %dma_wait3A_25, %dma_wait3A_26] : memref<32x160x64xi32, #tpu.memory_space<hbm>> -> memref<1x80x64xi32, #tpu.memory_space<hbm>>
      %dma_wait3A_28 = tpu.memref_squeeze %dma_wait3A_27 : memref<1x80x64xi32, #tpu.memory_space<hbm>> -> memref<80x64xi32, #tpu.memory_space<hbm>>
      tpu.wait_dma2 semaphore(%run_scoped3A : memref<!tpu.dma_semaphore, #tpu.memory_space<semaphore_mem>>) src(%dma_wait3A_28 : memref<80x64xi32, #tpu.memory_space<hbm>>) dst(%arg13 : memref<80x64xi32, #tpu.memory_space<vmem>>)
      tpu.yield
    }) : () -> ()
    %scan3A = arith.constant 0 : i32
    %scan3A_3 = arith.constant 0 : i32
    %scan3A_4 = arith.constant 20 : i32
    %scan3A_5 = arith.addi %scan3A_3, %scan3A_4 : i32
    %scan3A_6 = arith.constant 1 : i32
    scf.for %scan3A_15 = %scan3A_3 to %scan3A_5 step %scan3A_6  : i32 {
      %mul3A_16 = arith.constant 2 : i32
      %mul3A_17 = arith.muli %scan3A_15, %mul3A_16 : i32
      %mul3A_18 = arith.constant 2 : i32
      %mul3A_19 = arith.muli %mul3A_17, %mul3A_18 : i32
      %add3A_20 = arith.constant 0 : i32
      %add3A_21 = arith.addi %mul3A_19, %add3A_20 : i32
      %dma_start3A = arith.constant 0 : i32
      %dma_start3A_22 = tpu.memref_slice %arg12[%add3A_21, %dma_start3A] : memref<80x64xi32, #tpu.memory_space<vmem>> -> memref<1x64xi32, #tpu.memory_space<vmem>>
      %dma_start3A_23 = tpu.memref_squeeze %dma_start3A_22 : memref<1x64xi32, #tpu.memory_space<vmem>> -> memref<64xi32, #tpu.memory_space<vmem>>
      %dma_start3A_24 = arith.constant 0 : i32
      %dma_start3A_25 = arith.constant 0 : i32
      %dma_start3A_26 = tpu.memref_slice %arg2[%dma_start3A_24, %dma_start3A_25] : memref<10112x128xf32, #tpu.memory_space<hbm>> -> memref<10112x128xf32, #tpu.memory_space<hbm>>
      tpu.enqueue_indirect_dma source(%dma_start3A_26 : memref<10112x128xf32, #tpu.memory_space<hbm>>) target(%arg8 : memref<64x128xf32, #tpu.memory_space<vmem>>) offsets(%dma_start3A_23 : memref<64xi32, #tpu.memory_space<vmem>>) semaphore(%arg14 : memref<!tpu.dma_semaphore, #tpu.memory_space<semaphore_mem>>)
      %add3A_27 = arith.constant 1 : i32
      %add3A_28 = arith.addi %mul3A_19, %add3A_27 : i32
      %dma_start3A_29 = arith.constant 0 : i32
      %dma_start3A_30 = tpu.memref_slice %arg12[%add3A_28, %dma_start3A_29] : memref<80x64xi32, #tpu.memory_space<vmem>> -> memref<1x64xi32, #tpu.memory_space<vmem>>
      %dma_start3A_31 = tpu.memref_squeeze %dma_start3A_30 : memref<1x64xi32, #tpu.memory_space<vmem>> -> memref<64xi32, #tpu.memory_space<vmem>>
      %dma_start3A_32 = arith.constant 0 : i32
      %dma_start3A_33 = arith.constant 0 : i32
      %dma_start3A_34 = tpu.memref_slice %arg2[%dma_start3A_32, %dma_start3A_33] : memref<10112x128xf32, #tpu.memory_space<hbm>> -> memref<10112x128xf32, #tpu.memory_space<hbm>>
      tpu.enqueue_indirect_dma source(%dma_start3A_34 : memref<10112x128xf32, #tpu.memory_space<hbm>>) target(%arg9 : memref<64x128xf32, #tpu.memory_space<vmem>>) offsets(%dma_start3A_31 : memref<64xi32, #tpu.memory_space<vmem>>) semaphore(%arg14 : memref<!tpu.dma_semaphore, #tpu.memory_space<semaphore_mem>>)
      %dma_wait3A = arith.constant 0 : i32
      %dma_wait3A_35 = tpu.memref_slice %arg12[%add3A_21, %dma_wait3A] : memref<80x64xi32, #tpu.memory_space<vmem>> -> memref<1x64xi32, #tpu.memory_space<vmem>>
      %dma_wait3A_36 = tpu.memref_squeeze %dma_wait3A_35 : memref<1x64xi32, #tpu.memory_space<vmem>> -> memref<64xi32, #tpu.memory_space<vmem>>
      %dma_wait3A_37 = arith.constant 0 : i32
      %dma_wait3A_38 = arith.constant 0 : i32
      %dma_wait3A_39 = tpu.memref_slice %arg2[%dma_wait3A_37, %dma_wait3A_38] : memref<10112x128xf32, #tpu.memory_space<hbm>> -> memref<10112x128xf32, #tpu.memory_space<hbm>>
      tpu.wait_indirect_dma semaphore(%arg14 : memref<!tpu.dma_semaphore, #tpu.memory_space<semaphore_mem>>) src(%dma_wait3A_39 : memref<10112x128xf32, #tpu.memory_space<hbm>>) dst(%arg8 : memref<64x128xf32, #tpu.memory_space<vmem>>)
      %dma_wait3A_40 = arith.constant 0 : i32
      %dma_wait3A_41 = tpu.memref_slice %arg12[%add3A_28, %dma_wait3A_40] : memref<80x64xi32, #tpu.memory_space<vmem>> -> memref<1x64xi32, #tpu.memory_space<vmem>>
      %dma_wait3A_42 = tpu.memref_squeeze %dma_wait3A_41 : memref<1x64xi32, #tpu.memory_space<vmem>> -> memref<64xi32, #tpu.memory_space<vmem>>
      %dma_wait3A_43 = arith.constant 0 : i32
      %dma_wait3A_44 = arith.constant 0 : i32
      %dma_wait3A_45 = tpu.memref_slice %arg2[%dma_wait3A_43, %dma_wait3A_44] : memref<10112x128xf32, #tpu.memory_space<hbm>> -> memref<10112x128xf32, #tpu.memory_space<hbm>>
      tpu.wait_indirect_dma semaphore(%arg14 : memref<!tpu.dma_semaphore, #tpu.memory_space<semaphore_mem>>) src(%dma_wait3A_45 : memref<10112x128xf32, #tpu.memory_space<hbm>>) dst(%arg9 : memref<64x128xf32, #tpu.memory_space<vmem>>)
      %add3A_46 = arith.constant 0 : i32
      %add3A_47 = arith.addi %mul3A_19, %add3A_46 : i32
      %dma_start3A_48 = arith.constant 0 : i32
      %dma_start3A_49 = tpu.memref_slice %arg13[%add3A_47, %dma_start3A_48] : memref<80x64xi32, #tpu.memory_space<vmem>> -> memref<1x64xi32, #tpu.memory_space<vmem>>
      %dma_start3A_50 = tpu.memref_squeeze %dma_start3A_49 : memref<1x64xi32, #tpu.memory_space<vmem>> -> memref<64xi32, #tpu.memory_space<vmem>>
      %dma_start3A_51 = arith.constant 0 : i32
      %dma_start3A_52 = arith.constant 0 : i32
      %dma_start3A_53 = tpu.memref_slice %arg7[%dma_start3A_51, %dma_start3A_52] : memref<10112x128xf32, #tpu.memory_space<vmem_shared>> -> memref<10112x128xf32, #tpu.memory_space<vmem_shared>>
      tpu.enqueue_indirect_dma source(%arg8 : memref<64x128xf32, #tpu.memory_space<vmem>>) target(%dma_start3A_53 : memref<10112x128xf32, #tpu.memory_space<vmem_shared>>) offsets(%dma_start3A_50 : memref<64xi32, #tpu.memory_space<vmem>>) semaphore(%arg15 : memref<!tpu.dma_semaphore, #tpu.memory_space<semaphore_mem>>) {add = true}
      %add3A_54 = arith.constant 1 : i32
      %add3A_55 = arith.addi %mul3A_19, %add3A_54 : i32
      %dma_start3A_56 = arith.constant 0 : i32
      %dma_start3A_57 = tpu.memref_slice %arg13[%add3A_55, %dma_start3A_56] : memref<80x64xi32, #tpu.memory_space<vmem>> -> memref<1x64xi32, #tpu.memory_space<vmem>>
      %dma_start3A_58 = tpu.memref_squeeze %dma_start3A_57 : memref<1x64xi32, #tpu.memory_space<vmem>> -> memref<64xi32, #tpu.memory_space<vmem>>
      %dma_start3A_59 = arith.constant 0 : i32
      %dma_start3A_60 = arith.constant 0 : i32
      %dma_start3A_61 = tpu.memref_slice %arg7[%dma_start3A_59, %dma_start3A_60] : memref<10112x128xf32, #tpu.memory_space<vmem_shared>> -> memref<10112x128xf32, #tpu.memory_space<vmem_shared>>
      tpu.enqueue_indirect_dma source(%arg9 : memref<64x128xf32, #tpu.memory_space<vmem>>) target(%dma_start3A_61 : memref<10112x128xf32, #tpu.memory_space<vmem_shared>>) offsets(%dma_start3A_58 : memref<64xi32, #tpu.memory_space<vmem>>) semaphore(%arg15 : memref<!tpu.dma_semaphore, #tpu.memory_space<semaphore_mem>>) {add = true}
      %add3A_62 = arith.constant 2 : i32
      %add3A_63 = arith.addi %mul3A_19, %add3A_62 : i32
      %add3A_64 = arith.constant 0 : i32
      %add3A_65 = arith.addi %add3A_63, %add3A_64 : i32
      %dma_start3A_66 = arith.constant 0 : i32
      %dma_start3A_67 = tpu.memref_slice %arg12[%add3A_65, %dma_start3A_66] : memref<80x64xi32, #tpu.memory_space<vmem>> -> memref<1x64xi32, #tpu.memory_space<vmem>>
      %dma_start3A_68 = tpu.memref_squeeze %dma_start3A_67 : memref<1x64xi32, #tpu.memory_space<vmem>> -> memref<64xi32, #tpu.memory_space<vmem>>
      %dma_start3A_69 = arith.constant 0 : i32
      %dma_start3A_70 = arith.constant 0 : i32
      %dma_start3A_71 = tpu.memref_slice %arg2[%dma_start3A_69, %dma_start3A_70] : memref<10112x128xf32, #tpu.memory_space<hbm>> -> memref<10112x128xf32, #tpu.memory_space<hbm>>
      tpu.enqueue_indirect_dma source(%dma_start3A_71 : memref<10112x128xf32, #tpu.memory_space<hbm>>) target(%arg10 : memref<64x128xf32, #tpu.memory_space<vmem>>) offsets(%dma_start3A_68 : memref<64xi32, #tpu.memory_space<vmem>>) semaphore(%arg14 : memref<!tpu.dma_semaphore, #tpu.memory_space<semaphore_mem>>)
      %add3A_72 = arith.constant 2 : i32
      %add3A_73 = arith.addi %mul3A_19, %add3A_72 : i32
      %add3A_74 = arith.constant 1 : i32
      %add3A_75 = arith.addi %add3A_73, %add3A_74 : i32
      %dma_start3A_76 = arith.constant 0 : i32
      %dma_start3A_77 = tpu.memref_slice %arg12[%add3A_75, %dma_start3A_76] : memref<80x64xi32, #tpu.memory_space<vmem>> -> memref<1x64xi32, #tpu.memory_space<vmem>>
      %dma_start3A_78 = tpu.memref_squeeze %dma_start3A_77 : memref<1x64xi32, #tpu.memory_space<vmem>> -> memref<64xi32, #tpu.memory_space<vmem>>
      %dma_start3A_79 = arith.constant 0 : i32
      %dma_start3A_80 = arith.constant 0 : i32
      %dma_start3A_81 = tpu.memref_slice %arg2[%dma_start3A_79, %dma_start3A_80] : memref<10112x128xf32, #tpu.memory_space<hbm>> -> memref<10112x128xf32, #tpu.memory_space<hbm>>
      tpu.enqueue_indirect_dma source(%dma_start3A_81 : memref<10112x128xf32, #tpu.memory_space<hbm>>) target(%arg11 : memref<64x128xf32, #tpu.memory_space<vmem>>) offsets(%dma_start3A_78 : memref<64xi32, #tpu.memory_space<vmem>>) semaphore(%arg14 : memref<!tpu.dma_semaphore, #tpu.memory_space<semaphore_mem>>)
      %dma_wait3A_82 = arith.constant 0 : i32
      %dma_wait3A_83 = tpu.memref_slice %arg12[%add3A_65, %dma_wait3A_82] : memref<80x64xi32, #tpu.memory_space<vmem>> -> memref<1x64xi32, #tpu.memory_space<vmem>>
      %dma_wait3A_84 = tpu.memref_squeeze %dma_wait3A_83 : memref<1x64xi32, #tpu.memory_space<vmem>> -> memref<64xi32, #tpu.memory_space<vmem>>
      %dma_wait3A_85 = arith.constant 0 : i32
      %dma_wait3A_86 = arith.constant 0 : i32
      %dma_wait3A_87 = tpu.memref_slice %arg2[%dma_wait3A_85, %dma_wait3A_86] : memref<10112x128xf32, #tpu.memory_space<hbm>> -> memref<10112x128xf32, #tpu.memory_space<hbm>>
      tpu.wait_indirect_dma semaphore(%arg14 : memref<!tpu.dma_semaphore, #tpu.memory_space<semaphore_mem>>) src(%dma_wait3A_87 : memref<10112x128xf32, #tpu.memory_space<hbm>>) dst(%arg10 : memref<64x128xf32, #tpu.memory_space<vmem>>)
      %dma_wait3A_88 = arith.constant 0 : i32
      %dma_wait3A_89 = tpu.memref_slice %arg12[%add3A_75, %dma_wait3A_88] : memref<80x64xi32, #tpu.memory_space<vmem>> -> memref<1x64xi32, #tpu.memory_space<vmem>>
      %dma_wait3A_90 = tpu.memref_squeeze %dma_wait3A_89 : memref<1x64xi32, #tpu.memory_space<vmem>> -> memref<64xi32, #tpu.memory_space<vmem>>
      %dma_wait3A_91 = arith.constant 0 : i32
      %dma_wait3A_92 = arith.constant 0 : i32
      %dma_wait3A_93 = tpu.memref_slice %arg2[%dma_wait3A_91, %dma_wait3A_92] : memref<10112x128xf32, #tpu.memory_space<hbm>> -> memref<10112x128xf32, #tpu.memory_space<hbm>>
      tpu.wait_indirect_dma semaphore(%arg14 : memref<!tpu.dma_semaphore, #tpu.memory_space<semaphore_mem>>) src(%dma_wait3A_93 : memref<10112x128xf32, #tpu.memory_space<hbm>>) dst(%arg11 : memref<64x128xf32, #tpu.memory_space<vmem>>)
      %add3A_94 = arith.constant 2 : i32
      %add3A_95 = arith.addi %mul3A_19, %add3A_94 : i32
      %add3A_96 = arith.constant 0 : i32
      %add3A_97 = arith.addi %add3A_95, %add3A_96 : i32
      %dma_start3A_98 = arith.constant 0 : i32
      %dma_start3A_99 = tpu.memref_slice %arg13[%add3A_97, %dma_start3A_98] : memref<80x64xi32, #tpu.memory_space<vmem>> -> memref<1x64xi32, #tpu.memory_space<vmem>>
      %dma_start3A_100 = tpu.memref_squeeze %dma_start3A_99 : memref<1x64xi32, #tpu.memory_space<vmem>> -> memref<64xi32, #tpu.memory_space<vmem>>
      %dma_start3A_101 = arith.constant 0 : i32
      %dma_start3A_102 = arith.constant 0 : i32
      %dma_start3A_103 = tpu.memref_slice %arg7[%dma_start3A_101, %dma_start3A_102] : memref<10112x128xf32, #tpu.memory_space<vmem_shared>> -> memref<10112x128xf32, #tpu.memory_space<vmem_shared>>
      tpu.enqueue_indirect_dma source(%arg10 : memref<64x128xf32, #tpu.memory_space<vmem>>) target(%dma_start3A_103 : memref<10112x128xf32, #tpu.memory_space<vmem_shared>>) offsets(%dma_start3A_100 : memref<64xi32, #tpu.memory_space<vmem>>) semaphore(%arg15 : memref<!tpu.dma_semaphore, #tpu.memory_space<semaphore_mem>>) {add = true}
      %add3A_104 = arith.constant 2 : i32
      %add3A_105 = arith.addi %mul3A_19, %add3A_104 : i32
      %add3A_106 = arith.constant 1 : i32
      %add3A_107 = arith.addi %add3A_105, %add3A_106 : i32
      %dma_start3A_108 = arith.constant 0 : i32
      %dma_start3A_109 = tpu.memref_slice %arg13[%add3A_107, %dma_start3A_108] : memref<80x64xi32, #tpu.memory_space<vmem>> -> memref<1x64xi32, #tpu.memory_space<vmem>>
      %dma_start3A_110 = tpu.memref_squeeze %dma_start3A_109 : memref<1x64xi32, #tpu.memory_space<vmem>> -> memref<64xi32, #tpu.memory_space<vmem>>
      %dma_start3A_111 = arith.constant 0 : i32
      %dma_start3A_112 = arith.constant 0 : i32
      %dma_start3A_113 = tpu.memref_slice %arg7[%dma_start3A_111, %dma_start3A_112] : memref<10112x128xf32, #tpu.memory_space<vmem_shared>> -> memref<10112x128xf32, #tpu.memory_space<vmem_shared>>
      tpu.enqueue_indirect_dma source(%arg11 : memref<64x128xf32, #tpu.memory_space<vmem>>) target(%dma_start3A_113 : memref<10112x128xf32, #tpu.memory_space<vmem_shared>>) offsets(%dma_start3A_110 : memref<64xi32, #tpu.memory_space<vmem>>) semaphore(%arg15 : memref<!tpu.dma_semaphore, #tpu.memory_space<semaphore_mem>>) {add = true}
      %dma_wait3A_114 = arith.constant 0 : i32
      %dma_wait3A_115 = tpu.memref_slice %arg13[%add3A_47, %dma_wait3A_114] : memref<80x64xi32, #tpu.memory_space<vmem>> -> memref<1x64xi32, #tpu.memory_space<vmem>>
      %dma_wait3A_116 = tpu.memref_squeeze %dma_wait3A_115 : memref<1x64xi32, #tpu.memory_space<vmem>> -> memref<64xi32, #tpu.memory_space<vmem>>
      %dma_wait3A_117 = arith.constant 0 : i32
      %dma_wait3A_118 = arith.constant 0 : i32
      %dma_wait3A_119 = tpu.memref_slice %arg7[%dma_wait3A_117, %dma_wait3A_118] : memref<10112x128xf32, #tpu.memory_space<vmem_shared>> -> memref<10112x128xf32, #tpu.memory_space<vmem_shared>>
      tpu.wait_indirect_dma semaphore(%arg15 : memref<!tpu.dma_semaphore, #tpu.memory_space<semaphore_mem>>) src(%arg8 : memref<64x128xf32, #tpu.memory_space<vmem>>) dst(%dma_wait3A_119 : memref<10112x128xf32, #tpu.memory_space<vmem_shared>>)
      %dma_wait3A_120 = arith.constant 0 : i32
      %dma_wait3A_121 = tpu.memref_slice %arg13[%add3A_55, %dma_wait3A_120] : memref<80x64xi32, #tpu.memory_space<vmem>> -> memref<1x64xi32, #tpu.memory_space<vmem>>
      %dma_wait3A_122 = tpu.memref_squeeze %dma_wait3A_121 : memref<1x64xi32, #tpu.memory_space<vmem>> -> memref<64xi32, #tpu.memory_space<vmem>>
      %dma_wait3A_123 = arith.constant 0 : i32
      %dma_wait3A_124 = arith.constant 0 : i32
      %dma_wait3A_125 = tpu.memref_slice %arg7[%dma_wait3A_123, %dma_wait3A_124] : memref<10112x128xf32, #tpu.memory_space<vmem_shared>> -> memref<10112x128xf32, #tpu.memory_space<vmem_shared>>
      tpu.wait_indirect_dma semaphore(%arg15 : memref<!tpu.dma_semaphore, #tpu.memory_space<semaphore_mem>>) src(%arg9 : memref<64x128xf32, #tpu.memory_space<vmem>>) dst(%dma_wait3A_125 : memref<10112x128xf32, #tpu.memory_space<vmem_shared>>)
      %dma_wait3A_126 = arith.constant 0 : i32
      %dma_wait3A_127 = tpu.memref_slice %arg13[%add3A_97, %dma_wait3A_126] : memref<80x64xi32, #tpu.memory_space<vmem>> -> memref<1x64xi32, #tpu.memory_space<vmem>>
      %dma_wait3A_128 = tpu.memref_squeeze %dma_wait3A_127 : memref<1x64xi32, #tpu.memory_space<vmem>> -> memref<64xi32, #tpu.memory_space<vmem>>
      %dma_wait3A_129 = arith.constant 0 : i32
      %dma_wait3A_130 = arith.constant 0 : i32
      %dma_wait3A_131 = tpu.memref_slice %arg7[%dma_wait3A_129, %dma_wait3A_130] : memref<10112x128xf32, #tpu.memory_space<vmem_shared>> -> memref<10112x128xf32, #tpu.memory_space<vmem_shared>>
      tpu.wait_indirect_dma semaphore(%arg15 : memref<!tpu.dma_semaphore, #tpu.memory_space<semaphore_mem>>) src(%arg10 : memref<64x128xf32, #tpu.memory_space<vmem>>) dst(%dma_wait3A_131 : memref<10112x128xf32, #tpu.memory_space<vmem_shared>>)
      %dma_wait3A_132 = arith.constant 0 : i32
      %dma_wait3A_133 = tpu.memref_slice %arg13[%add3A_107, %dma_wait3A_132] : memref<80x64xi32, #tpu.memory_space<vmem>> -> memref<1x64xi32, #tpu.memory_space<vmem>>
      %dma_wait3A_134 = tpu.memref_squeeze %dma_wait3A_133 : memref<1x64xi32, #tpu.memory_space<vmem>> -> memref<64xi32, #tpu.memory_space<vmem>>
      %dma_wait3A_135 = arith.constant 0 : i32
      %dma_wait3A_136 = arith.constant 0 : i32
      %dma_wait3A_137 = tpu.memref_slice %arg7[%dma_wait3A_135, %dma_wait3A_136] : memref<10112x128xf32, #tpu.memory_space<vmem_shared>> -> memref<10112x128xf32, #tpu.memory_space<vmem_shared>>
      tpu.wait_indirect_dma semaphore(%arg15 : memref<!tpu.dma_semaphore, #tpu.memory_space<semaphore_mem>>) src(%arg11 : memref<64x128xf32, #tpu.memory_space<vmem>>) dst(%dma_wait3A_137 : memref<10112x128xf32, #tpu.memory_space<vmem_shared>>)
    }
    %scan3A_7 = arith.constant 20 : i32
    "tpu.region"() ({
      %run_scoped3A = tpu.sem_alloc : memref<!tpu.dma_semaphore, #tpu.memory_space<semaphore_mem>>
      %dma_start3A = arith.constant 80 : i32
      %dma_start3A_15 = arith.constant 0 : i32
      %dma_start3A_16 = tpu.memref_slice %arg3[%add3A, %dma_start3A, %dma_start3A_15] : memref<32x160x64xi32, #tpu.memory_space<hbm>> -> memref<1x80x64xi32, #tpu.memory_space<hbm>>
      %dma_start3A_17 = tpu.memref_squeeze %dma_start3A_16 : memref<1x80x64xi32, #tpu.memory_space<hbm>> -> memref<80x64xi32, #tpu.memory_space<hbm>>
      %dma_start3A_18 = arith.constant 80 : i32
      %dma_start3A_19 = arith.constant 0 : i32
      %dma_start3A_20 = tpu.memref_slice %arg3[%add3A, %dma_start3A_18, %dma_start3A_19] : memref<32x160x64xi32, #tpu.memory_space<hbm>> -> memref<1x80x64xi32, #tpu.memory_space<hbm>>
      %dma_start3A_21 = tpu.memref_squeeze %dma_start3A_20 : memref<1x80x64xi32, #tpu.memory_space<hbm>> -> memref<80x64xi32, #tpu.memory_space<hbm>>
      tpu.enqueue_dma source(%dma_start3A_21 : memref<80x64xi32, #tpu.memory_space<hbm>>) target(%arg12 : memref<80x64xi32, #tpu.memory_space<vmem>>) target_semaphore(%run_scoped3A : memref<!tpu.dma_semaphore, #tpu.memory_space<semaphore_mem>>)
      %dma_wait3A = arith.constant 80 : i32
      %dma_wait3A_22 = arith.constant 0 : i32
      %dma_wait3A_23 = tpu.memref_slice %arg3[%add3A, %dma_wait3A, %dma_wait3A_22] : memref<32x160x64xi32, #tpu.memory_space<hbm>> -> memref<1x80x64xi32, #tpu.memory_space<hbm>>
      %dma_wait3A_24 = tpu.memref_squeeze %dma_wait3A_23 : memref<1x80x64xi32, #tpu.memory_space<hbm>> -> memref<80x64xi32, #tpu.memory_space<hbm>>
      %dma_wait3A_25 = arith.constant 80 : i32
      %dma_wait3A_26 = arith.constant 0 : i32
      %dma_wait3A_27 = tpu.memref_slice %arg3[%add3A, %dma_wait3A_25, %dma_wait3A_26] : memref<32x160x64xi32, #tpu.memory_space<hbm>> -> memref<1x80x64xi32, #tpu.memory_space<hbm>>
      %dma_wait3A_28 = tpu.memref_squeeze %dma_wait3A_27 : memref<1x80x64xi32, #tpu.memory_space<hbm>> -> memref<80x64xi32, #tpu.memory_space<hbm>>
      tpu.wait_dma2 semaphore(%run_scoped3A : memref<!tpu.dma_semaphore, #tpu.memory_space<semaphore_mem>>) src(%dma_wait3A_28 : memref<80x64xi32, #tpu.memory_space<hbm>>) dst(%arg12 : memref<80x64xi32, #tpu.memory_space<vmem>>)
      tpu.yield
    }) : () -> ()
    "tpu.region"() ({
      %run_scoped3A = tpu.sem_alloc : memref<!tpu.dma_semaphore, #tpu.memory_space<semaphore_mem>>
      %dma_start3A = arith.constant 80 : i32
      %dma_start3A_15 = arith.constant 0 : i32
      %dma_start3A_16 = tpu.memref_slice %arg4[%add3A, %dma_start3A, %dma_start3A_15] : memref<32x160x64xi32, #tpu.memory_space<hbm>> -> memref<1x80x64xi32, #tpu.memory_space<hbm>>
      %dma_start3A_17 = tpu.memref_squeeze %dma_start3A_16 : memref<1x80x64xi32, #tpu.memory_space<hbm>> -> memref<80x64xi32, #tpu.memory_space<hbm>>
      %dma_start3A_18 = arith.constant 80 : i32
      %dma_start3A_19 = arith.constant 0 : i32
      %dma_start3A_20 = tpu.memref_slice %arg4[%add3A, %dma_start3A_18, %dma_start3A_19] : memref<32x160x64xi32, #tpu.memory_space<hbm>> -> memref<1x80x64xi32, #tpu.memory_space<hbm>>
      %dma_start3A_21 = tpu.memref_squeeze %dma_start3A_20 : memref<1x80x64xi32, #tpu.memory_space<hbm>> -> memref<80x64xi32, #tpu.memory_space<hbm>>
      tpu.enqueue_dma source(%dma_start3A_21 : memref<80x64xi32, #tpu.memory_space<hbm>>) target(%arg13 : memref<80x64xi32, #tpu.memory_space<vmem>>) target_semaphore(%run_scoped3A : memref<!tpu.dma_semaphore, #tpu.memory_space<semaphore_mem>>)
      %dma_wait3A = arith.constant 80 : i32
      %dma_wait3A_22 = arith.constant 0 : i32
      %dma_wait3A_23 = tpu.memref_slice %arg4[%add3A, %dma_wait3A, %dma_wait3A_22] : memref<32x160x64xi32, #tpu.memory_space<hbm>> -> memref<1x80x64xi32, #tpu.memory_space<hbm>>
      %dma_wait3A_24 = tpu.memref_squeeze %dma_wait3A_23 : memref<1x80x64xi32, #tpu.memory_space<hbm>> -> memref<80x64xi32, #tpu.memory_space<hbm>>
      %dma_wait3A_25 = arith.constant 80 : i32
      %dma_wait3A_26 = arith.constant 0 : i32
      %dma_wait3A_27 = tpu.memref_slice %arg4[%add3A, %dma_wait3A_25, %dma_wait3A_26] : memref<32x160x64xi32, #tpu.memory_space<hbm>> -> memref<1x80x64xi32, #tpu.memory_space<hbm>>
      %dma_wait3A_28 = tpu.memref_squeeze %dma_wait3A_27 : memref<1x80x64xi32, #tpu.memory_space<hbm>> -> memref<80x64xi32, #tpu.memory_space<hbm>>
      tpu.wait_dma2 semaphore(%run_scoped3A : memref<!tpu.dma_semaphore, #tpu.memory_space<semaphore_mem>>) src(%dma_wait3A_28 : memref<80x64xi32, #tpu.memory_space<hbm>>) dst(%arg13 : memref<80x64xi32, #tpu.memory_space<vmem>>)
      tpu.yield
    }) : () -> ()
    %scan3A_8 = arith.constant 0 : i32
    %scan3A_9 = arith.constant 0 : i32
    %scan3A_10 = arith.constant 20 : i32
    %scan3A_11 = arith.addi %scan3A_9, %scan3A_10 : i32
    %scan3A_12 = arith.constant 1 : i32
    scf.for %scan3A_15 = %scan3A_9 to %scan3A_11 step %scan3A_12  : i32 {
      %mul3A_16 = arith.constant 2 : i32
      %mul3A_17 = arith.muli %scan3A_15, %mul3A_16 : i32
      %mul3A_18 = arith.constant 2 : i32
      %mul3A_19 = arith.muli %mul3A_17, %mul3A_18 : i32
      %add3A_20 = arith.constant 0 : i32
      %add3A_21 = arith.addi %mul3A_19, %add3A_20 : i32
      %dma_start3A = arith.constant 0 : i32
      %dma_start3A_22 = tpu.memref_slice %arg12[%add3A_21, %dma_start3A] : memref<80x64xi32, #tpu.memory_space<vmem>> -> memref<1x64xi32, #tpu.memory_space<vmem>>
      %dma_start3A_23 = tpu.memref_squeeze %dma_start3A_22 : memref<1x64xi32, #tpu.memory_space<vmem>> -> memref<64xi32, #tpu.memory_space<vmem>>
      %dma_start3A_24 = arith.constant 0 : i32
      %dma_start3A_25 = arith.constant 0 : i32
      %dma_start3A_26 = tpu.memref_slice %arg2[%dma_start3A_24, %dma_start3A_25] : memref<10112x128xf32, #tpu.memory_space<hbm>> -> memref<10112x128xf32, #tpu.memory_space<hbm>>
      tpu.enqueue_indirect_dma source(%dma_start3A_26 : memref<10112x128xf32, #tpu.memory_space<hbm>>) target(%arg8 : memref<64x128xf32, #tpu.memory_space<vmem>>) offsets(%dma_start3A_23 : memref<64xi32, #tpu.memory_space<vmem>>) semaphore(%arg14 : memref<!tpu.dma_semaphore, #tpu.memory_space<semaphore_mem>>)
      %add3A_27 = arith.constant 1 : i32
      %add3A_28 = arith.addi %mul3A_19, %add3A_27 : i32
      %dma_start3A_29 = arith.constant 0 : i32
      %dma_start3A_30 = tpu.memref_slice %arg12[%add3A_28, %dma_start3A_29] : memref<80x64xi32, #tpu.memory_space<vmem>> -> memref<1x64xi32, #tpu.memory_space<vmem>>
      %dma_start3A_31 = tpu.memref_squeeze %dma_start3A_30 : memref<1x64xi32, #tpu.memory_space<vmem>> -> memref<64xi32, #tpu.memory_space<vmem>>
      %dma_start3A_32 = arith.constant 0 : i32
      %dma_start3A_33 = arith.constant 0 : i32
      %dma_start3A_34 = tpu.memref_slice %arg2[%dma_start3A_32, %dma_start3A_33] : memref<10112x128xf32, #tpu.memory_space<hbm>> -> memref<10112x128xf32, #tpu.memory_space<hbm>>
      tpu.enqueue_indirect_dma source(%dma_start3A_34 : memref<10112x128xf32, #tpu.memory_space<hbm>>) target(%arg9 : memref<64x128xf32, #tpu.memory_space<vmem>>) offsets(%dma_start3A_31 : memref<64xi32, #tpu.memory_space<vmem>>) semaphore(%arg14 : memref<!tpu.dma_semaphore, #tpu.memory_space<semaphore_mem>>)
      %dma_wait3A = arith.constant 0 : i32
      %dma_wait3A_35 = tpu.memref_slice %arg12[%add3A_21, %dma_wait3A] : memref<80x64xi32, #tpu.memory_space<vmem>> -> memref<1x64xi32, #tpu.memory_space<vmem>>
      %dma_wait3A_36 = tpu.memref_squeeze %dma_wait3A_35 : memref<1x64xi32, #tpu.memory_space<vmem>> -> memref<64xi32, #tpu.memory_space<vmem>>
      %dma_wait3A_37 = arith.constant 0 : i32
      %dma_wait3A_38 = arith.constant 0 : i32
      %dma_wait3A_39 = tpu.memref_slice %arg2[%dma_wait3A_37, %dma_wait3A_38] : memref<10112x128xf32, #tpu.memory_space<hbm>> -> memref<10112x128xf32, #tpu.memory_space<hbm>>
      tpu.wait_indirect_dma semaphore(%arg14 : memref<!tpu.dma_semaphore, #tpu.memory_space<semaphore_mem>>) src(%dma_wait3A_39 : memref<10112x128xf32, #tpu.memory_space<hbm>>) dst(%arg8 : memref<64x128xf32, #tpu.memory_space<vmem>>)
      %dma_wait3A_40 = arith.constant 0 : i32
      %dma_wait3A_41 = tpu.memref_slice %arg12[%add3A_28, %dma_wait3A_40] : memref<80x64xi32, #tpu.memory_space<vmem>> -> memref<1x64xi32, #tpu.memory_space<vmem>>
      %dma_wait3A_42 = tpu.memref_squeeze %dma_wait3A_41 : memref<1x64xi32, #tpu.memory_space<vmem>> -> memref<64xi32, #tpu.memory_space<vmem>>
      %dma_wait3A_43 = arith.constant 0 : i32
      %dma_wait3A_44 = arith.constant 0 : i32
      %dma_wait3A_45 = tpu.memref_slice %arg2[%dma_wait3A_43, %dma_wait3A_44] : memref<10112x128xf32, #tpu.memory_space<hbm>> -> memref<10112x128xf32, #tpu.memory_space<hbm>>
      tpu.wait_indirect_dma semaphore(%arg14 : memref<!tpu.dma_semaphore, #tpu.memory_space<semaphore_mem>>) src(%dma_wait3A_45 : memref<10112x128xf32, #tpu.memory_space<hbm>>) dst(%arg9 : memref<64x128xf32, #tpu.memory_space<vmem>>)
      %add3A_46 = arith.constant 0 : i32
      %add3A_47 = arith.addi %mul3A_19, %add3A_46 : i32
      %dma_start3A_48 = arith.constant 0 : i32
      %dma_start3A_49 = tpu.memref_slice %arg13[%add3A_47, %dma_start3A_48] : memref<80x64xi32, #tpu.memory_space<vmem>> -> memref<1x64xi32, #tpu.memory_space<vmem>>
      %dma_start3A_50 = tpu.memref_squeeze %dma_start3A_49 : memref<1x64xi32, #tpu.memory_space<vmem>> -> memref<64xi32, #tpu.memory_space<vmem>>
      %dma_start3A_51 = arith.constant 0 : i32
      %dma_start3A_52 = arith.constant 0 : i32
      %dma_start3A_53 = tpu.memref_slice %arg7[%dma_start3A_51, %dma_start3A_52] : memref<10112x128xf32, #tpu.memory_space<vmem_shared>> -> memref<10112x128xf32, #tpu.memory_space<vmem_shared>>
      tpu.enqueue_indirect_dma source(%arg8 : memref<64x128xf32, #tpu.memory_space<vmem>>) target(%dma_start3A_53 : memref<10112x128xf32, #tpu.memory_space<vmem_shared>>) offsets(%dma_start3A_50 : memref<64xi32, #tpu.memory_space<vmem>>) semaphore(%arg15 : memref<!tpu.dma_semaphore, #tpu.memory_space<semaphore_mem>>) {add = true}
      %add3A_54 = arith.constant 1 : i32
      %add3A_55 = arith.addi %mul3A_19, %add3A_54 : i32
      %dma_start3A_56 = arith.constant 0 : i32
      %dma_start3A_57 = tpu.memref_slice %arg13[%add3A_55, %dma_start3A_56] : memref<80x64xi32, #tpu.memory_space<vmem>> -> memref<1x64xi32, #tpu.memory_space<vmem>>
      %dma_start3A_58 = tpu.memref_squeeze %dma_start3A_57 : memref<1x64xi32, #tpu.memory_space<vmem>> -> memref<64xi32, #tpu.memory_space<vmem>>
      %dma_start3A_59 = arith.constant 0 : i32
      %dma_start3A_60 = arith.constant 0 : i32
      %dma_start3A_61 = tpu.memref_slice %arg7[%dma_start3A_59, %dma_start3A_60] : memref<10112x128xf32, #tpu.memory_space<vmem_shared>> -> memref<10112x128xf32, #tpu.memory_space<vmem_shared>>
      tpu.enqueue_indirect_dma source(%arg9 : memref<64x128xf32, #tpu.memory_space<vmem>>) target(%dma_start3A_61 : memref<10112x128xf32, #tpu.memory_space<vmem_shared>>) offsets(%dma_start3A_58 : memref<64xi32, #tpu.memory_space<vmem>>) semaphore(%arg15 : memref<!tpu.dma_semaphore, #tpu.memory_space<semaphore_mem>>) {add = true}
      %add3A_62 = arith.constant 2 : i32
      %add3A_63 = arith.addi %mul3A_19, %add3A_62 : i32
      %add3A_64 = arith.constant 0 : i32
      %add3A_65 = arith.addi %add3A_63, %add3A_64 : i32
      %dma_start3A_66 = arith.constant 0 : i32
      %dma_start3A_67 = tpu.memref_slice %arg12[%add3A_65, %dma_start3A_66] : memref<80x64xi32, #tpu.memory_space<vmem>> -> memref<1x64xi32, #tpu.memory_space<vmem>>
      %dma_start3A_68 = tpu.memref_squeeze %dma_start3A_67 : memref<1x64xi32, #tpu.memory_space<vmem>> -> memref<64xi32, #tpu.memory_space<vmem>>
      %dma_start3A_69 = arith.constant 0 : i32
      %dma_start3A_70 = arith.constant 0 : i32
      %dma_start3A_71 = tpu.memref_slice %arg2[%dma_start3A_69, %dma_start3A_70] : memref<10112x128xf32, #tpu.memory_space<hbm>> -> memref<10112x128xf32, #tpu.memory_space<hbm>>
      tpu.enqueue_indirect_dma source(%dma_start3A_71 : memref<10112x128xf32, #tpu.memory_space<hbm>>) target(%arg10 : memref<64x128xf32, #tpu.memory_space<vmem>>) offsets(%dma_start3A_68 : memref<64xi32, #tpu.memory_space<vmem>>) semaphore(%arg14 : memref<!tpu.dma_semaphore, #tpu.memory_space<semaphore_mem>>)
      %add3A_72 = arith.constant 2 : i32
      %add3A_73 = arith.addi %mul3A_19, %add3A_72 : i32
      %add3A_74 = arith.constant 1 : i32
      %add3A_75 = arith.addi %add3A_73, %add3A_74 : i32
      %dma_start3A_76 = arith.constant 0 : i32
      %dma_start3A_77 = tpu.memref_slice %arg12[%add3A_75, %dma_start3A_76] : memref<80x64xi32, #tpu.memory_space<vmem>> -> memref<1x64xi32, #tpu.memory_space<vmem>>
      %dma_start3A_78 = tpu.memref_squeeze %dma_start3A_77 : memref<1x64xi32, #tpu.memory_space<vmem>> -> memref<64xi32, #tpu.memory_space<vmem>>
      %dma_start3A_79 = arith.constant 0 : i32
      %dma_start3A_80 = arith.constant 0 : i32
      %dma_start3A_81 = tpu.memref_slice %arg2[%dma_start3A_79, %dma_start3A_80] : memref<10112x128xf32, #tpu.memory_space<hbm>> -> memref<10112x128xf32, #tpu.memory_space<hbm>>
      tpu.enqueue_indirect_dma source(%dma_start3A_81 : memref<10112x128xf32, #tpu.memory_space<hbm>>) target(%arg11 : memref<64x128xf32, #tpu.memory_space<vmem>>) offsets(%dma_start3A_78 : memref<64xi32, #tpu.memory_space<vmem>>) semaphore(%arg14 : memref<!tpu.dma_semaphore, #tpu.memory_space<semaphore_mem>>)
      %dma_wait3A_82 = arith.constant 0 : i32
      %dma_wait3A_83 = tpu.memref_slice %arg12[%add3A_65, %dma_wait3A_82] : memref<80x64xi32, #tpu.memory_space<vmem>> -> memref<1x64xi32, #tpu.memory_space<vmem>>
      %dma_wait3A_84 = tpu.memref_squeeze %dma_wait3A_83 : memref<1x64xi32, #tpu.memory_space<vmem>> -> memref<64xi32, #tpu.memory_space<vmem>>
      %dma_wait3A_85 = arith.constant 0 : i32
      %dma_wait3A_86 = arith.constant 0 : i32
      %dma_wait3A_87 = tpu.memref_slice %arg2[%dma_wait3A_85, %dma_wait3A_86] : memref<10112x128xf32, #tpu.memory_space<hbm>> -> memref<10112x128xf32, #tpu.memory_space<hbm>>
      tpu.wait_indirect_dma semaphore(%arg14 : memref<!tpu.dma_semaphore, #tpu.memory_space<semaphore_mem>>) src(%dma_wait3A_87 : memref<10112x128xf32, #tpu.memory_space<hbm>>) dst(%arg10 : memref<64x128xf32, #tpu.memory_space<vmem>>)
      %dma_wait3A_88 = arith.constant 0 : i32
      %dma_wait3A_89 = tpu.memref_slice %arg12[%add3A_75, %dma_wait3A_88] : memref<80x64xi32, #tpu.memory_space<vmem>> -> memref<1x64xi32, #tpu.memory_space<vmem>>
      %dma_wait3A_90 = tpu.memref_squeeze %dma_wait3A_89 : memref<1x64xi32, #tpu.memory_space<vmem>> -> memref<64xi32, #tpu.memory_space<vmem>>
      %dma_wait3A_91 = arith.constant 0 : i32
      %dma_wait3A_92 = arith.constant 0 : i32
      %dma_wait3A_93 = tpu.memref_slice %arg2[%dma_wait3A_91, %dma_wait3A_92] : memref<10112x128xf32, #tpu.memory_space<hbm>> -> memref<10112x128xf32, #tpu.memory_space<hbm>>
      tpu.wait_indirect_dma semaphore(%arg14 : memref<!tpu.dma_semaphore, #tpu.memory_space<semaphore_mem>>) src(%dma_wait3A_93 : memref<10112x128xf32, #tpu.memory_space<hbm>>) dst(%arg11 : memref<64x128xf32, #tpu.memory_space<vmem>>)
      %add3A_94 = arith.constant 2 : i32
      %add3A_95 = arith.addi %mul3A_19, %add3A_94 : i32
      %add3A_96 = arith.constant 0 : i32
      %add3A_97 = arith.addi %add3A_95, %add3A_96 : i32
      %dma_start3A_98 = arith.constant 0 : i32
      %dma_start3A_99 = tpu.memref_slice %arg13[%add3A_97, %dma_start3A_98] : memref<80x64xi32, #tpu.memory_space<vmem>> -> memref<1x64xi32, #tpu.memory_space<vmem>>
      %dma_start3A_100 = tpu.memref_squeeze %dma_start3A_99 : memref<1x64xi32, #tpu.memory_space<vmem>> -> memref<64xi32, #tpu.memory_space<vmem>>
      %dma_start3A_101 = arith.constant 0 : i32
      %dma_start3A_102 = arith.constant 0 : i32
      %dma_start3A_103 = tpu.memref_slice %arg7[%dma_start3A_101, %dma_start3A_102] : memref<10112x128xf32, #tpu.memory_space<vmem_shared>> -> memref<10112x128xf32, #tpu.memory_space<vmem_shared>>
      tpu.enqueue_indirect_dma source(%arg10 : memref<64x128xf32, #tpu.memory_space<vmem>>) target(%dma_start3A_103 : memref<10112x128xf32, #tpu.memory_space<vmem_shared>>) offsets(%dma_start3A_100 : memref<64xi32, #tpu.memory_space<vmem>>) semaphore(%arg15 : memref<!tpu.dma_semaphore, #tpu.memory_space<semaphore_mem>>) {add = true}
      %add3A_104 = arith.constant 2 : i32
      %add3A_105 = arith.addi %mul3A_19, %add3A_104 : i32
      %add3A_106 = arith.constant 1 : i32
      %add3A_107 = arith.addi %add3A_105, %add3A_106 : i32
      %dma_start3A_108 = arith.constant 0 : i32
      %dma_start3A_109 = tpu.memref_slice %arg13[%add3A_107, %dma_start3A_108] : memref<80x64xi32, #tpu.memory_space<vmem>> -> memref<1x64xi32, #tpu.memory_space<vmem>>
      %dma_start3A_110 = tpu.memref_squeeze %dma_start3A_109 : memref<1x64xi32, #tpu.memory_space<vmem>> -> memref<64xi32, #tpu.memory_space<vmem>>
      %dma_start3A_111 = arith.constant 0 : i32
      %dma_start3A_112 = arith.constant 0 : i32
      %dma_start3A_113 = tpu.memref_slice %arg7[%dma_start3A_111, %dma_start3A_112] : memref<10112x128xf32, #tpu.memory_space<vmem_shared>> -> memref<10112x128xf32, #tpu.memory_space<vmem_shared>>
      tpu.enqueue_indirect_dma source(%arg11 : memref<64x128xf32, #tpu.memory_space<vmem>>) target(%dma_start3A_113 : memref<10112x128xf32, #tpu.memory_space<vmem_shared>>) offsets(%dma_start3A_110 : memref<64xi32, #tpu.memory_space<vmem>>) semaphore(%arg15 : memref<!tpu.dma_semaphore, #tpu.memory_space<semaphore_mem>>) {add = true}
      %dma_wait3A_114 = arith.constant 0 : i32
      %dma_wait3A_115 = tpu.memref_slice %arg13[%add3A_47, %dma_wait3A_114] : memref<80x64xi32, #tpu.memory_space<vmem>> -> memref<1x64xi32, #tpu.memory_space<vmem>>
      %dma_wait3A_116 = tpu.memref_squeeze %dma_wait3A_115 : memref<1x64xi32, #tpu.memory_space<vmem>> -> memref<64xi32, #tpu.memory_space<vmem>>
      %dma_wait3A_117 = arith.constant 0 : i32
      %dma_wait3A_118 = arith.constant 0 : i32
      %dma_wait3A_119 = tpu.memref_slice %arg7[%dma_wait3A_117, %dma_wait3A_118] : memref<10112x128xf32, #tpu.memory_space<vmem_shared>> -> memref<10112x128xf32, #tpu.memory_space<vmem_shared>>
      tpu.wait_indirect_dma semaphore(%arg15 : memref<!tpu.dma_semaphore, #tpu.memory_space<semaphore_mem>>) src(%arg8 : memref<64x128xf32, #tpu.memory_space<vmem>>) dst(%dma_wait3A_119 : memref<10112x128xf32, #tpu.memory_space<vmem_shared>>)
      %dma_wait3A_120 = arith.constant 0 : i32
      %dma_wait3A_121 = tpu.memref_slice %arg13[%add3A_55, %dma_wait3A_120] : memref<80x64xi32, #tpu.memory_space<vmem>> -> memref<1x64xi32, #tpu.memory_space<vmem>>
      %dma_wait3A_122 = tpu.memref_squeeze %dma_wait3A_121 : memref<1x64xi32, #tpu.memory_space<vmem>> -> memref<64xi32, #tpu.memory_space<vmem>>
      %dma_wait3A_123 = arith.constant 0 : i32
      %dma_wait3A_124 = arith.constant 0 : i32
      %dma_wait3A_125 = tpu.memref_slice %arg7[%dma_wait3A_123, %dma_wait3A_124] : memref<10112x128xf32, #tpu.memory_space<vmem_shared>> -> memref<10112x128xf32, #tpu.memory_space<vmem_shared>>
      tpu.wait_indirect_dma semaphore(%arg15 : memref<!tpu.dma_semaphore, #tpu.memory_space<semaphore_mem>>) src(%arg9 : memref<64x128xf32, #tpu.memory_space<vmem>>) dst(%dma_wait3A_125 : memref<10112x128xf32, #tpu.memory_space<vmem_shared>>)
      %dma_wait3A_126 = arith.constant 0 : i32
      %dma_wait3A_127 = tpu.memref_slice %arg13[%add3A_97, %dma_wait3A_126] : memref<80x64xi32, #tpu.memory_space<vmem>> -> memref<1x64xi32, #tpu.memory_space<vmem>>
      %dma_wait3A_128 = tpu.memref_squeeze %dma_wait3A_127 : memref<1x64xi32, #tpu.memory_space<vmem>> -> memref<64xi32, #tpu.memory_space<vmem>>
      %dma_wait3A_129 = arith.constant 0 : i32
      %dma_wait3A_130 = arith.constant 0 : i32
      %dma_wait3A_131 = tpu.memref_slice %arg7[%dma_wait3A_129, %dma_wait3A_130] : memref<10112x128xf32, #tpu.memory_space<vmem_shared>> -> memref<10112x128xf32, #tpu.memory_space<vmem_shared>>
      tpu.wait_indirect_dma semaphore(%arg15 : memref<!tpu.dma_semaphore, #tpu.memory_space<semaphore_mem>>) src(%arg10 : memref<64x128xf32, #tpu.memory_space<vmem>>) dst(%dma_wait3A_131 : memref<10112x128xf32, #tpu.memory_space<vmem_shared>>)
      %dma_wait3A_132 = arith.constant 0 : i32
      %dma_wait3A_133 = tpu.memref_slice %arg13[%add3A_107, %dma_wait3A_132] : memref<80x64xi32, #tpu.memory_space<vmem>> -> memref<1x64xi32, #tpu.memory_space<vmem>>
      %dma_wait3A_134 = tpu.memref_squeeze %dma_wait3A_133 : memref<1x64xi32, #tpu.memory_space<vmem>> -> memref<64xi32, #tpu.memory_space<vmem>>
      %dma_wait3A_135 = arith.constant 0 : i32
      %dma_wait3A_136 = arith.constant 0 : i32
      %dma_wait3A_137 = tpu.memref_slice %arg7[%dma_wait3A_135, %dma_wait3A_136] : memref<10112x128xf32, #tpu.memory_space<vmem_shared>> -> memref<10112x128xf32, #tpu.memory_space<vmem_shared>>
      tpu.wait_indirect_dma semaphore(%arg15 : memref<!tpu.dma_semaphore, #tpu.memory_space<semaphore_mem>>) src(%arg11 : memref<64x128xf32, #tpu.memory_space<vmem>>) dst(%dma_wait3A_137 : memref<10112x128xf32, #tpu.memory_space<vmem_shared>>)
    }
    %scan3A_13 = arith.constant 20 : i32
    %barrier3A_14 = arith.constant 0 : index
    tpu.barrier barrier_id(%barrier3A_14)
    "tpu.region"() ({
      %run_scoped3A = tpu.sem_alloc : memref<!tpu.dma_semaphore, #tpu.memory_space<semaphore_mem>>
      %dma_start3A = arith.constant 0 : i32
      %dma_start3A_15 = tpu.memref_slice %arg6[%arg0, %mul3A_2, %dma_start3A] : memref<2x10112x128xf32, #tpu.memory_space<hbm>> -> memref<1x632x128xf32, #tpu.memory_space<hbm>>
      %dma_start3A_16 = tpu.memref_squeeze %dma_start3A_15 : memref<1x632x128xf32, #tpu.memory_space<hbm>> -> memref<632x128xf32, #tpu.memory_space<hbm>>
      %dma_start3A_17 = arith.constant 0 : i32
      %dma_start3A_18 = tpu.memref_slice %arg7[%mul3A_2, %dma_start3A_17] : memref<10112x128xf32, #tpu.memory_space<vmem_shared>> -> memref<632x128xf32, #tpu.memory_space<vmem_shared>>
      tpu.enqueue_dma source(%dma_start3A_18 : memref<632x128xf32, #tpu.memory_space<vmem_shared>>) target(%dma_start3A_16 : memref<632x128xf32, #tpu.memory_space<hbm>>) target_semaphore(%run_scoped3A : memref<!tpu.dma_semaphore, #tpu.memory_space<semaphore_mem>>)
      %dma_wait3A = arith.constant 0 : i32
      %dma_wait3A_19 = tpu.memref_slice %arg6[%arg0, %mul3A_2, %dma_wait3A] : memref<2x10112x128xf32, #tpu.memory_space<hbm>> -> memref<1x632x128xf32, #tpu.memory_space<hbm>>
      %dma_wait3A_20 = tpu.memref_squeeze %dma_wait3A_19 : memref<1x632x128xf32, #tpu.memory_space<hbm>> -> memref<632x128xf32, #tpu.memory_space<hbm>>
      %dma_wait3A_21 = arith.constant 0 : i32
      %dma_wait3A_22 = tpu.memref_slice %arg7[%mul3A_2, %dma_wait3A_21] : memref<10112x128xf32, #tpu.memory_space<vmem_shared>> -> memref<632x128xf32, #tpu.memory_space<vmem_shared>>
      tpu.wait_dma2 semaphore(%run_scoped3A : memref<!tpu.dma_semaphore, #tpu.memory_space<semaphore_mem>>) src(%dma_wait3A_22 : memref<632x128xf32, #tpu.memory_space<vmem_shared>>) dst(%dma_wait3A_20 : memref<632x128xf32, #tpu.memory_space<hbm>>)
      tpu.yield
    }) : () -> ()
    return
  }
}

#map = affine_map<(d0, d1) -> (0, 0, 0)>
#map1 = affine_map<(d0, d1) -> (0, 0)>
module attributes {stable_mosaic.version = 14 : i64} {
  func.func @_sc_degree(%arg0: i32, %arg1: i32, %arg2: memref<32x80x128xi32, #tpu.memory_space<hbm>>, %arg3: memref<128x16xf32, #tpu.memory_space<hbm>>, %arg4: memref<10112x16xf32, #tpu.memory_space<hbm>>, %arg5: memref<2x10112x16xf32, #tpu.memory_space<hbm>>, %arg6: memref<10112x16xf32, #tpu.memory_space<vmem_shared>>, %arg7: memref<128x16xf32, #tpu.memory_space<vmem>>, %arg8: memref<80x128xi32, #tpu.memory_space<vmem>>, %arg9: memref<!tpu.dma_semaphore, #tpu.memory_space<semaphore_mem>>) attributes {dimension_semantics = [#tpu.dimension_semantics<core_parallel>, #tpu.dimension_semantics<subcore_parallel>], iteration_bounds = array<i64: 2, 16>, scalar_prefetch = 0 : i64, scratch_operands = 4 : i64, tpu.core_type = #tpu.core_type<sc_vector_subcore>, window_params = [{transform_indices = #map}, {transform_indices = #map1}, {transform_indices = #map1}, {transform_indices = #map}]} {
    %mul3A = arith.constant 2 : i32
    %mul3A_0 = arith.muli %arg1, %mul3A : i32
    %add3A = arith.addi %mul3A_0, %arg0 : i32
    %mul3A_1 = arith.constant 632 : i32
    %mul3A_2 = arith.muli %arg1, %mul3A_1 : i32
    "tpu.region"() ({
      %run_scoped3A = tpu.sem_alloc : memref<!tpu.dma_semaphore, #tpu.memory_space<semaphore_mem>>
      %dma_start3A = arith.constant 0 : i32
      %dma_start3A_9 = arith.constant 0 : i32
      %dma_start3A_10 = tpu.memref_slice %arg2[%add3A, %dma_start3A, %dma_start3A_9] : memref<32x80x128xi32, #tpu.memory_space<hbm>> -> memref<1x80x128xi32, #tpu.memory_space<hbm>>
      %dma_start3A_11 = tpu.memref_squeeze %dma_start3A_10 : memref<1x80x128xi32, #tpu.memory_space<hbm>> -> memref<80x128xi32, #tpu.memory_space<hbm>>
      %dma_start3A_12 = arith.constant 0 : i32
      %dma_start3A_13 = arith.constant 0 : i32
      %dma_start3A_14 = tpu.memref_slice %arg2[%add3A, %dma_start3A_12, %dma_start3A_13] : memref<32x80x128xi32, #tpu.memory_space<hbm>> -> memref<1x80x128xi32, #tpu.memory_space<hbm>>
      %dma_start3A_15 = tpu.memref_squeeze %dma_start3A_14 : memref<1x80x128xi32, #tpu.memory_space<hbm>> -> memref<80x128xi32, #tpu.memory_space<hbm>>
      tpu.enqueue_dma source(%dma_start3A_15 : memref<80x128xi32, #tpu.memory_space<hbm>>) target(%arg8 : memref<80x128xi32, #tpu.memory_space<vmem>>) target_semaphore(%run_scoped3A : memref<!tpu.dma_semaphore, #tpu.memory_space<semaphore_mem>>)
      %dma_wait3A = arith.constant 0 : i32
      %dma_wait3A_16 = arith.constant 0 : i32
      %dma_wait3A_17 = tpu.memref_slice %arg2[%add3A, %dma_wait3A, %dma_wait3A_16] : memref<32x80x128xi32, #tpu.memory_space<hbm>> -> memref<1x80x128xi32, #tpu.memory_space<hbm>>
      %dma_wait3A_18 = tpu.memref_squeeze %dma_wait3A_17 : memref<1x80x128xi32, #tpu.memory_space<hbm>> -> memref<80x128xi32, #tpu.memory_space<hbm>>
      %dma_wait3A_19 = arith.constant 0 : i32
      %dma_wait3A_20 = arith.constant 0 : i32
      %dma_wait3A_21 = tpu.memref_slice %arg2[%add3A, %dma_wait3A_19, %dma_wait3A_20] : memref<32x80x128xi32, #tpu.memory_space<hbm>> -> memref<1x80x128xi32, #tpu.memory_space<hbm>>
      %dma_wait3A_22 = tpu.memref_squeeze %dma_wait3A_21 : memref<1x80x128xi32, #tpu.memory_space<hbm>> -> memref<80x128xi32, #tpu.memory_space<hbm>>
      tpu.wait_dma2 semaphore(%run_scoped3A : memref<!tpu.dma_semaphore, #tpu.memory_space<semaphore_mem>>) src(%dma_wait3A_22 : memref<80x128xi32, #tpu.memory_space<hbm>>) dst(%arg8 : memref<80x128xi32, #tpu.memory_space<vmem>>)
      tpu.yield
    }) : () -> ()
    "tpu.region"() ({
      %run_scoped3A = tpu.sem_alloc : memref<!tpu.dma_semaphore, #tpu.memory_space<semaphore_mem>>
      tpu.enqueue_dma source(%arg3 : memref<128x16xf32, #tpu.memory_space<hbm>>) target(%arg7 : memref<128x16xf32, #tpu.memory_space<vmem>>) target_semaphore(%run_scoped3A : memref<!tpu.dma_semaphore, #tpu.memory_space<semaphore_mem>>)
      tpu.wait_dma2 semaphore(%run_scoped3A : memref<!tpu.dma_semaphore, #tpu.memory_space<semaphore_mem>>) src(%arg3 : memref<128x16xf32, #tpu.memory_space<hbm>>) dst(%arg7 : memref<128x16xf32, #tpu.memory_space<vmem>>)
      tpu.yield
    }) : () -> ()
    "tpu.region"() ({
      %run_scoped3A = tpu.sem_alloc : memref<!tpu.dma_semaphore, #tpu.memory_space<semaphore_mem>>
      %dma_start3A = arith.constant 0 : i32
      %dma_start3A_9 = tpu.memref_slice %arg6[%mul3A_2, %dma_start3A] : memref<10112x16xf32, #tpu.memory_space<vmem_shared>> -> memref<632x16xf32, #tpu.memory_space<vmem_shared>>
      %dma_start3A_10 = arith.constant 0 : i32
      %dma_start3A_11 = tpu.memref_slice %arg4[%mul3A_2, %dma_start3A_10] : memref<10112x16xf32, #tpu.memory_space<hbm>> -> memref<632x16xf32, #tpu.memory_space<hbm>>
      tpu.enqueue_dma source(%dma_start3A_11 : memref<632x16xf32, #tpu.memory_space<hbm>>) target(%dma_start3A_9 : memref<632x16xf32, #tpu.memory_space<vmem_shared>>) target_semaphore(%run_scoped3A : memref<!tpu.dma_semaphore, #tpu.memory_space<semaphore_mem>>)
      %dma_wait3A = arith.constant 0 : i32
      %dma_wait3A_12 = tpu.memref_slice %arg6[%mul3A_2, %dma_wait3A] : memref<10112x16xf32, #tpu.memory_space<vmem_shared>> -> memref<632x16xf32, #tpu.memory_space<vmem_shared>>
      %dma_wait3A_13 = arith.constant 0 : i32
      %dma_wait3A_14 = tpu.memref_slice %arg4[%mul3A_2, %dma_wait3A_13] : memref<10112x16xf32, #tpu.memory_space<hbm>> -> memref<632x16xf32, #tpu.memory_space<hbm>>
      tpu.wait_dma2 semaphore(%run_scoped3A : memref<!tpu.dma_semaphore, #tpu.memory_space<semaphore_mem>>) src(%dma_wait3A_14 : memref<632x16xf32, #tpu.memory_space<hbm>>) dst(%dma_wait3A_12 : memref<632x16xf32, #tpu.memory_space<vmem_shared>>)
      tpu.yield
    }) : () -> ()
    %barrier3A = arith.constant 0 : index
    tpu.barrier barrier_id(%barrier3A)
    %scan3A = arith.constant 0 : i32
    %scan3A_3 = arith.constant 0 : i32
    %scan3A_4 = arith.constant 10 : i32
    %scan3A_5 = arith.addi %scan3A_3, %scan3A_4 : i32
    %scan3A_6 = arith.constant 1 : i32
    scf.for %scan3A_9 = %scan3A_3 to %scan3A_5 step %scan3A_6  : i32 {
      %mul3A_10 = arith.constant 8 : i32
      %mul3A_11 = arith.muli %scan3A_9, %mul3A_10 : i32
      %add3A_12 = arith.constant 0 : i32
      %add3A_13 = arith.addi %mul3A_11, %add3A_12 : i32
      %dma_start3A = arith.constant 0 : i32
      %dma_start3A_14 = tpu.memref_slice %arg8[%add3A_13, %dma_start3A] : memref<80x128xi32, #tpu.memory_space<vmem>> -> memref<1x128xi32, #tpu.memory_space<vmem>>
      %dma_start3A_15 = tpu.memref_squeeze %dma_start3A_14 : memref<1x128xi32, #tpu.memory_space<vmem>> -> memref<128xi32, #tpu.memory_space<vmem>>
      %dma_start3A_16 = arith.constant 0 : i32
      %dma_start3A_17 = arith.constant 0 : i32
      %dma_start3A_18 = tpu.memref_slice %arg6[%dma_start3A_16, %dma_start3A_17] : memref<10112x16xf32, #tpu.memory_space<vmem_shared>> -> memref<10112x16xf32, #tpu.memory_space<vmem_shared>>
      tpu.enqueue_indirect_dma source(%arg7 : memref<128x16xf32, #tpu.memory_space<vmem>>) target(%dma_start3A_18 : memref<10112x16xf32, #tpu.memory_space<vmem_shared>>) offsets(%dma_start3A_15 : memref<128xi32, #tpu.memory_space<vmem>>) semaphore(%arg9 : memref<!tpu.dma_semaphore, #tpu.memory_space<semaphore_mem>>) {add = true}
      %mul3A_19 = arith.constant 8 : i32
      %mul3A_20 = arith.muli %scan3A_9, %mul3A_19 : i32
      %add3A_21 = arith.constant 1 : i32
      %add3A_22 = arith.addi %mul3A_20, %add3A_21 : i32
      %dma_start3A_23 = arith.constant 0 : i32
      %dma_start3A_24 = tpu.memref_slice %arg8[%add3A_22, %dma_start3A_23] : memref<80x128xi32, #tpu.memory_space<vmem>> -> memref<1x128xi32, #tpu.memory_space<vmem>>
      %dma_start3A_25 = tpu.memref_squeeze %dma_start3A_24 : memref<1x128xi32, #tpu.memory_space<vmem>> -> memref<128xi32, #tpu.memory_space<vmem>>
      %dma_start3A_26 = arith.constant 0 : i32
      %dma_start3A_27 = arith.constant 0 : i32
      %dma_start3A_28 = tpu.memref_slice %arg6[%dma_start3A_26, %dma_start3A_27] : memref<10112x16xf32, #tpu.memory_space<vmem_shared>> -> memref<10112x16xf32, #tpu.memory_space<vmem_shared>>
      tpu.enqueue_indirect_dma source(%arg7 : memref<128x16xf32, #tpu.memory_space<vmem>>) target(%dma_start3A_28 : memref<10112x16xf32, #tpu.memory_space<vmem_shared>>) offsets(%dma_start3A_25 : memref<128xi32, #tpu.memory_space<vmem>>) semaphore(%arg9 : memref<!tpu.dma_semaphore, #tpu.memory_space<semaphore_mem>>) {add = true}
      %mul3A_29 = arith.constant 8 : i32
      %mul3A_30 = arith.muli %scan3A_9, %mul3A_29 : i32
      %add3A_31 = arith.constant 2 : i32
      %add3A_32 = arith.addi %mul3A_30, %add3A_31 : i32
      %dma_start3A_33 = arith.constant 0 : i32
      %dma_start3A_34 = tpu.memref_slice %arg8[%add3A_32, %dma_start3A_33] : memref<80x128xi32, #tpu.memory_space<vmem>> -> memref<1x128xi32, #tpu.memory_space<vmem>>
      %dma_start3A_35 = tpu.memref_squeeze %dma_start3A_34 : memref<1x128xi32, #tpu.memory_space<vmem>> -> memref<128xi32, #tpu.memory_space<vmem>>
      %dma_start3A_36 = arith.constant 0 : i32
      %dma_start3A_37 = arith.constant 0 : i32
      %dma_start3A_38 = tpu.memref_slice %arg6[%dma_start3A_36, %dma_start3A_37] : memref<10112x16xf32, #tpu.memory_space<vmem_shared>> -> memref<10112x16xf32, #tpu.memory_space<vmem_shared>>
      tpu.enqueue_indirect_dma source(%arg7 : memref<128x16xf32, #tpu.memory_space<vmem>>) target(%dma_start3A_38 : memref<10112x16xf32, #tpu.memory_space<vmem_shared>>) offsets(%dma_start3A_35 : memref<128xi32, #tpu.memory_space<vmem>>) semaphore(%arg9 : memref<!tpu.dma_semaphore, #tpu.memory_space<semaphore_mem>>) {add = true}
      %mul3A_39 = arith.constant 8 : i32
      %mul3A_40 = arith.muli %scan3A_9, %mul3A_39 : i32
      %add3A_41 = arith.constant 3 : i32
      %add3A_42 = arith.addi %mul3A_40, %add3A_41 : i32
      %dma_start3A_43 = arith.constant 0 : i32
      %dma_start3A_44 = tpu.memref_slice %arg8[%add3A_42, %dma_start3A_43] : memref<80x128xi32, #tpu.memory_space<vmem>> -> memref<1x128xi32, #tpu.memory_space<vmem>>
      %dma_start3A_45 = tpu.memref_squeeze %dma_start3A_44 : memref<1x128xi32, #tpu.memory_space<vmem>> -> memref<128xi32, #tpu.memory_space<vmem>>
      %dma_start3A_46 = arith.constant 0 : i32
      %dma_start3A_47 = arith.constant 0 : i32
      %dma_start3A_48 = tpu.memref_slice %arg6[%dma_start3A_46, %dma_start3A_47] : memref<10112x16xf32, #tpu.memory_space<vmem_shared>> -> memref<10112x16xf32, #tpu.memory_space<vmem_shared>>
      tpu.enqueue_indirect_dma source(%arg7 : memref<128x16xf32, #tpu.memory_space<vmem>>) target(%dma_start3A_48 : memref<10112x16xf32, #tpu.memory_space<vmem_shared>>) offsets(%dma_start3A_45 : memref<128xi32, #tpu.memory_space<vmem>>) semaphore(%arg9 : memref<!tpu.dma_semaphore, #tpu.memory_space<semaphore_mem>>) {add = true}
      %mul3A_49 = arith.constant 8 : i32
      %mul3A_50 = arith.muli %scan3A_9, %mul3A_49 : i32
      %add3A_51 = arith.constant 4 : i32
      %add3A_52 = arith.addi %mul3A_50, %add3A_51 : i32
      %dma_start3A_53 = arith.constant 0 : i32
      %dma_start3A_54 = tpu.memref_slice %arg8[%add3A_52, %dma_start3A_53] : memref<80x128xi32, #tpu.memory_space<vmem>> -> memref<1x128xi32, #tpu.memory_space<vmem>>
      %dma_start3A_55 = tpu.memref_squeeze %dma_start3A_54 : memref<1x128xi32, #tpu.memory_space<vmem>> -> memref<128xi32, #tpu.memory_space<vmem>>
      %dma_start3A_56 = arith.constant 0 : i32
      %dma_start3A_57 = arith.constant 0 : i32
      %dma_start3A_58 = tpu.memref_slice %arg6[%dma_start3A_56, %dma_start3A_57] : memref<10112x16xf32, #tpu.memory_space<vmem_shared>> -> memref<10112x16xf32, #tpu.memory_space<vmem_shared>>
      tpu.enqueue_indirect_dma source(%arg7 : memref<128x16xf32, #tpu.memory_space<vmem>>) target(%dma_start3A_58 : memref<10112x16xf32, #tpu.memory_space<vmem_shared>>) offsets(%dma_start3A_55 : memref<128xi32, #tpu.memory_space<vmem>>) semaphore(%arg9 : memref<!tpu.dma_semaphore, #tpu.memory_space<semaphore_mem>>) {add = true}
      %mul3A_59 = arith.constant 8 : i32
      %mul3A_60 = arith.muli %scan3A_9, %mul3A_59 : i32
      %add3A_61 = arith.constant 5 : i32
      %add3A_62 = arith.addi %mul3A_60, %add3A_61 : i32
      %dma_start3A_63 = arith.constant 0 : i32
      %dma_start3A_64 = tpu.memref_slice %arg8[%add3A_62, %dma_start3A_63] : memref<80x128xi32, #tpu.memory_space<vmem>> -> memref<1x128xi32, #tpu.memory_space<vmem>>
      %dma_start3A_65 = tpu.memref_squeeze %dma_start3A_64 : memref<1x128xi32, #tpu.memory_space<vmem>> -> memref<128xi32, #tpu.memory_space<vmem>>
      %dma_start3A_66 = arith.constant 0 : i32
      %dma_start3A_67 = arith.constant 0 : i32
      %dma_start3A_68 = tpu.memref_slice %arg6[%dma_start3A_66, %dma_start3A_67] : memref<10112x16xf32, #tpu.memory_space<vmem_shared>> -> memref<10112x16xf32, #tpu.memory_space<vmem_shared>>
      tpu.enqueue_indirect_dma source(%arg7 : memref<128x16xf32, #tpu.memory_space<vmem>>) target(%dma_start3A_68 : memref<10112x16xf32, #tpu.memory_space<vmem_shared>>) offsets(%dma_start3A_65 : memref<128xi32, #tpu.memory_space<vmem>>) semaphore(%arg9 : memref<!tpu.dma_semaphore, #tpu.memory_space<semaphore_mem>>) {add = true}
      %mul3A_69 = arith.constant 8 : i32
      %mul3A_70 = arith.muli %scan3A_9, %mul3A_69 : i32
      %add3A_71 = arith.constant 6 : i32
      %add3A_72 = arith.addi %mul3A_70, %add3A_71 : i32
      %dma_start3A_73 = arith.constant 0 : i32
      %dma_start3A_74 = tpu.memref_slice %arg8[%add3A_72, %dma_start3A_73] : memref<80x128xi32, #tpu.memory_space<vmem>> -> memref<1x128xi32, #tpu.memory_space<vmem>>
      %dma_start3A_75 = tpu.memref_squeeze %dma_start3A_74 : memref<1x128xi32, #tpu.memory_space<vmem>> -> memref<128xi32, #tpu.memory_space<vmem>>
      %dma_start3A_76 = arith.constant 0 : i32
      %dma_start3A_77 = arith.constant 0 : i32
      %dma_start3A_78 = tpu.memref_slice %arg6[%dma_start3A_76, %dma_start3A_77] : memref<10112x16xf32, #tpu.memory_space<vmem_shared>> -> memref<10112x16xf32, #tpu.memory_space<vmem_shared>>
      tpu.enqueue_indirect_dma source(%arg7 : memref<128x16xf32, #tpu.memory_space<vmem>>) target(%dma_start3A_78 : memref<10112x16xf32, #tpu.memory_space<vmem_shared>>) offsets(%dma_start3A_75 : memref<128xi32, #tpu.memory_space<vmem>>) semaphore(%arg9 : memref<!tpu.dma_semaphore, #tpu.memory_space<semaphore_mem>>) {add = true}
      %mul3A_79 = arith.constant 8 : i32
      %mul3A_80 = arith.muli %scan3A_9, %mul3A_79 : i32
      %add3A_81 = arith.constant 7 : i32
      %add3A_82 = arith.addi %mul3A_80, %add3A_81 : i32
      %dma_start3A_83 = arith.constant 0 : i32
      %dma_start3A_84 = tpu.memref_slice %arg8[%add3A_82, %dma_start3A_83] : memref<80x128xi32, #tpu.memory_space<vmem>> -> memref<1x128xi32, #tpu.memory_space<vmem>>
      %dma_start3A_85 = tpu.memref_squeeze %dma_start3A_84 : memref<1x128xi32, #tpu.memory_space<vmem>> -> memref<128xi32, #tpu.memory_space<vmem>>
      %dma_start3A_86 = arith.constant 0 : i32
      %dma_start3A_87 = arith.constant 0 : i32
      %dma_start3A_88 = tpu.memref_slice %arg6[%dma_start3A_86, %dma_start3A_87] : memref<10112x16xf32, #tpu.memory_space<vmem_shared>> -> memref<10112x16xf32, #tpu.memory_space<vmem_shared>>
      tpu.enqueue_indirect_dma source(%arg7 : memref<128x16xf32, #tpu.memory_space<vmem>>) target(%dma_start3A_88 : memref<10112x16xf32, #tpu.memory_space<vmem_shared>>) offsets(%dma_start3A_85 : memref<128xi32, #tpu.memory_space<vmem>>) semaphore(%arg9 : memref<!tpu.dma_semaphore, #tpu.memory_space<semaphore_mem>>) {add = true}
      %dma_wait3A = arith.constant 0 : i32
      %dma_wait3A_89 = tpu.memref_slice %arg8[%add3A_13, %dma_wait3A] : memref<80x128xi32, #tpu.memory_space<vmem>> -> memref<1x128xi32, #tpu.memory_space<vmem>>
      %dma_wait3A_90 = tpu.memref_squeeze %dma_wait3A_89 : memref<1x128xi32, #tpu.memory_space<vmem>> -> memref<128xi32, #tpu.memory_space<vmem>>
      %dma_wait3A_91 = arith.constant 0 : i32
      %dma_wait3A_92 = arith.constant 0 : i32
      %dma_wait3A_93 = tpu.memref_slice %arg6[%dma_wait3A_91, %dma_wait3A_92] : memref<10112x16xf32, #tpu.memory_space<vmem_shared>> -> memref<10112x16xf32, #tpu.memory_space<vmem_shared>>
      tpu.wait_indirect_dma semaphore(%arg9 : memref<!tpu.dma_semaphore, #tpu.memory_space<semaphore_mem>>) src(%arg7 : memref<128x16xf32, #tpu.memory_space<vmem>>) dst(%dma_wait3A_93 : memref<10112x16xf32, #tpu.memory_space<vmem_shared>>)
      %dma_wait3A_94 = arith.constant 0 : i32
      %dma_wait3A_95 = tpu.memref_slice %arg8[%add3A_22, %dma_wait3A_94] : memref<80x128xi32, #tpu.memory_space<vmem>> -> memref<1x128xi32, #tpu.memory_space<vmem>>
      %dma_wait3A_96 = tpu.memref_squeeze %dma_wait3A_95 : memref<1x128xi32, #tpu.memory_space<vmem>> -> memref<128xi32, #tpu.memory_space<vmem>>
      %dma_wait3A_97 = arith.constant 0 : i32
      %dma_wait3A_98 = arith.constant 0 : i32
      %dma_wait3A_99 = tpu.memref_slice %arg6[%dma_wait3A_97, %dma_wait3A_98] : memref<10112x16xf32, #tpu.memory_space<vmem_shared>> -> memref<10112x16xf32, #tpu.memory_space<vmem_shared>>
      tpu.wait_indirect_dma semaphore(%arg9 : memref<!tpu.dma_semaphore, #tpu.memory_space<semaphore_mem>>) src(%arg7 : memref<128x16xf32, #tpu.memory_space<vmem>>) dst(%dma_wait3A_99 : memref<10112x16xf32, #tpu.memory_space<vmem_shared>>)
      %dma_wait3A_100 = arith.constant 0 : i32
      %dma_wait3A_101 = tpu.memref_slice %arg8[%add3A_32, %dma_wait3A_100] : memref<80x128xi32, #tpu.memory_space<vmem>> -> memref<1x128xi32, #tpu.memory_space<vmem>>
      %dma_wait3A_102 = tpu.memref_squeeze %dma_wait3A_101 : memref<1x128xi32, #tpu.memory_space<vmem>> -> memref<128xi32, #tpu.memory_space<vmem>>
      %dma_wait3A_103 = arith.constant 0 : i32
      %dma_wait3A_104 = arith.constant 0 : i32
      %dma_wait3A_105 = tpu.memref_slice %arg6[%dma_wait3A_103, %dma_wait3A_104] : memref<10112x16xf32, #tpu.memory_space<vmem_shared>> -> memref<10112x16xf32, #tpu.memory_space<vmem_shared>>
      tpu.wait_indirect_dma semaphore(%arg9 : memref<!tpu.dma_semaphore, #tpu.memory_space<semaphore_mem>>) src(%arg7 : memref<128x16xf32, #tpu.memory_space<vmem>>) dst(%dma_wait3A_105 : memref<10112x16xf32, #tpu.memory_space<vmem_shared>>)
      %dma_wait3A_106 = arith.constant 0 : i32
      %dma_wait3A_107 = tpu.memref_slice %arg8[%add3A_42, %dma_wait3A_106] : memref<80x128xi32, #tpu.memory_space<vmem>> -> memref<1x128xi32, #tpu.memory_space<vmem>>
      %dma_wait3A_108 = tpu.memref_squeeze %dma_wait3A_107 : memref<1x128xi32, #tpu.memory_space<vmem>> -> memref<128xi32, #tpu.memory_space<vmem>>
      %dma_wait3A_109 = arith.constant 0 : i32
      %dma_wait3A_110 = arith.constant 0 : i32
      %dma_wait3A_111 = tpu.memref_slice %arg6[%dma_wait3A_109, %dma_wait3A_110] : memref<10112x16xf32, #tpu.memory_space<vmem_shared>> -> memref<10112x16xf32, #tpu.memory_space<vmem_shared>>
      tpu.wait_indirect_dma semaphore(%arg9 : memref<!tpu.dma_semaphore, #tpu.memory_space<semaphore_mem>>) src(%arg7 : memref<128x16xf32, #tpu.memory_space<vmem>>) dst(%dma_wait3A_111 : memref<10112x16xf32, #tpu.memory_space<vmem_shared>>)
      %dma_wait3A_112 = arith.constant 0 : i32
      %dma_wait3A_113 = tpu.memref_slice %arg8[%add3A_52, %dma_wait3A_112] : memref<80x128xi32, #tpu.memory_space<vmem>> -> memref<1x128xi32, #tpu.memory_space<vmem>>
      %dma_wait3A_114 = tpu.memref_squeeze %dma_wait3A_113 : memref<1x128xi32, #tpu.memory_space<vmem>> -> memref<128xi32, #tpu.memory_space<vmem>>
      %dma_wait3A_115 = arith.constant 0 : i32
      %dma_wait3A_116 = arith.constant 0 : i32
      %dma_wait3A_117 = tpu.memref_slice %arg6[%dma_wait3A_115, %dma_wait3A_116] : memref<10112x16xf32, #tpu.memory_space<vmem_shared>> -> memref<10112x16xf32, #tpu.memory_space<vmem_shared>>
      tpu.wait_indirect_dma semaphore(%arg9 : memref<!tpu.dma_semaphore, #tpu.memory_space<semaphore_mem>>) src(%arg7 : memref<128x16xf32, #tpu.memory_space<vmem>>) dst(%dma_wait3A_117 : memref<10112x16xf32, #tpu.memory_space<vmem_shared>>)
      %dma_wait3A_118 = arith.constant 0 : i32
      %dma_wait3A_119 = tpu.memref_slice %arg8[%add3A_62, %dma_wait3A_118] : memref<80x128xi32, #tpu.memory_space<vmem>> -> memref<1x128xi32, #tpu.memory_space<vmem>>
      %dma_wait3A_120 = tpu.memref_squeeze %dma_wait3A_119 : memref<1x128xi32, #tpu.memory_space<vmem>> -> memref<128xi32, #tpu.memory_space<vmem>>
      %dma_wait3A_121 = arith.constant 0 : i32
      %dma_wait3A_122 = arith.constant 0 : i32
      %dma_wait3A_123 = tpu.memref_slice %arg6[%dma_wait3A_121, %dma_wait3A_122] : memref<10112x16xf32, #tpu.memory_space<vmem_shared>> -> memref<10112x16xf32, #tpu.memory_space<vmem_shared>>
      tpu.wait_indirect_dma semaphore(%arg9 : memref<!tpu.dma_semaphore, #tpu.memory_space<semaphore_mem>>) src(%arg7 : memref<128x16xf32, #tpu.memory_space<vmem>>) dst(%dma_wait3A_123 : memref<10112x16xf32, #tpu.memory_space<vmem_shared>>)
      %dma_wait3A_124 = arith.constant 0 : i32
      %dma_wait3A_125 = tpu.memref_slice %arg8[%add3A_72, %dma_wait3A_124] : memref<80x128xi32, #tpu.memory_space<vmem>> -> memref<1x128xi32, #tpu.memory_space<vmem>>
      %dma_wait3A_126 = tpu.memref_squeeze %dma_wait3A_125 : memref<1x128xi32, #tpu.memory_space<vmem>> -> memref<128xi32, #tpu.memory_space<vmem>>
      %dma_wait3A_127 = arith.constant 0 : i32
      %dma_wait3A_128 = arith.constant 0 : i32
      %dma_wait3A_129 = tpu.memref_slice %arg6[%dma_wait3A_127, %dma_wait3A_128] : memref<10112x16xf32, #tpu.memory_space<vmem_shared>> -> memref<10112x16xf32, #tpu.memory_space<vmem_shared>>
      tpu.wait_indirect_dma semaphore(%arg9 : memref<!tpu.dma_semaphore, #tpu.memory_space<semaphore_mem>>) src(%arg7 : memref<128x16xf32, #tpu.memory_space<vmem>>) dst(%dma_wait3A_129 : memref<10112x16xf32, #tpu.memory_space<vmem_shared>>)
      %dma_wait3A_130 = arith.constant 0 : i32
      %dma_wait3A_131 = tpu.memref_slice %arg8[%add3A_82, %dma_wait3A_130] : memref<80x128xi32, #tpu.memory_space<vmem>> -> memref<1x128xi32, #tpu.memory_space<vmem>>
      %dma_wait3A_132 = tpu.memref_squeeze %dma_wait3A_131 : memref<1x128xi32, #tpu.memory_space<vmem>> -> memref<128xi32, #tpu.memory_space<vmem>>
      %dma_wait3A_133 = arith.constant 0 : i32
      %dma_wait3A_134 = arith.constant 0 : i32
      %dma_wait3A_135 = tpu.memref_slice %arg6[%dma_wait3A_133, %dma_wait3A_134] : memref<10112x16xf32, #tpu.memory_space<vmem_shared>> -> memref<10112x16xf32, #tpu.memory_space<vmem_shared>>
      tpu.wait_indirect_dma semaphore(%arg9 : memref<!tpu.dma_semaphore, #tpu.memory_space<semaphore_mem>>) src(%arg7 : memref<128x16xf32, #tpu.memory_space<vmem>>) dst(%dma_wait3A_135 : memref<10112x16xf32, #tpu.memory_space<vmem_shared>>)
    }
    %scan3A_7 = arith.constant 10 : i32
    %barrier3A_8 = arith.constant 0 : index
    tpu.barrier barrier_id(%barrier3A_8)
    "tpu.region"() ({
      %run_scoped3A = tpu.sem_alloc : memref<!tpu.dma_semaphore, #tpu.memory_space<semaphore_mem>>
      %dma_start3A = arith.constant 0 : i32
      %dma_start3A_9 = tpu.memref_slice %arg5[%arg0, %mul3A_2, %dma_start3A] : memref<2x10112x16xf32, #tpu.memory_space<hbm>> -> memref<1x632x16xf32, #tpu.memory_space<hbm>>
      %dma_start3A_10 = tpu.memref_squeeze %dma_start3A_9 : memref<1x632x16xf32, #tpu.memory_space<hbm>> -> memref<632x16xf32, #tpu.memory_space<hbm>>
      %dma_start3A_11 = arith.constant 0 : i32
      %dma_start3A_12 = tpu.memref_slice %arg6[%mul3A_2, %dma_start3A_11] : memref<10112x16xf32, #tpu.memory_space<vmem_shared>> -> memref<632x16xf32, #tpu.memory_space<vmem_shared>>
      tpu.enqueue_dma source(%dma_start3A_12 : memref<632x16xf32, #tpu.memory_space<vmem_shared>>) target(%dma_start3A_10 : memref<632x16xf32, #tpu.memory_space<hbm>>) target_semaphore(%run_scoped3A : memref<!tpu.dma_semaphore, #tpu.memory_space<semaphore_mem>>)
      %dma_wait3A = arith.constant 0 : i32
      %dma_wait3A_13 = tpu.memref_slice %arg5[%arg0, %mul3A_2, %dma_wait3A] : memref<2x10112x16xf32, #tpu.memory_space<hbm>> -> memref<1x632x16xf32, #tpu.memory_space<hbm>>
      %dma_wait3A_14 = tpu.memref_squeeze %dma_wait3A_13 : memref<1x632x16xf32, #tpu.memory_space<hbm>> -> memref<632x16xf32, #tpu.memory_space<hbm>>
      %dma_wait3A_15 = arith.constant 0 : i32
      %dma_wait3A_16 = tpu.memref_slice %arg6[%mul3A_2, %dma_wait3A_15] : memref<10112x16xf32, #tpu.memory_space<vmem_shared>> -> memref<632x16xf32, #tpu.memory_space<vmem_shared>>
      tpu.wait_dma2 semaphore(%run_scoped3A : memref<!tpu.dma_semaphore, #tpu.memory_space<semaphore_mem>>) src(%dma_wait3A_16 : memref<632x16xf32, #tpu.memory_space<vmem_shared>>) dst(%dma_wait3A_14 : memref<632x16xf32, #tpu.memory_space<hbm>>)
      tpu.yield
    }) : () -> ()
    return
  }
}

#map = affine_map<(d0, d1) -> (0, 0)>
#map1 = affine_map<(d0, d1) -> (0, 0, 0)>
module attributes {stable_mosaic.version = 14 : i64} {
  func.func @_sc_spmm(%arg0: i32, %arg1: i32, %arg2: memref<10112x32xf32, #tpu.memory_space<hbm>>, %arg3: memref<32x80x128xi32, #tpu.memory_space<hbm>>, %arg4: memref<32x80x128xi32, #tpu.memory_space<hbm>>, %arg5: memref<10112x32xf32, #tpu.memory_space<hbm>>, %arg6: memref<2x10112x32xf32, #tpu.memory_space<hbm>>, %arg7: memref<10112x32xf32, #tpu.memory_space<vmem_shared>>, %arg8: memref<128x32xf32, #tpu.memory_space<vmem>>, %arg9: memref<128x32xf32, #tpu.memory_space<vmem>>, %arg10: memref<128x32xf32, #tpu.memory_space<vmem>>, %arg11: memref<128x32xf32, #tpu.memory_space<vmem>>, %arg12: memref<128x32xf32, #tpu.memory_space<vmem>>, %arg13: memref<128x32xf32, #tpu.memory_space<vmem>>, %arg14: memref<128x32xf32, #tpu.memory_space<vmem>>, %arg15: memref<128x32xf32, #tpu.memory_space<vmem>>, %arg16: memref<80x128xi32, #tpu.memory_space<vmem>>, %arg17: memref<80x128xi32, #tpu.memory_space<vmem>>, %arg18: memref<!tpu.dma_semaphore, #tpu.memory_space<semaphore_mem>>, %arg19: memref<!tpu.dma_semaphore, #tpu.memory_space<semaphore_mem>>) attributes {dimension_semantics = [#tpu.dimension_semantics<core_parallel>, #tpu.dimension_semantics<subcore_parallel>], iteration_bounds = array<i64: 2, 16>, scalar_prefetch = 0 : i64, scratch_operands = 13 : i64, tpu.core_type = #tpu.core_type<sc_vector_subcore>, window_params = [{transform_indices = #map}, {transform_indices = #map1}, {transform_indices = #map1}, {transform_indices = #map}, {transform_indices = #map1}]} {
    %mul3A = arith.constant 2 : i32
    %mul3A_0 = arith.muli %arg1, %mul3A : i32
    %add3A = arith.addi %mul3A_0, %arg0 : i32
    %mul3A_1 = arith.constant 632 : i32
    %mul3A_2 = arith.muli %arg1, %mul3A_1 : i32
    "tpu.region"() ({
      %run_scoped3A = tpu.sem_alloc : memref<!tpu.dma_semaphore, #tpu.memory_space<semaphore_mem>>
      %dma_start3A = arith.constant 0 : i32
      %dma_start3A_9 = tpu.memref_slice %arg7[%mul3A_2, %dma_start3A] : memref<10112x32xf32, #tpu.memory_space<vmem_shared>> -> memref<632x32xf32, #tpu.memory_space<vmem_shared>>
      %dma_start3A_10 = arith.constant 0 : i32
      %dma_start3A_11 = tpu.memref_slice %arg5[%mul3A_2, %dma_start3A_10] : memref<10112x32xf32, #tpu.memory_space<hbm>> -> memref<632x32xf32, #tpu.memory_space<hbm>>
      tpu.enqueue_dma source(%dma_start3A_11 : memref<632x32xf32, #tpu.memory_space<hbm>>) target(%dma_start3A_9 : memref<632x32xf32, #tpu.memory_space<vmem_shared>>) target_semaphore(%run_scoped3A : memref<!tpu.dma_semaphore, #tpu.memory_space<semaphore_mem>>)
      %dma_wait3A = arith.constant 0 : i32
      %dma_wait3A_12 = tpu.memref_slice %arg7[%mul3A_2, %dma_wait3A] : memref<10112x32xf32, #tpu.memory_space<vmem_shared>> -> memref<632x32xf32, #tpu.memory_space<vmem_shared>>
      %dma_wait3A_13 = arith.constant 0 : i32
      %dma_wait3A_14 = tpu.memref_slice %arg5[%mul3A_2, %dma_wait3A_13] : memref<10112x32xf32, #tpu.memory_space<hbm>> -> memref<632x32xf32, #tpu.memory_space<hbm>>
      tpu.wait_dma2 semaphore(%run_scoped3A : memref<!tpu.dma_semaphore, #tpu.memory_space<semaphore_mem>>) src(%dma_wait3A_14 : memref<632x32xf32, #tpu.memory_space<hbm>>) dst(%dma_wait3A_12 : memref<632x32xf32, #tpu.memory_space<vmem_shared>>)
      tpu.yield
    }) : () -> ()
    %barrier3A = arith.constant 0 : index
    tpu.barrier barrier_id(%barrier3A)
    "tpu.region"() ({
      %run_scoped3A = tpu.sem_alloc : memref<!tpu.dma_semaphore, #tpu.memory_space<semaphore_mem>>
      %dma_start3A = arith.constant 0 : i32
      %dma_start3A_9 = arith.constant 0 : i32
      %dma_start3A_10 = tpu.memref_slice %arg3[%add3A, %dma_start3A, %dma_start3A_9] : memref<32x80x128xi32, #tpu.memory_space<hbm>> -> memref<1x80x128xi32, #tpu.memory_space<hbm>>
      %dma_start3A_11 = tpu.memref_squeeze %dma_start3A_10 : memref<1x80x128xi32, #tpu.memory_space<hbm>> -> memref<80x128xi32, #tpu.memory_space<hbm>>
      %dma_start3A_12 = arith.constant 0 : i32
      %dma_start3A_13 = arith.constant 0 : i32
      %dma_start3A_14 = tpu.memref_slice %arg3[%add3A, %dma_start3A_12, %dma_start3A_13] : memref<32x80x128xi32, #tpu.memory_space<hbm>> -> memref<1x80x128xi32, #tpu.memory_space<hbm>>
      %dma_start3A_15 = tpu.memref_squeeze %dma_start3A_14 : memref<1x80x128xi32, #tpu.memory_space<hbm>> -> memref<80x128xi32, #tpu.memory_space<hbm>>
      tpu.enqueue_dma source(%dma_start3A_15 : memref<80x128xi32, #tpu.memory_space<hbm>>) target(%arg16 : memref<80x128xi32, #tpu.memory_space<vmem>>) target_semaphore(%run_scoped3A : memref<!tpu.dma_semaphore, #tpu.memory_space<semaphore_mem>>)
      %dma_wait3A = arith.constant 0 : i32
      %dma_wait3A_16 = arith.constant 0 : i32
      %dma_wait3A_17 = tpu.memref_slice %arg3[%add3A, %dma_wait3A, %dma_wait3A_16] : memref<32x80x128xi32, #tpu.memory_space<hbm>> -> memref<1x80x128xi32, #tpu.memory_space<hbm>>
      %dma_wait3A_18 = tpu.memref_squeeze %dma_wait3A_17 : memref<1x80x128xi32, #tpu.memory_space<hbm>> -> memref<80x128xi32, #tpu.memory_space<hbm>>
      %dma_wait3A_19 = arith.constant 0 : i32
      %dma_wait3A_20 = arith.constant 0 : i32
      %dma_wait3A_21 = tpu.memref_slice %arg3[%add3A, %dma_wait3A_19, %dma_wait3A_20] : memref<32x80x128xi32, #tpu.memory_space<hbm>> -> memref<1x80x128xi32, #tpu.memory_space<hbm>>
      %dma_wait3A_22 = tpu.memref_squeeze %dma_wait3A_21 : memref<1x80x128xi32, #tpu.memory_space<hbm>> -> memref<80x128xi32, #tpu.memory_space<hbm>>
      tpu.wait_dma2 semaphore(%run_scoped3A : memref<!tpu.dma_semaphore, #tpu.memory_space<semaphore_mem>>) src(%dma_wait3A_22 : memref<80x128xi32, #tpu.memory_space<hbm>>) dst(%arg16 : memref<80x128xi32, #tpu.memory_space<vmem>>)
      tpu.yield
    }) : () -> ()
    "tpu.region"() ({
      %run_scoped3A = tpu.sem_alloc : memref<!tpu.dma_semaphore, #tpu.memory_space<semaphore_mem>>
      %dma_start3A = arith.constant 0 : i32
      %dma_start3A_9 = arith.constant 0 : i32
      %dma_start3A_10 = tpu.memref_slice %arg4[%add3A, %dma_start3A, %dma_start3A_9] : memref<32x80x128xi32, #tpu.memory_space<hbm>> -> memref<1x80x128xi32, #tpu.memory_space<hbm>>
      %dma_start3A_11 = tpu.memref_squeeze %dma_start3A_10 : memref<1x80x128xi32, #tpu.memory_space<hbm>> -> memref<80x128xi32, #tpu.memory_space<hbm>>
      %dma_start3A_12 = arith.constant 0 : i32
      %dma_start3A_13 = arith.constant 0 : i32
      %dma_start3A_14 = tpu.memref_slice %arg4[%add3A, %dma_start3A_12, %dma_start3A_13] : memref<32x80x128xi32, #tpu.memory_space<hbm>> -> memref<1x80x128xi32, #tpu.memory_space<hbm>>
      %dma_start3A_15 = tpu.memref_squeeze %dma_start3A_14 : memref<1x80x128xi32, #tpu.memory_space<hbm>> -> memref<80x128xi32, #tpu.memory_space<hbm>>
      tpu.enqueue_dma source(%dma_start3A_15 : memref<80x128xi32, #tpu.memory_space<hbm>>) target(%arg17 : memref<80x128xi32, #tpu.memory_space<vmem>>) target_semaphore(%run_scoped3A : memref<!tpu.dma_semaphore, #tpu.memory_space<semaphore_mem>>)
      %dma_wait3A = arith.constant 0 : i32
      %dma_wait3A_16 = arith.constant 0 : i32
      %dma_wait3A_17 = tpu.memref_slice %arg4[%add3A, %dma_wait3A, %dma_wait3A_16] : memref<32x80x128xi32, #tpu.memory_space<hbm>> -> memref<1x80x128xi32, #tpu.memory_space<hbm>>
      %dma_wait3A_18 = tpu.memref_squeeze %dma_wait3A_17 : memref<1x80x128xi32, #tpu.memory_space<hbm>> -> memref<80x128xi32, #tpu.memory_space<hbm>>
      %dma_wait3A_19 = arith.constant 0 : i32
      %dma_wait3A_20 = arith.constant 0 : i32
      %dma_wait3A_21 = tpu.memref_slice %arg4[%add3A, %dma_wait3A_19, %dma_wait3A_20] : memref<32x80x128xi32, #tpu.memory_space<hbm>> -> memref<1x80x128xi32, #tpu.memory_space<hbm>>
      %dma_wait3A_22 = tpu.memref_squeeze %dma_wait3A_21 : memref<1x80x128xi32, #tpu.memory_space<hbm>> -> memref<80x128xi32, #tpu.memory_space<hbm>>
      tpu.wait_dma2 semaphore(%run_scoped3A : memref<!tpu.dma_semaphore, #tpu.memory_space<semaphore_mem>>) src(%dma_wait3A_22 : memref<80x128xi32, #tpu.memory_space<hbm>>) dst(%arg17 : memref<80x128xi32, #tpu.memory_space<vmem>>)
      tpu.yield
    }) : () -> ()
    %scan3A = arith.constant 0 : i32
    %scan3A_3 = arith.constant 0 : i32
    %scan3A_4 = arith.constant 10 : i32
    %scan3A_5 = arith.addi %scan3A_3, %scan3A_4 : i32
    %scan3A_6 = arith.constant 1 : i32
    scf.for %scan3A_9 = %scan3A_3 to %scan3A_5 step %scan3A_6  : i32 {
      %mul3A_10 = arith.constant 2 : i32
      %mul3A_11 = arith.muli %scan3A_9, %mul3A_10 : i32
      %mul3A_12 = arith.constant 4 : i32
      %mul3A_13 = arith.muli %mul3A_11, %mul3A_12 : i32
      %add3A_14 = arith.constant 0 : i32
      %add3A_15 = arith.addi %mul3A_13, %add3A_14 : i32
      %dma_start3A = arith.constant 0 : i32
      %dma_start3A_16 = tpu.memref_slice %arg16[%add3A_15, %dma_start3A] : memref<80x128xi32, #tpu.memory_space<vmem>> -> memref<1x128xi32, #tpu.memory_space<vmem>>
      %dma_start3A_17 = tpu.memref_squeeze %dma_start3A_16 : memref<1x128xi32, #tpu.memory_space<vmem>> -> memref<128xi32, #tpu.memory_space<vmem>>
      %dma_start3A_18 = arith.constant 0 : i32
      %dma_start3A_19 = arith.constant 0 : i32
      %dma_start3A_20 = tpu.memref_slice %arg2[%dma_start3A_18, %dma_start3A_19] : memref<10112x32xf32, #tpu.memory_space<hbm>> -> memref<10112x32xf32, #tpu.memory_space<hbm>>
      tpu.enqueue_indirect_dma source(%dma_start3A_20 : memref<10112x32xf32, #tpu.memory_space<hbm>>) target(%arg8 : memref<128x32xf32, #tpu.memory_space<vmem>>) offsets(%dma_start3A_17 : memref<128xi32, #tpu.memory_space<vmem>>) semaphore(%arg18 : memref<!tpu.dma_semaphore, #tpu.memory_space<semaphore_mem>>)
      %add3A_21 = arith.constant 1 : i32
      %add3A_22 = arith.addi %mul3A_13, %add3A_21 : i32
      %dma_start3A_23 = arith.constant 0 : i32
      %dma_start3A_24 = tpu.memref_slice %arg16[%add3A_22, %dma_start3A_23] : memref<80x128xi32, #tpu.memory_space<vmem>> -> memref<1x128xi32, #tpu.memory_space<vmem>>
      %dma_start3A_25 = tpu.memref_squeeze %dma_start3A_24 : memref<1x128xi32, #tpu.memory_space<vmem>> -> memref<128xi32, #tpu.memory_space<vmem>>
      %dma_start3A_26 = arith.constant 0 : i32
      %dma_start3A_27 = arith.constant 0 : i32
      %dma_start3A_28 = tpu.memref_slice %arg2[%dma_start3A_26, %dma_start3A_27] : memref<10112x32xf32, #tpu.memory_space<hbm>> -> memref<10112x32xf32, #tpu.memory_space<hbm>>
      tpu.enqueue_indirect_dma source(%dma_start3A_28 : memref<10112x32xf32, #tpu.memory_space<hbm>>) target(%arg9 : memref<128x32xf32, #tpu.memory_space<vmem>>) offsets(%dma_start3A_25 : memref<128xi32, #tpu.memory_space<vmem>>) semaphore(%arg18 : memref<!tpu.dma_semaphore, #tpu.memory_space<semaphore_mem>>)
      %add3A_29 = arith.constant 2 : i32
      %add3A_30 = arith.addi %mul3A_13, %add3A_29 : i32
      %dma_start3A_31 = arith.constant 0 : i32
      %dma_start3A_32 = tpu.memref_slice %arg16[%add3A_30, %dma_start3A_31] : memref<80x128xi32, #tpu.memory_space<vmem>> -> memref<1x128xi32, #tpu.memory_space<vmem>>
      %dma_start3A_33 = tpu.memref_squeeze %dma_start3A_32 : memref<1x128xi32, #tpu.memory_space<vmem>> -> memref<128xi32, #tpu.memory_space<vmem>>
      %dma_start3A_34 = arith.constant 0 : i32
      %dma_start3A_35 = arith.constant 0 : i32
      %dma_start3A_36 = tpu.memref_slice %arg2[%dma_start3A_34, %dma_start3A_35] : memref<10112x32xf32, #tpu.memory_space<hbm>> -> memref<10112x32xf32, #tpu.memory_space<hbm>>
      tpu.enqueue_indirect_dma source(%dma_start3A_36 : memref<10112x32xf32, #tpu.memory_space<hbm>>) target(%arg10 : memref<128x32xf32, #tpu.memory_space<vmem>>) offsets(%dma_start3A_33 : memref<128xi32, #tpu.memory_space<vmem>>) semaphore(%arg18 : memref<!tpu.dma_semaphore, #tpu.memory_space<semaphore_mem>>)
      %add3A_37 = arith.constant 3 : i32
      %add3A_38 = arith.addi %mul3A_13, %add3A_37 : i32
      %dma_start3A_39 = arith.constant 0 : i32
      %dma_start3A_40 = tpu.memref_slice %arg16[%add3A_38, %dma_start3A_39] : memref<80x128xi32, #tpu.memory_space<vmem>> -> memref<1x128xi32, #tpu.memory_space<vmem>>
      %dma_start3A_41 = tpu.memref_squeeze %dma_start3A_40 : memref<1x128xi32, #tpu.memory_space<vmem>> -> memref<128xi32, #tpu.memory_space<vmem>>
      %dma_start3A_42 = arith.constant 0 : i32
      %dma_start3A_43 = arith.constant 0 : i32
      %dma_start3A_44 = tpu.memref_slice %arg2[%dma_start3A_42, %dma_start3A_43] : memref<10112x32xf32, #tpu.memory_space<hbm>> -> memref<10112x32xf32, #tpu.memory_space<hbm>>
      tpu.enqueue_indirect_dma source(%dma_start3A_44 : memref<10112x32xf32, #tpu.memory_space<hbm>>) target(%arg11 : memref<128x32xf32, #tpu.memory_space<vmem>>) offsets(%dma_start3A_41 : memref<128xi32, #tpu.memory_space<vmem>>) semaphore(%arg18 : memref<!tpu.dma_semaphore, #tpu.memory_space<semaphore_mem>>)
      %dma_wait3A = arith.constant 0 : i32
      %dma_wait3A_45 = tpu.memref_slice %arg16[%add3A_15, %dma_wait3A] : memref<80x128xi32, #tpu.memory_space<vmem>> -> memref<1x128xi32, #tpu.memory_space<vmem>>
      %dma_wait3A_46 = tpu.memref_squeeze %dma_wait3A_45 : memref<1x128xi32, #tpu.memory_space<vmem>> -> memref<128xi32, #tpu.memory_space<vmem>>
      %dma_wait3A_47 = arith.constant 0 : i32
      %dma_wait3A_48 = arith.constant 0 : i32
      %dma_wait3A_49 = tpu.memref_slice %arg2[%dma_wait3A_47, %dma_wait3A_48] : memref<10112x32xf32, #tpu.memory_space<hbm>> -> memref<10112x32xf32, #tpu.memory_space<hbm>>
      tpu.wait_indirect_dma semaphore(%arg18 : memref<!tpu.dma_semaphore, #tpu.memory_space<semaphore_mem>>) src(%dma_wait3A_49 : memref<10112x32xf32, #tpu.memory_space<hbm>>) dst(%arg8 : memref<128x32xf32, #tpu.memory_space<vmem>>)
      %dma_wait3A_50 = arith.constant 0 : i32
      %dma_wait3A_51 = tpu.memref_slice %arg16[%add3A_22, %dma_wait3A_50] : memref<80x128xi32, #tpu.memory_space<vmem>> -> memref<1x128xi32, #tpu.memory_space<vmem>>
      %dma_wait3A_52 = tpu.memref_squeeze %dma_wait3A_51 : memref<1x128xi32, #tpu.memory_space<vmem>> -> memref<128xi32, #tpu.memory_space<vmem>>
      %dma_wait3A_53 = arith.constant 0 : i32
      %dma_wait3A_54 = arith.constant 0 : i32
      %dma_wait3A_55 = tpu.memref_slice %arg2[%dma_wait3A_53, %dma_wait3A_54] : memref<10112x32xf32, #tpu.memory_space<hbm>> -> memref<10112x32xf32, #tpu.memory_space<hbm>>
      tpu.wait_indirect_dma semaphore(%arg18 : memref<!tpu.dma_semaphore, #tpu.memory_space<semaphore_mem>>) src(%dma_wait3A_55 : memref<10112x32xf32, #tpu.memory_space<hbm>>) dst(%arg9 : memref<128x32xf32, #tpu.memory_space<vmem>>)
      %dma_wait3A_56 = arith.constant 0 : i32
      %dma_wait3A_57 = tpu.memref_slice %arg16[%add3A_30, %dma_wait3A_56] : memref<80x128xi32, #tpu.memory_space<vmem>> -> memref<1x128xi32, #tpu.memory_space<vmem>>
      %dma_wait3A_58 = tpu.memref_squeeze %dma_wait3A_57 : memref<1x128xi32, #tpu.memory_space<vmem>> -> memref<128xi32, #tpu.memory_space<vmem>>
      %dma_wait3A_59 = arith.constant 0 : i32
      %dma_wait3A_60 = arith.constant 0 : i32
      %dma_wait3A_61 = tpu.memref_slice %arg2[%dma_wait3A_59, %dma_wait3A_60] : memref<10112x32xf32, #tpu.memory_space<hbm>> -> memref<10112x32xf32, #tpu.memory_space<hbm>>
      tpu.wait_indirect_dma semaphore(%arg18 : memref<!tpu.dma_semaphore, #tpu.memory_space<semaphore_mem>>) src(%dma_wait3A_61 : memref<10112x32xf32, #tpu.memory_space<hbm>>) dst(%arg10 : memref<128x32xf32, #tpu.memory_space<vmem>>)
      %dma_wait3A_62 = arith.constant 0 : i32
      %dma_wait3A_63 = tpu.memref_slice %arg16[%add3A_38, %dma_wait3A_62] : memref<80x128xi32, #tpu.memory_space<vmem>> -> memref<1x128xi32, #tpu.memory_space<vmem>>
      %dma_wait3A_64 = tpu.memref_squeeze %dma_wait3A_63 : memref<1x128xi32, #tpu.memory_space<vmem>> -> memref<128xi32, #tpu.memory_space<vmem>>
      %dma_wait3A_65 = arith.constant 0 : i32
      %dma_wait3A_66 = arith.constant 0 : i32
      %dma_wait3A_67 = tpu.memref_slice %arg2[%dma_wait3A_65, %dma_wait3A_66] : memref<10112x32xf32, #tpu.memory_space<hbm>> -> memref<10112x32xf32, #tpu.memory_space<hbm>>
      tpu.wait_indirect_dma semaphore(%arg18 : memref<!tpu.dma_semaphore, #tpu.memory_space<semaphore_mem>>) src(%dma_wait3A_67 : memref<10112x32xf32, #tpu.memory_space<hbm>>) dst(%arg11 : memref<128x32xf32, #tpu.memory_space<vmem>>)
      %add3A_68 = arith.constant 0 : i32
      %add3A_69 = arith.addi %mul3A_13, %add3A_68 : i32
      %dma_start3A_70 = arith.constant 0 : i32
      %dma_start3A_71 = tpu.memref_slice %arg17[%add3A_69, %dma_start3A_70] : memref<80x128xi32, #tpu.memory_space<vmem>> -> memref<1x128xi32, #tpu.memory_space<vmem>>
      %dma_start3A_72 = tpu.memref_squeeze %dma_start3A_71 : memref<1x128xi32, #tpu.memory_space<vmem>> -> memref<128xi32, #tpu.memory_space<vmem>>
      %dma_start3A_73 = arith.constant 0 : i32
      %dma_start3A_74 = arith.constant 0 : i32
      %dma_start3A_75 = tpu.memref_slice %arg7[%dma_start3A_73, %dma_start3A_74] : memref<10112x32xf32, #tpu.memory_space<vmem_shared>> -> memref<10112x32xf32, #tpu.memory_space<vmem_shared>>
      tpu.enqueue_indirect_dma source(%arg8 : memref<128x32xf32, #tpu.memory_space<vmem>>) target(%dma_start3A_75 : memref<10112x32xf32, #tpu.memory_space<vmem_shared>>) offsets(%dma_start3A_72 : memref<128xi32, #tpu.memory_space<vmem>>) semaphore(%arg19 : memref<!tpu.dma_semaphore, #tpu.memory_space<semaphore_mem>>) {add = true}
      %add3A_76 = arith.constant 1 : i32
      %add3A_77 = arith.addi %mul3A_13, %add3A_76 : i32
      %dma_start3A_78 = arith.constant 0 : i32
      %dma_start3A_79 = tpu.memref_slice %arg17[%add3A_77, %dma_start3A_78] : memref<80x128xi32, #tpu.memory_space<vmem>> -> memref<1x128xi32, #tpu.memory_space<vmem>>
      %dma_start3A_80 = tpu.memref_squeeze %dma_start3A_79 : memref<1x128xi32, #tpu.memory_space<vmem>> -> memref<128xi32, #tpu.memory_space<vmem>>
      %dma_start3A_81 = arith.constant 0 : i32
      %dma_start3A_82 = arith.constant 0 : i32
      %dma_start3A_83 = tpu.memref_slice %arg7[%dma_start3A_81, %dma_start3A_82] : memref<10112x32xf32, #tpu.memory_space<vmem_shared>> -> memref<10112x32xf32, #tpu.memory_space<vmem_shared>>
      tpu.enqueue_indirect_dma source(%arg9 : memref<128x32xf32, #tpu.memory_space<vmem>>) target(%dma_start3A_83 : memref<10112x32xf32, #tpu.memory_space<vmem_shared>>) offsets(%dma_start3A_80 : memref<128xi32, #tpu.memory_space<vmem>>) semaphore(%arg19 : memref<!tpu.dma_semaphore, #tpu.memory_space<semaphore_mem>>) {add = true}
      %add3A_84 = arith.constant 2 : i32
      %add3A_85 = arith.addi %mul3A_13, %add3A_84 : i32
      %dma_start3A_86 = arith.constant 0 : i32
      %dma_start3A_87 = tpu.memref_slice %arg17[%add3A_85, %dma_start3A_86] : memref<80x128xi32, #tpu.memory_space<vmem>> -> memref<1x128xi32, #tpu.memory_space<vmem>>
      %dma_start3A_88 = tpu.memref_squeeze %dma_start3A_87 : memref<1x128xi32, #tpu.memory_space<vmem>> -> memref<128xi32, #tpu.memory_space<vmem>>
      %dma_start3A_89 = arith.constant 0 : i32
      %dma_start3A_90 = arith.constant 0 : i32
      %dma_start3A_91 = tpu.memref_slice %arg7[%dma_start3A_89, %dma_start3A_90] : memref<10112x32xf32, #tpu.memory_space<vmem_shared>> -> memref<10112x32xf32, #tpu.memory_space<vmem_shared>>
      tpu.enqueue_indirect_dma source(%arg10 : memref<128x32xf32, #tpu.memory_space<vmem>>) target(%dma_start3A_91 : memref<10112x32xf32, #tpu.memory_space<vmem_shared>>) offsets(%dma_start3A_88 : memref<128xi32, #tpu.memory_space<vmem>>) semaphore(%arg19 : memref<!tpu.dma_semaphore, #tpu.memory_space<semaphore_mem>>) {add = true}
      %add3A_92 = arith.constant 3 : i32
      %add3A_93 = arith.addi %mul3A_13, %add3A_92 : i32
      %dma_start3A_94 = arith.constant 0 : i32
      %dma_start3A_95 = tpu.memref_slice %arg17[%add3A_93, %dma_start3A_94] : memref<80x128xi32, #tpu.memory_space<vmem>> -> memref<1x128xi32, #tpu.memory_space<vmem>>
      %dma_start3A_96 = tpu.memref_squeeze %dma_start3A_95 : memref<1x128xi32, #tpu.memory_space<vmem>> -> memref<128xi32, #tpu.memory_space<vmem>>
      %dma_start3A_97 = arith.constant 0 : i32
      %dma_start3A_98 = arith.constant 0 : i32
      %dma_start3A_99 = tpu.memref_slice %arg7[%dma_start3A_97, %dma_start3A_98] : memref<10112x32xf32, #tpu.memory_space<vmem_shared>> -> memref<10112x32xf32, #tpu.memory_space<vmem_shared>>
      tpu.enqueue_indirect_dma source(%arg11 : memref<128x32xf32, #tpu.memory_space<vmem>>) target(%dma_start3A_99 : memref<10112x32xf32, #tpu.memory_space<vmem_shared>>) offsets(%dma_start3A_96 : memref<128xi32, #tpu.memory_space<vmem>>) semaphore(%arg19 : memref<!tpu.dma_semaphore, #tpu.memory_space<semaphore_mem>>) {add = true}
      %add3A_100 = arith.constant 4 : i32
      %add3A_101 = arith.addi %mul3A_13, %add3A_100 : i32
      %add3A_102 = arith.constant 0 : i32
      %add3A_103 = arith.addi %add3A_101, %add3A_102 : i32
      %dma_start3A_104 = arith.constant 0 : i32
      %dma_start3A_105 = tpu.memref_slice %arg16[%add3A_103, %dma_start3A_104] : memref<80x128xi32, #tpu.memory_space<vmem>> -> memref<1x128xi32, #tpu.memory_space<vmem>>
      %dma_start3A_106 = tpu.memref_squeeze %dma_start3A_105 : memref<1x128xi32, #tpu.memory_space<vmem>> -> memref<128xi32, #tpu.memory_space<vmem>>
      %dma_start3A_107 = arith.constant 0 : i32
      %dma_start3A_108 = arith.constant 0 : i32
      %dma_start3A_109 = tpu.memref_slice %arg2[%dma_start3A_107, %dma_start3A_108] : memref<10112x32xf32, #tpu.memory_space<hbm>> -> memref<10112x32xf32, #tpu.memory_space<hbm>>
      tpu.enqueue_indirect_dma source(%dma_start3A_109 : memref<10112x32xf32, #tpu.memory_space<hbm>>) target(%arg12 : memref<128x32xf32, #tpu.memory_space<vmem>>) offsets(%dma_start3A_106 : memref<128xi32, #tpu.memory_space<vmem>>) semaphore(%arg18 : memref<!tpu.dma_semaphore, #tpu.memory_space<semaphore_mem>>)
      %add3A_110 = arith.constant 4 : i32
      %add3A_111 = arith.addi %mul3A_13, %add3A_110 : i32
      %add3A_112 = arith.constant 1 : i32
      %add3A_113 = arith.addi %add3A_111, %add3A_112 : i32
      %dma_start3A_114 = arith.constant 0 : i32
      %dma_start3A_115 = tpu.memref_slice %arg16[%add3A_113, %dma_start3A_114] : memref<80x128xi32, #tpu.memory_space<vmem>> -> memref<1x128xi32, #tpu.memory_space<vmem>>
      %dma_start3A_116 = tpu.memref_squeeze %dma_start3A_115 : memref<1x128xi32, #tpu.memory_space<vmem>> -> memref<128xi32, #tpu.memory_space<vmem>>
      %dma_start3A_117 = arith.constant 0 : i32
      %dma_start3A_118 = arith.constant 0 : i32
      %dma_start3A_119 = tpu.memref_slice %arg2[%dma_start3A_117, %dma_start3A_118] : memref<10112x32xf32, #tpu.memory_space<hbm>> -> memref<10112x32xf32, #tpu.memory_space<hbm>>
      tpu.enqueue_indirect_dma source(%dma_start3A_119 : memref<10112x32xf32, #tpu.memory_space<hbm>>) target(%arg13 : memref<128x32xf32, #tpu.memory_space<vmem>>) offsets(%dma_start3A_116 : memref<128xi32, #tpu.memory_space<vmem>>) semaphore(%arg18 : memref<!tpu.dma_semaphore, #tpu.memory_space<semaphore_mem>>)
      %add3A_120 = arith.constant 4 : i32
      %add3A_121 = arith.addi %mul3A_13, %add3A_120 : i32
      %add3A_122 = arith.constant 2 : i32
      %add3A_123 = arith.addi %add3A_121, %add3A_122 : i32
      %dma_start3A_124 = arith.constant 0 : i32
      %dma_start3A_125 = tpu.memref_slice %arg16[%add3A_123, %dma_start3A_124] : memref<80x128xi32, #tpu.memory_space<vmem>> -> memref<1x128xi32, #tpu.memory_space<vmem>>
      %dma_start3A_126 = tpu.memref_squeeze %dma_start3A_125 : memref<1x128xi32, #tpu.memory_space<vmem>> -> memref<128xi32, #tpu.memory_space<vmem>>
      %dma_start3A_127 = arith.constant 0 : i32
      %dma_start3A_128 = arith.constant 0 : i32
      %dma_start3A_129 = tpu.memref_slice %arg2[%dma_start3A_127, %dma_start3A_128] : memref<10112x32xf32, #tpu.memory_space<hbm>> -> memref<10112x32xf32, #tpu.memory_space<hbm>>
      tpu.enqueue_indirect_dma source(%dma_start3A_129 : memref<10112x32xf32, #tpu.memory_space<hbm>>) target(%arg14 : memref<128x32xf32, #tpu.memory_space<vmem>>) offsets(%dma_start3A_126 : memref<128xi32, #tpu.memory_space<vmem>>) semaphore(%arg18 : memref<!tpu.dma_semaphore, #tpu.memory_space<semaphore_mem>>)
      %add3A_130 = arith.constant 4 : i32
      %add3A_131 = arith.addi %mul3A_13, %add3A_130 : i32
      %add3A_132 = arith.constant 3 : i32
      %add3A_133 = arith.addi %add3A_131, %add3A_132 : i32
      %dma_start3A_134 = arith.constant 0 : i32
      %dma_start3A_135 = tpu.memref_slice %arg16[%add3A_133, %dma_start3A_134] : memref<80x128xi32, #tpu.memory_space<vmem>> -> memref<1x128xi32, #tpu.memory_space<vmem>>
      %dma_start3A_136 = tpu.memref_squeeze %dma_start3A_135 : memref<1x128xi32, #tpu.memory_space<vmem>> -> memref<128xi32, #tpu.memory_space<vmem>>
      %dma_start3A_137 = arith.constant 0 : i32
      %dma_start3A_138 = arith.constant 0 : i32
      %dma_start3A_139 = tpu.memref_slice %arg2[%dma_start3A_137, %dma_start3A_138] : memref<10112x32xf32, #tpu.memory_space<hbm>> -> memref<10112x32xf32, #tpu.memory_space<hbm>>
      tpu.enqueue_indirect_dma source(%dma_start3A_139 : memref<10112x32xf32, #tpu.memory_space<hbm>>) target(%arg15 : memref<128x32xf32, #tpu.memory_space<vmem>>) offsets(%dma_start3A_136 : memref<128xi32, #tpu.memory_space<vmem>>) semaphore(%arg18 : memref<!tpu.dma_semaphore, #tpu.memory_space<semaphore_mem>>)
      %dma_wait3A_140 = arith.constant 0 : i32
      %dma_wait3A_141 = tpu.memref_slice %arg16[%add3A_103, %dma_wait3A_140] : memref<80x128xi32, #tpu.memory_space<vmem>> -> memref<1x128xi32, #tpu.memory_space<vmem>>
      %dma_wait3A_142 = tpu.memref_squeeze %dma_wait3A_141 : memref<1x128xi32, #tpu.memory_space<vmem>> -> memref<128xi32, #tpu.memory_space<vmem>>
      %dma_wait3A_143 = arith.constant 0 : i32
      %dma_wait3A_144 = arith.constant 0 : i32
      %dma_wait3A_145 = tpu.memref_slice %arg2[%dma_wait3A_143, %dma_wait3A_144] : memref<10112x32xf32, #tpu.memory_space<hbm>> -> memref<10112x32xf32, #tpu.memory_space<hbm>>
      tpu.wait_indirect_dma semaphore(%arg18 : memref<!tpu.dma_semaphore, #tpu.memory_space<semaphore_mem>>) src(%dma_wait3A_145 : memref<10112x32xf32, #tpu.memory_space<hbm>>) dst(%arg12 : memref<128x32xf32, #tpu.memory_space<vmem>>)
      %dma_wait3A_146 = arith.constant 0 : i32
      %dma_wait3A_147 = tpu.memref_slice %arg16[%add3A_113, %dma_wait3A_146] : memref<80x128xi32, #tpu.memory_space<vmem>> -> memref<1x128xi32, #tpu.memory_space<vmem>>
      %dma_wait3A_148 = tpu.memref_squeeze %dma_wait3A_147 : memref<1x128xi32, #tpu.memory_space<vmem>> -> memref<128xi32, #tpu.memory_space<vmem>>
      %dma_wait3A_149 = arith.constant 0 : i32
      %dma_wait3A_150 = arith.constant 0 : i32
      %dma_wait3A_151 = tpu.memref_slice %arg2[%dma_wait3A_149, %dma_wait3A_150] : memref<10112x32xf32, #tpu.memory_space<hbm>> -> memref<10112x32xf32, #tpu.memory_space<hbm>>
      tpu.wait_indirect_dma semaphore(%arg18 : memref<!tpu.dma_semaphore, #tpu.memory_space<semaphore_mem>>) src(%dma_wait3A_151 : memref<10112x32xf32, #tpu.memory_space<hbm>>) dst(%arg13 : memref<128x32xf32, #tpu.memory_space<vmem>>)
      %dma_wait3A_152 = arith.constant 0 : i32
      %dma_wait3A_153 = tpu.memref_slice %arg16[%add3A_123, %dma_wait3A_152] : memref<80x128xi32, #tpu.memory_space<vmem>> -> memref<1x128xi32, #tpu.memory_space<vmem>>
      %dma_wait3A_154 = tpu.memref_squeeze %dma_wait3A_153 : memref<1x128xi32, #tpu.memory_space<vmem>> -> memref<128xi32, #tpu.memory_space<vmem>>
      %dma_wait3A_155 = arith.constant 0 : i32
      %dma_wait3A_156 = arith.constant 0 : i32
      %dma_wait3A_157 = tpu.memref_slice %arg2[%dma_wait3A_155, %dma_wait3A_156] : memref<10112x32xf32, #tpu.memory_space<hbm>> -> memref<10112x32xf32, #tpu.memory_space<hbm>>
      tpu.wait_indirect_dma semaphore(%arg18 : memref<!tpu.dma_semaphore, #tpu.memory_space<semaphore_mem>>) src(%dma_wait3A_157 : memref<10112x32xf32, #tpu.memory_space<hbm>>) dst(%arg14 : memref<128x32xf32, #tpu.memory_space<vmem>>)
      %dma_wait3A_158 = arith.constant 0 : i32
      %dma_wait3A_159 = tpu.memref_slice %arg16[%add3A_133, %dma_wait3A_158] : memref<80x128xi32, #tpu.memory_space<vmem>> -> memref<1x128xi32, #tpu.memory_space<vmem>>
      %dma_wait3A_160 = tpu.memref_squeeze %dma_wait3A_159 : memref<1x128xi32, #tpu.memory_space<vmem>> -> memref<128xi32, #tpu.memory_space<vmem>>
      %dma_wait3A_161 = arith.constant 0 : i32
      %dma_wait3A_162 = arith.constant 0 : i32
      %dma_wait3A_163 = tpu.memref_slice %arg2[%dma_wait3A_161, %dma_wait3A_162] : memref<10112x32xf32, #tpu.memory_space<hbm>> -> memref<10112x32xf32, #tpu.memory_space<hbm>>
      tpu.wait_indirect_dma semaphore(%arg18 : memref<!tpu.dma_semaphore, #tpu.memory_space<semaphore_mem>>) src(%dma_wait3A_163 : memref<10112x32xf32, #tpu.memory_space<hbm>>) dst(%arg15 : memref<128x32xf32, #tpu.memory_space<vmem>>)
      %add3A_164 = arith.constant 4 : i32
      %add3A_165 = arith.addi %mul3A_13, %add3A_164 : i32
      %add3A_166 = arith.constant 0 : i32
      %add3A_167 = arith.addi %add3A_165, %add3A_166 : i32
      %dma_start3A_168 = arith.constant 0 : i32
      %dma_start3A_169 = tpu.memref_slice %arg17[%add3A_167, %dma_start3A_168] : memref<80x128xi32, #tpu.memory_space<vmem>> -> memref<1x128xi32, #tpu.memory_space<vmem>>
      %dma_start3A_170 = tpu.memref_squeeze %dma_start3A_169 : memref<1x128xi32, #tpu.memory_space<vmem>> -> memref<128xi32, #tpu.memory_space<vmem>>
      %dma_start3A_171 = arith.constant 0 : i32
      %dma_start3A_172 = arith.constant 0 : i32
      %dma_start3A_173 = tpu.memref_slice %arg7[%dma_start3A_171, %dma_start3A_172] : memref<10112x32xf32, #tpu.memory_space<vmem_shared>> -> memref<10112x32xf32, #tpu.memory_space<vmem_shared>>
      tpu.enqueue_indirect_dma source(%arg12 : memref<128x32xf32, #tpu.memory_space<vmem>>) target(%dma_start3A_173 : memref<10112x32xf32, #tpu.memory_space<vmem_shared>>) offsets(%dma_start3A_170 : memref<128xi32, #tpu.memory_space<vmem>>) semaphore(%arg19 : memref<!tpu.dma_semaphore, #tpu.memory_space<semaphore_mem>>) {add = true}
      %add3A_174 = arith.constant 4 : i32
      %add3A_175 = arith.addi %mul3A_13, %add3A_174 : i32
      %add3A_176 = arith.constant 1 : i32
      %add3A_177 = arith.addi %add3A_175, %add3A_176 : i32
      %dma_start3A_178 = arith.constant 0 : i32
      %dma_start3A_179 = tpu.memref_slice %arg17[%add3A_177, %dma_start3A_178] : memref<80x128xi32, #tpu.memory_space<vmem>> -> memref<1x128xi32, #tpu.memory_space<vmem>>
      %dma_start3A_180 = tpu.memref_squeeze %dma_start3A_179 : memref<1x128xi32, #tpu.memory_space<vmem>> -> memref<128xi32, #tpu.memory_space<vmem>>
      %dma_start3A_181 = arith.constant 0 : i32
      %dma_start3A_182 = arith.constant 0 : i32
      %dma_start3A_183 = tpu.memref_slice %arg7[%dma_start3A_181, %dma_start3A_182] : memref<10112x32xf32, #tpu.memory_space<vmem_shared>> -> memref<10112x32xf32, #tpu.memory_space<vmem_shared>>
      tpu.enqueue_indirect_dma source(%arg13 : memref<128x32xf32, #tpu.memory_space<vmem>>) target(%dma_start3A_183 : memref<10112x32xf32, #tpu.memory_space<vmem_shared>>) offsets(%dma_start3A_180 : memref<128xi32, #tpu.memory_space<vmem>>) semaphore(%arg19 : memref<!tpu.dma_semaphore, #tpu.memory_space<semaphore_mem>>) {add = true}
      %add3A_184 = arith.constant 4 : i32
      %add3A_185 = arith.addi %mul3A_13, %add3A_184 : i32
      %add3A_186 = arith.constant 2 : i32
      %add3A_187 = arith.addi %add3A_185, %add3A_186 : i32
      %dma_start3A_188 = arith.constant 0 : i32
      %dma_start3A_189 = tpu.memref_slice %arg17[%add3A_187, %dma_start3A_188] : memref<80x128xi32, #tpu.memory_space<vmem>> -> memref<1x128xi32, #tpu.memory_space<vmem>>
      %dma_start3A_190 = tpu.memref_squeeze %dma_start3A_189 : memref<1x128xi32, #tpu.memory_space<vmem>> -> memref<128xi32, #tpu.memory_space<vmem>>
      %dma_start3A_191 = arith.constant 0 : i32
      %dma_start3A_192 = arith.constant 0 : i32
      %dma_start3A_193 = tpu.memref_slice %arg7[%dma_start3A_191, %dma_start3A_192] : memref<10112x32xf32, #tpu.memory_space<vmem_shared>> -> memref<10112x32xf32, #tpu.memory_space<vmem_shared>>
      tpu.enqueue_indirect_dma source(%arg14 : memref<128x32xf32, #tpu.memory_space<vmem>>) target(%dma_start3A_193 : memref<10112x32xf32, #tpu.memory_space<vmem_shared>>) offsets(%dma_start3A_190 : memref<128xi32, #tpu.memory_space<vmem>>) semaphore(%arg19 : memref<!tpu.dma_semaphore, #tpu.memory_space<semaphore_mem>>) {add = true}
      %add3A_194 = arith.constant 4 : i32
      %add3A_195 = arith.addi %mul3A_13, %add3A_194 : i32
      %add3A_196 = arith.constant 3 : i32
      %add3A_197 = arith.addi %add3A_195, %add3A_196 : i32
      %dma_start3A_198 = arith.constant 0 : i32
      %dma_start3A_199 = tpu.memref_slice %arg17[%add3A_197, %dma_start3A_198] : memref<80x128xi32, #tpu.memory_space<vmem>> -> memref<1x128xi32, #tpu.memory_space<vmem>>
      %dma_start3A_200 = tpu.memref_squeeze %dma_start3A_199 : memref<1x128xi32, #tpu.memory_space<vmem>> -> memref<128xi32, #tpu.memory_space<vmem>>
      %dma_start3A_201 = arith.constant 0 : i32
      %dma_start3A_202 = arith.constant 0 : i32
      %dma_start3A_203 = tpu.memref_slice %arg7[%dma_start3A_201, %dma_start3A_202] : memref<10112x32xf32, #tpu.memory_space<vmem_shared>> -> memref<10112x32xf32, #tpu.memory_space<vmem_shared>>
      tpu.enqueue_indirect_dma source(%arg15 : memref<128x32xf32, #tpu.memory_space<vmem>>) target(%dma_start3A_203 : memref<10112x32xf32, #tpu.memory_space<vmem_shared>>) offsets(%dma_start3A_200 : memref<128xi32, #tpu.memory_space<vmem>>) semaphore(%arg19 : memref<!tpu.dma_semaphore, #tpu.memory_space<semaphore_mem>>) {add = true}
      %dma_wait3A_204 = arith.constant 0 : i32
      %dma_wait3A_205 = tpu.memref_slice %arg17[%add3A_69, %dma_wait3A_204] : memref<80x128xi32, #tpu.memory_space<vmem>> -> memref<1x128xi32, #tpu.memory_space<vmem>>
      %dma_wait3A_206 = tpu.memref_squeeze %dma_wait3A_205 : memref<1x128xi32, #tpu.memory_space<vmem>> -> memref<128xi32, #tpu.memory_space<vmem>>
      %dma_wait3A_207 = arith.constant 0 : i32
      %dma_wait3A_208 = arith.constant 0 : i32
      %dma_wait3A_209 = tpu.memref_slice %arg7[%dma_wait3A_207, %dma_wait3A_208] : memref<10112x32xf32, #tpu.memory_space<vmem_shared>> -> memref<10112x32xf32, #tpu.memory_space<vmem_shared>>
      tpu.wait_indirect_dma semaphore(%arg19 : memref<!tpu.dma_semaphore, #tpu.memory_space<semaphore_mem>>) src(%arg8 : memref<128x32xf32, #tpu.memory_space<vmem>>) dst(%dma_wait3A_209 : memref<10112x32xf32, #tpu.memory_space<vmem_shared>>)
      %dma_wait3A_210 = arith.constant 0 : i32
      %dma_wait3A_211 = tpu.memref_slice %arg17[%add3A_77, %dma_wait3A_210] : memref<80x128xi32, #tpu.memory_space<vmem>> -> memref<1x128xi32, #tpu.memory_space<vmem>>
      %dma_wait3A_212 = tpu.memref_squeeze %dma_wait3A_211 : memref<1x128xi32, #tpu.memory_space<vmem>> -> memref<128xi32, #tpu.memory_space<vmem>>
      %dma_wait3A_213 = arith.constant 0 : i32
      %dma_wait3A_214 = arith.constant 0 : i32
      %dma_wait3A_215 = tpu.memref_slice %arg7[%dma_wait3A_213, %dma_wait3A_214] : memref<10112x32xf32, #tpu.memory_space<vmem_shared>> -> memref<10112x32xf32, #tpu.memory_space<vmem_shared>>
      tpu.wait_indirect_dma semaphore(%arg19 : memref<!tpu.dma_semaphore, #tpu.memory_space<semaphore_mem>>) src(%arg9 : memref<128x32xf32, #tpu.memory_space<vmem>>) dst(%dma_wait3A_215 : memref<10112x32xf32, #tpu.memory_space<vmem_shared>>)
      %dma_wait3A_216 = arith.constant 0 : i32
      %dma_wait3A_217 = tpu.memref_slice %arg17[%add3A_85, %dma_wait3A_216] : memref<80x128xi32, #tpu.memory_space<vmem>> -> memref<1x128xi32, #tpu.memory_space<vmem>>
      %dma_wait3A_218 = tpu.memref_squeeze %dma_wait3A_217 : memref<1x128xi32, #tpu.memory_space<vmem>> -> memref<128xi32, #tpu.memory_space<vmem>>
      %dma_wait3A_219 = arith.constant 0 : i32
      %dma_wait3A_220 = arith.constant 0 : i32
      %dma_wait3A_221 = tpu.memref_slice %arg7[%dma_wait3A_219, %dma_wait3A_220] : memref<10112x32xf32, #tpu.memory_space<vmem_shared>> -> memref<10112x32xf32, #tpu.memory_space<vmem_shared>>
      tpu.wait_indirect_dma semaphore(%arg19 : memref<!tpu.dma_semaphore, #tpu.memory_space<semaphore_mem>>) src(%arg10 : memref<128x32xf32, #tpu.memory_space<vmem>>) dst(%dma_wait3A_221 : memref<10112x32xf32, #tpu.memory_space<vmem_shared>>)
      %dma_wait3A_222 = arith.constant 0 : i32
      %dma_wait3A_223 = tpu.memref_slice %arg17[%add3A_93, %dma_wait3A_222] : memref<80x128xi32, #tpu.memory_space<vmem>> -> memref<1x128xi32, #tpu.memory_space<vmem>>
      %dma_wait3A_224 = tpu.memref_squeeze %dma_wait3A_223 : memref<1x128xi32, #tpu.memory_space<vmem>> -> memref<128xi32, #tpu.memory_space<vmem>>
      %dma_wait3A_225 = arith.constant 0 : i32
      %dma_wait3A_226 = arith.constant 0 : i32
      %dma_wait3A_227 = tpu.memref_slice %arg7[%dma_wait3A_225, %dma_wait3A_226] : memref<10112x32xf32, #tpu.memory_space<vmem_shared>> -> memref<10112x32xf32, #tpu.memory_space<vmem_shared>>
      tpu.wait_indirect_dma semaphore(%arg19 : memref<!tpu.dma_semaphore, #tpu.memory_space<semaphore_mem>>) src(%arg11 : memref<128x32xf32, #tpu.memory_space<vmem>>) dst(%dma_wait3A_227 : memref<10112x32xf32, #tpu.memory_space<vmem_shared>>)
      %dma_wait3A_228 = arith.constant 0 : i32
      %dma_wait3A_229 = tpu.memref_slice %arg17[%add3A_167, %dma_wait3A_228] : memref<80x128xi32, #tpu.memory_space<vmem>> -> memref<1x128xi32, #tpu.memory_space<vmem>>
      %dma_wait3A_230 = tpu.memref_squeeze %dma_wait3A_229 : memref<1x128xi32, #tpu.memory_space<vmem>> -> memref<128xi32, #tpu.memory_space<vmem>>
      %dma_wait3A_231 = arith.constant 0 : i32
      %dma_wait3A_232 = arith.constant 0 : i32
      %dma_wait3A_233 = tpu.memref_slice %arg7[%dma_wait3A_231, %dma_wait3A_232] : memref<10112x32xf32, #tpu.memory_space<vmem_shared>> -> memref<10112x32xf32, #tpu.memory_space<vmem_shared>>
      tpu.wait_indirect_dma semaphore(%arg19 : memref<!tpu.dma_semaphore, #tpu.memory_space<semaphore_mem>>) src(%arg12 : memref<128x32xf32, #tpu.memory_space<vmem>>) dst(%dma_wait3A_233 : memref<10112x32xf32, #tpu.memory_space<vmem_shared>>)
      %dma_wait3A_234 = arith.constant 0 : i32
      %dma_wait3A_235 = tpu.memref_slice %arg17[%add3A_177, %dma_wait3A_234] : memref<80x128xi32, #tpu.memory_space<vmem>> -> memref<1x128xi32, #tpu.memory_space<vmem>>
      %dma_wait3A_236 = tpu.memref_squeeze %dma_wait3A_235 : memref<1x128xi32, #tpu.memory_space<vmem>> -> memref<128xi32, #tpu.memory_space<vmem>>
      %dma_wait3A_237 = arith.constant 0 : i32
      %dma_wait3A_238 = arith.constant 0 : i32
      %dma_wait3A_239 = tpu.memref_slice %arg7[%dma_wait3A_237, %dma_wait3A_238] : memref<10112x32xf32, #tpu.memory_space<vmem_shared>> -> memref<10112x32xf32, #tpu.memory_space<vmem_shared>>
      tpu.wait_indirect_dma semaphore(%arg19 : memref<!tpu.dma_semaphore, #tpu.memory_space<semaphore_mem>>) src(%arg13 : memref<128x32xf32, #tpu.memory_space<vmem>>) dst(%dma_wait3A_239 : memref<10112x32xf32, #tpu.memory_space<vmem_shared>>)
      %dma_wait3A_240 = arith.constant 0 : i32
      %dma_wait3A_241 = tpu.memref_slice %arg17[%add3A_187, %dma_wait3A_240] : memref<80x128xi32, #tpu.memory_space<vmem>> -> memref<1x128xi32, #tpu.memory_space<vmem>>
      %dma_wait3A_242 = tpu.memref_squeeze %dma_wait3A_241 : memref<1x128xi32, #tpu.memory_space<vmem>> -> memref<128xi32, #tpu.memory_space<vmem>>
      %dma_wait3A_243 = arith.constant 0 : i32
      %dma_wait3A_244 = arith.constant 0 : i32
      %dma_wait3A_245 = tpu.memref_slice %arg7[%dma_wait3A_243, %dma_wait3A_244] : memref<10112x32xf32, #tpu.memory_space<vmem_shared>> -> memref<10112x32xf32, #tpu.memory_space<vmem_shared>>
      tpu.wait_indirect_dma semaphore(%arg19 : memref<!tpu.dma_semaphore, #tpu.memory_space<semaphore_mem>>) src(%arg14 : memref<128x32xf32, #tpu.memory_space<vmem>>) dst(%dma_wait3A_245 : memref<10112x32xf32, #tpu.memory_space<vmem_shared>>)
      %dma_wait3A_246 = arith.constant 0 : i32
      %dma_wait3A_247 = tpu.memref_slice %arg17[%add3A_197, %dma_wait3A_246] : memref<80x128xi32, #tpu.memory_space<vmem>> -> memref<1x128xi32, #tpu.memory_space<vmem>>
      %dma_wait3A_248 = tpu.memref_squeeze %dma_wait3A_247 : memref<1x128xi32, #tpu.memory_space<vmem>> -> memref<128xi32, #tpu.memory_space<vmem>>
      %dma_wait3A_249 = arith.constant 0 : i32
      %dma_wait3A_250 = arith.constant 0 : i32
      %dma_wait3A_251 = tpu.memref_slice %arg7[%dma_wait3A_249, %dma_wait3A_250] : memref<10112x32xf32, #tpu.memory_space<vmem_shared>> -> memref<10112x32xf32, #tpu.memory_space<vmem_shared>>
      tpu.wait_indirect_dma semaphore(%arg19 : memref<!tpu.dma_semaphore, #tpu.memory_space<semaphore_mem>>) src(%arg15 : memref<128x32xf32, #tpu.memory_space<vmem>>) dst(%dma_wait3A_251 : memref<10112x32xf32, #tpu.memory_space<vmem_shared>>)
    }
    %scan3A_7 = arith.constant 10 : i32
    %barrier3A_8 = arith.constant 0 : index
    tpu.barrier barrier_id(%barrier3A_8)
    "tpu.region"() ({
      %run_scoped3A = tpu.sem_alloc : memref<!tpu.dma_semaphore, #tpu.memory_space<semaphore_mem>>
      %dma_start3A = arith.constant 0 : i32
      %dma_start3A_9 = tpu.memref_slice %arg6[%arg0, %mul3A_2, %dma_start3A] : memref<2x10112x32xf32, #tpu.memory_space<hbm>> -> memref<1x632x32xf32, #tpu.memory_space<hbm>>
      %dma_start3A_10 = tpu.memref_squeeze %dma_start3A_9 : memref<1x632x32xf32, #tpu.memory_space<hbm>> -> memref<632x32xf32, #tpu.memory_space<hbm>>
      %dma_start3A_11 = arith.constant 0 : i32
      %dma_start3A_12 = tpu.memref_slice %arg7[%mul3A_2, %dma_start3A_11] : memref<10112x32xf32, #tpu.memory_space<vmem_shared>> -> memref<632x32xf32, #tpu.memory_space<vmem_shared>>
      tpu.enqueue_dma source(%dma_start3A_12 : memref<632x32xf32, #tpu.memory_space<vmem_shared>>) target(%dma_start3A_10 : memref<632x32xf32, #tpu.memory_space<hbm>>) target_semaphore(%run_scoped3A : memref<!tpu.dma_semaphore, #tpu.memory_space<semaphore_mem>>)
      %dma_wait3A = arith.constant 0 : i32
      %dma_wait3A_13 = tpu.memref_slice %arg6[%arg0, %mul3A_2, %dma_wait3A] : memref<2x10112x32xf32, #tpu.memory_space<hbm>> -> memref<1x632x32xf32, #tpu.memory_space<hbm>>
      %dma_wait3A_14 = tpu.memref_squeeze %dma_wait3A_13 : memref<1x632x32xf32, #tpu.memory_space<hbm>> -> memref<632x32xf32, #tpu.memory_space<hbm>>
      %dma_wait3A_15 = arith.constant 0 : i32
      %dma_wait3A_16 = tpu.memref_slice %arg7[%mul3A_2, %dma_wait3A_15] : memref<10112x32xf32, #tpu.memory_space<vmem_shared>> -> memref<632x32xf32, #tpu.memory_space<vmem_shared>>
      tpu.wait_dma2 semaphore(%run_scoped3A : memref<!tpu.dma_semaphore, #tpu.memory_space<semaphore_mem>>) src(%dma_wait3A_16 : memref<632x32xf32, #tpu.memory_space<vmem_shared>>) dst(%dma_wait3A_14 : memref<632x32xf32, #tpu.memory_space<hbm>>)
      tpu.yield
    }) : () -> ()
    return
  }
}

#map = affine_map<(d0, d1) -> (0, 0)>
#map1 = affine_map<(d0, d1) -> (0, 0, 0)>
module attributes {stable_mosaic.version = 14 : i64} {
  func.func @_sc_edge_gather(%arg0: i32, %arg1: i32, %arg2: memref<10112x32xf32, #tpu.memory_space<hbm>>, %arg3: memref<32x80x128xi32, #tpu.memory_space<hbm>>, %arg4: memref<32x80x128xi32, #tpu.memory_space<hbm>>, %arg5: memref<327680x32xf32, #tpu.memory_space<hbm>>, %arg6: memref<327680x32xf32, #tpu.memory_space<hbm>>, %arg7: memref<128x32xf32, #tpu.memory_space<vmem>>, %arg8: memref<128x32xf32, #tpu.memory_space<vmem>>, %arg9: memref<128x32xf32, #tpu.memory_space<vmem>>, %arg10: memref<128x32xf32, #tpu.memory_space<vmem>>, %arg11: memref<128x32xf32, #tpu.memory_space<vmem>>, %arg12: memref<128x32xf32, #tpu.memory_space<vmem>>, %arg13: memref<128x32xf32, #tpu.memory_space<vmem>>, %arg14: memref<128x32xf32, #tpu.memory_space<vmem>>, %arg15: memref<128x32xf32, #tpu.memory_space<vmem>>, %arg16: memref<128x32xf32, #tpu.memory_space<vmem>>, %arg17: memref<128x32xf32, #tpu.memory_space<vmem>>, %arg18: memref<128x32xf32, #tpu.memory_space<vmem>>, %arg19: memref<128x32xf32, #tpu.memory_space<vmem>>, %arg20: memref<128x32xf32, #tpu.memory_space<vmem>>, %arg21: memref<128x32xf32, #tpu.memory_space<vmem>>, %arg22: memref<128x32xf32, #tpu.memory_space<vmem>>, %arg23: memref<80x128xi32, #tpu.memory_space<vmem>>, %arg24: memref<80x128xi32, #tpu.memory_space<vmem>>, %arg25: memref<!tpu.dma_semaphore, #tpu.memory_space<semaphore_mem>>, %arg26: memref<!tpu.dma_semaphore, #tpu.memory_space<semaphore_mem>>) attributes {dimension_semantics = [#tpu.dimension_semantics<core_parallel>, #tpu.dimension_semantics<subcore_parallel>], iteration_bounds = array<i64: 2, 16>, scalar_prefetch = 0 : i64, scratch_operands = 20 : i64, tpu.core_type = #tpu.core_type<sc_vector_subcore>, window_params = [{transform_indices = #map}, {transform_indices = #map1}, {transform_indices = #map1}, {transform_indices = #map}, {transform_indices = #map}]} {
    %mul3A = arith.constant 2 : i32
    %mul3A_0 = arith.muli %arg1, %mul3A : i32
    %add3A = arith.addi %mul3A_0, %arg0 : i32
    %mul3A_1 = arith.constant 10240 : i32
    %mul3A_2 = arith.muli %add3A, %mul3A_1 : i32
    "tpu.region"() ({
      %run_scoped3A = tpu.sem_alloc : memref<!tpu.dma_semaphore, #tpu.memory_space<semaphore_mem>>
      %dma_start3A = arith.constant 0 : i32
      %dma_start3A_8 = arith.constant 0 : i32
      %dma_start3A_9 = tpu.memref_slice %arg3[%add3A, %dma_start3A, %dma_start3A_8] : memref<32x80x128xi32, #tpu.memory_space<hbm>> -> memref<1x80x128xi32, #tpu.memory_space<hbm>>
      %dma_start3A_10 = tpu.memref_squeeze %dma_start3A_9 : memref<1x80x128xi32, #tpu.memory_space<hbm>> -> memref<80x128xi32, #tpu.memory_space<hbm>>
      %dma_start3A_11 = arith.constant 0 : i32
      %dma_start3A_12 = arith.constant 0 : i32
      %dma_start3A_13 = tpu.memref_slice %arg3[%add3A, %dma_start3A_11, %dma_start3A_12] : memref<32x80x128xi32, #tpu.memory_space<hbm>> -> memref<1x80x128xi32, #tpu.memory_space<hbm>>
      %dma_start3A_14 = tpu.memref_squeeze %dma_start3A_13 : memref<1x80x128xi32, #tpu.memory_space<hbm>> -> memref<80x128xi32, #tpu.memory_space<hbm>>
      tpu.enqueue_dma source(%dma_start3A_14 : memref<80x128xi32, #tpu.memory_space<hbm>>) target(%arg23 : memref<80x128xi32, #tpu.memory_space<vmem>>) target_semaphore(%run_scoped3A : memref<!tpu.dma_semaphore, #tpu.memory_space<semaphore_mem>>)
      %dma_wait3A = arith.constant 0 : i32
      %dma_wait3A_15 = arith.constant 0 : i32
      %dma_wait3A_16 = tpu.memref_slice %arg3[%add3A, %dma_wait3A, %dma_wait3A_15] : memref<32x80x128xi32, #tpu.memory_space<hbm>> -> memref<1x80x128xi32, #tpu.memory_space<hbm>>
      %dma_wait3A_17 = tpu.memref_squeeze %dma_wait3A_16 : memref<1x80x128xi32, #tpu.memory_space<hbm>> -> memref<80x128xi32, #tpu.memory_space<hbm>>
      %dma_wait3A_18 = arith.constant 0 : i32
      %dma_wait3A_19 = arith.constant 0 : i32
      %dma_wait3A_20 = tpu.memref_slice %arg3[%add3A, %dma_wait3A_18, %dma_wait3A_19] : memref<32x80x128xi32, #tpu.memory_space<hbm>> -> memref<1x80x128xi32, #tpu.memory_space<hbm>>
      %dma_wait3A_21 = tpu.memref_squeeze %dma_wait3A_20 : memref<1x80x128xi32, #tpu.memory_space<hbm>> -> memref<80x128xi32, #tpu.memory_space<hbm>>
      tpu.wait_dma2 semaphore(%run_scoped3A : memref<!tpu.dma_semaphore, #tpu.memory_space<semaphore_mem>>) src(%dma_wait3A_21 : memref<80x128xi32, #tpu.memory_space<hbm>>) dst(%arg23 : memref<80x128xi32, #tpu.memory_space<vmem>>)
      tpu.yield
    }) : () -> ()
    "tpu.region"() ({
      %run_scoped3A = tpu.sem_alloc : memref<!tpu.dma_semaphore, #tpu.memory_space<semaphore_mem>>
      %dma_start3A = arith.constant 0 : i32
      %dma_start3A_8 = arith.constant 0 : i32
      %dma_start3A_9 = tpu.memref_slice %arg4[%add3A, %dma_start3A, %dma_start3A_8] : memref<32x80x128xi32, #tpu.memory_space<hbm>> -> memref<1x80x128xi32, #tpu.memory_space<hbm>>
      %dma_start3A_10 = tpu.memref_squeeze %dma_start3A_9 : memref<1x80x128xi32, #tpu.memory_space<hbm>> -> memref<80x128xi32, #tpu.memory_space<hbm>>
      %dma_start3A_11 = arith.constant 0 : i32
      %dma_start3A_12 = arith.constant 0 : i32
      %dma_start3A_13 = tpu.memref_slice %arg4[%add3A, %dma_start3A_11, %dma_start3A_12] : memref<32x80x128xi32, #tpu.memory_space<hbm>> -> memref<1x80x128xi32, #tpu.memory_space<hbm>>
      %dma_start3A_14 = tpu.memref_squeeze %dma_start3A_13 : memref<1x80x128xi32, #tpu.memory_space<hbm>> -> memref<80x128xi32, #tpu.memory_space<hbm>>
      tpu.enqueue_dma source(%dma_start3A_14 : memref<80x128xi32, #tpu.memory_space<hbm>>) target(%arg24 : memref<80x128xi32, #tpu.memory_space<vmem>>) target_semaphore(%run_scoped3A : memref<!tpu.dma_semaphore, #tpu.memory_space<semaphore_mem>>)
      %dma_wait3A = arith.constant 0 : i32
      %dma_wait3A_15 = arith.constant 0 : i32
      %dma_wait3A_16 = tpu.memref_slice %arg4[%add3A, %dma_wait3A, %dma_wait3A_15] : memref<32x80x128xi32, #tpu.memory_space<hbm>> -> memref<1x80x128xi32, #tpu.memory_space<hbm>>
      %dma_wait3A_17 = tpu.memref_squeeze %dma_wait3A_16 : memref<1x80x128xi32, #tpu.memory_space<hbm>> -> memref<80x128xi32, #tpu.memory_space<hbm>>
      %dma_wait3A_18 = arith.constant 0 : i32
      %dma_wait3A_19 = arith.constant 0 : i32
      %dma_wait3A_20 = tpu.memref_slice %arg4[%add3A, %dma_wait3A_18, %dma_wait3A_19] : memref<32x80x128xi32, #tpu.memory_space<hbm>> -> memref<1x80x128xi32, #tpu.memory_space<hbm>>
      %dma_wait3A_21 = tpu.memref_squeeze %dma_wait3A_20 : memref<1x80x128xi32, #tpu.memory_space<hbm>> -> memref<80x128xi32, #tpu.memory_space<hbm>>
      tpu.wait_dma2 semaphore(%run_scoped3A : memref<!tpu.dma_semaphore, #tpu.memory_space<semaphore_mem>>) src(%dma_wait3A_21 : memref<80x128xi32, #tpu.memory_space<hbm>>) dst(%arg24 : memref<80x128xi32, #tpu.memory_space<vmem>>)
      tpu.yield
    }) : () -> ()
    %scan3A = arith.constant 0 : i32
    %scan3A_3 = arith.constant 0 : i32
    %scan3A_4 = arith.constant 10 : i32
    %scan3A_5 = arith.addi %scan3A_3, %scan3A_4 : i32
    %scan3A_6 = arith.constant 1 : i32
    scf.for %scan3A_8 = %scan3A_3 to %scan3A_5 step %scan3A_6  : i32 {
      %mul3A_9 = arith.constant 2 : i32
      %mul3A_10 = arith.muli %scan3A_8, %mul3A_9 : i32
      %mul3A_11 = arith.constant 4 : i32
      %mul3A_12 = arith.muli %mul3A_10, %mul3A_11 : i32
      %add3A_13 = arith.constant 0 : i32
      %add3A_14 = arith.addi %mul3A_12, %add3A_13 : i32
      %dma_start3A = arith.constant 0 : i32
      %dma_start3A_15 = tpu.memref_slice %arg23[%add3A_14, %dma_start3A] : memref<80x128xi32, #tpu.memory_space<vmem>> -> memref<1x128xi32, #tpu.memory_space<vmem>>
      %dma_start3A_16 = tpu.memref_squeeze %dma_start3A_15 : memref<1x128xi32, #tpu.memory_space<vmem>> -> memref<128xi32, #tpu.memory_space<vmem>>
      %dma_start3A_17 = arith.constant 0 : i32
      %dma_start3A_18 = arith.constant 0 : i32
      %dma_start3A_19 = tpu.memref_slice %arg2[%dma_start3A_17, %dma_start3A_18] : memref<10112x32xf32, #tpu.memory_space<hbm>> -> memref<10112x32xf32, #tpu.memory_space<hbm>>
      tpu.enqueue_indirect_dma source(%dma_start3A_19 : memref<10112x32xf32, #tpu.memory_space<hbm>>) target(%arg7 : memref<128x32xf32, #tpu.memory_space<vmem>>) offsets(%dma_start3A_16 : memref<128xi32, #tpu.memory_space<vmem>>) semaphore(%arg25 : memref<!tpu.dma_semaphore, #tpu.memory_space<semaphore_mem>>)
      %add3A_20 = arith.constant 0 : i32
      %add3A_21 = arith.addi %mul3A_12, %add3A_20 : i32
      %dma_start3A_22 = arith.constant 0 : i32
      %dma_start3A_23 = tpu.memref_slice %arg24[%add3A_21, %dma_start3A_22] : memref<80x128xi32, #tpu.memory_space<vmem>> -> memref<1x128xi32, #tpu.memory_space<vmem>>
      %dma_start3A_24 = tpu.memref_squeeze %dma_start3A_23 : memref<1x128xi32, #tpu.memory_space<vmem>> -> memref<128xi32, #tpu.memory_space<vmem>>
      %dma_start3A_25 = arith.constant 0 : i32
      %dma_start3A_26 = arith.constant 0 : i32
      %dma_start3A_27 = tpu.memref_slice %arg2[%dma_start3A_25, %dma_start3A_26] : memref<10112x32xf32, #tpu.memory_space<hbm>> -> memref<10112x32xf32, #tpu.memory_space<hbm>>
      tpu.enqueue_indirect_dma source(%dma_start3A_27 : memref<10112x32xf32, #tpu.memory_space<hbm>>) target(%arg15 : memref<128x32xf32, #tpu.memory_space<vmem>>) offsets(%dma_start3A_24 : memref<128xi32, #tpu.memory_space<vmem>>) semaphore(%arg25 : memref<!tpu.dma_semaphore, #tpu.memory_space<semaphore_mem>>)
      %add3A_28 = arith.constant 1 : i32
      %add3A_29 = arith.addi %mul3A_12, %add3A_28 : i32
      %dma_start3A_30 = arith.constant 0 : i32
      %dma_start3A_31 = tpu.memref_slice %arg23[%add3A_29, %dma_start3A_30] : memref<80x128xi32, #tpu.memory_space<vmem>> -> memref<1x128xi32, #tpu.memory_space<vmem>>
      %dma_start3A_32 = tpu.memref_squeeze %dma_start3A_31 : memref<1x128xi32, #tpu.memory_space<vmem>> -> memref<128xi32, #tpu.memory_space<vmem>>
      %dma_start3A_33 = arith.constant 0 : i32
      %dma_start3A_34 = arith.constant 0 : i32
      %dma_start3A_35 = tpu.memref_slice %arg2[%dma_start3A_33, %dma_start3A_34] : memref<10112x32xf32, #tpu.memory_space<hbm>> -> memref<10112x32xf32, #tpu.memory_space<hbm>>
      tpu.enqueue_indirect_dma source(%dma_start3A_35 : memref<10112x32xf32, #tpu.memory_space<hbm>>) target(%arg8 : memref<128x32xf32, #tpu.memory_space<vmem>>) offsets(%dma_start3A_32 : memref<128xi32, #tpu.memory_space<vmem>>) semaphore(%arg25 : memref<!tpu.dma_semaphore, #tpu.memory_space<semaphore_mem>>)
      %add3A_36 = arith.constant 1 : i32
      %add3A_37 = arith.addi %mul3A_12, %add3A_36 : i32
      %dma_start3A_38 = arith.constant 0 : i32
      %dma_start3A_39 = tpu.memref_slice %arg24[%add3A_37, %dma_start3A_38] : memref<80x128xi32, #tpu.memory_space<vmem>> -> memref<1x128xi32, #tpu.memory_space<vmem>>
      %dma_start3A_40 = tpu.memref_squeeze %dma_start3A_39 : memref<1x128xi32, #tpu.memory_space<vmem>> -> memref<128xi32, #tpu.memory_space<vmem>>
      %dma_start3A_41 = arith.constant 0 : i32
      %dma_start3A_42 = arith.constant 0 : i32
      %dma_start3A_43 = tpu.memref_slice %arg2[%dma_start3A_41, %dma_start3A_42] : memref<10112x32xf32, #tpu.memory_space<hbm>> -> memref<10112x32xf32, #tpu.memory_space<hbm>>
      tpu.enqueue_indirect_dma source(%dma_start3A_43 : memref<10112x32xf32, #tpu.memory_space<hbm>>) target(%arg16 : memref<128x32xf32, #tpu.memory_space<vmem>>) offsets(%dma_start3A_40 : memref<128xi32, #tpu.memory_space<vmem>>) semaphore(%arg25 : memref<!tpu.dma_semaphore, #tpu.memory_space<semaphore_mem>>)
      %add3A_44 = arith.constant 2 : i32
      %add3A_45 = arith.addi %mul3A_12, %add3A_44 : i32
      %dma_start3A_46 = arith.constant 0 : i32
      %dma_start3A_47 = tpu.memref_slice %arg23[%add3A_45, %dma_start3A_46] : memref<80x128xi32, #tpu.memory_space<vmem>> -> memref<1x128xi32, #tpu.memory_space<vmem>>
      %dma_start3A_48 = tpu.memref_squeeze %dma_start3A_47 : memref<1x128xi32, #tpu.memory_space<vmem>> -> memref<128xi32, #tpu.memory_space<vmem>>
      %dma_start3A_49 = arith.constant 0 : i32
      %dma_start3A_50 = arith.constant 0 : i32
      %dma_start3A_51 = tpu.memref_slice %arg2[%dma_start3A_49, %dma_start3A_50] : memref<10112x32xf32, #tpu.memory_space<hbm>> -> memref<10112x32xf32, #tpu.memory_space<hbm>>
      tpu.enqueue_indirect_dma source(%dma_start3A_51 : memref<10112x32xf32, #tpu.memory_space<hbm>>) target(%arg9 : memref<128x32xf32, #tpu.memory_space<vmem>>) offsets(%dma_start3A_48 : memref<128xi32, #tpu.memory_space<vmem>>) semaphore(%arg25 : memref<!tpu.dma_semaphore, #tpu.memory_space<semaphore_mem>>)
      %add3A_52 = arith.constant 2 : i32
      %add3A_53 = arith.addi %mul3A_12, %add3A_52 : i32
      %dma_start3A_54 = arith.constant 0 : i32
      %dma_start3A_55 = tpu.memref_slice %arg24[%add3A_53, %dma_start3A_54] : memref<80x128xi32, #tpu.memory_space<vmem>> -> memref<1x128xi32, #tpu.memory_space<vmem>>
      %dma_start3A_56 = tpu.memref_squeeze %dma_start3A_55 : memref<1x128xi32, #tpu.memory_space<vmem>> -> memref<128xi32, #tpu.memory_space<vmem>>
      %dma_start3A_57 = arith.constant 0 : i32
      %dma_start3A_58 = arith.constant 0 : i32
      %dma_start3A_59 = tpu.memref_slice %arg2[%dma_start3A_57, %dma_start3A_58] : memref<10112x32xf32, #tpu.memory_space<hbm>> -> memref<10112x32xf32, #tpu.memory_space<hbm>>
      tpu.enqueue_indirect_dma source(%dma_start3A_59 : memref<10112x32xf32, #tpu.memory_space<hbm>>) target(%arg17 : memref<128x32xf32, #tpu.memory_space<vmem>>) offsets(%dma_start3A_56 : memref<128xi32, #tpu.memory_space<vmem>>) semaphore(%arg25 : memref<!tpu.dma_semaphore, #tpu.memory_space<semaphore_mem>>)
      %add3A_60 = arith.constant 3 : i32
      %add3A_61 = arith.addi %mul3A_12, %add3A_60 : i32
      %dma_start3A_62 = arith.constant 0 : i32
      %dma_start3A_63 = tpu.memref_slice %arg23[%add3A_61, %dma_start3A_62] : memref<80x128xi32, #tpu.memory_space<vmem>> -> memref<1x128xi32, #tpu.memory_space<vmem>>
      %dma_start3A_64 = tpu.memref_squeeze %dma_start3A_63 : memref<1x128xi32, #tpu.memory_space<vmem>> -> memref<128xi32, #tpu.memory_space<vmem>>
      %dma_start3A_65 = arith.constant 0 : i32
      %dma_start3A_66 = arith.constant 0 : i32
      %dma_start3A_67 = tpu.memref_slice %arg2[%dma_start3A_65, %dma_start3A_66] : memref<10112x32xf32, #tpu.memory_space<hbm>> -> memref<10112x32xf32, #tpu.memory_space<hbm>>
      tpu.enqueue_indirect_dma source(%dma_start3A_67 : memref<10112x32xf32, #tpu.memory_space<hbm>>) target(%arg10 : memref<128x32xf32, #tpu.memory_space<vmem>>) offsets(%dma_start3A_64 : memref<128xi32, #tpu.memory_space<vmem>>) semaphore(%arg25 : memref<!tpu.dma_semaphore, #tpu.memory_space<semaphore_mem>>)
      %add3A_68 = arith.constant 3 : i32
      %add3A_69 = arith.addi %mul3A_12, %add3A_68 : i32
      %dma_start3A_70 = arith.constant 0 : i32
      %dma_start3A_71 = tpu.memref_slice %arg24[%add3A_69, %dma_start3A_70] : memref<80x128xi32, #tpu.memory_space<vmem>> -> memref<1x128xi32, #tpu.memory_space<vmem>>
      %dma_start3A_72 = tpu.memref_squeeze %dma_start3A_71 : memref<1x128xi32, #tpu.memory_space<vmem>> -> memref<128xi32, #tpu.memory_space<vmem>>
      %dma_start3A_73 = arith.constant 0 : i32
      %dma_start3A_74 = arith.constant 0 : i32
      %dma_start3A_75 = tpu.memref_slice %arg2[%dma_start3A_73, %dma_start3A_74] : memref<10112x32xf32, #tpu.memory_space<hbm>> -> memref<10112x32xf32, #tpu.memory_space<hbm>>
      tpu.enqueue_indirect_dma source(%dma_start3A_75 : memref<10112x32xf32, #tpu.memory_space<hbm>>) target(%arg18 : memref<128x32xf32, #tpu.memory_space<vmem>>) offsets(%dma_start3A_72 : memref<128xi32, #tpu.memory_space<vmem>>) semaphore(%arg25 : memref<!tpu.dma_semaphore, #tpu.memory_space<semaphore_mem>>)
      %dma_wait3A = arith.constant 0 : i32
      %dma_wait3A_76 = tpu.memref_slice %arg23[%add3A_14, %dma_wait3A] : memref<80x128xi32, #tpu.memory_space<vmem>> -> memref<1x128xi32, #tpu.memory_space<vmem>>
      %dma_wait3A_77 = tpu.memref_squeeze %dma_wait3A_76 : memref<1x128xi32, #tpu.memory_space<vmem>> -> memref<128xi32, #tpu.memory_space<vmem>>
      %dma_wait3A_78 = arith.constant 0 : i32
      %dma_wait3A_79 = arith.constant 0 : i32
      %dma_wait3A_80 = tpu.memref_slice %arg2[%dma_wait3A_78, %dma_wait3A_79] : memref<10112x32xf32, #tpu.memory_space<hbm>> -> memref<10112x32xf32, #tpu.memory_space<hbm>>
      tpu.wait_indirect_dma semaphore(%arg25 : memref<!tpu.dma_semaphore, #tpu.memory_space<semaphore_mem>>) src(%dma_wait3A_80 : memref<10112x32xf32, #tpu.memory_space<hbm>>) dst(%arg7 : memref<128x32xf32, #tpu.memory_space<vmem>>)
      %dma_wait3A_81 = arith.constant 0 : i32
      %dma_wait3A_82 = tpu.memref_slice %arg24[%add3A_21, %dma_wait3A_81] : memref<80x128xi32, #tpu.memory_space<vmem>> -> memref<1x128xi32, #tpu.memory_space<vmem>>
      %dma_wait3A_83 = tpu.memref_squeeze %dma_wait3A_82 : memref<1x128xi32, #tpu.memory_space<vmem>> -> memref<128xi32, #tpu.memory_space<vmem>>
      %dma_wait3A_84 = arith.constant 0 : i32
      %dma_wait3A_85 = arith.constant 0 : i32
      %dma_wait3A_86 = tpu.memref_slice %arg2[%dma_wait3A_84, %dma_wait3A_85] : memref<10112x32xf32, #tpu.memory_space<hbm>> -> memref<10112x32xf32, #tpu.memory_space<hbm>>
      tpu.wait_indirect_dma semaphore(%arg25 : memref<!tpu.dma_semaphore, #tpu.memory_space<semaphore_mem>>) src(%dma_wait3A_86 : memref<10112x32xf32, #tpu.memory_space<hbm>>) dst(%arg15 : memref<128x32xf32, #tpu.memory_space<vmem>>)
      %dma_wait3A_87 = arith.constant 0 : i32
      %dma_wait3A_88 = tpu.memref_slice %arg23[%add3A_29, %dma_wait3A_87] : memref<80x128xi32, #tpu.memory_space<vmem>> -> memref<1x128xi32, #tpu.memory_space<vmem>>
      %dma_wait3A_89 = tpu.memref_squeeze %dma_wait3A_88 : memref<1x128xi32, #tpu.memory_space<vmem>> -> memref<128xi32, #tpu.memory_space<vmem>>
      %dma_wait3A_90 = arith.constant 0 : i32
      %dma_wait3A_91 = arith.constant 0 : i32
      %dma_wait3A_92 = tpu.memref_slice %arg2[%dma_wait3A_90, %dma_wait3A_91] : memref<10112x32xf32, #tpu.memory_space<hbm>> -> memref<10112x32xf32, #tpu.memory_space<hbm>>
      tpu.wait_indirect_dma semaphore(%arg25 : memref<!tpu.dma_semaphore, #tpu.memory_space<semaphore_mem>>) src(%dma_wait3A_92 : memref<10112x32xf32, #tpu.memory_space<hbm>>) dst(%arg8 : memref<128x32xf32, #tpu.memory_space<vmem>>)
      %dma_wait3A_93 = arith.constant 0 : i32
      %dma_wait3A_94 = tpu.memref_slice %arg24[%add3A_37, %dma_wait3A_93] : memref<80x128xi32, #tpu.memory_space<vmem>> -> memref<1x128xi32, #tpu.memory_space<vmem>>
      %dma_wait3A_95 = tpu.memref_squeeze %dma_wait3A_94 : memref<1x128xi32, #tpu.memory_space<vmem>> -> memref<128xi32, #tpu.memory_space<vmem>>
      %dma_wait3A_96 = arith.constant 0 : i32
      %dma_wait3A_97 = arith.constant 0 : i32
      %dma_wait3A_98 = tpu.memref_slice %arg2[%dma_wait3A_96, %dma_wait3A_97] : memref<10112x32xf32, #tpu.memory_space<hbm>> -> memref<10112x32xf32, #tpu.memory_space<hbm>>
      tpu.wait_indirect_dma semaphore(%arg25 : memref<!tpu.dma_semaphore, #tpu.memory_space<semaphore_mem>>) src(%dma_wait3A_98 : memref<10112x32xf32, #tpu.memory_space<hbm>>) dst(%arg16 : memref<128x32xf32, #tpu.memory_space<vmem>>)
      %dma_wait3A_99 = arith.constant 0 : i32
      %dma_wait3A_100 = tpu.memref_slice %arg23[%add3A_45, %dma_wait3A_99] : memref<80x128xi32, #tpu.memory_space<vmem>> -> memref<1x128xi32, #tpu.memory_space<vmem>>
      %dma_wait3A_101 = tpu.memref_squeeze %dma_wait3A_100 : memref<1x128xi32, #tpu.memory_space<vmem>> -> memref<128xi32, #tpu.memory_space<vmem>>
      %dma_wait3A_102 = arith.constant 0 : i32
      %dma_wait3A_103 = arith.constant 0 : i32
      %dma_wait3A_104 = tpu.memref_slice %arg2[%dma_wait3A_102, %dma_wait3A_103] : memref<10112x32xf32, #tpu.memory_space<hbm>> -> memref<10112x32xf32, #tpu.memory_space<hbm>>
      tpu.wait_indirect_dma semaphore(%arg25 : memref<!tpu.dma_semaphore, #tpu.memory_space<semaphore_mem>>) src(%dma_wait3A_104 : memref<10112x32xf32, #tpu.memory_space<hbm>>) dst(%arg9 : memref<128x32xf32, #tpu.memory_space<vmem>>)
      %dma_wait3A_105 = arith.constant 0 : i32
      %dma_wait3A_106 = tpu.memref_slice %arg24[%add3A_53, %dma_wait3A_105] : memref<80x128xi32, #tpu.memory_space<vmem>> -> memref<1x128xi32, #tpu.memory_space<vmem>>
      %dma_wait3A_107 = tpu.memref_squeeze %dma_wait3A_106 : memref<1x128xi32, #tpu.memory_space<vmem>> -> memref<128xi32, #tpu.memory_space<vmem>>
      %dma_wait3A_108 = arith.constant 0 : i32
      %dma_wait3A_109 = arith.constant 0 : i32
      %dma_wait3A_110 = tpu.memref_slice %arg2[%dma_wait3A_108, %dma_wait3A_109] : memref<10112x32xf32, #tpu.memory_space<hbm>> -> memref<10112x32xf32, #tpu.memory_space<hbm>>
      tpu.wait_indirect_dma semaphore(%arg25 : memref<!tpu.dma_semaphore, #tpu.memory_space<semaphore_mem>>) src(%dma_wait3A_110 : memref<10112x32xf32, #tpu.memory_space<hbm>>) dst(%arg17 : memref<128x32xf32, #tpu.memory_space<vmem>>)
      %dma_wait3A_111 = arith.constant 0 : i32
      %dma_wait3A_112 = tpu.memref_slice %arg23[%add3A_61, %dma_wait3A_111] : memref<80x128xi32, #tpu.memory_space<vmem>> -> memref<1x128xi32, #tpu.memory_space<vmem>>
      %dma_wait3A_113 = tpu.memref_squeeze %dma_wait3A_112 : memref<1x128xi32, #tpu.memory_space<vmem>> -> memref<128xi32, #tpu.memory_space<vmem>>
      %dma_wait3A_114 = arith.constant 0 : i32
      %dma_wait3A_115 = arith.constant 0 : i32
      %dma_wait3A_116 = tpu.memref_slice %arg2[%dma_wait3A_114, %dma_wait3A_115] : memref<10112x32xf32, #tpu.memory_space<hbm>> -> memref<10112x32xf32, #tpu.memory_space<hbm>>
      tpu.wait_indirect_dma semaphore(%arg25 : memref<!tpu.dma_semaphore, #tpu.memory_space<semaphore_mem>>) src(%dma_wait3A_116 : memref<10112x32xf32, #tpu.memory_space<hbm>>) dst(%arg10 : memref<128x32xf32, #tpu.memory_space<vmem>>)
      %dma_wait3A_117 = arith.constant 0 : i32
      %dma_wait3A_118 = tpu.memref_slice %arg24[%add3A_69, %dma_wait3A_117] : memref<80x128xi32, #tpu.memory_space<vmem>> -> memref<1x128xi32, #tpu.memory_space<vmem>>
      %dma_wait3A_119 = tpu.memref_squeeze %dma_wait3A_118 : memref<1x128xi32, #tpu.memory_space<vmem>> -> memref<128xi32, #tpu.memory_space<vmem>>
      %dma_wait3A_120 = arith.constant 0 : i32
      %dma_wait3A_121 = arith.constant 0 : i32
      %dma_wait3A_122 = tpu.memref_slice %arg2[%dma_wait3A_120, %dma_wait3A_121] : memref<10112x32xf32, #tpu.memory_space<hbm>> -> memref<10112x32xf32, #tpu.memory_space<hbm>>
      tpu.wait_indirect_dma semaphore(%arg25 : memref<!tpu.dma_semaphore, #tpu.memory_space<semaphore_mem>>) src(%dma_wait3A_122 : memref<10112x32xf32, #tpu.memory_space<hbm>>) dst(%arg18 : memref<128x32xf32, #tpu.memory_space<vmem>>)
      %add3A_123 = arith.constant 0 : i32
      %add3A_124 = arith.addi %mul3A_12, %add3A_123 : i32
      %mul3A_125 = arith.constant 128 : i32
      %mul3A_126 = arith.muli %add3A_124, %mul3A_125 : i32
      %add3A_127 = arith.addi %mul3A_2, %mul3A_126 : i32
      %dma_start3A_128 = arith.constant 0 : i32
      %dma_start3A_129 = tpu.memref_slice %arg5[%add3A_127, %dma_start3A_128] : memref<327680x32xf32, #tpu.memory_space<hbm>> -> memref<128x32xf32, #tpu.memory_space<hbm>>
      %dma_start3A_130 = arith.constant 0 : i32
      %dma_start3A_131 = tpu.memref_slice %arg5[%add3A_127, %dma_start3A_130] : memref<327680x32xf32, #tpu.memory_space<hbm>> -> memref<128x32xf32, #tpu.memory_space<hbm>>
      tpu.enqueue_dma source(%arg7 : memref<128x32xf32, #tpu.memory_space<vmem>>) target(%dma_start3A_131 : memref<128x32xf32, #tpu.memory_space<hbm>>) target_semaphore(%arg26 : memref<!tpu.dma_semaphore, #tpu.memory_space<semaphore_mem>>)
      %mul3A_132 = arith.constant 128 : i32
      %mul3A_133 = arith.muli %add3A_124, %mul3A_132 : i32
      %add3A_134 = arith.addi %mul3A_2, %mul3A_133 : i32
      %dma_start3A_135 = arith.constant 0 : i32
      %dma_start3A_136 = tpu.memref_slice %arg6[%add3A_134, %dma_start3A_135] : memref<327680x32xf32, #tpu.memory_space<hbm>> -> memref<128x32xf32, #tpu.memory_space<hbm>>
      %dma_start3A_137 = arith.constant 0 : i32
      %dma_start3A_138 = tpu.memref_slice %arg6[%add3A_134, %dma_start3A_137] : memref<327680x32xf32, #tpu.memory_space<hbm>> -> memref<128x32xf32, #tpu.memory_space<hbm>>
      tpu.enqueue_dma source(%arg15 : memref<128x32xf32, #tpu.memory_space<vmem>>) target(%dma_start3A_138 : memref<128x32xf32, #tpu.memory_space<hbm>>) target_semaphore(%arg26 : memref<!tpu.dma_semaphore, #tpu.memory_space<semaphore_mem>>)
      %add3A_139 = arith.constant 1 : i32
      %add3A_140 = arith.addi %mul3A_12, %add3A_139 : i32
      %mul3A_141 = arith.constant 128 : i32
      %mul3A_142 = arith.muli %add3A_140, %mul3A_141 : i32
      %add3A_143 = arith.addi %mul3A_2, %mul3A_142 : i32
      %dma_start3A_144 = arith.constant 0 : i32
      %dma_start3A_145 = tpu.memref_slice %arg5[%add3A_143, %dma_start3A_144] : memref<327680x32xf32, #tpu.memory_space<hbm>> -> memref<128x32xf32, #tpu.memory_space<hbm>>
      %dma_start3A_146 = arith.constant 0 : i32
      %dma_start3A_147 = tpu.memref_slice %arg5[%add3A_143, %dma_start3A_146] : memref<327680x32xf32, #tpu.memory_space<hbm>> -> memref<128x32xf32, #tpu.memory_space<hbm>>
      tpu.enqueue_dma source(%arg8 : memref<128x32xf32, #tpu.memory_space<vmem>>) target(%dma_start3A_147 : memref<128x32xf32, #tpu.memory_space<hbm>>) target_semaphore(%arg26 : memref<!tpu.dma_semaphore, #tpu.memory_space<semaphore_mem>>)
      %mul3A_148 = arith.constant 128 : i32
      %mul3A_149 = arith.muli %add3A_140, %mul3A_148 : i32
      %add3A_150 = arith.addi %mul3A_2, %mul3A_149 : i32
      %dma_start3A_151 = arith.constant 0 : i32
      %dma_start3A_152 = tpu.memref_slice %arg6[%add3A_150, %dma_start3A_151] : memref<327680x32xf32, #tpu.memory_space<hbm>> -> memref<128x32xf32, #tpu.memory_space<hbm>>
      %dma_start3A_153 = arith.constant 0 : i32
      %dma_start3A_154 = tpu.memref_slice %arg6[%add3A_150, %dma_start3A_153] : memref<327680x32xf32, #tpu.memory_space<hbm>> -> memref<128x32xf32, #tpu.memory_space<hbm>>
      tpu.enqueue_dma source(%arg16 : memref<128x32xf32, #tpu.memory_space<vmem>>) target(%dma_start3A_154 : memref<128x32xf32, #tpu.memory_space<hbm>>) target_semaphore(%arg26 : memref<!tpu.dma_semaphore, #tpu.memory_space<semaphore_mem>>)
      %add3A_155 = arith.constant 2 : i32
      %add3A_156 = arith.addi %mul3A_12, %add3A_155 : i32
      %mul3A_157 = arith.constant 128 : i32
      %mul3A_158 = arith.muli %add3A_156, %mul3A_157 : i32
      %add3A_159 = arith.addi %mul3A_2, %mul3A_158 : i32
      %dma_start3A_160 = arith.constant 0 : i32
      %dma_start3A_161 = tpu.memref_slice %arg5[%add3A_159, %dma_start3A_160] : memref<327680x32xf32, #tpu.memory_space<hbm>> -> memref<128x32xf32, #tpu.memory_space<hbm>>
      %dma_start3A_162 = arith.constant 0 : i32
      %dma_start3A_163 = tpu.memref_slice %arg5[%add3A_159, %dma_start3A_162] : memref<327680x32xf32, #tpu.memory_space<hbm>> -> memref<128x32xf32, #tpu.memory_space<hbm>>
      tpu.enqueue_dma source(%arg9 : memref<128x32xf32, #tpu.memory_space<vmem>>) target(%dma_start3A_163 : memref<128x32xf32, #tpu.memory_space<hbm>>) target_semaphore(%arg26 : memref<!tpu.dma_semaphore, #tpu.memory_space<semaphore_mem>>)
      %mul3A_164 = arith.constant 128 : i32
      %mul3A_165 = arith.muli %add3A_156, %mul3A_164 : i32
      %add3A_166 = arith.addi %mul3A_2, %mul3A_165 : i32
      %dma_start3A_167 = arith.constant 0 : i32
      %dma_start3A_168 = tpu.memref_slice %arg6[%add3A_166, %dma_start3A_167] : memref<327680x32xf32, #tpu.memory_space<hbm>> -> memref<128x32xf32, #tpu.memory_space<hbm>>
      %dma_start3A_169 = arith.constant 0 : i32
      %dma_start3A_170 = tpu.memref_slice %arg6[%add3A_166, %dma_start3A_169] : memref<327680x32xf32, #tpu.memory_space<hbm>> -> memref<128x32xf32, #tpu.memory_space<hbm>>
      tpu.enqueue_dma source(%arg17 : memref<128x32xf32, #tpu.memory_space<vmem>>) target(%dma_start3A_170 : memref<128x32xf32, #tpu.memory_space<hbm>>) target_semaphore(%arg26 : memref<!tpu.dma_semaphore, #tpu.memory_space<semaphore_mem>>)
      %add3A_171 = arith.constant 3 : i32
      %add3A_172 = arith.addi %mul3A_12, %add3A_171 : i32
      %mul3A_173 = arith.constant 128 : i32
      %mul3A_174 = arith.muli %add3A_172, %mul3A_173 : i32
      %add3A_175 = arith.addi %mul3A_2, %mul3A_174 : i32
      %dma_start3A_176 = arith.constant 0 : i32
      %dma_start3A_177 = tpu.memref_slice %arg5[%add3A_175, %dma_start3A_176] : memref<327680x32xf32, #tpu.memory_space<hbm>> -> memref<128x32xf32, #tpu.memory_space<hbm>>
      %dma_start3A_178 = arith.constant 0 : i32
      %dma_start3A_179 = tpu.memref_slice %arg5[%add3A_175, %dma_start3A_178] : memref<327680x32xf32, #tpu.memory_space<hbm>> -> memref<128x32xf32, #tpu.memory_space<hbm>>
      tpu.enqueue_dma source(%arg10 : memref<128x32xf32, #tpu.memory_space<vmem>>) target(%dma_start3A_179 : memref<128x32xf32, #tpu.memory_space<hbm>>) target_semaphore(%arg26 : memref<!tpu.dma_semaphore, #tpu.memory_space<semaphore_mem>>)
      %mul3A_180 = arith.constant 128 : i32
      %mul3A_181 = arith.muli %add3A_172, %mul3A_180 : i32
      %add3A_182 = arith.addi %mul3A_2, %mul3A_181 : i32
      %dma_start3A_183 = arith.constant 0 : i32
      %dma_start3A_184 = tpu.memref_slice %arg6[%add3A_182, %dma_start3A_183] : memref<327680x32xf32, #tpu.memory_space<hbm>> -> memref<128x32xf32, #tpu.memory_space<hbm>>
      %dma_start3A_185 = arith.constant 0 : i32
      %dma_start3A_186 = tpu.memref_slice %arg6[%add3A_182, %dma_start3A_185] : memref<327680x32xf32, #tpu.memory_space<hbm>> -> memref<128x32xf32, #tpu.memory_space<hbm>>
      tpu.enqueue_dma source(%arg18 : memref<128x32xf32, #tpu.memory_space<vmem>>) target(%dma_start3A_186 : memref<128x32xf32, #tpu.memory_space<hbm>>) target_semaphore(%arg26 : memref<!tpu.dma_semaphore, #tpu.memory_space<semaphore_mem>>)
      %add3A_187 = arith.constant 4 : i32
      %add3A_188 = arith.addi %mul3A_12, %add3A_187 : i32
      %add3A_189 = arith.constant 0 : i32
      %add3A_190 = arith.addi %add3A_188, %add3A_189 : i32
      %dma_start3A_191 = arith.constant 0 : i32
      %dma_start3A_192 = tpu.memref_slice %arg23[%add3A_190, %dma_start3A_191] : memref<80x128xi32, #tpu.memory_space<vmem>> -> memref<1x128xi32, #tpu.memory_space<vmem>>
      %dma_start3A_193 = tpu.memref_squeeze %dma_start3A_192 : memref<1x128xi32, #tpu.memory_space<vmem>> -> memref<128xi32, #tpu.memory_space<vmem>>
      %dma_start3A_194 = arith.constant 0 : i32
      %dma_start3A_195 = arith.constant 0 : i32
      %dma_start3A_196 = tpu.memref_slice %arg2[%dma_start3A_194, %dma_start3A_195] : memref<10112x32xf32, #tpu.memory_space<hbm>> -> memref<10112x32xf32, #tpu.memory_space<hbm>>
      tpu.enqueue_indirect_dma source(%dma_start3A_196 : memref<10112x32xf32, #tpu.memory_space<hbm>>) target(%arg11 : memref<128x32xf32, #tpu.memory_space<vmem>>) offsets(%dma_start3A_193 : memref<128xi32, #tpu.memory_space<vmem>>) semaphore(%arg25 : memref<!tpu.dma_semaphore, #tpu.memory_space<semaphore_mem>>)
      %add3A_197 = arith.constant 0 : i32
      %add3A_198 = arith.addi %add3A_188, %add3A_197 : i32
      %dma_start3A_199 = arith.constant 0 : i32
      %dma_start3A_200 = tpu.memref_slice %arg24[%add3A_198, %dma_start3A_199] : memref<80x128xi32, #tpu.memory_space<vmem>> -> memref<1x128xi32, #tpu.memory_space<vmem>>
      %dma_start3A_201 = tpu.memref_squeeze %dma_start3A_200 : memref<1x128xi32, #tpu.memory_space<vmem>> -> memref<128xi32, #tpu.memory_space<vmem>>
      %dma_start3A_202 = arith.constant 0 : i32
      %dma_start3A_203 = arith.constant 0 : i32
      %dma_start3A_204 = tpu.memref_slice %arg2[%dma_start3A_202, %dma_start3A_203] : memref<10112x32xf32, #tpu.memory_space<hbm>> -> memref<10112x32xf32, #tpu.memory_space<hbm>>
      tpu.enqueue_indirect_dma source(%dma_start3A_204 : memref<10112x32xf32, #tpu.memory_space<hbm>>) target(%arg19 : memref<128x32xf32, #tpu.memory_space<vmem>>) offsets(%dma_start3A_201 : memref<128xi32, #tpu.memory_space<vmem>>) semaphore(%arg25 : memref<!tpu.dma_semaphore, #tpu.memory_space<semaphore_mem>>)
      %add3A_205 = arith.constant 1 : i32
      %add3A_206 = arith.addi %add3A_188, %add3A_205 : i32
      %dma_start3A_207 = arith.constant 0 : i32
      %dma_start3A_208 = tpu.memref_slice %arg23[%add3A_206, %dma_start3A_207] : memref<80x128xi32, #tpu.memory_space<vmem>> -> memref<1x128xi32, #tpu.memory_space<vmem>>
      %dma_start3A_209 = tpu.memref_squeeze %dma_start3A_208 : memref<1x128xi32, #tpu.memory_space<vmem>> -> memref<128xi32, #tpu.memory_space<vmem>>
      %dma_start3A_210 = arith.constant 0 : i32
      %dma_start3A_211 = arith.constant 0 : i32
      %dma_start3A_212 = tpu.memref_slice %arg2[%dma_start3A_210, %dma_start3A_211] : memref<10112x32xf32, #tpu.memory_space<hbm>> -> memref<10112x32xf32, #tpu.memory_space<hbm>>
      tpu.enqueue_indirect_dma source(%dma_start3A_212 : memref<10112x32xf32, #tpu.memory_space<hbm>>) target(%arg12 : memref<128x32xf32, #tpu.memory_space<vmem>>) offsets(%dma_start3A_209 : memref<128xi32, #tpu.memory_space<vmem>>) semaphore(%arg25 : memref<!tpu.dma_semaphore, #tpu.memory_space<semaphore_mem>>)
      %add3A_213 = arith.constant 1 : i32
      %add3A_214 = arith.addi %add3A_188, %add3A_213 : i32
      %dma_start3A_215 = arith.constant 0 : i32
      %dma_start3A_216 = tpu.memref_slice %arg24[%add3A_214, %dma_start3A_215] : memref<80x128xi32, #tpu.memory_space<vmem>> -> memref<1x128xi32, #tpu.memory_space<vmem>>
      %dma_start3A_217 = tpu.memref_squeeze %dma_start3A_216 : memref<1x128xi32, #tpu.memory_space<vmem>> -> memref<128xi32, #tpu.memory_space<vmem>>
      %dma_start3A_218 = arith.constant 0 : i32
      %dma_start3A_219 = arith.constant 0 : i32
      %dma_start3A_220 = tpu.memref_slice %arg2[%dma_start3A_218, %dma_start3A_219] : memref<10112x32xf32, #tpu.memory_space<hbm>> -> memref<10112x32xf32, #tpu.memory_space<hbm>>
      tpu.enqueue_indirect_dma source(%dma_start3A_220 : memref<10112x32xf32, #tpu.memory_space<hbm>>) target(%arg20 : memref<128x32xf32, #tpu.memory_space<vmem>>) offsets(%dma_start3A_217 : memref<128xi32, #tpu.memory_space<vmem>>) semaphore(%arg25 : memref<!tpu.dma_semaphore, #tpu.memory_space<semaphore_mem>>)
      %add3A_221 = arith.constant 2 : i32
      %add3A_222 = arith.addi %add3A_188, %add3A_221 : i32
      %dma_start3A_223 = arith.constant 0 : i32
      %dma_start3A_224 = tpu.memref_slice %arg23[%add3A_222, %dma_start3A_223] : memref<80x128xi32, #tpu.memory_space<vmem>> -> memref<1x128xi32, #tpu.memory_space<vmem>>
      %dma_start3A_225 = tpu.memref_squeeze %dma_start3A_224 : memref<1x128xi32, #tpu.memory_space<vmem>> -> memref<128xi32, #tpu.memory_space<vmem>>
      %dma_start3A_226 = arith.constant 0 : i32
      %dma_start3A_227 = arith.constant 0 : i32
      %dma_start3A_228 = tpu.memref_slice %arg2[%dma_start3A_226, %dma_start3A_227] : memref<10112x32xf32, #tpu.memory_space<hbm>> -> memref<10112x32xf32, #tpu.memory_space<hbm>>
      tpu.enqueue_indirect_dma source(%dma_start3A_228 : memref<10112x32xf32, #tpu.memory_space<hbm>>) target(%arg13 : memref<128x32xf32, #tpu.memory_space<vmem>>) offsets(%dma_start3A_225 : memref<128xi32, #tpu.memory_space<vmem>>) semaphore(%arg25 : memref<!tpu.dma_semaphore, #tpu.memory_space<semaphore_mem>>)
      %add3A_229 = arith.constant 2 : i32
      %add3A_230 = arith.addi %add3A_188, %add3A_229 : i32
      %dma_start3A_231 = arith.constant 0 : i32
      %dma_start3A_232 = tpu.memref_slice %arg24[%add3A_230, %dma_start3A_231] : memref<80x128xi32, #tpu.memory_space<vmem>> -> memref<1x128xi32, #tpu.memory_space<vmem>>
      %dma_start3A_233 = tpu.memref_squeeze %dma_start3A_232 : memref<1x128xi32, #tpu.memory_space<vmem>> -> memref<128xi32, #tpu.memory_space<vmem>>
      %dma_start3A_234 = arith.constant 0 : i32
      %dma_start3A_235 = arith.constant 0 : i32
      %dma_start3A_236 = tpu.memref_slice %arg2[%dma_start3A_234, %dma_start3A_235] : memref<10112x32xf32, #tpu.memory_space<hbm>> -> memref<10112x32xf32, #tpu.memory_space<hbm>>
      tpu.enqueue_indirect_dma source(%dma_start3A_236 : memref<10112x32xf32, #tpu.memory_space<hbm>>) target(%arg21 : memref<128x32xf32, #tpu.memory_space<vmem>>) offsets(%dma_start3A_233 : memref<128xi32, #tpu.memory_space<vmem>>) semaphore(%arg25 : memref<!tpu.dma_semaphore, #tpu.memory_space<semaphore_mem>>)
      %add3A_237 = arith.constant 3 : i32
      %add3A_238 = arith.addi %add3A_188, %add3A_237 : i32
      %dma_start3A_239 = arith.constant 0 : i32
      %dma_start3A_240 = tpu.memref_slice %arg23[%add3A_238, %dma_start3A_239] : memref<80x128xi32, #tpu.memory_space<vmem>> -> memref<1x128xi32, #tpu.memory_space<vmem>>
      %dma_start3A_241 = tpu.memref_squeeze %dma_start3A_240 : memref<1x128xi32, #tpu.memory_space<vmem>> -> memref<128xi32, #tpu.memory_space<vmem>>
      %dma_start3A_242 = arith.constant 0 : i32
      %dma_start3A_243 = arith.constant 0 : i32
      %dma_start3A_244 = tpu.memref_slice %arg2[%dma_start3A_242, %dma_start3A_243] : memref<10112x32xf32, #tpu.memory_space<hbm>> -> memref<10112x32xf32, #tpu.memory_space<hbm>>
      tpu.enqueue_indirect_dma source(%dma_start3A_244 : memref<10112x32xf32, #tpu.memory_space<hbm>>) target(%arg14 : memref<128x32xf32, #tpu.memory_space<vmem>>) offsets(%dma_start3A_241 : memref<128xi32, #tpu.memory_space<vmem>>) semaphore(%arg25 : memref<!tpu.dma_semaphore, #tpu.memory_space<semaphore_mem>>)
      %add3A_245 = arith.constant 3 : i32
      %add3A_246 = arith.addi %add3A_188, %add3A_245 : i32
      %dma_start3A_247 = arith.constant 0 : i32
      %dma_start3A_248 = tpu.memref_slice %arg24[%add3A_246, %dma_start3A_247] : memref<80x128xi32, #tpu.memory_space<vmem>> -> memref<1x128xi32, #tpu.memory_space<vmem>>
      %dma_start3A_249 = tpu.memref_squeeze %dma_start3A_248 : memref<1x128xi32, #tpu.memory_space<vmem>> -> memref<128xi32, #tpu.memory_space<vmem>>
      %dma_start3A_250 = arith.constant 0 : i32
      %dma_start3A_251 = arith.constant 0 : i32
      %dma_start3A_252 = tpu.memref_slice %arg2[%dma_start3A_250, %dma_start3A_251] : memref<10112x32xf32, #tpu.memory_space<hbm>> -> memref<10112x32xf32, #tpu.memory_space<hbm>>
      tpu.enqueue_indirect_dma source(%dma_start3A_252 : memref<10112x32xf32, #tpu.memory_space<hbm>>) target(%arg22 : memref<128x32xf32, #tpu.memory_space<vmem>>) offsets(%dma_start3A_249 : memref<128xi32, #tpu.memory_space<vmem>>) semaphore(%arg25 : memref<!tpu.dma_semaphore, #tpu.memory_space<semaphore_mem>>)
      %dma_wait3A_253 = arith.constant 0 : i32
      %dma_wait3A_254 = tpu.memref_slice %arg23[%add3A_190, %dma_wait3A_253] : memref<80x128xi32, #tpu.memory_space<vmem>> -> memref<1x128xi32, #tpu.memory_space<vmem>>
      %dma_wait3A_255 = tpu.memref_squeeze %dma_wait3A_254 : memref<1x128xi32, #tpu.memory_space<vmem>> -> memref<128xi32, #tpu.memory_space<vmem>>
      %dma_wait3A_256 = arith.constant 0 : i32
      %dma_wait3A_257 = arith.constant 0 : i32
      %dma_wait3A_258 = tpu.memref_slice %arg2[%dma_wait3A_256, %dma_wait3A_257] : memref<10112x32xf32, #tpu.memory_space<hbm>> -> memref<10112x32xf32, #tpu.memory_space<hbm>>
      tpu.wait_indirect_dma semaphore(%arg25 : memref<!tpu.dma_semaphore, #tpu.memory_space<semaphore_mem>>) src(%dma_wait3A_258 : memref<10112x32xf32, #tpu.memory_space<hbm>>) dst(%arg11 : memref<128x32xf32, #tpu.memory_space<vmem>>)
      %dma_wait3A_259 = arith.constant 0 : i32
      %dma_wait3A_260 = tpu.memref_slice %arg24[%add3A_198, %dma_wait3A_259] : memref<80x128xi32, #tpu.memory_space<vmem>> -> memref<1x128xi32, #tpu.memory_space<vmem>>
      %dma_wait3A_261 = tpu.memref_squeeze %dma_wait3A_260 : memref<1x128xi32, #tpu.memory_space<vmem>> -> memref<128xi32, #tpu.memory_space<vmem>>
      %dma_wait3A_262 = arith.constant 0 : i32
      %dma_wait3A_263 = arith.constant 0 : i32
      %dma_wait3A_264 = tpu.memref_slice %arg2[%dma_wait3A_262, %dma_wait3A_263] : memref<10112x32xf32, #tpu.memory_space<hbm>> -> memref<10112x32xf32, #tpu.memory_space<hbm>>
      tpu.wait_indirect_dma semaphore(%arg25 : memref<!tpu.dma_semaphore, #tpu.memory_space<semaphore_mem>>) src(%dma_wait3A_264 : memref<10112x32xf32, #tpu.memory_space<hbm>>) dst(%arg19 : memref<128x32xf32, #tpu.memory_space<vmem>>)
      %dma_wait3A_265 = arith.constant 0 : i32
      %dma_wait3A_266 = tpu.memref_slice %arg23[%add3A_206, %dma_wait3A_265] : memref<80x128xi32, #tpu.memory_space<vmem>> -> memref<1x128xi32, #tpu.memory_space<vmem>>
      %dma_wait3A_267 = tpu.memref_squeeze %dma_wait3A_266 : memref<1x128xi32, #tpu.memory_space<vmem>> -> memref<128xi32, #tpu.memory_space<vmem>>
      %dma_wait3A_268 = arith.constant 0 : i32
      %dma_wait3A_269 = arith.constant 0 : i32
      %dma_wait3A_270 = tpu.memref_slice %arg2[%dma_wait3A_268, %dma_wait3A_269] : memref<10112x32xf32, #tpu.memory_space<hbm>> -> memref<10112x32xf32, #tpu.memory_space<hbm>>
      tpu.wait_indirect_dma semaphore(%arg25 : memref<!tpu.dma_semaphore, #tpu.memory_space<semaphore_mem>>) src(%dma_wait3A_270 : memref<10112x32xf32, #tpu.memory_space<hbm>>) dst(%arg12 : memref<128x32xf32, #tpu.memory_space<vmem>>)
      %dma_wait3A_271 = arith.constant 0 : i32
      %dma_wait3A_272 = tpu.memref_slice %arg24[%add3A_214, %dma_wait3A_271] : memref<80x128xi32, #tpu.memory_space<vmem>> -> memref<1x128xi32, #tpu.memory_space<vmem>>
      %dma_wait3A_273 = tpu.memref_squeeze %dma_wait3A_272 : memref<1x128xi32, #tpu.memory_space<vmem>> -> memref<128xi32, #tpu.memory_space<vmem>>
      %dma_wait3A_274 = arith.constant 0 : i32
      %dma_wait3A_275 = arith.constant 0 : i32
      %dma_wait3A_276 = tpu.memref_slice %arg2[%dma_wait3A_274, %dma_wait3A_275] : memref<10112x32xf32, #tpu.memory_space<hbm>> -> memref<10112x32xf32, #tpu.memory_space<hbm>>
      tpu.wait_indirect_dma semaphore(%arg25 : memref<!tpu.dma_semaphore, #tpu.memory_space<semaphore_mem>>) src(%dma_wait3A_276 : memref<10112x32xf32, #tpu.memory_space<hbm>>) dst(%arg20 : memref<128x32xf32, #tpu.memory_space<vmem>>)
      %dma_wait3A_277 = arith.constant 0 : i32
      %dma_wait3A_278 = tpu.memref_slice %arg23[%add3A_222, %dma_wait3A_277] : memref<80x128xi32, #tpu.memory_space<vmem>> -> memref<1x128xi32, #tpu.memory_space<vmem>>
      %dma_wait3A_279 = tpu.memref_squeeze %dma_wait3A_278 : memref<1x128xi32, #tpu.memory_space<vmem>> -> memref<128xi32, #tpu.memory_space<vmem>>
      %dma_wait3A_280 = arith.constant 0 : i32
      %dma_wait3A_281 = arith.constant 0 : i32
      %dma_wait3A_282 = tpu.memref_slice %arg2[%dma_wait3A_280, %dma_wait3A_281] : memref<10112x32xf32, #tpu.memory_space<hbm>> -> memref<10112x32xf32, #tpu.memory_space<hbm>>
      tpu.wait_indirect_dma semaphore(%arg25 : memref<!tpu.dma_semaphore, #tpu.memory_space<semaphore_mem>>) src(%dma_wait3A_282 : memref<10112x32xf32, #tpu.memory_space<hbm>>) dst(%arg13 : memref<128x32xf32, #tpu.memory_space<vmem>>)
      %dma_wait3A_283 = arith.constant 0 : i32
      %dma_wait3A_284 = tpu.memref_slice %arg24[%add3A_230, %dma_wait3A_283] : memref<80x128xi32, #tpu.memory_space<vmem>> -> memref<1x128xi32, #tpu.memory_space<vmem>>
      %dma_wait3A_285 = tpu.memref_squeeze %dma_wait3A_284 : memref<1x128xi32, #tpu.memory_space<vmem>> -> memref<128xi32, #tpu.memory_space<vmem>>
      %dma_wait3A_286 = arith.constant 0 : i32
      %dma_wait3A_287 = arith.constant 0 : i32
      %dma_wait3A_288 = tpu.memref_slice %arg2[%dma_wait3A_286, %dma_wait3A_287] : memref<10112x32xf32, #tpu.memory_space<hbm>> -> memref<10112x32xf32, #tpu.memory_space<hbm>>
      tpu.wait_indirect_dma semaphore(%arg25 : memref<!tpu.dma_semaphore, #tpu.memory_space<semaphore_mem>>) src(%dma_wait3A_288 : memref<10112x32xf32, #tpu.memory_space<hbm>>) dst(%arg21 : memref<128x32xf32, #tpu.memory_space<vmem>>)
      %dma_wait3A_289 = arith.constant 0 : i32
      %dma_wait3A_290 = tpu.memref_slice %arg23[%add3A_238, %dma_wait3A_289] : memref<80x128xi32, #tpu.memory_space<vmem>> -> memref<1x128xi32, #tpu.memory_space<vmem>>
      %dma_wait3A_291 = tpu.memref_squeeze %dma_wait3A_290 : memref<1x128xi32, #tpu.memory_space<vmem>> -> memref<128xi32, #tpu.memory_space<vmem>>
      %dma_wait3A_292 = arith.constant 0 : i32
      %dma_wait3A_293 = arith.constant 0 : i32
      %dma_wait3A_294 = tpu.memref_slice %arg2[%dma_wait3A_292, %dma_wait3A_293] : memref<10112x32xf32, #tpu.memory_space<hbm>> -> memref<10112x32xf32, #tpu.memory_space<hbm>>
      tpu.wait_indirect_dma semaphore(%arg25 : memref<!tpu.dma_semaphore, #tpu.memory_space<semaphore_mem>>) src(%dma_wait3A_294 : memref<10112x32xf32, #tpu.memory_space<hbm>>) dst(%arg14 : memref<128x32xf32, #tpu.memory_space<vmem>>)
      %dma_wait3A_295 = arith.constant 0 : i32
      %dma_wait3A_296 = tpu.memref_slice %arg24[%add3A_246, %dma_wait3A_295] : memref<80x128xi32, #tpu.memory_space<vmem>> -> memref<1x128xi32, #tpu.memory_space<vmem>>
      %dma_wait3A_297 = tpu.memref_squeeze %dma_wait3A_296 : memref<1x128xi32, #tpu.memory_space<vmem>> -> memref<128xi32, #tpu.memory_space<vmem>>
      %dma_wait3A_298 = arith.constant 0 : i32
      %dma_wait3A_299 = arith.constant 0 : i32
      %dma_wait3A_300 = tpu.memref_slice %arg2[%dma_wait3A_298, %dma_wait3A_299] : memref<10112x32xf32, #tpu.memory_space<hbm>> -> memref<10112x32xf32, #tpu.memory_space<hbm>>
      tpu.wait_indirect_dma semaphore(%arg25 : memref<!tpu.dma_semaphore, #tpu.memory_space<semaphore_mem>>) src(%dma_wait3A_300 : memref<10112x32xf32, #tpu.memory_space<hbm>>) dst(%arg22 : memref<128x32xf32, #tpu.memory_space<vmem>>)
      %add3A_301 = arith.constant 4 : i32
      %add3A_302 = arith.addi %mul3A_12, %add3A_301 : i32
      %add3A_303 = arith.constant 0 : i32
      %add3A_304 = arith.addi %add3A_302, %add3A_303 : i32
      %mul3A_305 = arith.constant 128 : i32
      %mul3A_306 = arith.muli %add3A_304, %mul3A_305 : i32
      %add3A_307 = arith.addi %mul3A_2, %mul3A_306 : i32
      %dma_start3A_308 = arith.constant 0 : i32
      %dma_start3A_309 = tpu.memref_slice %arg5[%add3A_307, %dma_start3A_308] : memref<327680x32xf32, #tpu.memory_space<hbm>> -> memref<128x32xf32, #tpu.memory_space<hbm>>
      %dma_start3A_310 = arith.constant 0 : i32
      %dma_start3A_311 = tpu.memref_slice %arg5[%add3A_307, %dma_start3A_310] : memref<327680x32xf32, #tpu.memory_space<hbm>> -> memref<128x32xf32, #tpu.memory_space<hbm>>
      tpu.enqueue_dma source(%arg11 : memref<128x32xf32, #tpu.memory_space<vmem>>) target(%dma_start3A_311 : memref<128x32xf32, #tpu.memory_space<hbm>>) target_semaphore(%arg26 : memref<!tpu.dma_semaphore, #tpu.memory_space<semaphore_mem>>)
      %mul3A_312 = arith.constant 128 : i32
      %mul3A_313 = arith.muli %add3A_304, %mul3A_312 : i32
      %add3A_314 = arith.addi %mul3A_2, %mul3A_313 : i32
      %dma_start3A_315 = arith.constant 0 : i32
      %dma_start3A_316 = tpu.memref_slice %arg6[%add3A_314, %dma_start3A_315] : memref<327680x32xf32, #tpu.memory_space<hbm>> -> memref<128x32xf32, #tpu.memory_space<hbm>>
      %dma_start3A_317 = arith.constant 0 : i32
      %dma_start3A_318 = tpu.memref_slice %arg6[%add3A_314, %dma_start3A_317] : memref<327680x32xf32, #tpu.memory_space<hbm>> -> memref<128x32xf32, #tpu.memory_space<hbm>>
      tpu.enqueue_dma source(%arg19 : memref<128x32xf32, #tpu.memory_space<vmem>>) target(%dma_start3A_318 : memref<128x32xf32, #tpu.memory_space<hbm>>) target_semaphore(%arg26 : memref<!tpu.dma_semaphore, #tpu.memory_space<semaphore_mem>>)
      %add3A_319 = arith.constant 1 : i32
      %add3A_320 = arith.addi %add3A_302, %add3A_319 : i32
      %mul3A_321 = arith.constant 128 : i32
      %mul3A_322 = arith.muli %add3A_320, %mul3A_321 : i32
      %add3A_323 = arith.addi %mul3A_2, %mul3A_322 : i32
      %dma_start3A_324 = arith.constant 0 : i32
      %dma_start3A_325 = tpu.memref_slice %arg5[%add3A_323, %dma_start3A_324] : memref<327680x32xf32, #tpu.memory_space<hbm>> -> memref<128x32xf32, #tpu.memory_space<hbm>>
      %dma_start3A_326 = arith.constant 0 : i32
      %dma_start3A_327 = tpu.memref_slice %arg5[%add3A_323, %dma_start3A_326] : memref<327680x32xf32, #tpu.memory_space<hbm>> -> memref<128x32xf32, #tpu.memory_space<hbm>>
      tpu.enqueue_dma source(%arg12 : memref<128x32xf32, #tpu.memory_space<vmem>>) target(%dma_start3A_327 : memref<128x32xf32, #tpu.memory_space<hbm>>) target_semaphore(%arg26 : memref<!tpu.dma_semaphore, #tpu.memory_space<semaphore_mem>>)
      %mul3A_328 = arith.constant 128 : i32
      %mul3A_329 = arith.muli %add3A_320, %mul3A_328 : i32
      %add3A_330 = arith.addi %mul3A_2, %mul3A_329 : i32
      %dma_start3A_331 = arith.constant 0 : i32
      %dma_start3A_332 = tpu.memref_slice %arg6[%add3A_330, %dma_start3A_331] : memref<327680x32xf32, #tpu.memory_space<hbm>> -> memref<128x32xf32, #tpu.memory_space<hbm>>
      %dma_start3A_333 = arith.constant 0 : i32
      %dma_start3A_334 = tpu.memref_slice %arg6[%add3A_330, %dma_start3A_333] : memref<327680x32xf32, #tpu.memory_space<hbm>> -> memref<128x32xf32, #tpu.memory_space<hbm>>
      tpu.enqueue_dma source(%arg20 : memref<128x32xf32, #tpu.memory_space<vmem>>) target(%dma_start3A_334 : memref<128x32xf32, #tpu.memory_space<hbm>>) target_semaphore(%arg26 : memref<!tpu.dma_semaphore, #tpu.memory_space<semaphore_mem>>)
      %add3A_335 = arith.constant 2 : i32
      %add3A_336 = arith.addi %add3A_302, %add3A_335 : i32
      %mul3A_337 = arith.constant 128 : i32
      %mul3A_338 = arith.muli %add3A_336, %mul3A_337 : i32
      %add3A_339 = arith.addi %mul3A_2, %mul3A_338 : i32
      %dma_start3A_340 = arith.constant 0 : i32
      %dma_start3A_341 = tpu.memref_slice %arg5[%add3A_339, %dma_start3A_340] : memref<327680x32xf32, #tpu.memory_space<hbm>> -> memref<128x32xf32, #tpu.memory_space<hbm>>
      %dma_start3A_342 = arith.constant 0 : i32
      %dma_start3A_343 = tpu.memref_slice %arg5[%add3A_339, %dma_start3A_342] : memref<327680x32xf32, #tpu.memory_space<hbm>> -> memref<128x32xf32, #tpu.memory_space<hbm>>
      tpu.enqueue_dma source(%arg13 : memref<128x32xf32, #tpu.memory_space<vmem>>) target(%dma_start3A_343 : memref<128x32xf32, #tpu.memory_space<hbm>>) target_semaphore(%arg26 : memref<!tpu.dma_semaphore, #tpu.memory_space<semaphore_mem>>)
      %mul3A_344 = arith.constant 128 : i32
      %mul3A_345 = arith.muli %add3A_336, %mul3A_344 : i32
      %add3A_346 = arith.addi %mul3A_2, %mul3A_345 : i32
      %dma_start3A_347 = arith.constant 0 : i32
      %dma_start3A_348 = tpu.memref_slice %arg6[%add3A_346, %dma_start3A_347] : memref<327680x32xf32, #tpu.memory_space<hbm>> -> memref<128x32xf32, #tpu.memory_space<hbm>>
      %dma_start3A_349 = arith.constant 0 : i32
      %dma_start3A_350 = tpu.memref_slice %arg6[%add3A_346, %dma_start3A_349] : memref<327680x32xf32, #tpu.memory_space<hbm>> -> memref<128x32xf32, #tpu.memory_space<hbm>>
      tpu.enqueue_dma source(%arg21 : memref<128x32xf32, #tpu.memory_space<vmem>>) target(%dma_start3A_350 : memref<128x32xf32, #tpu.memory_space<hbm>>) target_semaphore(%arg26 : memref<!tpu.dma_semaphore, #tpu.memory_space<semaphore_mem>>)
      %add3A_351 = arith.constant 3 : i32
      %add3A_352 = arith.addi %add3A_302, %add3A_351 : i32
      %mul3A_353 = arith.constant 128 : i32
      %mul3A_354 = arith.muli %add3A_352, %mul3A_353 : i32
      %add3A_355 = arith.addi %mul3A_2, %mul3A_354 : i32
      %dma_start3A_356 = arith.constant 0 : i32
      %dma_start3A_357 = tpu.memref_slice %arg5[%add3A_355, %dma_start3A_356] : memref<327680x32xf32, #tpu.memory_space<hbm>> -> memref<128x32xf32, #tpu.memory_space<hbm>>
      %dma_start3A_358 = arith.constant 0 : i32
      %dma_start3A_359 = tpu.memref_slice %arg5[%add3A_355, %dma_start3A_358] : memref<327680x32xf32, #tpu.memory_space<hbm>> -> memref<128x32xf32, #tpu.memory_space<hbm>>
      tpu.enqueue_dma source(%arg14 : memref<128x32xf32, #tpu.memory_space<vmem>>) target(%dma_start3A_359 : memref<128x32xf32, #tpu.memory_space<hbm>>) target_semaphore(%arg26 : memref<!tpu.dma_semaphore, #tpu.memory_space<semaphore_mem>>)
      %mul3A_360 = arith.constant 128 : i32
      %mul3A_361 = arith.muli %add3A_352, %mul3A_360 : i32
      %add3A_362 = arith.addi %mul3A_2, %mul3A_361 : i32
      %dma_start3A_363 = arith.constant 0 : i32
      %dma_start3A_364 = tpu.memref_slice %arg6[%add3A_362, %dma_start3A_363] : memref<327680x32xf32, #tpu.memory_space<hbm>> -> memref<128x32xf32, #tpu.memory_space<hbm>>
      %dma_start3A_365 = arith.constant 0 : i32
      %dma_start3A_366 = tpu.memref_slice %arg6[%add3A_362, %dma_start3A_365] : memref<327680x32xf32, #tpu.memory_space<hbm>> -> memref<128x32xf32, #tpu.memory_space<hbm>>
      tpu.enqueue_dma source(%arg22 : memref<128x32xf32, #tpu.memory_space<vmem>>) target(%dma_start3A_366 : memref<128x32xf32, #tpu.memory_space<hbm>>) target_semaphore(%arg26 : memref<!tpu.dma_semaphore, #tpu.memory_space<semaphore_mem>>)
      %dma_wait3A_367 = arith.constant 0 : i32
      %dma_wait3A_368 = tpu.memref_slice %arg5[%add3A_127, %dma_wait3A_367] : memref<327680x32xf32, #tpu.memory_space<hbm>> -> memref<128x32xf32, #tpu.memory_space<hbm>>
      %dma_wait3A_369 = arith.constant 0 : i32
      %dma_wait3A_370 = tpu.memref_slice %arg5[%add3A_127, %dma_wait3A_369] : memref<327680x32xf32, #tpu.memory_space<hbm>> -> memref<128x32xf32, #tpu.memory_space<hbm>>
      tpu.wait_dma2 semaphore(%arg26 : memref<!tpu.dma_semaphore, #tpu.memory_space<semaphore_mem>>) src(%arg7 : memref<128x32xf32, #tpu.memory_space<vmem>>) dst(%dma_wait3A_370 : memref<128x32xf32, #tpu.memory_space<hbm>>)
      %dma_wait3A_371 = arith.constant 0 : i32
      %dma_wait3A_372 = tpu.memref_slice %arg6[%add3A_134, %dma_wait3A_371] : memref<327680x32xf32, #tpu.memory_space<hbm>> -> memref<128x32xf32, #tpu.memory_space<hbm>>
      %dma_wait3A_373 = arith.constant 0 : i32
      %dma_wait3A_374 = tpu.memref_slice %arg6[%add3A_134, %dma_wait3A_373] : memref<327680x32xf32, #tpu.memory_space<hbm>> -> memref<128x32xf32, #tpu.memory_space<hbm>>
      tpu.wait_dma2 semaphore(%arg26 : memref<!tpu.dma_semaphore, #tpu.memory_space<semaphore_mem>>) src(%arg15 : memref<128x32xf32, #tpu.memory_space<vmem>>) dst(%dma_wait3A_374 : memref<128x32xf32, #tpu.memory_space<hbm>>)
      %dma_wait3A_375 = arith.constant 0 : i32
      %dma_wait3A_376 = tpu.memref_slice %arg5[%add3A_143, %dma_wait3A_375] : memref<327680x32xf32, #tpu.memory_space<hbm>> -> memref<128x32xf32, #tpu.memory_space<hbm>>
      %dma_wait3A_377 = arith.constant 0 : i32
      %dma_wait3A_378 = tpu.memref_slice %arg5[%add3A_143, %dma_wait3A_377] : memref<327680x32xf32, #tpu.memory_space<hbm>> -> memref<128x32xf32, #tpu.memory_space<hbm>>
      tpu.wait_dma2 semaphore(%arg26 : memref<!tpu.dma_semaphore, #tpu.memory_space<semaphore_mem>>) src(%arg8 : memref<128x32xf32, #tpu.memory_space<vmem>>) dst(%dma_wait3A_378 : memref<128x32xf32, #tpu.memory_space<hbm>>)
      %dma_wait3A_379 = arith.constant 0 : i32
      %dma_wait3A_380 = tpu.memref_slice %arg6[%add3A_150, %dma_wait3A_379] : memref<327680x32xf32, #tpu.memory_space<hbm>> -> memref<128x32xf32, #tpu.memory_space<hbm>>
      %dma_wait3A_381 = arith.constant 0 : i32
      %dma_wait3A_382 = tpu.memref_slice %arg6[%add3A_150, %dma_wait3A_381] : memref<327680x32xf32, #tpu.memory_space<hbm>> -> memref<128x32xf32, #tpu.memory_space<hbm>>
      tpu.wait_dma2 semaphore(%arg26 : memref<!tpu.dma_semaphore, #tpu.memory_space<semaphore_mem>>) src(%arg16 : memref<128x32xf32, #tpu.memory_space<vmem>>) dst(%dma_wait3A_382 : memref<128x32xf32, #tpu.memory_space<hbm>>)
      %dma_wait3A_383 = arith.constant 0 : i32
      %dma_wait3A_384 = tpu.memref_slice %arg5[%add3A_159, %dma_wait3A_383] : memref<327680x32xf32, #tpu.memory_space<hbm>> -> memref<128x32xf32, #tpu.memory_space<hbm>>
      %dma_wait3A_385 = arith.constant 0 : i32
      %dma_wait3A_386 = tpu.memref_slice %arg5[%add3A_159, %dma_wait3A_385] : memref<327680x32xf32, #tpu.memory_space<hbm>> -> memref<128x32xf32, #tpu.memory_space<hbm>>
      tpu.wait_dma2 semaphore(%arg26 : memref<!tpu.dma_semaphore, #tpu.memory_space<semaphore_mem>>) src(%arg9 : memref<128x32xf32, #tpu.memory_space<vmem>>) dst(%dma_wait3A_386 : memref<128x32xf32, #tpu.memory_space<hbm>>)
      %dma_wait3A_387 = arith.constant 0 : i32
      %dma_wait3A_388 = tpu.memref_slice %arg6[%add3A_166, %dma_wait3A_387] : memref<327680x32xf32, #tpu.memory_space<hbm>> -> memref<128x32xf32, #tpu.memory_space<hbm>>
      %dma_wait3A_389 = arith.constant 0 : i32
      %dma_wait3A_390 = tpu.memref_slice %arg6[%add3A_166, %dma_wait3A_389] : memref<327680x32xf32, #tpu.memory_space<hbm>> -> memref<128x32xf32, #tpu.memory_space<hbm>>
      tpu.wait_dma2 semaphore(%arg26 : memref<!tpu.dma_semaphore, #tpu.memory_space<semaphore_mem>>) src(%arg17 : memref<128x32xf32, #tpu.memory_space<vmem>>) dst(%dma_wait3A_390 : memref<128x32xf32, #tpu.memory_space<hbm>>)
      %dma_wait3A_391 = arith.constant 0 : i32
      %dma_wait3A_392 = tpu.memref_slice %arg5[%add3A_175, %dma_wait3A_391] : memref<327680x32xf32, #tpu.memory_space<hbm>> -> memref<128x32xf32, #tpu.memory_space<hbm>>
      %dma_wait3A_393 = arith.constant 0 : i32
      %dma_wait3A_394 = tpu.memref_slice %arg5[%add3A_175, %dma_wait3A_393] : memref<327680x32xf32, #tpu.memory_space<hbm>> -> memref<128x32xf32, #tpu.memory_space<hbm>>
      tpu.wait_dma2 semaphore(%arg26 : memref<!tpu.dma_semaphore, #tpu.memory_space<semaphore_mem>>) src(%arg10 : memref<128x32xf32, #tpu.memory_space<vmem>>) dst(%dma_wait3A_394 : memref<128x32xf32, #tpu.memory_space<hbm>>)
      %dma_wait3A_395 = arith.constant 0 : i32
      %dma_wait3A_396 = tpu.memref_slice %arg6[%add3A_182, %dma_wait3A_395] : memref<327680x32xf32, #tpu.memory_space<hbm>> -> memref<128x32xf32, #tpu.memory_space<hbm>>
      %dma_wait3A_397 = arith.constant 0 : i32
      %dma_wait3A_398 = tpu.memref_slice %arg6[%add3A_182, %dma_wait3A_397] : memref<327680x32xf32, #tpu.memory_space<hbm>> -> memref<128x32xf32, #tpu.memory_space<hbm>>
      tpu.wait_dma2 semaphore(%arg26 : memref<!tpu.dma_semaphore, #tpu.memory_space<semaphore_mem>>) src(%arg18 : memref<128x32xf32, #tpu.memory_space<vmem>>) dst(%dma_wait3A_398 : memref<128x32xf32, #tpu.memory_space<hbm>>)
      %dma_wait3A_399 = arith.constant 0 : i32
      %dma_wait3A_400 = tpu.memref_slice %arg5[%add3A_307, %dma_wait3A_399] : memref<327680x32xf32, #tpu.memory_space<hbm>> -> memref<128x32xf32, #tpu.memory_space<hbm>>
      %dma_wait3A_401 = arith.constant 0 : i32
      %dma_wait3A_402 = tpu.memref_slice %arg5[%add3A_307, %dma_wait3A_401] : memref<327680x32xf32, #tpu.memory_space<hbm>> -> memref<128x32xf32, #tpu.memory_space<hbm>>
      tpu.wait_dma2 semaphore(%arg26 : memref<!tpu.dma_semaphore, #tpu.memory_space<semaphore_mem>>) src(%arg11 : memref<128x32xf32, #tpu.memory_space<vmem>>) dst(%dma_wait3A_402 : memref<128x32xf32, #tpu.memory_space<hbm>>)
      %dma_wait3A_403 = arith.constant 0 : i32
      %dma_wait3A_404 = tpu.memref_slice %arg6[%add3A_314, %dma_wait3A_403] : memref<327680x32xf32, #tpu.memory_space<hbm>> -> memref<128x32xf32, #tpu.memory_space<hbm>>
      %dma_wait3A_405 = arith.constant 0 : i32
      %dma_wait3A_406 = tpu.memref_slice %arg6[%add3A_314, %dma_wait3A_405] : memref<327680x32xf32, #tpu.memory_space<hbm>> -> memref<128x32xf32, #tpu.memory_space<hbm>>
      tpu.wait_dma2 semaphore(%arg26 : memref<!tpu.dma_semaphore, #tpu.memory_space<semaphore_mem>>) src(%arg19 : memref<128x32xf32, #tpu.memory_space<vmem>>) dst(%dma_wait3A_406 : memref<128x32xf32, #tpu.memory_space<hbm>>)
      %dma_wait3A_407 = arith.constant 0 : i32
      %dma_wait3A_408 = tpu.memref_slice %arg5[%add3A_323, %dma_wait3A_407] : memref<327680x32xf32, #tpu.memory_space<hbm>> -> memref<128x32xf32, #tpu.memory_space<hbm>>
      %dma_wait3A_409 = arith.constant 0 : i32
      %dma_wait3A_410 = tpu.memref_slice %arg5[%add3A_323, %dma_wait3A_409] : memref<327680x32xf32, #tpu.memory_space<hbm>> -> memref<128x32xf32, #tpu.memory_space<hbm>>
      tpu.wait_dma2 semaphore(%arg26 : memref<!tpu.dma_semaphore, #tpu.memory_space<semaphore_mem>>) src(%arg12 : memref<128x32xf32, #tpu.memory_space<vmem>>) dst(%dma_wait3A_410 : memref<128x32xf32, #tpu.memory_space<hbm>>)
      %dma_wait3A_411 = arith.constant 0 : i32
      %dma_wait3A_412 = tpu.memref_slice %arg6[%add3A_330, %dma_wait3A_411] : memref<327680x32xf32, #tpu.memory_space<hbm>> -> memref<128x32xf32, #tpu.memory_space<hbm>>
      %dma_wait3A_413 = arith.constant 0 : i32
      %dma_wait3A_414 = tpu.memref_slice %arg6[%add3A_330, %dma_wait3A_413] : memref<327680x32xf32, #tpu.memory_space<hbm>> -> memref<128x32xf32, #tpu.memory_space<hbm>>
      tpu.wait_dma2 semaphore(%arg26 : memref<!tpu.dma_semaphore, #tpu.memory_space<semaphore_mem>>) src(%arg20 : memref<128x32xf32, #tpu.memory_space<vmem>>) dst(%dma_wait3A_414 : memref<128x32xf32, #tpu.memory_space<hbm>>)
      %dma_wait3A_415 = arith.constant 0 : i32
      %dma_wait3A_416 = tpu.memref_slice %arg5[%add3A_339, %dma_wait3A_415] : memref<327680x32xf32, #tpu.memory_space<hbm>> -> memref<128x32xf32, #tpu.memory_space<hbm>>
      %dma_wait3A_417 = arith.constant 0 : i32
      %dma_wait3A_418 = tpu.memref_slice %arg5[%add3A_339, %dma_wait3A_417] : memref<327680x32xf32, #tpu.memory_space<hbm>> -> memref<128x32xf32, #tpu.memory_space<hbm>>
      tpu.wait_dma2 semaphore(%arg26 : memref<!tpu.dma_semaphore, #tpu.memory_space<semaphore_mem>>) src(%arg13 : memref<128x32xf32, #tpu.memory_space<vmem>>) dst(%dma_wait3A_418 : memref<128x32xf32, #tpu.memory_space<hbm>>)
      %dma_wait3A_419 = arith.constant 0 : i32
      %dma_wait3A_420 = tpu.memref_slice %arg6[%add3A_346, %dma_wait3A_419] : memref<327680x32xf32, #tpu.memory_space<hbm>> -> memref<128x32xf32, #tpu.memory_space<hbm>>
      %dma_wait3A_421 = arith.constant 0 : i32
      %dma_wait3A_422 = tpu.memref_slice %arg6[%add3A_346, %dma_wait3A_421] : memref<327680x32xf32, #tpu.memory_space<hbm>> -> memref<128x32xf32, #tpu.memory_space<hbm>>
      tpu.wait_dma2 semaphore(%arg26 : memref<!tpu.dma_semaphore, #tpu.memory_space<semaphore_mem>>) src(%arg21 : memref<128x32xf32, #tpu.memory_space<vmem>>) dst(%dma_wait3A_422 : memref<128x32xf32, #tpu.memory_space<hbm>>)
      %dma_wait3A_423 = arith.constant 0 : i32
      %dma_wait3A_424 = tpu.memref_slice %arg5[%add3A_355, %dma_wait3A_423] : memref<327680x32xf32, #tpu.memory_space<hbm>> -> memref<128x32xf32, #tpu.memory_space<hbm>>
      %dma_wait3A_425 = arith.constant 0 : i32
      %dma_wait3A_426 = tpu.memref_slice %arg5[%add3A_355, %dma_wait3A_425] : memref<327680x32xf32, #tpu.memory_space<hbm>> -> memref<128x32xf32, #tpu.memory_space<hbm>>
      tpu.wait_dma2 semaphore(%arg26 : memref<!tpu.dma_semaphore, #tpu.memory_space<semaphore_mem>>) src(%arg14 : memref<128x32xf32, #tpu.memory_space<vmem>>) dst(%dma_wait3A_426 : memref<128x32xf32, #tpu.memory_space<hbm>>)
      %dma_wait3A_427 = arith.constant 0 : i32
      %dma_wait3A_428 = tpu.memref_slice %arg6[%add3A_362, %dma_wait3A_427] : memref<327680x32xf32, #tpu.memory_space<hbm>> -> memref<128x32xf32, #tpu.memory_space<hbm>>
      %dma_wait3A_429 = arith.constant 0 : i32
      %dma_wait3A_430 = tpu.memref_slice %arg6[%add3A_362, %dma_wait3A_429] : memref<327680x32xf32, #tpu.memory_space<hbm>> -> memref<128x32xf32, #tpu.memory_space<hbm>>
      tpu.wait_dma2 semaphore(%arg26 : memref<!tpu.dma_semaphore, #tpu.memory_space<semaphore_mem>>) src(%arg22 : memref<128x32xf32, #tpu.memory_space<vmem>>) dst(%dma_wait3A_430 : memref<128x32xf32, #tpu.memory_space<hbm>>)
    }
    %scan3A_7 = arith.constant 10 : i32
    return
  }
}

module attributes {stable_mosaic.version = 14 : i64} {
  func.func @_prep_body(%arg0: i32, %arg1: memref<2528x128xf32, #tpu.memory_space<vmem>>, %arg2: memref<2x2528x16xf32, #tpu.memory_space<vmem>>, %arg3: memref<2528x128xf32, #tpu.memory_space<vmem>>, %arg4: memref<2528x1xf32, #tpu.memory_space<vmem>>) attributes {dimension_semantics = [#tpu.dimension_semantics<arbitrary>], iteration_bounds = array<i64: 4>, scalar_prefetch = 0 : i64, scratch_operands = 0 : i64, tpu.core_type = #tpu.core_type<tc>, window_params = [{transform_indices = @transform_0, window_bounds = array<i64: 2528, 128>}, {transform_indices = @transform_1, window_bounds = array<i64: 2, 2528, 16>}, {transform_indices = @transform_2, window_bounds = array<i64: 2528, 128>}, {transform_indices = @transform_3, window_bounds = array<i64: 2528, 1>}]} {
    %get3A = arith.constant 0 : index
    %get3A_0 = arith.constant 0 : index
    %get3A_1 = arith.constant 0 : index
    %get3A_2 = vector.load %arg2[%get3A, %get3A_0, %get3A_1] : memref<2x2528x16xf32, #tpu.memory_space<vmem>>, vector<1x2528x16xf32>
    %get3A_3 = vector.shape_cast %get3A_2 : vector<1x2528x16xf32> to vector<2528x16xf32>
    %slice3A = vector.extract_strided_slice %get3A_3 {offsets = [0, 0], sizes = [2528, 1], strides = [1, 1]} : vector<2528x16xf32> to vector<2528x1xf32>
    %get3A_4 = arith.constant 1 : index
    %get3A_5 = arith.constant 0 : index
    %get3A_6 = arith.constant 0 : index
    %get3A_7 = vector.load %arg2[%get3A_4, %get3A_5, %get3A_6] : memref<2x2528x16xf32, #tpu.memory_space<vmem>>, vector<1x2528x16xf32>
    %get3A_8 = vector.shape_cast %get3A_7 : vector<1x2528x16xf32> to vector<2528x16xf32>
    %slice3A_9 = vector.extract_strided_slice %get3A_8 {offsets = [0, 0], sizes = [2528, 1], strides = [1, 1]} : vector<2528x16xf32> to vector<2528x1xf32>
    %add3A = arith.addf %slice3A, %slice3A_9 : vector<2528x1xf32>
    %add3A_10 = arith.constant 1.000000e+00 : f32
    %add3A_11 = vector.broadcast %add3A_10 : f32 to vector<2528x1xf32>
    %add3A_12 = arith.addf %add3A, %add3A_11 : vector<2528x1xf32>
    %rsqrt3A = math.rsqrt %add3A_12 : vector<2528x1xf32>
    %get3A_13 = arith.constant 0 : index
    %get3A_14 = arith.constant 0 : index
    %get3A_15 = vector.load %arg1[%get3A_13, %get3A_14] : memref<2528x128xf32, #tpu.memory_space<vmem>>, vector<2528x128xf32>
    %mul3A = vector.broadcast %rsqrt3A : vector<2528x1xf32> to vector<2528x128xf32>
    %mul3A_16 = arith.mulf %mul3A, %get3A_15 : vector<2528x128xf32>
    %swap3A = arith.constant 0 : index
    %swap3A_17 = arith.constant 0 : index
    %swap3A_18 = vector.load %arg3[%swap3A, %swap3A_17] : memref<2528x128xf32, #tpu.memory_space<vmem>>, vector<2528x128xf32>
    tpu.vector_store %arg3[%swap3A, %swap3A_17], %mul3A_16 {strides = array<i32>} : memref<2528x128xf32, #tpu.memory_space<vmem>>, vector<2528x128xf32>,
    %swap3A_19 = arith.constant 0 : index
    %swap3A_20 = arith.constant 0 : index
    %swap3A_21 = vector.load %arg4[%swap3A_19, %swap3A_20] : memref<2528x1xf32, #tpu.memory_space<vmem>>, vector<2528x1xf32>
    tpu.vector_store %arg4[%swap3A_19, %swap3A_20], %rsqrt3A {strides = array<i32>} : memref<2528x1xf32, #tpu.memory_space<vmem>>, vector<2528x1xf32>,
    return
  }
  func.func @transform_0(%arg0: i32) -> (i32, i32) {
    %c0_i32 = arith.constant 0 : i32
    %c0_i32_0 = arith.constant 0 : i32
    return %arg0, %c0_i32 : i32, i32
  }
  func.func @transform_1(%arg0: i32) -> (i32, i32, i32) {
    %c0_i32 = arith.constant 0 : i32
    %c0_i32_0 = arith.constant 0 : i32
    %c0_i32_1 = arith.constant 0 : i32
    return %c0_i32, %arg0, %c0_i32_0 : i32, i32, i32
  }
  func.func @transform_2(%arg0: i32) -> (i32, i32) {
    %c0_i32 = arith.constant 0 : i32
    %c0_i32_0 = arith.constant 0 : i32
    return %arg0, %c0_i32 : i32, i32
  }
  func.func @transform_3(%arg0: i32) -> (i32, i32) {
    %c0_i32 = arith.constant 0 : i32
    %c0_i32_0 = arith.constant 0 : i32
    return %arg0, %c0_i32 : i32, i32
  }
}

module attributes {stable_mosaic.version = 14 : i64} {
  func.func @_layer_body(%arg0: i32, %arg1: memref<2x2528x128xf32, #tpu.memory_space<vmem>>, %arg2: memref<2528x128xf32, #tpu.memory_space<vmem>>, %arg3: memref<2528x1xf32, #tpu.memory_space<vmem>>, %arg4: memref<128x32xbf16, #tpu.memory_space<vmem>>, %arg5: memref<1x32xf32, #tpu.memory_space<vmem>>, %arg6: memref<1x32xf32, #tpu.memory_space<vmem>>, %arg7: memref<1x32xf32, #tpu.memory_space<vmem>>, %arg8: memref<2528x32xf32, #tpu.memory_space<vmem>>) attributes {dimension_semantics = [#tpu.dimension_semantics<arbitrary>], iteration_bounds = array<i64: 4>, scalar_prefetch = 0 : i64, scratch_operands = 0 : i64, tpu.core_type = #tpu.core_type<tc>, window_params = [{transform_indices = @transform_0, window_bounds = array<i64: 2, 2528, 128>}, {transform_indices = @transform_1, window_bounds = array<i64: 2528, 128>}, {transform_indices = @transform_2, window_bounds = array<i64: 2528, 1>}, {pipeline_mode = #tpu.pipeline_mode<synchronous>, transform_indices = @transform_3, window_bounds = array<i64: 128, 32>}, {pipeline_mode = #tpu.pipeline_mode<synchronous>, transform_indices = @transform_4, window_bounds = array<i64: 1, 32>}, {pipeline_mode = #tpu.pipeline_mode<synchronous>, transform_indices = @transform_5, window_bounds = array<i64: 1, 32>}, {pipeline_mode = #tpu.pipeline_mode<synchronous>, transform_indices = @transform_6, window_bounds = array<i64: 1, 32>}, {transform_indices = @transform_7, window_bounds = array<i64: 2528, 32>}]} {
    %get3A = arith.constant 0 : index
    %get3A_0 = arith.constant 0 : index
    %get3A_1 = vector.load %arg3[%get3A, %get3A_0] : memref<2528x1xf32, #tpu.memory_space<vmem>>, vector<2528x1xf32>
    %get3A_2 = arith.constant 0 : index
    %get3A_3 = arith.constant 0 : index
    %get3A_4 = arith.constant 0 : index
    %get3A_5 = vector.load %arg1[%get3A_2, %get3A_3, %get3A_4] : memref<2x2528x128xf32, #tpu.memory_space<vmem>>, vector<1x2528x128xf32>
    %get3A_6 = vector.shape_cast %get3A_5 : vector<1x2528x128xf32> to vector<2528x128xf32>
    %get3A_7 = arith.constant 1 : index
    %get3A_8 = arith.constant 0 : index
    %get3A_9 = arith.constant 0 : index
    %get3A_10 = vector.load %arg1[%get3A_7, %get3A_8, %get3A_9] : memref<2x2528x128xf32, #tpu.memory_space<vmem>>, vector<1x2528x128xf32>
    %get3A_11 = vector.shape_cast %get3A_10 : vector<1x2528x128xf32> to vector<2528x128xf32>
    %add3A = arith.addf %get3A_6, %get3A_11 : vector<2528x128xf32>
    %get3A_12 = arith.constant 0 : index
    %get3A_13 = arith.constant 0 : index
    %get3A_14 = vector.load %arg2[%get3A_12, %get3A_13] : memref<2528x128xf32, #tpu.memory_space<vmem>>, vector<2528x128xf32>
    %add3A_15 = arith.addf %add3A, %get3A_14 : vector<2528x128xf32>
    %mul3A = vector.broadcast %get3A_1 : vector<2528x1xf32> to vector<2528x128xf32>
    %mul3A_16 = arith.mulf %mul3A, %add3A_15 : vector<2528x128xf32>
    %convert_element_type3A = arith.truncf %mul3A_16 : vector<2528x128xf32> to vector<2528x128xbf16>
    %get3A_17 = arith.constant 0 : index
    %get3A_18 = arith.constant 0 : index
    %get3A_19 = vector.load %arg4[%get3A_17, %get3A_18] : memref<128x32xbf16, #tpu.memory_space<vmem>>, vector<128x32xbf16>
    %dot_general3A = arith.constant dense<0.000000e+00> : vector<2528x32xf32>
    %dot_general3A_20 = tpu.matmul %convert_element_type3A, %get3A_19, %dot_general3A {dimension_numbers = #tpu.dot_dimension_numbers<[1], [0], [0], [1], [0, 0, 1, 1], [], []>, transpose_lhs_hint = false} : vector<2528x128xbf16>, vector<128x32xbf16>, vector<2528x32xf32> -> vector<2528x32xf32>
    %get3A_21 = arith.constant 0 : index
    %get3A_22 = arith.constant 0 : index
    %get3A_23 = vector.load %arg5[%get3A_21, %get3A_22] : memref<1x32xf32, #tpu.memory_space<vmem>>, vector<1x32xf32>
    %add3A_24 = vector.broadcast %get3A_23 : vector<1x32xf32> to vector<2528x32xf32>
    %add3A_25 = arith.addf %dot_general3A_20, %add3A_24 : vector<2528x32xf32>
    %reduce_sum3A = arith.constant dense<0.000000e+00> : vector<2528xf32>
    %reduce_sum3A_26 = vector.multi_reduction <add>, %add3A_25, %reduce_sum3A [1] : vector<2528x32xf32> to vector<2528xf32>
    %broadcast_in_dim3A = vector.shape_cast %reduce_sum3A_26 : vector<2528xf32> to vector<2528x1xf32>
    %div3A = arith.constant 3.200000e+01 : f32
    %div3A_27 = vector.broadcast %div3A : f32 to vector<2528x1xf32>
    %div3A_28 = arith.divf %broadcast_in_dim3A, %div3A_27 : vector<2528x1xf32>
    %sub3A = vector.broadcast %div3A_28 : vector<2528x1xf32> to vector<2528x32xf32>
    %sub3A_29 = arith.subf %add3A_25, %sub3A : vector<2528x32xf32>
    %integer_pow3A = arith.mulf %sub3A_29, %sub3A_29 : vector<2528x32xf32>
    %reduce_sum3A_30 = arith.constant dense<0.000000e+00> : vector<2528xf32>
    %reduce_sum3A_31 = vector.multi_reduction <add>, %integer_pow3A, %reduce_sum3A_30 [1] : vector<2528x32xf32> to vector<2528xf32>
    %broadcast_in_dim3A_32 = vector.shape_cast %reduce_sum3A_31 : vector<2528xf32> to vector<2528x1xf32>
    %div3A_33 = arith.constant 3.200000e+01 : f32
    %div3A_34 = vector.broadcast %div3A_33 : f32 to vector<2528x1xf32>
    %div3A_35 = arith.divf %broadcast_in_dim3A_32, %div3A_34 : vector<2528x1xf32>
    %sub3A_36 = vector.broadcast %div3A_28 : vector<2528x1xf32> to vector<2528x32xf32>
    %sub3A_37 = arith.subf %add3A_25, %sub3A_36 : vector<2528x32xf32>
    %add3A_38 = arith.constant 9.99999974E-6 : f32
    %add3A_39 = vector.broadcast %add3A_38 : f32 to vector<2528x1xf32>
    %add3A_40 = arith.addf %div3A_35, %add3A_39 : vector<2528x1xf32>
    %sqrt3A = math.sqrt %add3A_40 : vector<2528x1xf32>
    %div3A_41 = vector.broadcast %sqrt3A : vector<2528x1xf32> to vector<2528x32xf32>
    %div3A_42 = arith.divf %sub3A_37, %div3A_41 : vector<2528x32xf32>
    %get3A_43 = arith.constant 0 : index
    %get3A_44 = arith.constant 0 : index
    %get3A_45 = vector.load %arg6[%get3A_43, %get3A_44] : memref<1x32xf32, #tpu.memory_space<vmem>>, vector<1x32xf32>
    %mul3A_46 = vector.broadcast %get3A_45 : vector<1x32xf32> to vector<2528x32xf32>
    %mul3A_47 = arith.mulf %div3A_42, %mul3A_46 : vector<2528x32xf32>
    %get3A_48 = arith.constant 0 : index
    %get3A_49 = arith.constant 0 : index
    %get3A_50 = vector.load %arg7[%get3A_48, %get3A_49] : memref<1x32xf32, #tpu.memory_space<vmem>>, vector<1x32xf32>
    %add3A_51 = vector.broadcast %get3A_50 : vector<1x32xf32> to vector<2528x32xf32>
    %add3A_52 = arith.addf %mul3A_47, %add3A_51 : vector<2528x32xf32>
    %max3A = arith.constant 0.000000e+00 : f32
    %max3A_53 = vector.broadcast %max3A : f32 to vector<2528x32xf32>
    %max3A_54 = arith.maximumf %add3A_52, %max3A_53 : vector<2528x32xf32>
    %mul3A_55 = vector.broadcast %get3A_1 : vector<2528x1xf32> to vector<2528x32xf32>
    %mul3A_56 = arith.mulf %mul3A_55, %max3A_54 : vector<2528x32xf32>
    %swap3A = arith.constant 0 : index
    %swap3A_57 = arith.constant 0 : index
    %swap3A_58 = vector.load %arg8[%swap3A, %swap3A_57] : memref<2528x32xf32, #tpu.memory_space<vmem>>, vector<2528x32xf32>
    tpu.vector_store %arg8[%swap3A, %swap3A_57], %mul3A_56 {strides = array<i32>} : memref<2528x32xf32, #tpu.memory_space<vmem>>, vector<2528x32xf32>,
    return
  }
  func.func @transform_0(%arg0: i32) -> (i32, i32, i32) {
    %c0_i32 = arith.constant 0 : i32
    %c0_i32_0 = arith.constant 0 : i32
    %c0_i32_1 = arith.constant 0 : i32
    return %c0_i32, %arg0, %c0_i32_0 : i32, i32, i32
  }
  func.func @transform_1(%arg0: i32) -> (i32, i32) {
    %c0_i32 = arith.constant 0 : i32
    %c0_i32_0 = arith.constant 0 : i32
    return %arg0, %c0_i32 : i32, i32
  }
  func.func @transform_2(%arg0: i32) -> (i32, i32) {
    %c0_i32 = arith.constant 0 : i32
    %c0_i32_0 = arith.constant 0 : i32
    return %arg0, %c0_i32 : i32, i32
  }
  func.func @transform_3(%arg0: i32) -> (i32, i32) {
    %c0_i32 = arith.constant 0 : i32
    %c0_i32_0 = arith.constant 0 : i32
    %c0_i32_1 = arith.constant 0 : i32
    return %c0_i32, %c0_i32_0 : i32, i32
  }
  func.func @transform_4(%arg0: i32) -> (i32, i32) {
    %c0_i32 = arith.constant 0 : i32
    %c0_i32_0 = arith.constant 0 : i32
    %c0_i32_1 = arith.constant 0 : i32
    return %c0_i32, %c0_i32_0 : i32, i32
  }
  func.func @transform_5(%arg0: i32) -> (i32, i32) {
    %c0_i32 = arith.constant 0 : i32
    %c0_i32_0 = arith.constant 0 : i32
    %c0_i32_1 = arith.constant 0 : i32
    return %c0_i32, %c0_i32_0 : i32, i32
  }
  func.func @transform_6(%arg0: i32) -> (i32, i32) {
    %c0_i32 = arith.constant 0 : i32
    %c0_i32_0 = arith.constant 0 : i32
    %c0_i32_1 = arith.constant 0 : i32
    return %c0_i32, %c0_i32_0 : i32, i32
  }
  func.func @transform_7(%arg0: i32) -> (i32, i32) {
    %c0_i32 = arith.constant 0 : i32
    %c0_i32_0 = arith.constant 0 : i32
    return %arg0, %c0_i32 : i32, i32
  }
}

module attributes {stable_mosaic.version = 14 : i64} {
  func.func @_layer_body(%arg0: i32, %arg1: memref<2x2528x32xf32, #tpu.memory_space<vmem>>, %arg2: memref<2528x32xf32, #tpu.memory_space<vmem>>, %arg3: memref<2528x1xf32, #tpu.memory_space<vmem>>, %arg4: memref<32x32xbf16, #tpu.memory_space<vmem>>, %arg5: memref<1x32xf32, #tpu.memory_space<vmem>>, %arg6: memref<1x32xf32, #tpu.memory_space<vmem>>, %arg7: memref<1x32xf32, #tpu.memory_space<vmem>>, %arg8: memref<2528x32xf32, #tpu.memory_space<vmem>>) attributes {dimension_semantics = [#tpu.dimension_semantics<arbitrary>], iteration_bounds = array<i64: 4>, scalar_prefetch = 0 : i64, scratch_operands = 0 : i64, tpu.core_type = #tpu.core_type<tc>, window_params = [{transform_indices = @transform_0, window_bounds = array<i64: 2, 2528, 32>}, {transform_indices = @transform_1, window_bounds = array<i64: 2528, 32>}, {transform_indices = @transform_2, window_bounds = array<i64: 2528, 1>}, {pipeline_mode = #tpu.pipeline_mode<synchronous>, transform_indices = @transform_3, window_bounds = array<i64: 32, 32>}, {pipeline_mode = #tpu.pipeline_mode<synchronous>, transform_indices = @transform_4, window_bounds = array<i64: 1, 32>}, {pipeline_mode = #tpu.pipeline_mode<synchronous>, transform_indices = @transform_5, window_bounds = array<i64: 1, 32>}, {pipeline_mode = #tpu.pipeline_mode<synchronous>, transform_indices = @transform_6, window_bounds = array<i64: 1, 32>}, {transform_indices = @transform_7, window_bounds = array<i64: 2528, 32>}]} {
    %get3A = arith.constant 0 : index
    %get3A_0 = arith.constant 0 : index
    %get3A_1 = vector.load %arg3[%get3A, %get3A_0] : memref<2528x1xf32, #tpu.memory_space<vmem>>, vector<2528x1xf32>
    %get3A_2 = arith.constant 0 : index
    %get3A_3 = arith.constant 0 : index
    %get3A_4 = arith.constant 0 : index
    %get3A_5 = vector.load %arg1[%get3A_2, %get3A_3, %get3A_4] : memref<2x2528x32xf32, #tpu.memory_space<vmem>>, vector<1x2528x32xf32>
    %get3A_6 = vector.shape_cast %get3A_5 : vector<1x2528x32xf32> to vector<2528x32xf32>
    %get3A_7 = arith.constant 1 : index
    %get3A_8 = arith.constant 0 : index
    %get3A_9 = arith.constant 0 : index
    %get3A_10 = vector.load %arg1[%get3A_7, %get3A_8, %get3A_9] : memref<2x2528x32xf32, #tpu.memory_space<vmem>>, vector<1x2528x32xf32>
    %get3A_11 = vector.shape_cast %get3A_10 : vector<1x2528x32xf32> to vector<2528x32xf32>
    %add3A = arith.addf %get3A_6, %get3A_11 : vector<2528x32xf32>
    %get3A_12 = arith.constant 0 : index
    %get3A_13 = arith.constant 0 : index
    %get3A_14 = vector.load %arg2[%get3A_12, %get3A_13] : memref<2528x32xf32, #tpu.memory_space<vmem>>, vector<2528x32xf32>
    %add3A_15 = arith.addf %add3A, %get3A_14 : vector<2528x32xf32>
    %mul3A = vector.broadcast %get3A_1 : vector<2528x1xf32> to vector<2528x32xf32>
    %mul3A_16 = arith.mulf %mul3A, %add3A_15 : vector<2528x32xf32>
    %convert_element_type3A = arith.truncf %mul3A_16 : vector<2528x32xf32> to vector<2528x32xbf16>
    %get3A_17 = arith.constant 0 : index
    %get3A_18 = arith.constant 0 : index
    %get3A_19 = vector.load %arg4[%get3A_17, %get3A_18] : memref<32x32xbf16, #tpu.memory_space<vmem>>, vector<32x32xbf16>
    %dot_general3A = arith.constant dense<0.000000e+00> : vector<2528x32xf32>
    %dot_general3A_20 = tpu.matmul %convert_element_type3A, %get3A_19, %dot_general3A {dimension_numbers = #tpu.dot_dimension_numbers<[1], [0], [0], [1], [0, 0, 1, 1], [], []>, transpose_lhs_hint = false} : vector<2528x32xbf16>, vector<32x32xbf16>, vector<2528x32xf32> -> vector<2528x32xf32>
    %get3A_21 = arith.constant 0 : index
    %get3A_22 = arith.constant 0 : index
    %get3A_23 = vector.load %arg5[%get3A_21, %get3A_22] : memref<1x32xf32, #tpu.memory_space<vmem>>, vector<1x32xf32>
    %add3A_24 = vector.broadcast %get3A_23 : vector<1x32xf32> to vector<2528x32xf32>
    %add3A_25 = arith.addf %dot_general3A_20, %add3A_24 : vector<2528x32xf32>
    %reduce_sum3A = arith.constant dense<0.000000e+00> : vector<2528xf32>
    %reduce_sum3A_26 = vector.multi_reduction <add>, %add3A_25, %reduce_sum3A [1] : vector<2528x32xf32> to vector<2528xf32>
    %broadcast_in_dim3A = vector.shape_cast %reduce_sum3A_26 : vector<2528xf32> to vector<2528x1xf32>
    %div3A = arith.constant 3.200000e+01 : f32
    %div3A_27 = vector.broadcast %div3A : f32 to vector<2528x1xf32>
    %div3A_28 = arith.divf %broadcast_in_dim3A, %div3A_27 : vector<2528x1xf32>
    %sub3A = vector.broadcast %div3A_28 : vector<2528x1xf32> to vector<2528x32xf32>
    %sub3A_29 = arith.subf %add3A_25, %sub3A : vector<2528x32xf32>
    %integer_pow3A = arith.mulf %sub3A_29, %sub3A_29 : vector<2528x32xf32>
    %reduce_sum3A_30 = arith.constant dense<0.000000e+00> : vector<2528xf32>
    %reduce_sum3A_31 = vector.multi_reduction <add>, %integer_pow3A, %reduce_sum3A_30 [1] : vector<2528x32xf32> to vector<2528xf32>
    %broadcast_in_dim3A_32 = vector.shape_cast %reduce_sum3A_31 : vector<2528xf32> to vector<2528x1xf32>
    %div3A_33 = arith.constant 3.200000e+01 : f32
    %div3A_34 = vector.broadcast %div3A_33 : f32 to vector<2528x1xf32>
    %div3A_35 = arith.divf %broadcast_in_dim3A_32, %div3A_34 : vector<2528x1xf32>
    %sub3A_36 = vector.broadcast %div3A_28 : vector<2528x1xf32> to vector<2528x32xf32>
    %sub3A_37 = arith.subf %add3A_25, %sub3A_36 : vector<2528x32xf32>
    %add3A_38 = arith.constant 9.99999974E-6 : f32
    %add3A_39 = vector.broadcast %add3A_38 : f32 to vector<2528x1xf32>
    %add3A_40 = arith.addf %div3A_35, %add3A_39 : vector<2528x1xf32>
    %sqrt3A = math.sqrt %add3A_40 : vector<2528x1xf32>
    %div3A_41 = vector.broadcast %sqrt3A : vector<2528x1xf32> to vector<2528x32xf32>
    %div3A_42 = arith.divf %sub3A_37, %div3A_41 : vector<2528x32xf32>
    %get3A_43 = arith.constant 0 : index
    %get3A_44 = arith.constant 0 : index
    %get3A_45 = vector.load %arg6[%get3A_43, %get3A_44] : memref<1x32xf32, #tpu.memory_space<vmem>>, vector<1x32xf32>
    %mul3A_46 = vector.broadcast %get3A_45 : vector<1x32xf32> to vector<2528x32xf32>
    %mul3A_47 = arith.mulf %div3A_42, %mul3A_46 : vector<2528x32xf32>
    %get3A_48 = arith.constant 0 : index
    %get3A_49 = arith.constant 0 : index
    %get3A_50 = vector.load %arg7[%get3A_48, %get3A_49] : memref<1x32xf32, #tpu.memory_space<vmem>>, vector<1x32xf32>
    %add3A_51 = vector.broadcast %get3A_50 : vector<1x32xf32> to vector<2528x32xf32>
    %add3A_52 = arith.addf %mul3A_47, %add3A_51 : vector<2528x32xf32>
    %max3A = arith.constant 0.000000e+00 : f32
    %max3A_53 = vector.broadcast %max3A : f32 to vector<2528x32xf32>
    %max3A_54 = arith.maximumf %add3A_52, %max3A_53 : vector<2528x32xf32>
    %mul3A_55 = vector.broadcast %get3A_1 : vector<2528x1xf32> to vector<2528x32xf32>
    %mul3A_56 = arith.mulf %mul3A_55, %max3A_54 : vector<2528x32xf32>
    %swap3A = arith.constant 0 : index
    %swap3A_57 = arith.constant 0 : index
    %swap3A_58 = vector.load %arg8[%swap3A, %swap3A_57] : memref<2528x32xf32, #tpu.memory_space<vmem>>, vector<2528x32xf32>
    tpu.vector_store %arg8[%swap3A, %swap3A_57], %mul3A_56 {strides = array<i32>} : memref<2528x32xf32, #tpu.memory_space<vmem>>, vector<2528x32xf32>,
    return
  }
  func.func @transform_0(%arg0: i32) -> (i32, i32, i32) {
    %c0_i32 = arith.constant 0 : i32
    %c0_i32_0 = arith.constant 0 : i32
    %c0_i32_1 = arith.constant 0 : i32
    return %c0_i32, %arg0, %c0_i32_0 : i32, i32, i32
  }
  func.func @transform_1(%arg0: i32) -> (i32, i32) {
    %c0_i32 = arith.constant 0 : i32
    %c0_i32_0 = arith.constant 0 : i32
    return %arg0, %c0_i32 : i32, i32
  }
  func.func @transform_2(%arg0: i32) -> (i32, i32) {
    %c0_i32 = arith.constant 0 : i32
    %c0_i32_0 = arith.constant 0 : i32
    return %arg0, %c0_i32 : i32, i32
  }
  func.func @transform_3(%arg0: i32) -> (i32, i32) {
    %c0_i32 = arith.constant 0 : i32
    %c0_i32_0 = arith.constant 0 : i32
    %c0_i32_1 = arith.constant 0 : i32
    return %c0_i32, %c0_i32_0 : i32, i32
  }
  func.func @transform_4(%arg0: i32) -> (i32, i32) {
    %c0_i32 = arith.constant 0 : i32
    %c0_i32_0 = arith.constant 0 : i32
    %c0_i32_1 = arith.constant 0 : i32
    return %c0_i32, %c0_i32_0 : i32, i32
  }
  func.func @transform_5(%arg0: i32) -> (i32, i32) {
    %c0_i32 = arith.constant 0 : i32
    %c0_i32_0 = arith.constant 0 : i32
    %c0_i32_1 = arith.constant 0 : i32
    return %c0_i32, %c0_i32_0 : i32, i32
  }
  func.func @transform_6(%arg0: i32) -> (i32, i32) {
    %c0_i32 = arith.constant 0 : i32
    %c0_i32_0 = arith.constant 0 : i32
    %c0_i32_1 = arith.constant 0 : i32
    return %c0_i32, %c0_i32_0 : i32, i32
  }
  func.func @transform_7(%arg0: i32) -> (i32, i32) {
    %c0_i32 = arith.constant 0 : i32
    %c0_i32_0 = arith.constant 0 : i32
    return %arg0, %c0_i32 : i32, i32
  }
}

module attributes {stable_mosaic.version = 14 : i64} {
  func.func @_layer_body(%arg0: i32, %arg1: memref<2x2528x32xf32, #tpu.memory_space<vmem>>, %arg2: memref<2528x32xf32, #tpu.memory_space<vmem>>, %arg3: memref<2528x1xf32, #tpu.memory_space<vmem>>, %arg4: memref<32x32xbf16, #tpu.memory_space<vmem>>, %arg5: memref<1x32xf32, #tpu.memory_space<vmem>>, %arg6: memref<1x32xf32, #tpu.memory_space<vmem>>, %arg7: memref<1x32xf32, #tpu.memory_space<vmem>>, %arg8: memref<2528x32xf32, #tpu.memory_space<vmem>>) attributes {dimension_semantics = [#tpu.dimension_semantics<arbitrary>], iteration_bounds = array<i64: 4>, scalar_prefetch = 0 : i64, scratch_operands = 0 : i64, tpu.core_type = #tpu.core_type<tc>, window_params = [{transform_indices = @transform_0, window_bounds = array<i64: 2, 2528, 32>}, {transform_indices = @transform_1, window_bounds = array<i64: 2528, 32>}, {transform_indices = @transform_2, window_bounds = array<i64: 2528, 1>}, {pipeline_mode = #tpu.pipeline_mode<synchronous>, transform_indices = @transform_3, window_bounds = array<i64: 32, 32>}, {pipeline_mode = #tpu.pipeline_mode<synchronous>, transform_indices = @transform_4, window_bounds = array<i64: 1, 32>}, {pipeline_mode = #tpu.pipeline_mode<synchronous>, transform_indices = @transform_5, window_bounds = array<i64: 1, 32>}, {pipeline_mode = #tpu.pipeline_mode<synchronous>, transform_indices = @transform_6, window_bounds = array<i64: 1, 32>}, {transform_indices = @transform_7, window_bounds = array<i64: 2528, 32>}]} {
    %get3A = arith.constant 0 : index
    %get3A_0 = arith.constant 0 : index
    %get3A_1 = vector.load %arg3[%get3A, %get3A_0] : memref<2528x1xf32, #tpu.memory_space<vmem>>, vector<2528x1xf32>
    %get3A_2 = arith.constant 0 : index
    %get3A_3 = arith.constant 0 : index
    %get3A_4 = arith.constant 0 : index
    %get3A_5 = vector.load %arg1[%get3A_2, %get3A_3, %get3A_4] : memref<2x2528x32xf32, #tpu.memory_space<vmem>>, vector<1x2528x32xf32>
    %get3A_6 = vector.shape_cast %get3A_5 : vector<1x2528x32xf32> to vector<2528x32xf32>
    %get3A_7 = arith.constant 1 : index
    %get3A_8 = arith.constant 0 : index
    %get3A_9 = arith.constant 0 : index
    %get3A_10 = vector.load %arg1[%get3A_7, %get3A_8, %get3A_9] : memref<2x2528x32xf32, #tpu.memory_space<vmem>>, vector<1x2528x32xf32>
    %get3A_11 = vector.shape_cast %get3A_10 : vector<1x2528x32xf32> to vector<2528x32xf32>
    %add3A = arith.addf %get3A_6, %get3A_11 : vector<2528x32xf32>
    %get3A_12 = arith.constant 0 : index
    %get3A_13 = arith.constant 0 : index
    %get3A_14 = vector.load %arg2[%get3A_12, %get3A_13] : memref<2528x32xf32, #tpu.memory_space<vmem>>, vector<2528x32xf32>
    %add3A_15 = arith.addf %add3A, %get3A_14 : vector<2528x32xf32>
    %mul3A = vector.broadcast %get3A_1 : vector<2528x1xf32> to vector<2528x32xf32>
    %mul3A_16 = arith.mulf %mul3A, %add3A_15 : vector<2528x32xf32>
    %convert_element_type3A = arith.truncf %mul3A_16 : vector<2528x32xf32> to vector<2528x32xbf16>
    %get3A_17 = arith.constant 0 : index
    %get3A_18 = arith.constant 0 : index
    %get3A_19 = vector.load %arg4[%get3A_17, %get3A_18] : memref<32x32xbf16, #tpu.memory_space<vmem>>, vector<32x32xbf16>
    %dot_general3A = arith.constant dense<0.000000e+00> : vector<2528x32xf32>
    %dot_general3A_20 = tpu.matmul %convert_element_type3A, %get3A_19, %dot_general3A {dimension_numbers = #tpu.dot_dimension_numbers<[1], [0], [0], [1], [0, 0, 1, 1], [], []>, transpose_lhs_hint = false} : vector<2528x32xbf16>, vector<32x32xbf16>, vector<2528x32xf32> -> vector<2528x32xf32>
    %get3A_21 = arith.constant 0 : index
    %get3A_22 = arith.constant 0 : index
    %get3A_23 = vector.load %arg5[%get3A_21, %get3A_22] : memref<1x32xf32, #tpu.memory_space<vmem>>, vector<1x32xf32>
    %add3A_24 = vector.broadcast %get3A_23 : vector<1x32xf32> to vector<2528x32xf32>
    %add3A_25 = arith.addf %dot_general3A_20, %add3A_24 : vector<2528x32xf32>
    %reduce_sum3A = arith.constant dense<0.000000e+00> : vector<2528xf32>
    %reduce_sum3A_26 = vector.multi_reduction <add>, %add3A_25, %reduce_sum3A [1] : vector<2528x32xf32> to vector<2528xf32>
    %broadcast_in_dim3A = vector.shape_cast %reduce_sum3A_26 : vector<2528xf32> to vector<2528x1xf32>
    %div3A = arith.constant 3.200000e+01 : f32
    %div3A_27 = vector.broadcast %div3A : f32 to vector<2528x1xf32>
    %div3A_28 = arith.divf %broadcast_in_dim3A, %div3A_27 : vector<2528x1xf32>
    %sub3A = vector.broadcast %div3A_28 : vector<2528x1xf32> to vector<2528x32xf32>
    %sub3A_29 = arith.subf %add3A_25, %sub3A : vector<2528x32xf32>
    %integer_pow3A = arith.mulf %sub3A_29, %sub3A_29 : vector<2528x32xf32>
    %reduce_sum3A_30 = arith.constant dense<0.000000e+00> : vector<2528xf32>
    %reduce_sum3A_31 = vector.multi_reduction <add>, %integer_pow3A, %reduce_sum3A_30 [1] : vector<2528x32xf32> to vector<2528xf32>
    %broadcast_in_dim3A_32 = vector.shape_cast %reduce_sum3A_31 : vector<2528xf32> to vector<2528x1xf32>
    %div3A_33 = arith.constant 3.200000e+01 : f32
    %div3A_34 = vector.broadcast %div3A_33 : f32 to vector<2528x1xf32>
    %div3A_35 = arith.divf %broadcast_in_dim3A_32, %div3A_34 : vector<2528x1xf32>
    %sub3A_36 = vector.broadcast %div3A_28 : vector<2528x1xf32> to vector<2528x32xf32>
    %sub3A_37 = arith.subf %add3A_25, %sub3A_36 : vector<2528x32xf32>
    %add3A_38 = arith.constant 9.99999974E-6 : f32
    %add3A_39 = vector.broadcast %add3A_38 : f32 to vector<2528x1xf32>
    %add3A_40 = arith.addf %div3A_35, %add3A_39 : vector<2528x1xf32>
    %sqrt3A = math.sqrt %add3A_40 : vector<2528x1xf32>
    %div3A_41 = vector.broadcast %sqrt3A : vector<2528x1xf32> to vector<2528x32xf32>
    %div3A_42 = arith.divf %sub3A_37, %div3A_41 : vector<2528x32xf32>
    %get3A_43 = arith.constant 0 : index
    %get3A_44 = arith.constant 0 : index
    %get3A_45 = vector.load %arg6[%get3A_43, %get3A_44] : memref<1x32xf32, #tpu.memory_space<vmem>>, vector<1x32xf32>
    %mul3A_46 = vector.broadcast %get3A_45 : vector<1x32xf32> to vector<2528x32xf32>
    %mul3A_47 = arith.mulf %div3A_42, %mul3A_46 : vector<2528x32xf32>
    %get3A_48 = arith.constant 0 : index
    %get3A_49 = arith.constant 0 : index
    %get3A_50 = vector.load %arg7[%get3A_48, %get3A_49] : memref<1x32xf32, #tpu.memory_space<vmem>>, vector<1x32xf32>
    %add3A_51 = vector.broadcast %get3A_50 : vector<1x32xf32> to vector<2528x32xf32>
    %add3A_52 = arith.addf %mul3A_47, %add3A_51 : vector<2528x32xf32>
    %max3A = arith.constant 0.000000e+00 : f32
    %max3A_53 = vector.broadcast %max3A : f32 to vector<2528x32xf32>
    %max3A_54 = arith.maximumf %add3A_52, %max3A_53 : vector<2528x32xf32>
    %swap3A = arith.constant 0 : index
    %swap3A_55 = arith.constant 0 : index
    %swap3A_56 = vector.load %arg8[%swap3A, %swap3A_55] : memref<2528x32xf32, #tpu.memory_space<vmem>>, vector<2528x32xf32>
    tpu.vector_store %arg8[%swap3A, %swap3A_55], %max3A_54 {strides = array<i32>} : memref<2528x32xf32, #tpu.memory_space<vmem>>, vector<2528x32xf32>,
    return
  }
  func.func @transform_0(%arg0: i32) -> (i32, i32, i32) {
    %c0_i32 = arith.constant 0 : i32
    %c0_i32_0 = arith.constant 0 : i32
    %c0_i32_1 = arith.constant 0 : i32
    return %c0_i32, %arg0, %c0_i32_0 : i32, i32, i32
  }
  func.func @transform_1(%arg0: i32) -> (i32, i32) {
    %c0_i32 = arith.constant 0 : i32
    %c0_i32_0 = arith.constant 0 : i32
    return %arg0, %c0_i32 : i32, i32
  }
  func.func @transform_2(%arg0: i32) -> (i32, i32) {
    %c0_i32 = arith.constant 0 : i32
    %c0_i32_0 = arith.constant 0 : i32
    return %arg0, %c0_i32 : i32, i32
  }
  func.func @transform_3(%arg0: i32) -> (i32, i32) {
    %c0_i32 = arith.constant 0 : i32
    %c0_i32_0 = arith.constant 0 : i32
    %c0_i32_1 = arith.constant 0 : i32
    return %c0_i32, %c0_i32_0 : i32, i32
  }
  func.func @transform_4(%arg0: i32) -> (i32, i32) {
    %c0_i32 = arith.constant 0 : i32
    %c0_i32_0 = arith.constant 0 : i32
    %c0_i32_1 = arith.constant 0 : i32
    return %c0_i32, %c0_i32_0 : i32, i32
  }
  func.func @transform_5(%arg0: i32) -> (i32, i32) {
    %c0_i32 = arith.constant 0 : i32
    %c0_i32_0 = arith.constant 0 : i32
    %c0_i32_1 = arith.constant 0 : i32
    return %c0_i32, %c0_i32_0 : i32, i32
  }
  func.func @transform_6(%arg0: i32) -> (i32, i32) {
    %c0_i32 = arith.constant 0 : i32
    %c0_i32_0 = arith.constant 0 : i32
    %c0_i32_1 = arith.constant 0 : i32
    return %c0_i32, %c0_i32_0 : i32, i32
  }
  func.func @transform_7(%arg0: i32) -> (i32, i32) {
    %c0_i32 = arith.constant 0 : i32
    %c0_i32_0 = arith.constant 0 : i32
    return %arg0, %c0_i32 : i32, i32
  }
}

module attributes {stable_mosaic.version = 14 : i64} {
  func.func @_head_body(%arg0: i32, %arg1: memref<640x128xf32, #tpu.memory_space<vmem>>, %arg2: memref<640x128xf32, #tpu.memory_space<vmem>>, %arg3: memref<128x8xbf16, #tpu.memory_space<vmem>>, %arg4: memref<1x8xf32, #tpu.memory_space<vmem>>, %arg5: memref<640x8xf32, #tpu.memory_space<vmem>>) attributes {dimension_semantics = [#tpu.dimension_semantics<arbitrary>], iteration_bounds = array<i64: 125>, scalar_prefetch = 0 : i64, scratch_operands = 0 : i64, tpu.core_type = #tpu.core_type<tc>, window_params = [{transform_indices = @transform_0, window_bounds = array<i64: 640, 128>}, {transform_indices = @transform_1, window_bounds = array<i64: 640, 128>}, {pipeline_mode = #tpu.pipeline_mode<synchronous>, transform_indices = @transform_2, window_bounds = array<i64: 128, 8>}, {pipeline_mode = #tpu.pipeline_mode<synchronous>, transform_indices = @transform_3, window_bounds = array<i64: 1, 8>}, {transform_indices = @transform_4, window_bounds = array<i64: 640, 8>}]} {
    %get3A = arith.constant 0 : index
    %get3A_0 = arith.constant 0 : index
    %get3A_1 = vector.load %arg1[%get3A, %get3A_0] : memref<640x128xf32, #tpu.memory_space<vmem>>, vector<640x128xf32>
    %get3A_2 = arith.constant 0 : index
    %get3A_3 = arith.constant 0 : index
    %get3A_4 = vector.load %arg2[%get3A_2, %get3A_3] : memref<640x128xf32, #tpu.memory_space<vmem>>, vector<640x128xf32>
    %mul3A = arith.mulf %get3A_1, %get3A_4 : vector<640x128xf32>
    %convert_element_type3A = arith.truncf %mul3A : vector<640x128xf32> to vector<640x128xbf16>
    %get3A_5 = arith.constant 0 : index
    %get3A_6 = arith.constant 0 : index
    %get3A_7 = vector.load %arg3[%get3A_5, %get3A_6] : memref<128x8xbf16, #tpu.memory_space<vmem>>, vector<128x8xbf16>
    %dot_general3A = arith.constant dense<0.000000e+00> : vector<640x8xf32>
    %dot_general3A_8 = tpu.matmul %convert_element_type3A, %get3A_7, %dot_general3A {dimension_numbers = #tpu.dot_dimension_numbers<[1], [0], [0], [1], [0, 0, 1, 1], [], []>, transpose_lhs_hint = false} : vector<640x128xbf16>, vector<128x8xbf16>, vector<640x8xf32> -> vector<640x8xf32>
    %get3A_9 = arith.constant 0 : index
    %get3A_10 = arith.constant 0 : index
    %get3A_11 = vector.load %arg4[%get3A_9, %get3A_10] : memref<1x8xf32, #tpu.memory_space<vmem>>, vector<1x8xf32>
    %add3A = vector.broadcast %get3A_11 : vector<1x8xf32> to vector<640x8xf32>
    %add3A_12 = arith.addf %dot_general3A_8, %add3A : vector<640x8xf32>
    %swap3A = arith.constant 0 : index
    %swap3A_13 = arith.constant 0 : index
    %swap3A_14 = vector.load %arg5[%swap3A, %swap3A_13] : memref<640x8xf32, #tpu.memory_space<vmem>>, vector<640x8xf32>
    tpu.vector_store %arg5[%swap3A, %swap3A_13], %add3A_12 {strides = array<i32>} : memref<640x8xf32, #tpu.memory_space<vmem>>, vector<640x8xf32>,
    return
  }
  func.func @transform_0(%arg0: i32) -> (i32, i32) {
    %c0_i32 = arith.constant 0 : i32
    %c0_i32_0 = arith.constant 0 : i32
    return %arg0, %c0_i32 : i32, i32
  }
  func.func @transform_1(%arg0: i32) -> (i32, i32) {
    %c0_i32 = arith.constant 0 : i32
    %c0_i32_0 = arith.constant 0 : i32
    return %arg0, %c0_i32 : i32, i32
  }
  func.func @transform_2(%arg0: i32) -> (i32, i32) {
    %c0_i32 = arith.constant 0 : i32
    %c0_i32_0 = arith.constant 0 : i32
    %c0_i32_1 = arith.constant 0 : i32
    return %c0_i32, %c0_i32_0 : i32, i32
  }
  func.func @transform_3(%arg0: i32) -> (i32, i32) {
    %c0_i32 = arith.constant 0 : i32
    %c0_i32_0 = arith.constant 0 : i32
    %c0_i32_1 = arith.constant 0 : i32
    return %c0_i32, %c0_i32_0 : i32, i32
  }
  func.func @transform_4(%arg0: i32) -> (i32, i32) {
    %c0_i32 = arith.constant 0 : i32
    %c0_i32_0 = arith.constant 0 : i32
    return %arg0, %c0_i32 : i32, i32
  }
}

</mosaic_0001>

<sc_bundles>
// kernel: kernel.12.cloned.1.call-start
scs
__scs_entry_jumppad:
0x0: {  	(pc) =	sbr.rel $0x88, $3  }
0x1: {  	(tag) =	ssettag $0x0;
	lr =	simm.s32 $0x1  }
0x2: {  	[smem:$0x3F91] =	sst lr;
	_ =	strace $0xD0000000  }
0x3: {  	_ = 	snop  }
0x4: {  	_ = 	snop  }
0x5: {  	_ = 	snop  }
0x6: {  	_ = 	snop  }
0x7: {  	_ = 	snop  }
__scs_overlays_trampoline_lowered:
0x8: {  	[smem:$0x3FA0] =	sst s0  }
0x9: {  	[smem:$0x3FA1] =	sst s1  }
0xa: {  	[smem:$0x3FA2] =	sst s2  }
0xb: {  	[smem:$0x3FA3] =	sst s3  }
0xc: {  	[smem:$0x3FA4] =	sst s4  }
0xd: {  	[smem:$0x3FA5] =	sst s5  }
0xe: {  	[smem:$0x3FA6] =	sst s6  }
0xf: {  	[smem:$0x3FA7] =	sst s7  }
0x10: {  	[smem:$0x3FA8] =	sst s8  }
0x11: {  	[smem:$0x3FA9] =	sst s9;
	s0 =	simm.s32 @!p0 $0x0  }
0x12: {  	s1 =	sld [smem:$0x3F8F];
	s0 =	simm.s32 @p0 $0x1  }
0x13: {  	[smem:$0x3FAA] =	sst s0;
	s0 =	simm.s32 @!p1 $0x0  }
0x14: {  	s2 =	sld [smem:$0x3F8E];
	s0 =	simm.s32 @p1 $0x1  }
0x15: {  	[smem:$0x3FAB] =	sst s0;
	s0 =	simm.s32 @!p2 $0x0  }
0x16: {  	s3 =	sld [smem:$0x3FDB];
	s0 =	simm.s32 @p2 $0x1  }
0x17: {  	s4 =	simm.s32 $0x1BF5;
	[smem:$0x3FAD] =	sst s0  }
0x18: {  	s0 =	sld [smem:$0x3F90];
	_ =	swait.ge [sflag:s4], $0x0  }
0x19: {  	s7 =	sld [smem:$0x3F91]  }
0x1a: {  	s8 =	sadd.s32 $0xFFFFE003, lr  }
0x1b: {  	s9 =	sadd.s32 $0xFFFFFEF7, lr;
	s5 =	simm.s32 $0xFFFFFFFF;
	p2 =	slt.u32 s8, $0xFFFFF086  }
0x1c: {  	p1 =	slt.u32 s9, $0xF7A;
	s5 =	simm.s32 @!p2 $0x0  }
0x1d: {  	s5 =	simm.s32 @p1 $0x1;
	p0 =	seq.s32 s7, s2  }
0x1e: {  	s7 =	smul.u32 @!p0 $0xF7A, s2;
	p2 =	seq.s32 @!p0 s5, $0x0  }
0x1f: {  	s9 =	smul.u32 $0xF7A, s1;
	s8 =	simm.s32 @!p0 $0x1BF5;
	p2 =	por !p2, p0  }
0x20: {  	[sflag:s8] =	ssyncset.s32 @!p0 $0xFFFFF086;
	s6 =	sadd.s32 @!p0 s3, s7;
	s7 =	simm.s32 @!p0 $0x108  }
0x21: {  	s3 =	sadd.s32 s3, s9;
	s6 =	sadd.s32 @!p0 $0x88, s6;
	s7 =	simm.s32 @p2 $0x1082  }
0x22: {  	[simem:s7], [sflag:s8] =	dma.local @!p0 [hbm:s6], $0xF7A  }
0x23: {  	s9 =	sor.u32 $0xD0000000, s2;
	s6 =	simm.s32 $0x108;
	_ =	swait.ge @!p0 [sflag:s8], $0x0  }
0x24: {  	s3 =	sadd.s32 $0x88, s3;
	s6 =	simm.s32 @!p1 $0x1082;
	[sflag:s4] =	ssyncset.s32 $0xFFFFF086  }
0x25: {  	[simem:s6], [sflag:s4] =	dma.local [hbm:s3], $0xF7A  }
0x26: {  	[smem:$0x3F91] =	sst s1;
	(tag) =	ssettag s2;
	_ =	strace s9  }
0x27: {  	s1 =	sld [smem:$0x3FA1]  }
0x28: {  	s2 =	sld [smem:$0x3FA2]  }
0x29: {  	s4 =	sld [smem:$0x3FA4]  }
0x2a: {  	p0 =	seq.s32 s5, $0x0;
	s5 =	sld [smem:$0x3FA5]  }
0x2b: {  	s6 =	sld [smem:$0x3FA6]  }
0x2c: {  	s7 =	sld [smem:$0x3FA7]  }
0x2d: {  	s3 =	simm.s32 $0x108;
	s8 =	sld [smem:$0x3FA8]  }
0x2e: {  	s3 =	simm.s32 @!p0 $0x1082;
	s9 =	sld [smem:$0x3FA9]  }
0x2f: {  	lr =	sadd.s32 s0, s3;
	s0 =	sld [smem:$0x3FA0]  }
0x30: {  	s3 =	sld [smem:$0x3FA3]  }
0x31: {  	[smem:$0x3FAC] =	sst s10  }
0x32: {  	s10 =	sld [smem:$0x3FAA];
	_ =	sdelay $0x3  }
0x33: {  	p0 =	seq.s32 s10, $0x1;
	s10 =	sld [smem:$0x3FAC];
	_ =	sdelay $0x3  }
0x34: {  	[smem:$0x3FAC] =	sst s10  }
0x35: {  	s10 =	sld [smem:$0x3FAB];
	_ =	sdelay $0x3  }
0x36: {  	p1 =	seq.s32 s10, $0x1;
	s10 =	sld [smem:$0x3FAC];
	_ =	sdelay $0x3  }
0x37: {  	[smem:$0x3FAC] =	sst s10  }
0x38: {  	s10 =	sld [smem:$0x3FAD]  }
0x39: {  	_ = 	snop;
	(pc) =	sbr.ind lr, $3  }
0x3a: {  	_ = 	snop  }
0x3b: {  	_ = 	snop  }
0x3c: {  	p2 =	seq.s32 s10, $0x1;
	s10 =	sld [smem:$0x3FAC]  }
0x3d: {  	_ =	shalt  }
0x3e: {  	_ =	shalt  }
0x3f: {  	_ =	shalt  }
0x40: {  	_ =	shalt  }
0x41: {  	_ =	shalt  }
0x42: {  	_ =	shalt  }
0x43: {  	_ =	shalt  }
0x44: {  	_ =	shalt  }
0x45: {  	_ =	shalt  }
0x46: {  	_ =	shalt  }
0x47: {  	_ =	shalt  }
0x48: {  	_ =	shalt  }
0x49: {  	_ =	shalt  }
0x4a: {  	_ =	shalt  }
0x4b: {  	_ =	shalt  }
0x4c: {  	_ =	shalt  }
0x4d: {  	_ =	shalt  }
0x4e: {  	_ =	shalt  }
0x4f: {  	_ =	shalt  }
0x50: {  	_ =	shalt  }
0x51: {  	_ =	shalt  }
0x52: {  	_ =	shalt  }
0x53: {  	_ =	shalt  }
0x54: {  	_ =	shalt  }
0x55: {  	_ =	shalt  }
0x56: {  	_ =	shalt  }
0x57: {  	_ =	shalt  }
0x58: {  	_ =	shalt  }
0x59: {  	_ =	shalt  }
0x5a: {  	_ =	shalt  }
0x5b: {  	_ =	shalt  }
0x5c: {  	_ =	shalt  }
0x5d: {  	_ =	shalt  }
0x5e: {  	_ =	shalt  }
0x5f: {  	_ =	shalt  }
0x60: {  	_ =	shalt  }
0x61: {  	_ =	shalt  }
0x62: {  	_ =	shalt  }
0x63: {  	_ =	shalt  }
0x64: {  	_ =	shalt  }
0x65: {  	_ =	shalt  }
0x66: {  	_ =	shalt  }
0x67: {  	_ =	shalt  }
0x68: {  	_ =	shalt  }
0x69: {  	_ =	shalt  }
0x6a: {  	_ =	shalt  }
0x6b: {  	_ =	shalt  }
0x6c: {  	_ =	shalt  }
0x6d: {  	_ =	shalt  }
0x6e: {  	_ =	shalt  }
0x6f: {  	_ =	shalt  }
0x70: {  	_ =	shalt  }
0x71: {  	_ =	shalt  }
0x72: {  	_ =	shalt  }
0x73: {  	_ =	shalt  }
0x74: {  	_ =	shalt  }
0x75: {  	_ =	shalt  }
0x76: {  	_ =	shalt  }
0x77: {  	_ =	shalt  }
0x78: {  	_ =	shalt  }
0x79: {  	_ =	shalt  }
0x7a: {  	_ =	shalt  }
0x7b: {  	_ =	shalt  }
0x7c: {  	_ =	shalt  }
0x7d: {  	_ =	shalt  }
0x7e: {  	_ =	shalt  }
0x7f: {  	_ =	shalt  }
0x80: {  	_ =	shalt  }
0x81: {  	_ =	shalt  }
0x82: {  	_ =	shalt  }
0x83: {  	_ =	shalt  }
0x84: {  	_ =	shalt  }
0x85: {  	_ =	shalt  }
0x86: {  	_ =	shalt  }
0x87: {  	_ =	shalt  }
.Lfunc_end0:
.L_simem_size_0:
called_computation_lowered:
.L_overlay_start_0:
0x88: {  	s2 =	sld [smem:$0x3FD9]  }
0x89: {  	s3 =	sld [smem:$0x3FFE];
	_ =	sdelay $0x1  }
0x8a: {  	s1 =	srdreg.scid  }
0x8b: {  	s0 =	sand.u32 $0x1, s1  }
0x8c: {  	s17 =	sshll.u32 s0, $0xA;
	s2 =	sadd.s32 s3, s2  }
0x8d: {  	s2 =	sadd.s32 s2, s17  }
0x8e: {  	[smem:$0x3FB8] =	sst s2  }
0x8f: {  	_ = 	snop  }
0x90: {  	s2 =	sld [smem:$0x3FD0];
	(tm) =	ssettm $0x1  }
0x91: {  	s18 =	sld [smem:$0x3FFB];
	_ =	sdelay $0x3  }
0x92: {  	_ =	strace s18  }
0x93: {  	s3 =	sld [smem:$0x3FFC];
	_ =	sdelay $0x3  }
0x94: {  	_ =	strace s3  }
0x95: {  	s3 =	sld [smem:$0x3FFD];
	_ =	sdelay $0x3  }
0x96: {  	_ =	strace s3  }
0x97: {  	_ =	strace $0x8FFFFFFF  }
0x98: {  	s19 =	sld [smem:$0x3FDB];
	_ =	sdelay $0x1  }
0x99: {  	s4 =	simm.s32 $_scs_section_size  }
0x9a: {  	s5 =	simm.s32 $_size__tile_overlayer_lowered;
	s6 =	simm.s32 $_tile_overlayer_lowered  }
0x9b: {  	s22 =	simm.s32 $0x1BFF;
	s21 =	sshll.u32 s6, $0x1;
	s3 =	sadd.s32 s4, s19  }
0x9c: {  	s7 =	simm.s32 $0x0;
	s20 =	sshll.u32 s5, $0x1;
	s5 =	sadd.s32 s21, s3  }
0x9d: {  	[timem:s7], [sflag:s22] =	dma.local [hbm:s5], s20  }
0x9e: {  	_ =	swait.ge [sflag:s22], s20  }
0x9f: {  	s4 =	ssub.s32 $0x0, s20;
	[sflag:s22] =	ssyncset.done $0x0  }
0xa0: {  	[sflag:s22] =	ssyncadd.s32 s4;
	_ =	sdelay $0x1  }
0xa1: {  	s23 =	simm.s32 $0x1B8B  }
0xa2: {  	_ =	swait.ge [sflag:s23], $0x1  }
0xa3: {  	[sflag:s23] =	ssyncset.done $0x0  }
0xa4: {  	s25 =	simm.s32 $0x1B8E;
	s24 =	sld [smem:$0x3FFE];
	[sflag:s23] =	ssyncadd.s32 $0xFFFFFFFF  }
0xa5: {  	s26 =	simm.s32 $execute0_lowered;
	[smem:$0x3FD2] =	sst s25  }
0xa6: {  	s5 =	sshll.u32 s26, $0x1;
	_ =	strace $0x80000046;
	[dreg:$0x1] =	wrdreg $0xFFFFFFFF  }
0xa7: {  	s28 =	simm.s32 $_size_execute0_lowered;
	s3 =	sadd.s32 s3, s5;
	[dreg:$0x0] =	wrdreg $0x0  }
0xa8: {  	s5 =	sshll.u32 s28, $0x1;
	[dreg:$0x2] =	wrdreg s3  }
0xa9: {  	[dreg:$0x3] =	wrdreg s5  }
0xaa: {  	[dreg:$0x4] =	wrdreg $0xC0  }
0xab: {  	_ =	task [dreg:s7], $0x5FFFF  }
0xac: {  	[dreg:$0x1] =	wrdreg $0xFFFFFFFF  }
0xad: {  	[dreg:$0x0] =	wrdreg $0x60  }
0xae: {  	[dreg:$0x2] =	wrdreg s2  }
0xaf: {  	[dreg:$0x3] =	wrdreg s24  }
0xb0: {  	[dreg:$0x4] =	wrdreg $0x0  }
0xb1: {  	[dreg:$0x5] =	wrdreg $0x9  }
0xb2: {  	_ =	task.clear_ibuf [dreg:s7], $0x6FFFF;
	_ =	strace $0x90000046  }
0xb3: {  	s29 =	simm.s32 $0x9;
	_ =	strace $0x80000048  }
0xb4: {  	_ =	swait.ge [sflag:s29], $0x1  }
0xb5: {  	[sflag:s29] =	ssyncadd.s32 $0xFFFFFFFF  }
0xb6: {  	_ =	strace $0x90000048  }
0xb7: {  	_ =	sfence  }
0xb8: {  	s30 =	sld [smem:$0x0];
	_ =	sdelay $0x2  }
0xb9: {  	s31 =	sshll.u32 s1, $0xD;
	s1 =	sshrl.u32 s1, $0x2  }
0xba: {  	s3 =	sand.u32 $0x4000, s31;
	s1 =	sadd.s32 s1, s30  }
0xbb: {  	s0 =	sor.u32 s3, s0;
	s1 =	sshll.u32 s1, $0x11  }
0xbc: {  	s0 =	sor.u32 s1, s0  }
0xbd: {  	s0 =	sadd.s32 $0x8F2B, s0  }
0xbe: {  	[sflag:s0] =	ssyncadd.remote.s32 $0x1  }
0xbf: {  	_ =	sfence.sel $0xFFFF  }
0xc0: {  	[dreg:$0x0] =	wrdreg $0xFFFFFFFF;
	(pc) =	sbr.abs _section_cstart, $3  }
0xc1: {  	[dreg:$0x1] =	wrdreg $0xFFFFFFFF  }
0xc2: {  	_ =	task.clear_ibuf [dreg:s7], $0x2FFFF;
	_ =	strace $0x9FFFFFFF  }
0xc3: {  	(tm) =	ssettm $0x7FFFFFFF  }
tec
execute0_lowered:
.L_overlay_start_1:
0x0: {  	(tag) =	ssettag $0x1  }
0x1: {  	s5 =	rddreg [dreg:$0x0]  }
0x2: {  	s6 =	rddreg [dreg:$0x1]  }
0x3: {  	s2 =	rddreg [dreg:$0x2]  }
0x4: {  	s0 =	rddreg [dreg:$0x3];
	s1 =	stileid.u32  }
0x5: {  	s4 =	srdreg.scid;
	s3 =	simm.s32 $0x0;
	s14 =	simm.s32 $0x80  }
0x6: {  	s15 =	simm.s32 $0x1;
	s16 =	simm.s32 $0x0;
	s7 =	smul.u32 $0x2780, s1  }
0x7: {  	s8 =	sand.u32 $0x1, s4;
	[smem:$0x7FF] =	sst s3;
	s4 =	sadd.s32 $0x4000, s6  }
0x8: {  	s10 =	sshll.u32 s1, $0x1;
	s12 =	sshll.u32 s1, $0x6;
	s9 =	smul.u32 $0x27800, s8  }
0x9: {  	_ =	strace $0x80000047;
	s10 =	sor.u32 s8, s10;
	s8 =	ssub.s32 $0x2, s8  }
0xa: {  	s12 =	sor.u32 $0x1C02, s12;
	s11 =	sshrl.u32 s7, $0x3;
	s10 =	smul.u32 $0x500, s10  }
0xb: {  	s31 =	sshrl.u32 s8, $0x1;
	s13 =	sadd.s32 s7, s2;
	s9 =	sadd.s32 s7, s9  }
0xc: {  	s11 =	sadd.s32 s11, s6;
	s8 =	ssub.s32 s8, s31;
	s13 =	sshrl.u32 s13, $0x3  }
0xd: {  	s9 =	sshrl.u32 s9, $0x3;
	s5 =	sadd.s32 s5, s10;
	s8 =	smax.u32 s8, $0x1  }
0xe: {  	s10 =	simm.s32 $0x2;
	s9 =	sadd.s32 s9, s6;
	s6 =	sadd.s32 $0x4200, s11  }
0xf: {  	s11 =	simm.s32 $0x2780;
	s7 =	sadd.s32 $0x9200, s9;
	s9 =	simm.s32 $0x2F80  }
.LBB2_1:
0x10: {  	[tilespmem:s9], [sflag:$0x2] =	stream.linear.gather [hbm4b:s5+s3], $0x2800, $0x38;
	[tilespmem:$0x5780] =	vst v63  }
0x11: {  	_ =	swait.ge [sflag:s10], $0x2800  }
0x12: {  	[sflag:s10] =	ssyncset.done $0x0  }
0x13: {  	[sflag:s10] =	ssyncadd.s32 $0xFFFFD800  }
0x14: {  	[tilespmem:s11], [sflag:$0x2] =	stream.linear.gather [hbm4b:s4+s3], $0x800, $0x38;
	[tilespmem:$0x5780] =	vst v63  }
0x15: {  	_ =	swait.ge [sflag:s10], $0x800  }
0x16: {  	[sflag:s10] =	ssyncset.done $0x0  }
0x17: {  	[sflag:s10] =	ssyncadd.s32 $0xFFFFF800  }
0x18: {  	[spmem:s13], [sflag:s12] =	dma.local [hbm:s6], $0x4F0  }
0x19: {  	_ =	swait.ge [sflag:s10], $0x4F0  }
0x1a: {  	[sflag:s10] =	ssyncset.done $0x0  }
0x1b: {  	[sflag:s10] =	ssyncadd.s32 $0xFFFFFB10  }
0x1c: {  	s17 =	simm.s32 $0x2F80;
	[bflag:$0x0] =	sbarrier.arrive $0xFFFF  }
0x1d: {  	[spmem:s2] =	stream.indirect.scatter.add.f32 [tilespmem:s11], [sflag:$0x1], $0x10, s17, s14, $0xb8;
	[tilespmem:$0x5780] =	vst v63  }
0x1e: {  	s24 =	simm.s32 $0x3000  }
0x1f: {  	[spmem:s2] =	stream.indirect.scatter.add.f32 [tilespmem:s11], [sflag:$0x1], $0x10, s24, s14, $0xb8;
	[tilespmem:$0x5780] =	vst v63  }
0x20: {  	s25 =	simm.s32 $0x3080  }
0x21: {  	[spmem:s2] =	stream.indirect.scatter.add.f32 [tilespmem:s11], [sflag:$0x1], $0x10, s25, s14, $0xb8;
	[tilespmem:$0x5780] =	vst v63  }
0x22: {  	s26 =	simm.s32 $0x3100  }
0x23: {  	[spmem:s2] =	stream.indirect.scatter.add.f32 [tilespmem:s11], [sflag:$0x1], $0x10, s26, s14, $0xb8;
	[tilespmem:$0x5780] =	vst v63  }
0x24: {  	s28 =	simm.s32 $0x3180  }
0x25: {  	[spmem:s2] =	stream.indirect.scatter.add.f32 [tilespmem:s11], [sflag:$0x1], $0x10, s28, s14, $0xb8;
	[tilespmem:$0x5780] =	vst v63  }
0x26: {  	s29 =	simm.s32 $0x3200  }
0x27: {  	[spmem:s2] =	stream.indirect.scatter.add.f32 [tilespmem:s11], [sflag:$0x1], $0x10, s29, s14, $0xb8;
	[tilespmem:$0x5780] =	vst v63  }
0x28: {  	s30 =	simm.s32 $0x3280  }
0x29: {  	[spmem:s2] =	stream.indirect.scatter.add.f32 [tilespmem:s11], [sflag:$0x1], $0x10, s30, s14, $0xb8;
	[tilespmem:$0x5780] =	vst v63  }
0x2a: {  	s31 =	simm.s32 $0x3300  }
0x2b: {  	[spmem:s2] =	stream.indirect.scatter.add.f32 [tilespmem:s11], [sflag:$0x1], $0x10, s31, s14, $0xb8;
	[tilespmem:$0x5780] =	vst v63  }
0x2c: {  	_ =	swait.ge [sflag:s15], $0x800  }
0x2d: {  	[sflag:s15] =	ssyncset.done $0x0  }
0x2e: {  	[sflag:s15] =	ssyncadd.s32 $0xFFFFF800  }
0x2f: {  	_ =	swait.ge [sflag:s15], $0x800  }
0x30: {  	[sflag:s15] =	ssyncset.done $0x0  }
0x31: {  	[sflag:s15] =	ssyncadd.s32 $0xFFFFF800  }
0x32: {  	_ =	swait.ge [sflag:s15], $0x800  }
0x33: {  	[sflag:s15] =	ssyncset.done $0x0  }
0x34: {  	[sflag:s15] =	ssyncadd.s32 $0xFFFFF800  }
0x35: {  	_ =	swait.ge [sflag:s15], $0x800  }
0x36: {  	[sflag:s15] =	ssyncset.done $0x0  }
0x37: {  	[sflag:s15] =	ssyncadd.s32 $0xFFFFF800  }
0x38: {  	_ =	swait.ge [sflag:s15], $0x800  }
0x39: {  	[sflag:s15] =	ssyncset.done $0x0  }
0x3a: {  	[sflag:s15] =	ssyncadd.s32 $0xFFFFF800  }
0x3b: {  	_ =	swait.ge [sflag:s15], $0x800  }
0x3c: {  	[sflag:s15] =	ssyncset.done $0x0  }
0x3d: {  	[sflag:s15] =	ssyncadd.s32 $0xFFFFF800  }
0x3e: {  	_ =	swait.ge [sflag:s15], $0x800  }
0x3f: {  	[sflag:s15] =	ssyncset.done $0x0  }
0x40: {  	[sflag:s15] =	ssyncadd.s32 $0xFFFFF800  }
0x41: {  	_ =	swait.ge [sflag:s15], $0x800  }
0x42: {  	s20 =	simm.s32 $0x2000;
	s19 =	simm.s32 $0x400;
	[sflag:s15] =	ssyncset.done $0x0  }
.LBB2_2:
0x43: {  	s21 =	sadd.s32 $0x2F80, s19  }
0x44: {  	[sflag:s15] =	ssyncadd.s32 $0xFFFFF800;
	s18 =	smov.u32 s20;
	s17 =	sadd.s32 $0x1000, s20  }
0x45: {  	[spmem:s2] =	stream.indirect.scatter.add.f32 [tilespmem:s11], [sflag:$0x1], $0x10, s21, s14, $0xb8;
	[tilespmem:$0x5780] =	vst v63  }
0x46: {  	p0 =	sne.s32 s20, $0x9000;
	s20 =	sadd.s32 $0x3000, s19  }
0x47: {  	[spmem:s2] =	stream.indirect.scatter.add.f32 [tilespmem:s11], [sflag:$0x1], $0x10, s20, s14, $0xb8;
	[tilespmem:$0x5780] =	vst v63  }
0x48: {  	s20 =	sadd.s32 $0x3080, s19  }
0x49: {  	[spmem:s2] =	stream.indirect.scatter.add.f32 [tilespmem:s11], [sflag:$0x1], $0x10, s20, s14, $0xb8;
	[tilespmem:$0x5780] =	vst v63  }
0x4a: {  	s20 =	sadd.s32 $0x3100, s19  }
0x4b: {  	[spmem:s2] =	stream.indirect.scatter.add.f32 [tilespmem:s11], [sflag:$0x1], $0x10, s20, s14, $0xb8;
	[tilespmem:$0x5780] =	vst v63  }
0x4c: {  	s20 =	sadd.s32 $0x3180, s19  }
0x4d: {  	[spmem:s2] =	stream.indirect.scatter.add.f32 [tilespmem:s11], [sflag:$0x1], $0x10, s20, s14, $0xb8;
	[tilespmem:$0x5780] =	vst v63  }
0x4e: {  	s20 =	sadd.s32 $0x3200, s19  }
0x4f: {  	[spmem:s2] =	stream.indirect.scatter.add.f32 [tilespmem:s11], [sflag:$0x1], $0x10, s20, s14, $0xb8;
	[tilespmem:$0x5780] =	vst v63  }
0x50: {  	s20 =	sadd.s32 $0x3280, s19  }
0x51: {  	[spmem:s2] =	stream.indirect.scatter.add.f32 [tilespmem:s11], [sflag:$0x1], $0x10, s20, s14, $0xb8;
	[tilespmem:$0x5780] =	vst v63  }
0x52: {  	s19 =	sadd.s32 $0x3300, s19  }
0x53: {  	[spmem:s2] =	stream.indirect.scatter.add.f32 [tilespmem:s11], [sflag:$0x1], $0x10, s19, s14, $0xb8;
	[tilespmem:$0x5780] =	vst v63  }
0x54: {  	_ =	swait.ge [sflag:s15], $0x800  }
0x55: {  	[sflag:s15] =	ssyncset.done $0x0  }
0x56: {  	[sflag:s15] =	ssyncadd.s32 $0xFFFFF800  }
0x57: {  	_ =	swait.ge [sflag:s15], $0x800  }
0x58: {  	[sflag:s15] =	ssyncset.done $0x0  }
0x59: {  	[sflag:s15] =	ssyncadd.s32 $0xFFFFF800  }
0x5a: {  	_ =	swait.ge [sflag:s15], $0x800  }
0x5b: {  	[sflag:s15] =	ssyncset.done $0x0  }
0x5c: {  	[sflag:s15] =	ssyncadd.s32 $0xFFFFF800  }
0x5d: {  	_ =	swait.ge [sflag:s15], $0x800  }
0x5e: {  	[sflag:s15] =	ssyncset.done $0x0  }
0x5f: {  	[sflag:s15] =	ssyncadd.s32 $0xFFFFF800  }
0x60: {  	_ =	swait.ge [sflag:s15], $0x800  }
0x61: {  	[sflag:s15] =	ssyncset.done $0x0  }
0x62: {  	[sflag:s15] =	ssyncadd.s32 $0xFFFFF800  }
0x63: {  	_ =	swait.ge [sflag:s15], $0x800  }
0x64: {  	[sflag:s15] =	ssyncset.done $0x0  }
0x65: {  	[sflag:s15] =	ssyncadd.s32 $0xFFFFF800  }
.Ltmp0:
0x66: {  	_ =	swait.ge [sflag:s15], $0x800;
	(pc) =	sbr.rel @p0 .LBB2_2-.Ltmp0, $4  }
0x67: {  	[sflag:s15] =	ssyncset.done $0x0  }
0x68: {  	[sflag:s15] =	ssyncadd.s32 $0xFFFFF800  }
0x69: {  	_ =	swait.ge [sflag:s15], $0x800  }
0x6a: {  	s20 =	smov.u32 s17;
	s19 =	sshra.s32 s18, $0x2;
	[sflag:s15] =	ssyncset.done $0x0  }
0x6b: {  	s17 =	sadd.s32 $0x2F80, s19;
	[sflag:s15] =	ssyncadd.s32 $0xFFFFF800  }
0x6c: {  	[spmem:s2] =	stream.indirect.scatter.add.f32 [tilespmem:s11], [sflag:$0x1], $0x10, s17, s14, $0xb8;
	[tilespmem:$0x5780] =	vst v63  }
0x6d: {  	s24 =	sadd.s32 $0x3000, s19  }
0x6e: {  	[spmem:s2] =	stream.indirect.scatter.add.f32 [tilespmem:s11], [sflag:$0x1], $0x10, s24, s14, $0xb8;
	[tilespmem:$0x5780] =	vst v63  }
0x6f: {  	s25 =	sadd.s32 $0x3080, s19  }
0x70: {  	[spmem:s2] =	stream.indirect.scatter.add.f32 [tilespmem:s11], [sflag:$0x1], $0x10, s25, s14, $0xb8;
	[tilespmem:$0x5780] =	vst v63  }
0x71: {  	s26 =	sadd.s32 $0x3100, s19  }
0x72: {  	[spmem:s2] =	stream.indirect.scatter.add.f32 [tilespmem:s11], [sflag:$0x1], $0x10, s26, s14, $0xb8;
	[tilespmem:$0x5780] =	vst v63  }
0x73: {  	s28 =	sadd.s32 $0x3180, s19  }
0x74: {  	[spmem:s2] =	stream.indirect.scatter.add.f32 [tilespmem:s11], [sflag:$0x1], $0x10, s28, s14, $0xb8;
	[tilespmem:$0x5780] =	vst v63  }
0x75: {  	s29 =	sadd.s32 $0x3200, s19  }
0x76: {  	[spmem:s2] =	stream.indirect.scatter.add.f32 [tilespmem:s11], [sflag:$0x1], $0x10, s29, s14, $0xb8;
	[tilespmem:$0x5780] =	vst v63  }
0x77: {  	s30 =	sadd.s32 $0x3280, s19  }
0x78: {  	[spmem:s2] =	stream.indirect.scatter.add.f32 [tilespmem:s11], [sflag:$0x1], $0x10, s30, s14, $0xb8;
	[tilespmem:$0x5780] =	vst v63  }
0x79: {  	s31 =	sadd.s32 $0x3300, s19  }
0x7a: {  	[spmem:s2] =	stream.indirect.scatter.add.f32 [tilespmem:s11], [sflag:$0x1], $0x10, s31, s14, $0xb8;
	[tilespmem:$0x5780] =	vst v63  }
0x7b: {  	_ =	swait.ge [sflag:s15], $0x800  }
0x7c: {  	[sflag:s15] =	ssyncset.done $0x0  }
0x7d: {  	[sflag:s15] =	ssyncadd.s32 $0xFFFFF800  }
0x7e: {  	_ =	swait.ge [sflag:s15], $0x800  }
0x7f: {  	[sflag:s15] =	ssyncset.done $0x0  }
0x80: {  	[sflag:s15] =	ssyncadd.s32 $0xFFFFF800  }
0x81: {  	_ =	swait.ge [sflag:s15], $0x800  }
0x82: {  	[sflag:s15] =	ssyncset.done $0x0  }
0x83: {  	[sflag:s15] =	ssyncadd.s32 $0xFFFFF800  }
0x84: {  	_ =	swait.ge [sflag:s15], $0x800  }
0x85: {  	[sflag:s15] =	ssyncset.done $0x0  }
0x86: {  	[sflag:s15] =	ssyncadd.s32 $0xFFFFF800  }
0x87: {  	_ =	swait.ge [sflag:s15], $0x800  }
0x88: {  	[sflag:s15] =	ssyncset.done $0x0  }
0x89: {  	[sflag:s15] =	ssyncadd.s32 $0xFFFFF800  }
0x8a: {  	_ =	swait.ge [sflag:s15], $0x800  }
0x8b: {  	[sflag:s15] =	ssyncset.done $0x0  }
0x8c: {  	[sflag:s15] =	ssyncadd.s32 $0xFFFFF800  }
0x8d: {  	_ =	swait.ge [sflag:s15], $0x800  }
0x8e: {  	[sflag:s15] =	ssyncset.done $0x0  }
0x8f: {  	[sflag:s15] =	ssyncadd.s32 $0xFFFFF800  }
0x90: {  	_ =	swait.ge [sflag:s15], $0x800  }
0x91: {  	s16 =	sadd.s32 $0x1, s16;
	[sflag:s15] =	ssyncset.done $0x0  }
0x92: {  	p0 =	sne.s32 s16, s8;
	[sflag:s15] =	ssyncadd.s32 $0xFFFFF800  }
.Ltmp1:
0x93: {  	[bflag:$0x0] =	sbarrier.arrive $0xFFFF;
	(pc) =	sbr.rel @p0 .LBB2_1-.Ltmp1, $4  }
0x94: {  	[hbm:s7], [sflag:s12] =	dma.local [spmem:s13], $0x4F0  }
0x95: {  	_ =	swait.ge [sflag:s10], $0x4F0  }
0x96: {  	[sflag:s10] =	ssyncset.done $0x0  }
0x97: {  	[sflag:s10] =	ssyncadd.s32 $0xFFFFFB10  }
0x98: {  	_ =	sfence.sel $0x180000  }
0x99: {  	[bflag:$0x0] =	sbarrier.arrive $0xFFFF  }
0x9a: {  	p0 =	sne.s32 s1, $0x0;
	_ =	strace $0x90000047  }
0x9b: {  	s0 =	sadd.s32 @!p0 $0x100000, s0;
	[bflag:$0x2] =	sbarrier.arrive $0xFFFF  }
0x9c: {  	[sflag:s0] =	ssyncadd.tile.s32 @!p0 $0x1;
	_ =	shalt  }
.Lfunc_end2:
_tile_overlayer_lowered:
.L_overlay_start_2:
0x9d: {  	(tag) =	ssettag $0x2  }
0x9e: {  	s0 =	rddreg [dreg:$0x0];
	s2 =	stileid.u32  }
0x9f: {  	s1 =	rddreg [dreg:$0x1];
	p0 =	sne.s32 s2, $0x0  }
0xa0: {  	s3 =	rddreg [dreg:$0x2];
	[bflag:$0x3] =	sbarrier.arrive $0xFFFF;
	s2 =	simm.s32 @!p0 $0x1C02  }
0xa1: {  	[timem:s3], [sflag:s2] =	dma.local @!p0 [hbm:s0], s1  }
0xa2: {  	s0 =	simm.s32 @!p0 $0x2  }
0xa3: {  	_ =	swait.ge @!p0 [sflag:s0], s1  }
0xa4: {  	s1 =	ssub.s32 @!p0 $0x0, s1;
	[sflag:s0] =	ssyncset.done @!p0 $0x0  }
0xa5: {  	[sflag:s0] =	ssyncadd.s32 @!p0 s1  }
0xa6: {  	[bflag:$0x3] =	sbarrier.arrive $0xFFFF  }
0xa7: {  	_ =	shalt  }

// kernel: kernel.15.cloned.1.call-start
scs
__scs_entry_jumppad:
0x0: {  	(pc) =	sbr.rel $0x88, $3  }
0x1: {  	(tag) =	ssettag $0x0;
	lr =	simm.s32 $0x1  }
0x2: {  	[smem:$0x3F91] =	sst lr;
	_ =	strace $0xD0000000  }
0x3: {  	_ = 	snop  }
0x4: {  	_ = 	snop  }
0x5: {  	_ = 	snop  }
0x6: {  	_ = 	snop  }
0x7: {  	_ = 	snop  }
__scs_overlays_trampoline_lowered:
0x8: {  	[smem:$0x3FA0] =	sst s0  }
0x9: {  	[smem:$0x3FA1] =	sst s1  }
0xa: {  	[smem:$0x3FA2] =	sst s2  }
0xb: {  	[smem:$0x3FA3] =	sst s3  }
0xc: {  	[smem:$0x3FA4] =	sst s4  }
0xd: {  	[smem:$0x3FA5] =	sst s5  }
0xe: {  	[smem:$0x3FA6] =	sst s6  }
0xf: {  	[smem:$0x3FA7] =	sst s7  }
0x10: {  	[smem:$0x3FA8] =	sst s8  }
0x11: {  	[smem:$0x3FA9] =	sst s9;
	s0 =	simm.s32 @!p0 $0x0  }
0x12: {  	s1 =	sld [smem:$0x3F8F];
	s0 =	simm.s32 @p0 $0x1  }
0x13: {  	[smem:$0x3FAA] =	sst s0;
	s0 =	simm.s32 @!p1 $0x0  }
0x14: {  	s2 =	sld [smem:$0x3F8E];
	s0 =	simm.s32 @p1 $0x1  }
0x15: {  	[smem:$0x3FAB] =	sst s0;
	s0 =	simm.s32 @!p2 $0x0  }
0x16: {  	s3 =	sld [smem:$0x3FDB];
	s0 =	simm.s32 @p2 $0x1  }
0x17: {  	s4 =	simm.s32 $0x1BF5;
	[smem:$0x3FAD] =	sst s0  }
0x18: {  	s0 =	sld [smem:$0x3F90];
	_ =	swait.ge [sflag:s4], $0x0  }
0x19: {  	s7 =	sld [smem:$0x3F91]  }
0x1a: {  	s8 =	sadd.s32 $0xFFFFE003, lr  }
0x1b: {  	s9 =	sadd.s32 $0xFFFFFEF7, lr;
	s5 =	simm.s32 $0xFFFFFFFF;
	p2 =	slt.u32 s8, $0xFFFFF086  }
0x1c: {  	p1 =	slt.u32 s9, $0xF7A;
	s5 =	simm.s32 @!p2 $0x0  }
0x1d: {  	s5 =	simm.s32 @p1 $0x1;
	p0 =	seq.s32 s7, s2  }
0x1e: {  	s7 =	smul.u32 @!p0 $0xF7A, s2;
	p2 =	seq.s32 @!p0 s5, $0x0  }
0x1f: {  	s9 =	smul.u32 $0xF7A, s1;
	s8 =	simm.s32 @!p0 $0x1BF5;
	p2 =	por !p2, p0  }
0x20: {  	[sflag:s8] =	ssyncset.s32 @!p0 $0xFFFFF086;
	s6 =	sadd.s32 @!p0 s3, s7;
	s7 =	simm.s32 @!p0 $0x108  }
0x21: {  	s3 =	sadd.s32 s3, s9;
	s6 =	sadd.s32 @!p0 $0x88, s6;
	s7 =	simm.s32 @p2 $0x1082  }
0x22: {  	[simem:s7], [sflag:s8] =	dma.local @!p0 [hbm:s6], $0xF7A  }
0x23: {  	s9 =	sor.u32 $0xD0000000, s2;
	s6 =	simm.s32 $0x108;
	_ =	swait.ge @!p0 [sflag:s8], $0x0  }
0x24: {  	s3 =	sadd.s32 $0x88, s3;
	s6 =	simm.s32 @!p1 $0x1082;
	[sflag:s4] =	ssyncset.s32 $0xFFFFF086  }
0x25: {  	[simem:s6], [sflag:s4] =	dma.local [hbm:s3], $0xF7A  }
0x26: {  	[smem:$0x3F91] =	sst s1;
	(tag) =	ssettag s2;
	_ =	strace s9  }
0x27: {  	s1 =	sld [smem:$0x3FA1]  }
0x28: {  	s2 =	sld [smem:$0x3FA2]  }
0x29: {  	s4 =	sld [smem:$0x3FA4]  }
0x2a: {  	p0 =	seq.s32 s5, $0x0;
	s5 =	sld [smem:$0x3FA5]  }
0x2b: {  	s6 =	sld [smem:$0x3FA6]  }
0x2c: {  	s7 =	sld [smem:$0x3FA7]  }
0x2d: {  	s3 =	simm.s32 $0x108;
	s8 =	sld [smem:$0x3FA8]  }
0x2e: {  	s3 =	simm.s32 @!p0 $0x1082;
	s9 =	sld [smem:$0x3FA9]  }
0x2f: {  	lr =	sadd.s32 s0, s3;
	s0 =	sld [smem:$0x3FA0]  }
0x30: {  	s3 =	sld [smem:$0x3FA3]  }
0x31: {  	[smem:$0x3FAC] =	sst s10  }
0x32: {  	s10 =	sld [smem:$0x3FAA];
	_ =	sdelay $0x3  }
0x33: {  	p0 =	seq.s32 s10, $0x1;
	s10 =	sld [smem:$0x3FAC];
	_ =	sdelay $0x3  }
0x34: {  	[smem:$0x3FAC] =	sst s10  }
0x35: {  	s10 =	sld [smem:$0x3FAB];
	_ =	sdelay $0x3  }
0x36: {  	p1 =	seq.s32 s10, $0x1;
	s10 =	sld [smem:$0x3FAC];
	_ =	sdelay $0x3  }
0x37: {  	[smem:$0x3FAC] =	sst s10  }
0x38: {  	s10 =	sld [smem:$0x3FAD]  }
0x39: {  	_ = 	snop;
	(pc) =	sbr.ind lr, $3  }
0x3a: {  	_ = 	snop  }
0x3b: {  	_ = 	snop  }
0x3c: {  	p2 =	seq.s32 s10, $0x1;
	s10 =	sld [smem:$0x3FAC]  }
0x3d: {  	_ =	shalt  }
0x3e: {  	_ =	shalt  }
0x3f: {  	_ =	shalt  }
0x40: {  	_ =	shalt  }
0x41: {  	_ =	shalt  }
0x42: {  	_ =	shalt  }
0x43: {  	_ =	shalt  }
0x44: {  	_ =	shalt  }
0x45: {  	_ =	shalt  }
0x46: {  	_ =	shalt  }
0x47: {  	_ =	shalt  }
0x48: {  	_ =	shalt  }
0x49: {  	_ =	shalt  }
0x4a: {  	_ =	shalt  }
0x4b: {  	_ =	shalt  }
0x4c: {  	_ =	shalt  }
0x4d: {  	_ =	shalt  }
0x4e: {  	_ =	shalt  }
0x4f: {  	_ =	shalt  }
0x50: {  	_ =	shalt  }
0x51: {  	_ =	shalt  }
0x52: {  	_ =	shalt  }
0x53: {  	_ =	shalt  }
0x54: {  	_ =	shalt  }
0x55: {  	_ =	shalt  }
0x56: {  	_ =	shalt  }
0x57: {  	_ =	shalt  }
0x58: {  	_ =	shalt  }
0x59: {  	_ =	shalt  }
0x5a: {  	_ =	shalt  }
0x5b: {  	_ =	shalt  }
0x5c: {  	_ =	shalt  }
0x5d: {  	_ =	shalt  }
0x5e: {  	_ =	shalt  }
0x5f: {  	_ =	shalt  }
0x60: {  	_ =	shalt  }
0x61: {  	_ =	shalt  }
0x62: {  	_ =	shalt  }
0x63: {  	_ =	shalt  }
0x64: {  	_ =	shalt  }
0x65: {  	_ =	shalt  }
0x66: {  	_ =	shalt  }
0x67: {  	_ =	shalt  }
0x68: {  	_ =	shalt  }
0x69: {  	_ =	shalt  }
0x6a: {  	_ =	shalt  }
0x6b: {  	_ =	shalt  }
0x6c: {  	_ =	shalt  }
0x6d: {  	_ =	shalt  }
0x6e: {  	_ =	shalt  }
0x6f: {  	_ =	shalt  }
0x70: {  	_ =	shalt  }
0x71: {  	_ =	shalt  }
0x72: {  	_ =	shalt  }
0x73: {  	_ =	shalt  }
0x74: {  	_ =	shalt  }
0x75: {  	_ =	shalt  }
0x76: {  	_ =	shalt  }
0x77: {  	_ =	shalt  }
0x78: {  	_ =	shalt  }
0x79: {  	_ =	shalt  }
0x7a: {  	_ =	shalt  }
0x7b: {  	_ =	shalt  }
0x7c: {  	_ =	shalt  }
0x7d: {  	_ =	shalt  }
0x7e: {  	_ =	shalt  }
0x7f: {  	_ =	shalt  }
0x80: {  	_ =	shalt  }
0x81: {  	_ =	shalt  }
0x82: {  	_ =	shalt  }
0x83: {  	_ =	shalt  }
0x84: {  	_ =	shalt  }
0x85: {  	_ =	shalt  }
0x86: {  	_ =	shalt  }
0x87: {  	_ =	shalt  }
.Lfunc_end0:
.L_simem_size_0:
called_computation.1_lowered:
.L_overlay_start_0:
0x88: {  	s2 =	sld [smem:$0x3FD9]  }
0x89: {  	s3 =	sld [smem:$0x3FFE];
	_ =	sdelay $0x1  }
0x8a: {  	s1 =	srdreg.scid  }
0x8b: {  	s0 =	sand.u32 $0x1, s1  }
0x8c: {  	s17 =	sshll.u32 s0, $0xA;
	s2 =	sadd.s32 s3, s2  }
0x8d: {  	s2 =	sadd.s32 s2, s17  }
0x8e: {  	[smem:$0x3FB8] =	sst s2  }
0x8f: {  	_ = 	snop  }
0x90: {  	s2 =	sld [smem:$0x3FD0];
	(tm) =	ssettm $0x1  }
0x91: {  	s18 =	sld [smem:$0x3FFB];
	_ =	sdelay $0x3  }
0x92: {  	_ =	strace s18  }
0x93: {  	s3 =	sld [smem:$0x3FFC];
	_ =	sdelay $0x3  }
0x94: {  	_ =	strace s3  }
0x95: {  	s3 =	sld [smem:$0x3FFD];
	_ =	sdelay $0x3  }
0x96: {  	_ =	strace s3  }
0x97: {  	_ =	strace $0x8FFFFFFF  }
0x98: {  	s19 =	sld [smem:$0x3FDB];
	_ =	sdelay $0x1  }
0x99: {  	s4 =	simm.s32 $_scs_section_size  }
0x9a: {  	s5 =	simm.s32 $_size__tile_overlayer_lowered;
	s6 =	simm.s32 $_tile_overlayer_lowered  }
0x9b: {  	s22 =	simm.s32 $0x1BFF;
	s21 =	sshll.u32 s6, $0x1;
	s3 =	sadd.s32 s4, s19  }
0x9c: {  	s7 =	simm.s32 $0x0;
	s20 =	sshll.u32 s5, $0x1;
	s5 =	sadd.s32 s21, s3  }
0x9d: {  	[timem:s7], [sflag:s22] =	dma.local [hbm:s5], s20  }
0x9e: {  	_ =	swait.ge [sflag:s22], s20  }
0x9f: {  	s4 =	ssub.s32 $0x0, s20;
	[sflag:s22] =	ssyncset.done $0x0  }
0xa0: {  	[sflag:s22] =	ssyncadd.s32 s4;
	_ =	sdelay $0x1  }
0xa1: {  	s23 =	simm.s32 $0x1B8B  }
0xa2: {  	_ =	swait.ge [sflag:s23], $0x1  }
0xa3: {  	[sflag:s23] =	ssyncset.done $0x0  }
0xa4: {  	s25 =	simm.s32 $0x1B8E;
	s24 =	sld [smem:$0x3FFE];
	[sflag:s23] =	ssyncadd.s32 $0xFFFFFFFF  }
0xa5: {  	s26 =	simm.s32 $execute0_lowered;
	[smem:$0x3FD2] =	sst s25  }
0xa6: {  	s5 =	sshll.u32 s26, $0x1;
	_ =	strace $0x80000049;
	[dreg:$0x1] =	wrdreg $0xFFFFFFFF  }
0xa7: {  	s28 =	simm.s32 $_size_execute0_lowered;
	s3 =	sadd.s32 s3, s5;
	[dreg:$0x0] =	wrdreg $0x0  }
0xa8: {  	s5 =	sshll.u32 s28, $0x1;
	[dreg:$0x2] =	wrdreg s3  }
0xa9: {  	[dreg:$0x3] =	wrdreg s5  }
0xaa: {  	[dreg:$0x4] =	wrdreg $0xC0  }
0xab: {  	_ =	task [dreg:s7], $0x5FFFF  }
0xac: {  	[dreg:$0x1] =	wrdreg $0xFFFFFFFF  }
0xad: {  	[dreg:$0x0] =	wrdreg $0x60  }
0xae: {  	[dreg:$0x2] =	wrdreg s24  }
0xaf: {  	[dreg:$0x3] =	wrdreg s2  }
0xb0: {  	[dreg:$0x4] =	wrdreg $0x0  }
0xb1: {  	[dreg:$0x5] =	wrdreg $0x9  }
0xb2: {  	_ =	task.clear_ibuf [dreg:s7], $0x6FFFF;
	_ =	strace $0x90000049  }
0xb3: {  	s29 =	simm.s32 $0x9;
	_ =	strace $0x8000004B  }
0xb4: {  	_ =	swait.ge [sflag:s29], $0x1  }
0xb5: {  	[sflag:s29] =	ssyncadd.s32 $0xFFFFFFFF  }
0xb6: {  	_ =	strace $0x9000004B  }
0xb7: {  	_ =	sfence  }
0xb8: {  	s30 =	sld [smem:$0x0];
	_ =	sdelay $0x2  }
0xb9: {  	s31 =	sshll.u32 s1, $0xD;
	s1 =	sshrl.u32 s1, $0x2  }
0xba: {  	s3 =	sand.u32 $0x4000, s31;
	s1 =	sadd.s32 s1, s30  }
0xbb: {  	s0 =	sor.u32 s3, s0;
	s1 =	sshll.u32 s1, $0x11  }
0xbc: {  	s0 =	sor.u32 s1, s0  }
0xbd: {  	s0 =	sadd.s32 $0x8F2B, s0  }
0xbe: {  	[sflag:s0] =	ssyncadd.remote.s32 $0x1  }
0xbf: {  	_ =	sfence.sel $0xFFFF  }
0xc0: {  	[dreg:$0x0] =	wrdreg $0xFFFFFFFF;
	(pc) =	sbr.abs _section_cstart, $3  }
0xc1: {  	[dreg:$0x1] =	wrdreg $0xFFFFFFFF  }
0xc2: {  	_ =	task.clear_ibuf [dreg:s7], $0x2FFFF;
	_ =	strace $0x9FFFFFFF  }
0xc3: {  	(tm) =	ssettm $0x7FFFFFFF  }
tec
execute0_lowered:
.L_overlay_start_1:
0x0: {  	(tag) =	ssettag $0x1  }
0x1: {  	s5 =	rddreg [dreg:$0x0]  }
0x2: {  	s10 =	rddreg [dreg:$0x1]  }
0x3: {  	s2 =	rddreg [dreg:$0x2]  }
0x4: {  	s0 =	rddreg [dreg:$0x3]  }
0x5: {  	s3 =	simm.s32 $0x0;
	s1 =	stileid.u32;
	s4 =	srdreg.scid  }
0x6: {  	s15 =	simm.s32 $0x1BC00;
	s16 =	simm.s32 $0x1D000;
	s17 =	simm.s32 $0x40  }
0x7: {  	s18 =	simm.s32 $0x13C00;
	s19 =	simm.s32 $0x15C00;
	s20 =	simm.s32 $0x1  }
0x8: {  	s21 =	simm.s32 $0x17C00;
	s22 =	simm.s32 $0x19C00;
	s23 =	simm.s32 $0x2  }
0x9: {  	s24 =	simm.s32 $0x0;
	[smem:$0x7FF] =	sst s3;
	s6 =	smul.u32 $0x13C00, s1  }
0xa: {  	s7 =	sand.u32 $0x1, s4;
	s4 =	sadd.s32 $0x1D000, s5;
	s9 =	sadd.s32 $0x13000, s5  }
0xb: {  	s12 =	sshll.u32 s1, $0x1;
	s29 =	sshll.u32 s1, $0x6;
	_ =	strace $0x8000004A  }
0xc: {  	s8 =	smul.u32 $0x13C000, s7;
	s13 =	ssub.s32 $0x2, s7;
	s7 =	sor.u32 s7, s12  }
0xd: {  	s11 =	sshrl.u32 s6, $0x3;
	s26 =	sshrl.u32 s13, $0x1;
	s7 =	smul.u32 $0x2800, s7  }
0xe: {  	s28 =	sadd.s32 s6, s2;
	s8 =	sadd.s32 s6, s8;
	s11 =	sadd.s32 s11, s5  }
0xf: {  	s12 =	ssub.s32 s13, s26;
	s6 =	sor.u32 $0x1C03, s29;
	s13 =	sshrl.u32 s28, $0x3  }
0x10: {  	s8 =	sshrl.u32 s8, $0x3;
	s30 =	sshrl.u32 s7, $0x3;
	s12 =	smax.u32 s12, $0x1  }
0x11: {  	s14 =	sadd.s32 s8, s5;
	s5 =	sadd.s32 $0x44800, s11;
	s31 =	sadd.s32 $0x280, s30  }
0x12: {  	s7 =	sadd.s32 s9, s30;
	s8 =	sadd.s32 s10, s30;
	s9 =	sadd.s32 s9, s31  }
0x13: {  	s10 =	sadd.s32 s10, s31;
	s11 =	sadd.s32 $0x6C000, s14;
	s14 =	simm.s32 $0x3  }
.LBB2_1:
0x14: {  	[spmem:s13], [sflag:s6] =	dma.local [hbm:s5], $0x2780  }
0x15: {  	_ =	swait.ge [sflag:s14], $0x2780  }
0x16: {  	[sflag:s14] =	ssyncset.done $0x0  }
0x17: {  	[sflag:s14] =	ssyncadd.s32 $0xFFFFD880  }
0x18: {  	[bflag:$0x0] =	sbarrier.arrive $0xFFFF  }
0x19: {  	[tilespmem:s15], [sflag:$0x3] =	stream.linear.gather [hbm4b:s7+s3], $0x1400, $0x38;
	[tilespmem:$0x1E400] =	vst v63  }
0x1a: {  	_ =	swait.ge [sflag:s14], $0x1400  }
0x1b: {  	[sflag:s14] =	ssyncset.done $0x0  }
0x1c: {  	[sflag:s14] =	ssyncadd.s32 $0xFFFFEC00  }
0x1d: {  	[tilespmem:s16], [sflag:$0x3] =	stream.linear.gather [hbm4b:s8+s3], $0x1400, $0x38;
	[tilespmem:$0x1E400] =	vst v63  }
0x1e: {  	_ =	swait.ge [sflag:s14], $0x1400  }
0x1f: {  	[sflag:s14] =	ssyncset.done $0x0  }
0x20: {  	s25 =	simm.s32 $0x1BC00;
	[sflag:s14] =	ssyncadd.s32 $0xFFFFEC00  }
0x21: {  	[tilespmem:s18], [sflag:$0x1] =	stream.indirect.gather [hbm4b:s4+s17], $0x80, s25, s17, $0xb8;
	[tilespmem:$0x1E400] =	vst v63  }
0x22: {  	s28 =	simm.s32 $0x1BC40  }
0x23: {  	[tilespmem:s19], [sflag:$0x1] =	stream.indirect.gather [hbm4b:s4+s17], $0x80, s28, s17, $0xb8;
	[tilespmem:$0x1E400] =	vst v63  }
0x24: {  	_ =	swait.ge [sflag:s20], $0x2000  }
0x25: {  	[sflag:s20] =	ssyncset.done $0x0  }
0x26: {  	[sflag:s20] =	ssyncadd.s32 $0xFFFFE000  }
0x27: {  	_ =	swait.ge [sflag:s20], $0x2000  }
0x28: {  	[sflag:s20] =	ssyncset.done $0x0  }
0x29: {  	s30 =	simm.s32 $0x1D000;
	[sflag:s20] =	ssyncadd.s32 $0xFFFFE000  }
0x2a: {  	[spmem:s2] =	stream.indirect.scatter.add.f32 [tilespmem:s18], [sflag:$0x2], $0x80, s30, s17, $0xb8;
	[tilespmem:$0x1E400] =	vst v63  }
0x2b: {  	s31 =	simm.s32 $0x1D040  }
0x2c: {  	[spmem:s2] =	stream.indirect.scatter.add.f32 [tilespmem:s19], [sflag:$0x2], $0x80, s31, s17, $0xb8;
	[tilespmem:$0x1E400] =	vst v63  }
0x2d: {  	s26 =	simm.s32 $0x1BC80  }
0x2e: {  	[tilespmem:s21], [sflag:$0x1] =	stream.indirect.gather [hbm4b:s4+s17], $0x80, s26, s17, $0xb8;
	[tilespmem:$0x1E400] =	vst v63  }
0x2f: {  	s28 =	simm.s32 $0x1BCC0  }
0x30: {  	[tilespmem:s22], [sflag:$0x1] =	stream.indirect.gather [hbm4b:s4+s17], $0x80, s28, s17, $0xb8;
	[tilespmem:$0x1E400] =	vst v63  }
0x31: {  	_ =	swait.ge [sflag:s20], $0x2000  }
0x32: {  	[sflag:s20] =	ssyncset.done $0x0  }
0x33: {  	[sflag:s20] =	ssyncadd.s32 $0xFFFFE000  }
0x34: {  	_ =	swait.ge [sflag:s20], $0x2000  }
0x35: {  	[sflag:s20] =	ssyncset.done $0x0  }
0x36: {  	s30 =	simm.s32 $0x1D080;
	[sflag:s20] =	ssyncadd.s32 $0xFFFFE000  }
0x37: {  	[spmem:s2] =	stream.indirect.scatter.add.f32 [tilespmem:s21], [sflag:$0x2], $0x80, s30, s17, $0xb8;
	[tilespmem:$0x1E400] =	vst v63  }
0x38: {  	s31 =	simm.s32 $0x1D0C0  }
0x39: {  	[spmem:s2] =	stream.indirect.scatter.add.f32 [tilespmem:s22], [sflag:$0x2], $0x80, s31, s17, $0xb8;
	[tilespmem:$0x1E400] =	vst v63  }
0x3a: {  	_ =	swait.ge [sflag:s23], $0x2000  }
0x3b: {  	[sflag:s23] =	ssyncset.done $0x0  }
0x3c: {  	[sflag:s23] =	ssyncadd.s32 $0xFFFFE000  }
0x3d: {  	_ =	swait.ge [sflag:s23], $0x2000  }
0x3e: {  	[sflag:s23] =	ssyncset.done $0x0  }
0x3f: {  	[sflag:s23] =	ssyncadd.s32 $0xFFFFE000  }
0x40: {  	_ =	swait.ge [sflag:s23], $0x2000  }
0x41: {  	[sflag:s23] =	ssyncset.done $0x0  }
0x42: {  	[sflag:s23] =	ssyncadd.s32 $0xFFFFE000  }
0x43: {  	_ =	swait.ge [sflag:s23], $0x2000  }
0x44: {  	s29 =	simm.s32 $0x800;
	s25 =	simm.s32 $0x100;
	[sflag:s23] =	ssyncset.done $0x0  }
.LBB2_2:
0x45: {  	s30 =	sadd.s32 $0x1BC00, s25  }
0x46: {  	[sflag:s23] =	ssyncadd.s32 $0xFFFFE000;
	s28 =	smov.u32 s29;
	s26 =	sadd.s32 $0x400, s29  }
0x47: {  	[tilespmem:s18], [sflag:$0x1] =	stream.indirect.gather [hbm4b:s4+s17], $0x80, s30, s17, $0xb8;
	[tilespmem:$0x1E400] =	vst v63  }
0x48: {  	p0 =	sne.s32 s29, $0x4C00;
	s29 =	sadd.s32 $0x1BC40, s25  }
0x49: {  	[tilespmem:s19], [sflag:$0x1] =	stream.indirect.gather [hbm4b:s4+s17], $0x80, s29, s17, $0xb8;
	[tilespmem:$0x1E400] =	vst v63  }
0x4a: {  	_ =	swait.ge [sflag:s20], $0x2000  }
0x4b: {  	[sflag:s20] =	ssyncset.done $0x0  }
0x4c: {  	[sflag:s20] =	ssyncadd.s32 $0xFFFFE000  }
0x4d: {  	_ =	swait.ge [sflag:s20], $0x2000  }
0x4e: {  	[sflag:s20] =	ssyncset.done $0x0  }
0x4f: {  	s29 =	sadd.s32 $0x1D000, s25;
	[sflag:s20] =	ssyncadd.s32 $0xFFFFE000  }
0x50: {  	[spmem:s2] =	stream.indirect.scatter.add.f32 [tilespmem:s18], [sflag:$0x2], $0x80, s29, s17, $0xb8;
	[tilespmem:$0x1E400] =	vst v63  }
0x51: {  	s29 =	sadd.s32 $0x1D040, s25  }
0x52: {  	[spmem:s2] =	stream.indirect.scatter.add.f32 [tilespmem:s19], [sflag:$0x2], $0x80, s29, s17, $0xb8;
	[tilespmem:$0x1E400] =	vst v63  }
0x53: {  	s29 =	sadd.s32 $0x1BC80, s25  }
0x54: {  	[tilespmem:s21], [sflag:$0x1] =	stream.indirect.gather [hbm4b:s4+s17], $0x80, s29, s17, $0xb8;
	[tilespmem:$0x1E400] =	vst v63  }
0x55: {  	s29 =	sadd.s32 $0x1BCC0, s25  }
0x56: {  	[tilespmem:s22], [sflag:$0x1] =	stream.indirect.gather [hbm4b:s4+s17], $0x80, s29, s17, $0xb8;
	[tilespmem:$0x1E400] =	vst v63  }
0x57: {  	_ =	swait.ge [sflag:s20], $0x2000  }
0x58: {  	[sflag:s20] =	ssyncset.done $0x0  }
0x59: {  	[sflag:s20] =	ssyncadd.s32 $0xFFFFE000  }
0x5a: {  	_ =	swait.ge [sflag:s20], $0x2000  }
0x5b: {  	[sflag:s20] =	ssyncset.done $0x0  }
0x5c: {  	s29 =	sadd.s32 $0x1D080, s25;
	[sflag:s20] =	ssyncadd.s32 $0xFFFFE000  }
0x5d: {  	[spmem:s2] =	stream.indirect.scatter.add.f32 [tilespmem:s21], [sflag:$0x2], $0x80, s29, s17, $0xb8;
	[tilespmem:$0x1E400] =	vst v63  }
0x5e: {  	s25 =	sadd.s32 $0x1D0C0, s25  }
0x5f: {  	[spmem:s2] =	stream.indirect.scatter.add.f32 [tilespmem:s22], [sflag:$0x2], $0x80, s25, s17, $0xb8;
	[tilespmem:$0x1E400] =	vst v63  }
0x60: {  	_ =	swait.ge [sflag:s23], $0x2000  }
0x61: {  	[sflag:s23] =	ssyncset.done $0x0  }
0x62: {  	[sflag:s23] =	ssyncadd.s32 $0xFFFFE000  }
0x63: {  	_ =	swait.ge [sflag:s23], $0x2000  }
0x64: {  	[sflag:s23] =	ssyncset.done $0x0  }
0x65: {  	[sflag:s23] =	ssyncadd.s32 $0xFFFFE000  }
.Ltmp0:
0x66: {  	_ =	swait.ge [sflag:s23], $0x2000;
	(pc) =	sbr.rel @p0 .LBB2_2-.Ltmp0, $4  }
0x67: {  	[sflag:s23] =	ssyncset.done $0x0  }
0x68: {  	[sflag:s23] =	ssyncadd.s32 $0xFFFFE000  }
0x69: {  	_ =	swait.ge [sflag:s23], $0x2000  }
0x6a: {  	s29 =	smov.u32 s26;
	s25 =	sshra.s32 s28, $0x2;
	[sflag:s23] =	ssyncset.done $0x0  }
0x6b: {  	s26 =	sadd.s32 $0x1BC00, s25;
	[sflag:s23] =	ssyncadd.s32 $0xFFFFE000  }
0x6c: {  	[tilespmem:s18], [sflag:$0x1] =	stream.indirect.gather [hbm4b:s4+s17], $0x80, s26, s17, $0xb8;
	[tilespmem:$0x1E400] =	vst v63  }
0x6d: {  	s30 =	sadd.s32 $0x1BC40, s25  }
0x6e: {  	[tilespmem:s19], [sflag:$0x1] =	stream.indirect.gather [hbm4b:s4+s17], $0x80, s30, s17, $0xb8;
	[tilespmem:$0x1E400] =	vst v63  }
0x6f: {  	_ =	swait.ge [sflag:s20], $0x2000  }
0x70: {  	[sflag:s20] =	ssyncset.done $0x0  }
0x71: {  	[sflag:s20] =	ssyncadd.s32 $0xFFFFE000  }
0x72: {  	_ =	swait.ge [sflag:s20], $0x2000  }
0x73: {  	[sflag:s20] =	ssyncset.done $0x0  }
0x74: {  	s31 =	sadd.s32 $0x1D000, s25;
	[sflag:s20] =	ssyncadd.s32 $0xFFFFE000  }
0x75: {  	[spmem:s2] =	stream.indirect.scatter.add.f32 [tilespmem:s18], [sflag:$0x2], $0x80, s31, s17, $0xb8;
	[tilespmem:$0x1E400] =	vst v63  }
0x76: {  	s28 =	sadd.s32 $0x1D040, s25  }
0x77: {  	[spmem:s2] =	stream.indirect.scatter.add.f32 [tilespmem:s19], [sflag:$0x2], $0x80, s28, s17, $0xb8;
	[tilespmem:$0x1E400] =	vst v63  }
0x78: {  	s30 =	sadd.s32 $0x1BC80, s25  }
0x79: {  	[tilespmem:s21], [sflag:$0x1] =	stream.indirect.gather [hbm4b:s4+s17], $0x80, s30, s17, $0xb8;
	[tilespmem:$0x1E400] =	vst v63  }
0x7a: {  	s31 =	sadd.s32 $0x1BCC0, s25  }
0x7b: {  	[tilespmem:s22], [sflag:$0x1] =	stream.indirect.gather [hbm4b:s4+s17], $0x80, s31, s17, $0xb8;
	[tilespmem:$0x1E400] =	vst v63  }
0x7c: {  	_ =	swait.ge [sflag:s20], $0x2000  }
0x7d: {  	[sflag:s20] =	ssyncset.done $0x0  }
0x7e: {  	[sflag:s20] =	ssyncadd.s32 $0xFFFFE000  }
0x7f: {  	_ =	swait.ge [sflag:s20], $0x2000  }
0x80: {  	[sflag:s20] =	ssyncset.done $0x0  }
0x81: {  	s28 =	sadd.s32 $0x1D080, s25;
	[sflag:s20] =	ssyncadd.s32 $0xFFFFE000  }
0x82: {  	[spmem:s2] =	stream.indirect.scatter.add.f32 [tilespmem:s21], [sflag:$0x2], $0x80, s28, s17, $0xb8;
	[tilespmem:$0x1E400] =	vst v63  }
0x83: {  	s30 =	sadd.s32 $0x1D0C0, s25  }
0x84: {  	[spmem:s2] =	stream.indirect.scatter.add.f32 [tilespmem:s22], [sflag:$0x2], $0x80, s30, s17, $0xb8;
	[tilespmem:$0x1E400] =	vst v63  }
0x85: {  	_ =	swait.ge [sflag:s23], $0x2000  }
0x86: {  	[sflag:s23] =	ssyncset.done $0x0  }
0x87: {  	[sflag:s23] =	ssyncadd.s32 $0xFFFFE000  }
0x88: {  	_ =	swait.ge [sflag:s23], $0x2000  }
0x89: {  	[sflag:s23] =	ssyncset.done $0x0  }
0x8a: {  	[sflag:s23] =	ssyncadd.s32 $0xFFFFE000  }
0x8b: {  	_ =	swait.ge [sflag:s23], $0x2000  }
0x8c: {  	[sflag:s23] =	ssyncset.done $0x0  }
0x8d: {  	[sflag:s23] =	ssyncadd.s32 $0xFFFFE000  }
0x8e: {  	_ =	swait.ge [sflag:s23], $0x2000  }
0x8f: {  	[sflag:s23] =	ssyncset.done $0x0  }
0x90: {  	s31 =	simm.s32 $0x0;
	[sflag:s23] =	ssyncadd.s32 $0xFFFFE000  }
0x91: {  	[tilespmem:s15], [sflag:$0x3] =	stream.linear.gather [hbm4b:s9+s31], $0x1400, $0x38;
	[tilespmem:$0x1E400] =	vst v63  }
0x92: {  	_ =	swait.ge [sflag:s14], $0x1400  }
0x93: {  	[sflag:s14] =	ssyncset.done $0x0  }
0x94: {  	[sflag:s14] =	ssyncadd.s32 $0xFFFFEC00  }
0x95: {  	[tilespmem:s16], [sflag:$0x3] =	stream.linear.gather [hbm4b:s10+s31], $0x1400, $0x38;
	[tilespmem:$0x1E400] =	vst v63  }
0x96: {  	_ =	swait.ge [sflag:s14], $0x1400  }
0x97: {  	[sflag:s14] =	ssyncset.done $0x0  }
0x98: {  	s26 =	simm.s32 $0x1BC00;
	[sflag:s14] =	ssyncadd.s32 $0xFFFFEC00  }
0x99: {  	[tilespmem:s18], [sflag:$0x1] =	stream.indirect.gather [hbm4b:s4+s17], $0x80, s26, s17, $0xb8;
	[tilespmem:$0x1E400] =	vst v63  }
0x9a: {  	s28 =	simm.s32 $0x1BC40  }
0x9b: {  	[tilespmem:s19], [sflag:$0x1] =	stream.indirect.gather [hbm4b:s4+s17], $0x80, s28, s17, $0xb8;
	[tilespmem:$0x1E400] =	vst v63  }
0x9c: {  	_ =	swait.ge [sflag:s20], $0x2000  }
0x9d: {  	[sflag:s20] =	ssyncset.done $0x0  }
0x9e: {  	[sflag:s20] =	ssyncadd.s32 $0xFFFFE000  }
0x9f: {  	_ =	swait.ge [sflag:s20], $0x2000  }
0xa0: {  	[sflag:s20] =	ssyncset.done $0x0  }
0xa1: {  	s30 =	simm.s32 $0x1D000;
	[sflag:s20] =	ssyncadd.s32 $0xFFFFE000  }
0xa2: {  	[spmem:s2] =	stream.indirect.scatter.add.f32 [tilespmem:s18], [sflag:$0x2], $0x80, s30, s17, $0xb8;
	[tilespmem:$0x1E400] =	vst v63  }
0xa3: {  	s31 =	simm.s32 $0x1D040  }
0xa4: {  	[spmem:s2] =	stream.indirect.scatter.add.f32 [tilespmem:s19], [sflag:$0x2], $0x80, s31, s17, $0xb8;
	[tilespmem:$0x1E400] =	vst v63  }
0xa5: {  	s26 =	simm.s32 $0x1BC80  }
0xa6: {  	[tilespmem:s21], [sflag:$0x1] =	stream.indirect.gather [hbm4b:s4+s17], $0x80, s26, s17, $0xb8;
	[tilespmem:$0x1E400] =	vst v63  }
0xa7: {  	s28 =	simm.s32 $0x1BCC0  }
0xa8: {  	[tilespmem:s22], [sflag:$0x1] =	stream.indirect.gather [hbm4b:s4+s17], $0x80, s28, s17, $0xb8;
	[tilespmem:$0x1E400] =	vst v63  }
0xa9: {  	_ =	swait.ge [sflag:s20], $0x2000  }
0xaa: {  	[sflag:s20] =	ssyncset.done $0x0  }
0xab: {  	[sflag:s20] =	ssyncadd.s32 $0xFFFFE000  }
0xac: {  	_ =	swait.ge [sflag:s20], $0x2000  }
0xad: {  	[sflag:s20] =	ssyncset.done $0x0  }
0xae: {  	s30 =	simm.s32 $0x1D080;
	[sflag:s20] =	ssyncadd.s32 $0xFFFFE000  }
0xaf: {  	[spmem:s2] =	stream.indirect.scatter.add.f32 [tilespmem:s21], [sflag:$0x2], $0x80, s30, s17, $0xb8;
	[tilespmem:$0x1E400] =	vst v63  }
0xb0: {  	s31 =	simm.s32 $0x1D0C0  }
0xb1: {  	[spmem:s2] =	stream.indirect.scatter.add.f32 [tilespmem:s22], [sflag:$0x2], $0x80, s31, s17, $0xb8;
	[tilespmem:$0x1E400] =	vst v63  }
0xb2: {  	_ =	swait.ge [sflag:s23], $0x2000  }
0xb3: {  	[sflag:s23] =	ssyncset.done $0x0  }
0xb4: {  	[sflag:s23] =	ssyncadd.s32 $0xFFFFE000  }
0xb5: {  	_ =	swait.ge [sflag:s23], $0x2000  }
0xb6: {  	[sflag:s23] =	ssyncset.done $0x0  }
0xb7: {  	[sflag:s23] =	ssyncadd.s32 $0xFFFFE000  }
0xb8: {  	_ =	swait.ge [sflag:s23], $0x2000  }
0xb9: {  	[sflag:s23] =	ssyncset.done $0x0  }
0xba: {  	[sflag:s23] =	ssyncadd.s32 $0xFFFFE000  }
0xbb: {  	_ =	swait.ge [sflag:s23], $0x2000  }
0xbc: {  	s29 =	simm.s32 $0x800;
	s25 =	simm.s32 $0x100;
	[sflag:s23] =	ssyncset.done $0x0  }
.LBB2_4:
0xbd: {  	s30 =	sadd.s32 $0x1BC00, s25  }
0xbe: {  	[sflag:s23] =	ssyncadd.s32 $0xFFFFE000;
	s28 =	smov.u32 s29;
	s26 =	sadd.s32 $0x400, s29  }
0xbf: {  	[tilespmem:s18], [sflag:$0x1] =	stream.indirect.gather [hbm4b:s4+s17], $0x80, s30, s17, $0xb8;
	[tilespmem:$0x1E400] =	vst v63  }
0xc0: {  	p0 =	sne.s32 s29, $0x4C00;
	s29 =	sadd.s32 $0x1BC40, s25  }
0xc1: {  	[tilespmem:s19], [sflag:$0x1] =	stream.indirect.gather [hbm4b:s4+s17], $0x80, s29, s17, $0xb8;
	[tilespmem:$0x1E400] =	vst v63  }
0xc2: {  	_ =	swait.ge [sflag:s20], $0x2000  }
0xc3: {  	[sflag:s20] =	ssyncset.done $0x0  }
0xc4: {  	[sflag:s20] =	ssyncadd.s32 $0xFFFFE000  }
0xc5: {  	_ =	swait.ge [sflag:s20], $0x2000  }
0xc6: {  	[sflag:s20] =	ssyncset.done $0x0  }
0xc7: {  	s29 =	sadd.s32 $0x1D000, s25;
	[sflag:s20] =	ssyncadd.s32 $0xFFFFE000  }
0xc8: {  	[spmem:s2] =	stream.indirect.scatter.add.f32 [tilespmem:s18], [sflag:$0x2], $0x80, s29, s17, $0xb8;
	[tilespmem:$0x1E400] =	vst v63  }
0xc9: {  	s29 =	sadd.s32 $0x1D040, s25  }
0xca: {  	[spmem:s2] =	stream.indirect.scatter.add.f32 [tilespmem:s19], [sflag:$0x2], $0x80, s29, s17, $0xb8;
	[tilespmem:$0x1E400] =	vst v63  }
0xcb: {  	s29 =	sadd.s32 $0x1BC80, s25  }
0xcc: {  	[tilespmem:s21], [sflag:$0x1] =	stream.indirect.gather [hbm4b:s4+s17], $0x80, s29, s17, $0xb8;
	[tilespmem:$0x1E400] =	vst v63  }
0xcd: {  	s29 =	sadd.s32 $0x1BCC0, s25  }
0xce: {  	[tilespmem:s22], [sflag:$0x1] =	stream.indirect.gather [hbm4b:s4+s17], $0x80, s29, s17, $0xb8;
	[tilespmem:$0x1E400] =	vst v63  }
0xcf: {  	_ =	swait.ge [sflag:s20], $0x2000  }
0xd0: {  	[sflag:s20] =	ssyncset.done $0x0  }
0xd1: {  	[sflag:s20] =	ssyncadd.s32 $0xFFFFE000  }
0xd2: {  	_ =	swait.ge [sflag:s20], $0x2000  }
0xd3: {  	[sflag:s20] =	ssyncset.done $0x0  }
0xd4: {  	s29 =	sadd.s32 $0x1D080, s25;
	[sflag:s20] =	ssyncadd.s32 $0xFFFFE000  }
0xd5: {  	[spmem:s2] =	stream.indirect.scatter.add.f32 [tilespmem:s21], [sflag:$0x2], $0x80, s29, s17, $0xb8;
	[tilespmem:$0x1E400] =	vst v63  }
0xd6: {  	s25 =	sadd.s32 $0x1D0C0, s25  }
0xd7: {  	[spmem:s2] =	stream.indirect.scatter.add.f32 [tilespmem:s22], [sflag:$0x2], $0x80, s25, s17, $0xb8;
	[tilespmem:$0x1E400] =	vst v63  }
0xd8: {  	_ =	swait.ge [sflag:s23], $0x2000  }
0xd9: {  	[sflag:s23] =	ssyncset.done $0x0  }
0xda: {  	[sflag:s23] =	ssyncadd.s32 $0xFFFFE000  }
0xdb: {  	_ =	swait.ge [sflag:s23], $0x2000  }
0xdc: {  	[sflag:s23] =	ssyncset.done $0x0  }
0xdd: {  	[sflag:s23] =	ssyncadd.s32 $0xFFFFE000  }
.Ltmp1:
0xde: {  	_ =	swait.ge [sflag:s23], $0x2000;
	(pc) =	sbr.rel @p0 .LBB2_4-.Ltmp1, $4  }
0xdf: {  	[sflag:s23] =	ssyncset.done $0x0  }
0xe0: {  	[sflag:s23] =	ssyncadd.s32 $0xFFFFE000  }
0xe1: {  	_ =	swait.ge [sflag:s23], $0x2000  }
0xe2: {  	s29 =	smov.u32 s26;
	s25 =	sshra.s32 s28, $0x2;
	[sflag:s23] =	ssyncset.done $0x0  }
0xe3: {  	s26 =	sadd.s32 $0x1BC00, s25;
	[sflag:s23] =	ssyncadd.s32 $0xFFFFE000  }
0xe4: {  	[tilespmem:s18], [sflag:$0x1] =	stream.indirect.gather [hbm4b:s4+s17], $0x80, s26, s17, $0xb8;
	[tilespmem:$0x1E400] =	vst v63  }
0xe5: {  	s29 =	sadd.s32 $0x1BC40, s25  }
0xe6: {  	[tilespmem:s19], [sflag:$0x1] =	stream.indirect.gather [hbm4b:s4+s17], $0x80, s29, s17, $0xb8;
	[tilespmem:$0x1E400] =	vst v63  }
0xe7: {  	_ =	swait.ge [sflag:s20], $0x2000  }
0xe8: {  	[sflag:s20] =	ssyncset.done $0x0  }
0xe9: {  	[sflag:s20] =	ssyncadd.s32 $0xFFFFE000  }
0xea: {  	_ =	swait.ge [sflag:s20], $0x2000  }
0xeb: {  	[sflag:s20] =	ssyncset.done $0x0  }
0xec: {  	s30 =	sadd.s32 $0x1D000, s25;
	[sflag:s20] =	ssyncadd.s32 $0xFFFFE000  }
0xed: {  	[spmem:s2] =	stream.indirect.scatter.add.f32 [tilespmem:s18], [sflag:$0x2], $0x80, s30, s17, $0xb8;
	[tilespmem:$0x1E400] =	vst v63  }
0xee: {  	s31 =	sadd.s32 $0x1D040, s25  }
0xef: {  	[spmem:s2] =	stream.indirect.scatter.add.f32 [tilespmem:s19], [sflag:$0x2], $0x80, s31, s17, $0xb8;
	[tilespmem:$0x1E400] =	vst v63  }
0xf0: {  	s28 =	sadd.s32 $0x1BC80, s25  }
0xf1: {  	[tilespmem:s21], [sflag:$0x1] =	stream.indirect.gather [hbm4b:s4+s17], $0x80, s28, s17, $0xb8;
	[tilespmem:$0x1E400] =	vst v63  }
0xf2: {  	s29 =	sadd.s32 $0x1BCC0, s25  }
0xf3: {  	[tilespmem:s22], [sflag:$0x1] =	stream.indirect.gather [hbm4b:s4+s17], $0x80, s29, s17, $0xb8;
	[tilespmem:$0x1E400] =	vst v63  }
0xf4: {  	_ =	swait.ge [sflag:s20], $0x2000  }
0xf5: {  	[sflag:s20] =	ssyncset.done $0x0  }
0xf6: {  	[sflag:s20] =	ssyncadd.s32 $0xFFFFE000  }
0xf7: {  	_ =	swait.ge [sflag:s20], $0x2000  }
0xf8: {  	[sflag:s20] =	ssyncset.done $0x0  }
0xf9: {  	s30 =	sadd.s32 $0x1D080, s25;
	[sflag:s20] =	ssyncadd.s32 $0xFFFFE000  }
0xfa: {  	[spmem:s2] =	stream.indirect.scatter.add.f32 [tilespmem:s21], [sflag:$0x2], $0x80, s30, s17, $0xb8;
	[tilespmem:$0x1E400] =	vst v63  }
0xfb: {  	s31 =	sadd.s32 $0x1D0C0, s25  }
0xfc: {  	[spmem:s2] =	stream.indirect.scatter.add.f32 [tilespmem:s22], [sflag:$0x2], $0x80, s31, s17, $0xb8;
	[tilespmem:$0x1E400] =	vst v63  }
0xfd: {  	_ =	swait.ge [sflag:s23], $0x2000  }
0xfe: {  	[sflag:s23] =	ssyncset.done $0x0  }
0xff: {  	[sflag:s23] =	ssyncadd.s32 $0xFFFFE000  }
0x100: {  	_ =	swait.ge [sflag:s23], $0x2000  }
0x101: {  	[sflag:s23] =	ssyncset.done $0x0  }
0x102: {  	[sflag:s23] =	ssyncadd.s32 $0xFFFFE000  }
0x103: {  	_ =	swait.ge [sflag:s23], $0x2000  }
0x104: {  	[sflag:s23] =	ssyncset.done $0x0  }
0x105: {  	[sflag:s23] =	ssyncadd.s32 $0xFFFFE000  }
0x106: {  	_ =	swait.ge [sflag:s23], $0x2000  }
0x107: {  	s24 =	sadd.s32 $0x1, s24;
	[sflag:s23] =	ssyncset.done $0x0  }
0x108: {  	p0 =	sne.s32 s24, s12;
	[sflag:s23] =	ssyncadd.s32 $0xFFFFE000  }
.Ltmp2:
0x109: {  	[bflag:$0x0] =	sbarrier.arrive $0xFFFF;
	(pc) =	sbr.rel @p0 .LBB2_1-.Ltmp2, $4  }
0x10a: {  	[hbm:s11], [sflag:s6] =	dma.local [spmem:s13], $0x2780  }
0x10b: {  	_ =	swait.ge [sflag:s14], $0x2780  }
0x10c: {  	[sflag:s14] =	ssyncset.done $0x0  }
0x10d: {  	[sflag:s14] =	ssyncadd.s32 $0xFFFFD880  }
0x10e: {  	_ =	sfence.sel $0x180000  }
0x10f: {  	[bflag:$0x0] =	sbarrier.arrive $0xFFFF  }
0x110: {  	p0 =	sne.s32 s1, $0x0;
	_ =	strace $0x9000004A  }
0x111: {  	s0 =	sadd.s32 @!p0 $0x100000, s0;
	[bflag:$0x2] =	sbarrier.arrive $0xFFFF  }
0x112: {  	[sflag:s0] =	ssyncadd.tile.s32 @!p0 $0x1;
	_ =	shalt  }
.Lfunc_end2:
_tile_overlayer_lowered:
.L_overlay_start_2:
0x113: {  	(tag) =	ssettag $0x2  }
0x114: {  	s0 =	rddreg [dreg:$0x0];
	s2 =	stileid.u32  }
0x115: {  	s1 =	rddreg [dreg:$0x1];
	p0 =	sne.s32 s2, $0x0  }
0x116: {  	s3 =	rddreg [dreg:$0x2];
	[bflag:$0x3] =	sbarrier.arrive $0xFFFF;
	s2 =	simm.s32 @!p0 $0x1C03  }
0x117: {  	[timem:s3], [sflag:s2] =	dma.local @!p0 [hbm:s0], s1  }
0x118: {  	s0 =	simm.s32 @!p0 $0x3  }
0x119: {  	_ =	swait.ge @!p0 [sflag:s0], s1  }
0x11a: {  	s1 =	ssub.s32 @!p0 $0x0, s1;
	[sflag:s0] =	ssyncset.done @!p0 $0x0  }
0x11b: {  	[sflag:s0] =	ssyncadd.s32 @!p0 s1  }
0x11c: {  	[bflag:$0x3] =	sbarrier.arrive $0xFFFF  }
0x11d: {  	_ =	shalt  }

// kernel: kernel.18.cloned.1.call-start
scs
__scs_entry_jumppad:
0x0: {  	(pc) =	sbr.rel $0x88, $3  }
0x1: {  	(tag) =	ssettag $0x0;
	lr =	simm.s32 $0x1  }
0x2: {  	[smem:$0x3F91] =	sst lr;
	_ =	strace $0xD0000000  }
0x3: {  	_ = 	snop  }
0x4: {  	_ = 	snop  }
0x5: {  	_ = 	snop  }
0x6: {  	_ = 	snop  }
0x7: {  	_ = 	snop  }
__scs_overlays_trampoline_lowered:
0x8: {  	[smem:$0x3FA0] =	sst s0  }
0x9: {  	[smem:$0x3FA1] =	sst s1  }
0xa: {  	[smem:$0x3FA2] =	sst s2  }
0xb: {  	[smem:$0x3FA3] =	sst s3  }
0xc: {  	[smem:$0x3FA4] =	sst s4  }
0xd: {  	[smem:$0x3FA5] =	sst s5  }
0xe: {  	[smem:$0x3FA6] =	sst s6  }
0xf: {  	[smem:$0x3FA7] =	sst s7  }
0x10: {  	[smem:$0x3FA8] =	sst s8  }
0x11: {  	[smem:$0x3FA9] =	sst s9;
	s0 =	simm.s32 @!p0 $0x0  }
0x12: {  	s1 =	sld [smem:$0x3F8F];
	s0 =	simm.s32 @p0 $0x1  }
0x13: {  	[smem:$0x3FAA] =	sst s0;
	s0 =	simm.s32 @!p1 $0x0  }
0x14: {  	s2 =	sld [smem:$0x3F8E];
	s0 =	simm.s32 @p1 $0x1  }
0x15: {  	[smem:$0x3FAB] =	sst s0;
	s0 =	simm.s32 @!p2 $0x0  }
0x16: {  	s3 =	sld [smem:$0x3FDB];
	s0 =	simm.s32 @p2 $0x1  }
0x17: {  	s4 =	simm.s32 $0x1BF5;
	[smem:$0x3FAD] =	sst s0  }
0x18: {  	s0 =	sld [smem:$0x3F90];
	_ =	swait.ge [sflag:s4], $0x0  }
0x19: {  	s7 =	sld [smem:$0x3F91]  }
0x1a: {  	s8 =	sadd.s32 $0xFFFFE003, lr  }
0x1b: {  	s9 =	sadd.s32 $0xFFFFFEF7, lr;
	s5 =	simm.s32 $0xFFFFFFFF;
	p2 =	slt.u32 s8, $0xFFFFF086  }
0x1c: {  	p1 =	slt.u32 s9, $0xF7A;
	s5 =	simm.s32 @!p2 $0x0  }
0x1d: {  	s5 =	simm.s32 @p1 $0x1;
	p0 =	seq.s32 s7, s2  }
0x1e: {  	s7 =	smul.u32 @!p0 $0xF7A, s2;
	p2 =	seq.s32 @!p0 s5, $0x0  }
0x1f: {  	s9 =	smul.u32 $0xF7A, s1;
	s8 =	simm.s32 @!p0 $0x1BF5;
	p2 =	por !p2, p0  }
0x20: {  	[sflag:s8] =	ssyncset.s32 @!p0 $0xFFFFF086;
	s6 =	sadd.s32 @!p0 s3, s7;
	s7 =	simm.s32 @!p0 $0x108  }
0x21: {  	s3 =	sadd.s32 s3, s9;
	s6 =	sadd.s32 @!p0 $0x88, s6;
	s7 =	simm.s32 @p2 $0x1082  }
0x22: {  	[simem:s7], [sflag:s8] =	dma.local @!p0 [hbm:s6], $0xF7A  }
0x23: {  	s9 =	sor.u32 $0xD0000000, s2;
	s6 =	simm.s32 $0x108;
	_ =	swait.ge @!p0 [sflag:s8], $0x0  }
0x24: {  	s3 =	sadd.s32 $0x88, s3;
	s6 =	simm.s32 @!p1 $0x1082;
	[sflag:s4] =	ssyncset.s32 $0xFFFFF086  }
0x25: {  	[simem:s6], [sflag:s4] =	dma.local [hbm:s3], $0xF7A  }
0x26: {  	[smem:$0x3F91] =	sst s1;
	(tag) =	ssettag s2;
	_ =	strace s9  }
0x27: {  	s1 =	sld [smem:$0x3FA1]  }
0x28: {  	s2 =	sld [smem:$0x3FA2]  }
0x29: {  	s4 =	sld [smem:$0x3FA4]  }
0x2a: {  	p0 =	seq.s32 s5, $0x0;
	s5 =	sld [smem:$0x3FA5]  }
0x2b: {  	s6 =	sld [smem:$0x3FA6]  }
0x2c: {  	s7 =	sld [smem:$0x3FA7]  }
0x2d: {  	s3 =	simm.s32 $0x108;
	s8 =	sld [smem:$0x3FA8]  }
0x2e: {  	s3 =	simm.s32 @!p0 $0x1082;
	s9 =	sld [smem:$0x3FA9]  }
0x2f: {  	lr =	sadd.s32 s0, s3;
	s0 =	sld [smem:$0x3FA0]  }
0x30: {  	s3 =	sld [smem:$0x3FA3]  }
0x31: {  	[smem:$0x3FAC] =	sst s10  }
0x32: {  	s10 =	sld [smem:$0x3FAA];
	_ =	sdelay $0x3  }
0x33: {  	p0 =	seq.s32 s10, $0x1;
	s10 =	sld [smem:$0x3FAC];
	_ =	sdelay $0x3  }
0x34: {  	[smem:$0x3FAC] =	sst s10  }
0x35: {  	s10 =	sld [smem:$0x3FAB];
	_ =	sdelay $0x3  }
0x36: {  	p1 =	seq.s32 s10, $0x1;
	s10 =	sld [smem:$0x3FAC];
	_ =	sdelay $0x3  }
0x37: {  	[smem:$0x3FAC] =	sst s10  }
0x38: {  	s10 =	sld [smem:$0x3FAD]  }
0x39: {  	_ = 	snop;
	(pc) =	sbr.ind lr, $3  }
0x3a: {  	_ = 	snop  }
0x3b: {  	_ = 	snop  }
0x3c: {  	p2 =	seq.s32 s10, $0x1;
	s10 =	sld [smem:$0x3FAC]  }
0x3d: {  	_ =	shalt  }
0x3e: {  	_ =	shalt  }
0x3f: {  	_ =	shalt  }
0x40: {  	_ =	shalt  }
0x41: {  	_ =	shalt  }
0x42: {  	_ =	shalt  }
0x43: {  	_ =	shalt  }
0x44: {  	_ =	shalt  }
0x45: {  	_ =	shalt  }
0x46: {  	_ =	shalt  }
0x47: {  	_ =	shalt  }
0x48: {  	_ =	shalt  }
0x49: {  	_ =	shalt  }
0x4a: {  	_ =	shalt  }
0x4b: {  	_ =	shalt  }
0x4c: {  	_ =	shalt  }
0x4d: {  	_ =	shalt  }
0x4e: {  	_ =	shalt  }
0x4f: {  	_ =	shalt  }
0x50: {  	_ =	shalt  }
0x51: {  	_ =	shalt  }
0x52: {  	_ =	shalt  }
0x53: {  	_ =	shalt  }
0x54: {  	_ =	shalt  }
0x55: {  	_ =	shalt  }
0x56: {  	_ =	shalt  }
0x57: {  	_ =	shalt  }
0x58: {  	_ =	shalt  }
0x59: {  	_ =	shalt  }
0x5a: {  	_ =	shalt  }
0x5b: {  	_ =	shalt  }
0x5c: {  	_ =	shalt  }
0x5d: {  	_ =	shalt  }
0x5e: {  	_ =	shalt  }
0x5f: {  	_ =	shalt  }
0x60: {  	_ =	shalt  }
0x61: {  	_ =	shalt  }
0x62: {  	_ =	shalt  }
0x63: {  	_ =	shalt  }
0x64: {  	_ =	shalt  }
0x65: {  	_ =	shalt  }
0x66: {  	_ =	shalt  }
0x67: {  	_ =	shalt  }
0x68: {  	_ =	shalt  }
0x69: {  	_ =	shalt  }
0x6a: {  	_ =	shalt  }
0x6b: {  	_ =	shalt  }
0x6c: {  	_ =	shalt  }
0x6d: {  	_ =	shalt  }
0x6e: {  	_ =	shalt  }
0x6f: {  	_ =	shalt  }
0x70: {  	_ =	shalt  }
0x71: {  	_ =	shalt  }
0x72: {  	_ =	shalt  }
0x73: {  	_ =	shalt  }
0x74: {  	_ =	shalt  }
0x75: {  	_ =	shalt  }
0x76: {  	_ =	shalt  }
0x77: {  	_ =	shalt  }
0x78: {  	_ =	shalt  }
0x79: {  	_ =	shalt  }
0x7a: {  	_ =	shalt  }
0x7b: {  	_ =	shalt  }
0x7c: {  	_ =	shalt  }
0x7d: {  	_ =	shalt  }
0x7e: {  	_ =	shalt  }
0x7f: {  	_ =	shalt  }
0x80: {  	_ =	shalt  }
0x81: {  	_ =	shalt  }
0x82: {  	_ =	shalt  }
0x83: {  	_ =	shalt  }
0x84: {  	_ =	shalt  }
0x85: {  	_ =	shalt  }
0x86: {  	_ =	shalt  }
0x87: {  	_ =	shalt  }
.Lfunc_end0:
.L_simem_size_0:
called_computation.2_lowered:
.L_overlay_start_0:
0x88: {  	s2 =	sld [smem:$0x3FD9]  }
0x89: {  	s3 =	sld [smem:$0x3FFE];
	_ =	sdelay $0x1  }
0x8a: {  	s1 =	srdreg.scid  }
0x8b: {  	s0 =	sand.u32 $0x1, s1  }
0x8c: {  	s17 =	sshll.u32 s0, $0xA;
	s2 =	sadd.s32 s3, s2  }
0x8d: {  	s2 =	sadd.s32 s2, s17  }
0x8e: {  	[smem:$0x3FB8] =	sst s2  }
0x8f: {  	_ = 	snop  }
0x90: {  	s2 =	sld [smem:$0x3FD0];
	(tm) =	ssettm $0x1  }
0x91: {  	s18 =	sld [smem:$0x3FFB];
	_ =	sdelay $0x3  }
0x92: {  	_ =	strace s18  }
0x93: {  	s3 =	sld [smem:$0x3FFC];
	_ =	sdelay $0x3  }
0x94: {  	_ =	strace s3  }
0x95: {  	s3 =	sld [smem:$0x3FFD];
	_ =	sdelay $0x3  }
0x96: {  	_ =	strace s3  }
0x97: {  	_ =	strace $0x8FFFFFFF  }
0x98: {  	s19 =	sld [smem:$0x3FDB];
	_ =	sdelay $0x1  }
0x99: {  	s4 =	simm.s32 $_scs_section_size  }
0x9a: {  	s5 =	simm.s32 $_size__tile_overlayer_lowered;
	s6 =	simm.s32 $_tile_overlayer_lowered  }
0x9b: {  	s22 =	simm.s32 $0x1BFF;
	s21 =	sshll.u32 s6, $0x1;
	s3 =	sadd.s32 s4, s19  }
0x9c: {  	s7 =	simm.s32 $0x0;
	s20 =	sshll.u32 s5, $0x1;
	s5 =	sadd.s32 s21, s3  }
0x9d: {  	[timem:s7], [sflag:s22] =	dma.local [hbm:s5], s20  }
0x9e: {  	_ =	swait.ge [sflag:s22], s20  }
0x9f: {  	s4 =	ssub.s32 $0x0, s20;
	[sflag:s22] =	ssyncset.done $0x0  }
0xa0: {  	[sflag:s22] =	ssyncadd.s32 s4;
	_ =	sdelay $0x1  }
0xa1: {  	s23 =	simm.s32 $0x1B8B  }
0xa2: {  	_ =	swait.ge [sflag:s23], $0x1  }
0xa3: {  	[sflag:s23] =	ssyncset.done $0x0  }
0xa4: {  	s25 =	simm.s32 $0x1B8E;
	s24 =	sld [smem:$0x3FFE];
	[sflag:s23] =	ssyncadd.s32 $0xFFFFFFFF  }
0xa5: {  	s26 =	simm.s32 $execute0_lowered;
	[smem:$0x3FD2] =	sst s25  }
0xa6: {  	s5 =	sshll.u32 s26, $0x1;
	_ =	strace $0x8000004C;
	[dreg:$0x1] =	wrdreg $0xFFFFFFFF  }
0xa7: {  	s28 =	simm.s32 $_size_execute0_lowered;
	s3 =	sadd.s32 s3, s5;
	[dreg:$0x0] =	wrdreg $0x0  }
0xa8: {  	s5 =	sshll.u32 s28, $0x1;
	[dreg:$0x2] =	wrdreg s3  }
0xa9: {  	[dreg:$0x3] =	wrdreg s5  }
0xaa: {  	[dreg:$0x4] =	wrdreg $0xC0  }
0xab: {  	_ =	task [dreg:s7], $0x5FFFF  }
0xac: {  	[dreg:$0x1] =	wrdreg $0xFFFFFFFF  }
0xad: {  	[dreg:$0x0] =	wrdreg $0x60  }
0xae: {  	[dreg:$0x2] =	wrdreg s24  }
0xaf: {  	[dreg:$0x3] =	wrdreg s2  }
0xb0: {  	[dreg:$0x4] =	wrdreg $0x0  }
0xb1: {  	[dreg:$0x5] =	wrdreg $0x9  }
0xb2: {  	_ =	task.clear_ibuf [dreg:s7], $0x6FFFF;
	_ =	strace $0x9000004C  }
0xb3: {  	s29 =	simm.s32 $0x9;
	_ =	strace $0x8000004E  }
0xb4: {  	_ =	swait.ge [sflag:s29], $0x1  }
0xb5: {  	[sflag:s29] =	ssyncadd.s32 $0xFFFFFFFF  }
0xb6: {  	_ =	strace $0x9000004E  }
0xb7: {  	_ =	sfence  }
0xb8: {  	s30 =	sld [smem:$0x0];
	_ =	sdelay $0x2  }
0xb9: {  	s31 =	sshll.u32 s1, $0xD;
	s1 =	sshrl.u32 s1, $0x2  }
0xba: {  	s3 =	sand.u32 $0x4000, s31;
	s1 =	sadd.s32 s1, s30  }
0xbb: {  	s0 =	sor.u32 s3, s0;
	s1 =	sshll.u32 s1, $0x11  }
0xbc: {  	s0 =	sor.u32 s1, s0  }
0xbd: {  	s0 =	sadd.s32 $0x8F2B, s0  }
0xbe: {  	[sflag:s0] =	ssyncadd.remote.s32 $0x1  }
0xbf: {  	_ =	sfence.sel $0xFFFF  }
0xc0: {  	[dreg:$0x0] =	wrdreg $0xFFFFFFFF;
	(pc) =	sbr.abs _section_cstart, $3  }
0xc1: {  	[dreg:$0x1] =	wrdreg $0xFFFFFFFF  }
0xc2: {  	_ =	task.clear_ibuf [dreg:s7], $0x2FFFF;
	_ =	strace $0x9FFFFFFF  }
0xc3: {  	(tm) =	ssettm $0x7FFFFFFF  }
tec
execute0_lowered:
.L_overlay_start_1:
0x0: {  	(tag) =	ssettag $0x1  }
0x1: {  	s5 =	rddreg [dreg:$0x0]  }
0x2: {  	s1 =	srdreg.scid;
	s8 =	rddreg [dreg:$0x1]  }
0x3: {  	s0 =	stileid.u32;
	s2 =	rddreg [dreg:$0x2];
	s3 =	simm.s32 $0x0  }
0x4: {  	s15 =	simm.s32 $0x80;
	s16 =	simm.s32 $0x4F00;
	s17 =	simm.s32 $0x5F00  }
0x5: {  	s18 =	simm.s32 $0x6F00;
	s19 =	simm.s32 $0x7F00;
	s20 =	simm.s32 $0x1  }
0x6: {  	s21 =	simm.s32 $0x8F00;
	s22 =	simm.s32 $0x9F00;
	s23 =	simm.s32 $0xAF00  }
0x7: {  	s24 =	simm.s32 $0xBF00;
	s25 =	simm.s32 $0x2;
	s26 =	simm.s32 $0x0  }
0x8: {  	s6 =	sand.u32 $0x1, s1;
	s30 =	sshll.u32 s0, $0x1;
	s7 =	smul.u32 $0x4F00, s0  }
0x9: {  	[smem:$0x7FF] =	sst s3;
	s4 =	sadd.s32 $0x4000, s5;
	s31 =	sshll.u32 s0, $0x6  }
0xa: {  	s1 =	sor.u32 s6, s30;
	s10 =	smul.u32 $0x4F000, s6;
	_ =	strace $0x8000004D  }
0xb: {  	s6 =	ssub.s32 $0x2, s6;
	s9 =	smul.u32 $0x500, s1;
	s12 =	sshrl.u32 s7, $0x3  }
0xc: {  	s13 =	sshrl.u32 s6, $0x1;
	s14 =	sadd.s32 s7, s2;
	s10 =	sadd.s32 s7, s10  }
0xd: {  	s12 =	sadd.s32 s12, s5;
	s13 =	ssub.s32 s6, s13;
	s6 =	sor.u32 $0x1C03, s31  }
0xe: {  	s11 =	sadd.s32 s9, s5;
	s10 =	sshrl.u32 s10, $0x3;
	s8 =	sadd.s32 s8, s9  }
0xf: {  	s10 =	sadd.s32 s10, s5;
	s5 =	sadd.s32 $0x1D000, s12;
	s7 =	sadd.s32 $0x13000, s11  }
0x10: {  	s11 =	sshrl.u32 s14, $0x3;
	s12 =	simm.s32 $0x3;
	s14 =	simm.s32 $0xF700  }
0x11: {  	s9 =	sadd.s32 $0x26E00, s10;
	s10 =	smax.u32 s13, $0x1;
	s13 =	simm.s32 $0xCF00  }
.LBB2_1:
0x12: {  	[spmem:s11], [sflag:s6] =	dma.local [hbm:s5], $0x9E0  }
0x13: {  	_ =	swait.ge [sflag:s12], $0x9E0  }
0x14: {  	[sflag:s12] =	ssyncset.done $0x0  }
0x15: {  	[sflag:s12] =	ssyncadd.s32 $0xFFFFF620  }
0x16: {  	[bflag:$0x0] =	sbarrier.arrive $0xFFFF  }
0x17: {  	[tilespmem:s13], [sflag:$0x3] =	stream.linear.gather [hbm4b:s7+s3], $0x2800, $0x38;
	[tilespmem:$0x11F00] =	vst v63  }
0x18: {  	_ =	swait.ge [sflag:s12], $0x2800  }
0x19: {  	[sflag:s12] =	ssyncset.done $0x0  }
0x1a: {  	[sflag:s12] =	ssyncadd.s32 $0xFFFFD800  }
0x1b: {  	[tilespmem:s14], [sflag:$0x3] =	stream.linear.gather [hbm4b:s8+s3], $0x2800, $0x38;
	[tilespmem:$0x11F00] =	vst v63  }
0x1c: {  	_ =	swait.ge [sflag:s12], $0x2800  }
0x1d: {  	[sflag:s12] =	ssyncset.done $0x0  }
0x1e: {  	s28 =	simm.s32 $0xCF00;
	[sflag:s12] =	ssyncadd.s32 $0xFFFFD800  }
0x1f: {  	[tilespmem:s16], [sflag:$0x1] =	stream.indirect.gather [hbm4b:s4+s15], $0x20, s28, s15, $0xb8;
	[tilespmem:$0x11F00] =	vst v63  }
0x20: {  	s28 =	simm.s32 $0xCF80  }
0x21: {  	[tilespmem:s17], [sflag:$0x1] =	stream.indirect.gather [hbm4b:s4+s15], $0x20, s28, s15, $0xb8;
	[tilespmem:$0x11F00] =	vst v63  }
0x22: {  	s28 =	simm.s32 $0xD000  }
0x23: {  	[tilespmem:s18], [sflag:$0x1] =	stream.indirect.gather [hbm4b:s4+s15], $0x20, s28, s15, $0xb8;
	[tilespmem:$0x11F00] =	vst v63  }
0x24: {  	s28 =	simm.s32 $0xD080  }
0x25: {  	[tilespmem:s19], [sflag:$0x1] =	stream.indirect.gather [hbm4b:s4+s15], $0x20, s28, s15, $0xb8;
	[tilespmem:$0x11F00] =	vst v63  }
0x26: {  	_ =	swait.ge [sflag:s20], $0x1000  }
0x27: {  	[sflag:s20] =	ssyncset.done $0x0  }
0x28: {  	[sflag:s20] =	ssyncadd.s32 $0xFFFFF000  }
0x29: {  	_ =	swait.ge [sflag:s20], $0x1000  }
0x2a: {  	[sflag:s20] =	ssyncset.done $0x0  }
0x2b: {  	[sflag:s20] =	ssyncadd.s32 $0xFFFFF000  }
0x2c: {  	_ =	swait.ge [sflag:s20], $0x1000  }
0x2d: {  	[sflag:s20] =	ssyncset.done $0x0  }
0x2e: {  	[sflag:s20] =	ssyncadd.s32 $0xFFFFF000  }
0x2f: {  	_ =	swait.ge [sflag:s20], $0x1000  }
0x30: {  	[sflag:s20] =	ssyncset.done $0x0  }
0x31: {  	s28 =	simm.s32 $0xF700;
	[sflag:s20] =	ssyncadd.s32 $0xFFFFF000  }
0x32: {  	[spmem:s2] =	stream.indirect.scatter.add.f32 [tilespmem:s16], [sflag:$0x2], $0x20, s28, s15, $0xb8;
	[tilespmem:$0x11F00] =	vst v63  }
0x33: {  	s28 =	simm.s32 $0xF780  }
0x34: {  	[spmem:s2] =	stream.indirect.scatter.add.f32 [tilespmem:s17], [sflag:$0x2], $0x20, s28, s15, $0xb8;
	[tilespmem:$0x11F00] =	vst v63  }
0x35: {  	s28 =	simm.s32 $0xF800  }
0x36: {  	[spmem:s2] =	stream.indirect.scatter.add.f32 [tilespmem:s18], [sflag:$0x2], $0x20, s28, s15, $0xb8;
	[tilespmem:$0x11F00] =	vst v63  }
0x37: {  	s28 =	simm.s32 $0xF880  }
0x38: {  	[spmem:s2] =	stream.indirect.scatter.add.f32 [tilespmem:s19], [sflag:$0x2], $0x20, s28, s15, $0xb8;
	[tilespmem:$0x11F00] =	vst v63  }
0x39: {  	s28 =	simm.s32 $0xD100  }
0x3a: {  	[tilespmem:s21], [sflag:$0x1] =	stream.indirect.gather [hbm4b:s4+s15], $0x20, s28, s15, $0xb8;
	[tilespmem:$0x11F00] =	vst v63  }
0x3b: {  	s28 =	simm.s32 $0xD180  }
0x3c: {  	[tilespmem:s22], [sflag:$0x1] =	stream.indirect.gather [hbm4b:s4+s15], $0x20, s28, s15, $0xb8;
	[tilespmem:$0x11F00] =	vst v63  }
0x3d: {  	s28 =	simm.s32 $0xD200  }
0x3e: {  	[tilespmem:s23], [sflag:$0x1] =	stream.indirect.gather [hbm4b:s4+s15], $0x20, s28, s15, $0xb8;
	[tilespmem:$0x11F00] =	vst v63  }
0x3f: {  	s28 =	simm.s32 $0xD280  }
0x40: {  	[tilespmem:s24], [sflag:$0x1] =	stream.indirect.gather [hbm4b:s4+s15], $0x20, s28, s15, $0xb8;
	[tilespmem:$0x11F00] =	vst v63  }
0x41: {  	_ =	swait.ge [sflag:s20], $0x1000  }
0x42: {  	[sflag:s20] =	ssyncset.done $0x0  }
0x43: {  	[sflag:s20] =	ssyncadd.s32 $0xFFFFF000  }
0x44: {  	_ =	swait.ge [sflag:s20], $0x1000  }
0x45: {  	[sflag:s20] =	ssyncset.done $0x0  }
0x46: {  	[sflag:s20] =	ssyncadd.s32 $0xFFFFF000  }
0x47: {  	_ =	swait.ge [sflag:s20], $0x1000  }
0x48: {  	[sflag:s20] =	ssyncset.done $0x0  }
0x49: {  	[sflag:s20] =	ssyncadd.s32 $0xFFFFF000  }
0x4a: {  	_ =	swait.ge [sflag:s20], $0x1000  }
0x4b: {  	[sflag:s20] =	ssyncset.done $0x0  }
0x4c: {  	s28 =	simm.s32 $0xF900;
	[sflag:s20] =	ssyncadd.s32 $0xFFFFF000  }
0x4d: {  	[spmem:s2] =	stream.indirect.scatter.add.f32 [tilespmem:s21], [sflag:$0x2], $0x20, s28, s15, $0xb8;
	[tilespmem:$0x11F00] =	vst v63  }
0x4e: {  	s28 =	simm.s32 $0xF980  }
0x4f: {  	[spmem:s2] =	stream.indirect.scatter.add.f32 [tilespmem:s22], [sflag:$0x2], $0x20, s28, s15, $0xb8;
	[tilespmem:$0x11F00] =	vst v63  }
0x50: {  	s28 =	simm.s32 $0xFA00  }
0x51: {  	[spmem:s2] =	stream.indirect.scatter.add.f32 [tilespmem:s23], [sflag:$0x2], $0x20, s28, s15, $0xb8;
	[tilespmem:$0x11F00] =	vst v63  }
0x52: {  	s28 =	simm.s32 $0xFA80  }
0x53: {  	[spmem:s2] =	stream.indirect.scatter.add.f32 [tilespmem:s24], [sflag:$0x2], $0x20, s28, s15, $0xb8;
	[tilespmem:$0x11F00] =	vst v63  }
0x54: {  	_ =	swait.ge [sflag:s25], $0x1000  }
0x55: {  	[sflag:s25] =	ssyncset.done $0x0  }
0x56: {  	[sflag:s25] =	ssyncadd.s32 $0xFFFFF000  }
0x57: {  	_ =	swait.ge [sflag:s25], $0x1000  }
0x58: {  	[sflag:s25] =	ssyncset.done $0x0  }
0x59: {  	[sflag:s25] =	ssyncadd.s32 $0xFFFFF000  }
0x5a: {  	_ =	swait.ge [sflag:s25], $0x1000  }
0x5b: {  	[sflag:s25] =	ssyncset.done $0x0  }
0x5c: {  	[sflag:s25] =	ssyncadd.s32 $0xFFFFF000  }
0x5d: {  	_ =	swait.ge [sflag:s25], $0x1000  }
0x5e: {  	[sflag:s25] =	ssyncset.done $0x0  }
0x5f: {  	[sflag:s25] =	ssyncadd.s32 $0xFFFFF000  }
0x60: {  	_ =	swait.ge [sflag:s25], $0x1000  }
0x61: {  	[sflag:s25] =	ssyncset.done $0x0  }
0x62: {  	[sflag:s25] =	ssyncadd.s32 $0xFFFFF000  }
0x63: {  	_ =	swait.ge [sflag:s25], $0x1000  }
0x64: {  	[sflag:s25] =	ssyncset.done $0x0  }
0x65: {  	[sflag:s25] =	ssyncadd.s32 $0xFFFFF000  }
0x66: {  	_ =	swait.ge [sflag:s25], $0x1000  }
0x67: {  	[sflag:s25] =	ssyncset.done $0x0  }
0x68: {  	[sflag:s25] =	ssyncadd.s32 $0xFFFFF000  }
0x69: {  	_ =	swait.ge [sflag:s25], $0x1000  }
0x6a: {  	s31 =	simm.s32 $0x2000;
	s28 =	simm.s32 $0x400;
	[sflag:s25] =	ssyncset.done $0x0  }
.LBB2_2:
0x6b: {  	s1 =	sadd.s32 $0xCF00, s28  }
0x6c: {  	[sflag:s25] =	ssyncadd.s32 $0xFFFFF000;
	s30 =	smov.u32 s31;
	s29 =	sadd.s32 $0x1000, s31  }
0x6d: {  	[tilespmem:s16], [sflag:$0x1] =	stream.indirect.gather [hbm4b:s4+s15], $0x20, s1, s15, $0xb8;
	[tilespmem:$0x11F00] =	vst v63  }
0x6e: {  	p0 =	sne.s32 s31, $0x9000;
	s1 =	sadd.s32 $0xCF80, s28  }
0x6f: {  	[tilespmem:s17], [sflag:$0x1] =	stream.indirect.gather [hbm4b:s4+s15], $0x20, s1, s15, $0xb8;
	[tilespmem:$0x11F00] =	vst v63  }
0x70: {  	s1 =	sadd.s32 $0xD000, s28  }
0x71: {  	[tilespmem:s18], [sflag:$0x1] =	stream.indirect.gather [hbm4b:s4+s15], $0x20, s1, s15, $0xb8;
	[tilespmem:$0x11F00] =	vst v63  }
0x72: {  	s1 =	sadd.s32 $0xD080, s28  }
0x73: {  	[tilespmem:s19], [sflag:$0x1] =	stream.indirect.gather [hbm4b:s4+s15], $0x20, s1, s15, $0xb8;
	[tilespmem:$0x11F00] =	vst v63  }
0x74: {  	_ =	swait.ge [sflag:s20], $0x1000  }
0x75: {  	[sflag:s20] =	ssyncset.done $0x0  }
0x76: {  	[sflag:s20] =	ssyncadd.s32 $0xFFFFF000  }
0x77: {  	_ =	swait.ge [sflag:s20], $0x1000  }
0x78: {  	[sflag:s20] =	ssyncset.done $0x0  }
0x79: {  	[sflag:s20] =	ssyncadd.s32 $0xFFFFF000  }
0x7a: {  	_ =	swait.ge [sflag:s20], $0x1000  }
0x7b: {  	[sflag:s20] =	ssyncset.done $0x0  }
0x7c: {  	[sflag:s20] =	ssyncadd.s32 $0xFFFFF000  }
0x7d: {  	_ =	swait.ge [sflag:s20], $0x1000  }
0x7e: {  	[sflag:s20] =	ssyncset.done $0x0  }
0x7f: {  	s1 =	sadd.s32 $0xF700, s28;
	[sflag:s20] =	ssyncadd.s32 $0xFFFFF000  }
0x80: {  	[spmem:s2] =	stream.indirect.scatter.add.f32 [tilespmem:s16], [sflag:$0x2], $0x20, s1, s15, $0xb8;
	[tilespmem:$0x11F00] =	vst v63  }
0x81: {  	s1 =	sadd.s32 $0xF780, s28  }
0x82: {  	[spmem:s2] =	stream.indirect.scatter.add.f32 [tilespmem:s17], [sflag:$0x2], $0x20, s1, s15, $0xb8;
	[tilespmem:$0x11F00] =	vst v63  }
0x83: {  	s1 =	sadd.s32 $0xF800, s28  }
0x84: {  	[spmem:s2] =	stream.indirect.scatter.add.f32 [tilespmem:s18], [sflag:$0x2], $0x20, s1, s15, $0xb8;
	[tilespmem:$0x11F00] =	vst v63  }
0x85: {  	s1 =	sadd.s32 $0xF880, s28  }
0x86: {  	[spmem:s2] =	stream.indirect.scatter.add.f32 [tilespmem:s19], [sflag:$0x2], $0x20, s1, s15, $0xb8;
	[tilespmem:$0x11F00] =	vst v63  }
0x87: {  	s1 =	sadd.s32 $0xD100, s28  }
0x88: {  	[tilespmem:s21], [sflag:$0x1] =	stream.indirect.gather [hbm4b:s4+s15], $0x20, s1, s15, $0xb8;
	[tilespmem:$0x11F00] =	vst v63  }
0x89: {  	s1 =	sadd.s32 $0xD180, s28  }
0x8a: {  	[tilespmem:s22], [sflag:$0x1] =	stream.indirect.gather [hbm4b:s4+s15], $0x20, s1, s15, $0xb8;
	[tilespmem:$0x11F00] =	vst v63  }
0x8b: {  	s1 =	sadd.s32 $0xD200, s28  }
0x8c: {  	[tilespmem:s23], [sflag:$0x1] =	stream.indirect.gather [hbm4b:s4+s15], $0x20, s1, s15, $0xb8;
	[tilespmem:$0x11F00] =	vst v63  }
0x8d: {  	s1 =	sadd.s32 $0xD280, s28  }
0x8e: {  	[tilespmem:s24], [sflag:$0x1] =	stream.indirect.gather [hbm4b:s4+s15], $0x20, s1, s15, $0xb8;
	[tilespmem:$0x11F00] =	vst v63  }
0x8f: {  	_ =	swait.ge [sflag:s20], $0x1000  }
0x90: {  	[sflag:s20] =	ssyncset.done $0x0  }
0x91: {  	[sflag:s20] =	ssyncadd.s32 $0xFFFFF000  }
0x92: {  	_ =	swait.ge [sflag:s20], $0x1000  }
0x93: {  	[sflag:s20] =	ssyncset.done $0x0  }
0x94: {  	[sflag:s20] =	ssyncadd.s32 $0xFFFFF000  }
0x95: {  	_ =	swait.ge [sflag:s20], $0x1000  }
0x96: {  	[sflag:s20] =	ssyncset.done $0x0  }
0x97: {  	[sflag:s20] =	ssyncadd.s32 $0xFFFFF000  }
0x98: {  	_ =	swait.ge [sflag:s20], $0x1000  }
0x99: {  	[sflag:s20] =	ssyncset.done $0x0  }
0x9a: {  	s1 =	sadd.s32 $0xF900, s28;
	[sflag:s20] =	ssyncadd.s32 $0xFFFFF000  }
0x9b: {  	[spmem:s2] =	stream.indirect.scatter.add.f32 [tilespmem:s21], [sflag:$0x2], $0x20, s1, s15, $0xb8;
	[tilespmem:$0x11F00] =	vst v63  }
0x9c: {  	s1 =	sadd.s32 $0xF980, s28  }
0x9d: {  	[spmem:s2] =	stream.indirect.scatter.add.f32 [tilespmem:s22], [sflag:$0x2], $0x20, s1, s15, $0xb8;
	[tilespmem:$0x11F00] =	vst v63  }
0x9e: {  	s1 =	sadd.s32 $0xFA00, s28  }
0x9f: {  	[spmem:s2] =	stream.indirect.scatter.add.f32 [tilespmem:s23], [sflag:$0x2], $0x20, s1, s15, $0xb8;
	[tilespmem:$0x11F00] =	vst v63  }
0xa0: {  	s1 =	sadd.s32 $0xFA80, s28  }
0xa1: {  	[spmem:s2] =	stream.indirect.scatter.add.f32 [tilespmem:s24], [sflag:$0x2], $0x20, s1, s15, $0xb8;
	[tilespmem:$0x11F00] =	vst v63  }
0xa2: {  	_ =	swait.ge [sflag:s25], $0x1000  }
0xa3: {  	[sflag:s25] =	ssyncset.done $0x0  }
0xa4: {  	[sflag:s25] =	ssyncadd.s32 $0xFFFFF000  }
0xa5: {  	_ =	swait.ge [sflag:s25], $0x1000  }
0xa6: {  	[sflag:s25] =	ssyncset.done $0x0  }
0xa7: {  	[sflag:s25] =	ssyncadd.s32 $0xFFFFF000  }
0xa8: {  	_ =	swait.ge [sflag:s25], $0x1000  }
0xa9: {  	[sflag:s25] =	ssyncset.done $0x0  }
0xaa: {  	[sflag:s25] =	ssyncadd.s32 $0xFFFFF000  }
0xab: {  	_ =	swait.ge [sflag:s25], $0x1000  }
0xac: {  	[sflag:s25] =	ssyncset.done $0x0  }
0xad: {  	[sflag:s25] =	ssyncadd.s32 $0xFFFFF000  }
0xae: {  	_ =	swait.ge [sflag:s25], $0x1000  }
0xaf: {  	[sflag:s25] =	ssyncset.done $0x0  }
0xb0: {  	[sflag:s25] =	ssyncadd.s32 $0xFFFFF000  }
0xb1: {  	_ =	swait.ge [sflag:s25], $0x1000  }
0xb2: {  	[sflag:s25] =	ssyncset.done $0x0  }
0xb3: {  	[sflag:s25] =	ssyncadd.s32 $0xFFFFF000  }
.Ltmp0:
0xb4: {  	_ =	swait.ge [sflag:s25], $0x1000;
	(pc) =	sbr.rel @p0 .LBB2_2-.Ltmp0, $4  }
0xb5: {  	[sflag:s25] =	ssyncset.done $0x0  }
0xb6: {  	[sflag:s25] =	ssyncadd.s32 $0xFFFFF000  }
0xb7: {  	_ =	swait.ge [sflag:s25], $0x1000  }
0xb8: {  	s31 =	smov.u32 s29;
	s28 =	sshra.s32 s30, $0x2;
	[sflag:s25] =	ssyncset.done $0x0  }
0xb9: {  	s1 =	sadd.s32 $0xCF00, s28;
	[sflag:s25] =	ssyncadd.s32 $0xFFFFF000  }
0xba: {  	[tilespmem:s16], [sflag:$0x1] =	stream.indirect.gather [hbm4b:s4+s15], $0x20, s1, s15, $0xb8;
	[tilespmem:$0x11F00] =	vst v63  }
0xbb: {  	s29 =	sadd.s32 $0xCF80, s28  }
0xbc: {  	[tilespmem:s17], [sflag:$0x1] =	stream.indirect.gather [hbm4b:s4+s15], $0x20, s29, s15, $0xb8;
	[tilespmem:$0x11F00] =	vst v63  }
0xbd: {  	s30 =	sadd.s32 $0xD000, s28  }
0xbe: {  	[tilespmem:s18], [sflag:$0x1] =	stream.indirect.gather [hbm4b:s4+s15], $0x20, s30, s15, $0xb8;
	[tilespmem:$0x11F00] =	vst v63  }
0xbf: {  	s31 =	sadd.s32 $0xD080, s28  }
0xc0: {  	[tilespmem:s19], [sflag:$0x1] =	stream.indirect.gather [hbm4b:s4+s15], $0x20, s31, s15, $0xb8;
	[tilespmem:$0x11F00] =	vst v63  }
0xc1: {  	_ =	swait.ge [sflag:s20], $0x1000  }
0xc2: {  	[sflag:s20] =	ssyncset.done $0x0  }
0xc3: {  	[sflag:s20] =	ssyncadd.s32 $0xFFFFF000  }
0xc4: {  	_ =	swait.ge [sflag:s20], $0x1000  }
0xc5: {  	[sflag:s20] =	ssyncset.done $0x0  }
0xc6: {  	[sflag:s20] =	ssyncadd.s32 $0xFFFFF000  }
0xc7: {  	_ =	swait.ge [sflag:s20], $0x1000  }
0xc8: {  	[sflag:s20] =	ssyncset.done $0x0  }
0xc9: {  	[sflag:s20] =	ssyncadd.s32 $0xFFFFF000  }
0xca: {  	_ =	swait.ge [sflag:s20], $0x1000  }
0xcb: {  	[sflag:s20] =	ssyncset.done $0x0  }
0xcc: {  	s29 =	sadd.s32 $0xF700, s28;
	[sflag:s20] =	ssyncadd.s32 $0xFFFFF000  }
0xcd: {  	[spmem:s2] =	stream.indirect.scatter.add.f32 [tilespmem:s16], [sflag:$0x2], $0x20, s29, s15, $0xb8;
	[tilespmem:$0x11F00] =	vst v63  }
0xce: {  	s30 =	sadd.s32 $0xF780, s28  }
0xcf: {  	[spmem:s2] =	stream.indirect.scatter.add.f32 [tilespmem:s17], [sflag:$0x2], $0x20, s30, s15, $0xb8;
	[tilespmem:$0x11F00] =	vst v63  }
0xd0: {  	s31 =	sadd.s32 $0xF800, s28  }
0xd1: {  	[spmem:s2] =	stream.indirect.scatter.add.f32 [tilespmem:s18], [sflag:$0x2], $0x20, s31, s15, $0xb8;
	[tilespmem:$0x11F00] =	vst v63  }
0xd2: {  	s29 =	sadd.s32 $0xF880, s28  }
0xd3: {  	[spmem:s2] =	stream.indirect.scatter.add.f32 [tilespmem:s19], [sflag:$0x2], $0x20, s29, s15, $0xb8;
	[tilespmem:$0x11F00] =	vst v63  }
0xd4: {  	s30 =	sadd.s32 $0xD100, s28  }
0xd5: {  	[tilespmem:s21], [sflag:$0x1] =	stream.indirect.gather [hbm4b:s4+s15], $0x20, s30, s15, $0xb8;
	[tilespmem:$0x11F00] =	vst v63  }
0xd6: {  	s31 =	sadd.s32 $0xD180, s28  }
0xd7: {  	[tilespmem:s22], [sflag:$0x1] =	stream.indirect.gather [hbm4b:s4+s15], $0x20, s31, s15, $0xb8;
	[tilespmem:$0x11F00] =	vst v63  }
0xd8: {  	s29 =	sadd.s32 $0xD200, s28  }
0xd9: {  	[tilespmem:s23], [sflag:$0x1] =	stream.indirect.gather [hbm4b:s4+s15], $0x20, s29, s15, $0xb8;
	[tilespmem:$0x11F00] =	vst v63  }
0xda: {  	s30 =	sadd.s32 $0xD280, s28  }
0xdb: {  	[tilespmem:s24], [sflag:$0x1] =	stream.indirect.gather [hbm4b:s4+s15], $0x20, s30, s15, $0xb8;
	[tilespmem:$0x11F00] =	vst v63  }
0xdc: {  	_ =	swait.ge [sflag:s20], $0x1000  }
0xdd: {  	[sflag:s20] =	ssyncset.done $0x0  }
0xde: {  	[sflag:s20] =	ssyncadd.s32 $0xFFFFF000  }
0xdf: {  	_ =	swait.ge [sflag:s20], $0x1000  }
0xe0: {  	[sflag:s20] =	ssyncset.done $0x0  }
0xe1: {  	[sflag:s20] =	ssyncadd.s32 $0xFFFFF000  }
0xe2: {  	_ =	swait.ge [sflag:s20], $0x1000  }
0xe3: {  	[sflag:s20] =	ssyncset.done $0x0  }
0xe4: {  	[sflag:s20] =	ssyncadd.s32 $0xFFFFF000  }
0xe5: {  	_ =	swait.ge [sflag:s20], $0x1000  }
0xe6: {  	[sflag:s20] =	ssyncset.done $0x0  }
0xe7: {  	s31 =	sadd.s32 $0xF900, s28;
	[sflag:s20] =	ssyncadd.s32 $0xFFFFF000  }
0xe8: {  	[spmem:s2] =	stream.indirect.scatter.add.f32 [tilespmem:s21], [sflag:$0x2], $0x20, s31, s15, $0xb8;
	[tilespmem:$0x11F00] =	vst v63  }
0xe9: {  	s29 =	sadd.s32 $0xF980, s28  }
0xea: {  	[spmem:s2] =	stream.indirect.scatter.add.f32 [tilespmem:s22], [sflag:$0x2], $0x20, s29, s15, $0xb8;
	[tilespmem:$0x11F00] =	vst v63  }
0xeb: {  	s30 =	sadd.s32 $0xFA00, s28  }
0xec: {  	[spmem:s2] =	stream.indirect.scatter.add.f32 [tilespmem:s23], [sflag:$0x2], $0x20, s30, s15, $0xb8;
	[tilespmem:$0x11F00] =	vst v63  }
0xed: {  	s31 =	sadd.s32 $0xFA80, s28  }
0xee: {  	[spmem:s2] =	stream.indirect.scatter.add.f32 [tilespmem:s24], [sflag:$0x2], $0x20, s31, s15, $0xb8;
	[tilespmem:$0x11F00] =	vst v63  }
0xef: {  	_ =	swait.ge [sflag:s25], $0x1000  }
0xf0: {  	[sflag:s25] =	ssyncset.done $0x0  }
0xf1: {  	[sflag:s25] =	ssyncadd.s32 $0xFFFFF000  }
0xf2: {  	_ =	swait.ge [sflag:s25], $0x1000  }
0xf3: {  	[sflag:s25] =	ssyncset.done $0x0  }
0xf4: {  	[sflag:s25] =	ssyncadd.s32 $0xFFFFF000  }
0xf5: {  	_ =	swait.ge [sflag:s25], $0x1000  }
0xf6: {  	[sflag:s25] =	ssyncset.done $0x0  }
0xf7: {  	[sflag:s25] =	ssyncadd.s32 $0xFFFFF000  }
0xf8: {  	_ =	swait.ge [sflag:s25], $0x1000  }
0xf9: {  	[sflag:s25] =	ssyncset.done $0x0  }
0xfa: {  	[sflag:s25] =	ssyncadd.s32 $0xFFFFF000  }
0xfb: {  	_ =	swait.ge [sflag:s25], $0x1000  }
0xfc: {  	[sflag:s25] =	ssyncset.done $0x0  }
0xfd: {  	[sflag:s25] =	ssyncadd.s32 $0xFFFFF000  }
0xfe: {  	_ =	swait.ge [sflag:s25], $0x1000  }
0xff: {  	[sflag:s25] =	ssyncset.done $0x0  }
0x100: {  	[sflag:s25] =	ssyncadd.s32 $0xFFFFF000  }
0x101: {  	_ =	swait.ge [sflag:s25], $0x1000  }
0x102: {  	[sflag:s25] =	ssyncset.done $0x0  }
0x103: {  	[sflag:s25] =	ssyncadd.s32 $0xFFFFF000  }
0x104: {  	_ =	swait.ge [sflag:s25], $0x1000  }
0x105: {  	s26 =	sadd.s32 $0x1, s26;
	[sflag:s25] =	ssyncset.done $0x0  }
0x106: {  	p0 =	sne.s32 s26, s10;
	[sflag:s25] =	ssyncadd.s32 $0xFFFFF000  }
.Ltmp1:
0x107: {  	[bflag:$0x0] =	sbarrier.arrive $0xFFFF;
	(pc) =	sbr.rel @p0 .LBB2_1-.Ltmp1, $4  }
0x108: {  	[hbm:s9], [sflag:s6] =	dma.local [spmem:s11], $0x9E0  }
0x109: {  	_ =	swait.ge [sflag:s12], $0x9E0  }
0x10a: {  	[sflag:s12] =	ssyncset.done $0x0  }
0x10b: {  	[sflag:s12] =	ssyncadd.s32 $0xFFFFF620  }
0x10c: {  	_ =	sfence.sel $0x180000  }
0x10d: {  	[bflag:$0x0] =	sbarrier.arrive $0xFFFF  }
0x10e: {  	_ =	strace $0x9000004D  }
0x10f: {  	[bflag:$0x2] =	sbarrier.arrive $0xFFFF  }
0x110: {  	p0 =	sne.s32 s0, $0x0;
	s0 =	rddreg [dreg:$0x3]  }
0x111: {  	s0 =	sadd.s32 @!p0 $0x100000, s0  }
0x112: {  	[sflag:s0] =	ssyncadd.tile.s32 @!p0 $0x1;
	_ =	shalt  }
.Lfunc_end2:
_tile_overlayer_lowered:
.L_overlay_start_2:
0x113: {  	(tag) =	ssettag $0x2  }
0x114: {  	s0 =	rddreg [dreg:$0x0];
	s2 =	stileid.u32  }
0x115: {  	s1 =	rddreg [dreg:$0x1];
	p0 =	sne.s32 s2, $0x0  }
0x116: {  	s3 =	rddreg [dreg:$0x2];
	[bflag:$0x3] =	sbarrier.arrive $0xFFFF;
	s2 =	simm.s32 @!p0 $0x1C03  }
0x117: {  	[timem:s3], [sflag:s2] =	dma.local @!p0 [hbm:s0], s1  }
0x118: {  	s0 =	simm.s32 @!p0 $0x3  }
0x119: {  	_ =	swait.ge @!p0 [sflag:s0], s1  }
0x11a: {  	s1 =	ssub.s32 @!p0 $0x0, s1;
	[sflag:s0] =	ssyncset.done @!p0 $0x0  }
0x11b: {  	[sflag:s0] =	ssyncadd.s32 @!p0 s1  }
0x11c: {  	[bflag:$0x3] =	sbarrier.arrive $0xFFFF  }
0x11d: {  	_ =	shalt  }

// kernel: kernel.21.cloned.1.call-start
scs
__scs_entry_jumppad:
0x0: {  	(pc) =	sbr.rel $0x88, $3  }
0x1: {  	(tag) =	ssettag $0x0;
	lr =	simm.s32 $0x1  }
0x2: {  	[smem:$0x3F91] =	sst lr;
	_ =	strace $0xD0000000  }
0x3: {  	_ = 	snop  }
0x4: {  	_ = 	snop  }
0x5: {  	_ = 	snop  }
0x6: {  	_ = 	snop  }
0x7: {  	_ = 	snop  }
__scs_overlays_trampoline_lowered:
0x8: {  	[smem:$0x3FA0] =	sst s0  }
0x9: {  	[smem:$0x3FA1] =	sst s1  }
0xa: {  	[smem:$0x3FA2] =	sst s2  }
0xb: {  	[smem:$0x3FA3] =	sst s3  }
0xc: {  	[smem:$0x3FA4] =	sst s4  }
0xd: {  	[smem:$0x3FA5] =	sst s5  }
0xe: {  	[smem:$0x3FA6] =	sst s6  }
0xf: {  	[smem:$0x3FA7] =	sst s7  }
0x10: {  	[smem:$0x3FA8] =	sst s8  }
0x11: {  	[smem:$0x3FA9] =	sst s9;
	s0 =	simm.s32 @!p0 $0x0  }
0x12: {  	s1 =	sld [smem:$0x3F8F];
	s0 =	simm.s32 @p0 $0x1  }
0x13: {  	[smem:$0x3FAA] =	sst s0;
	s0 =	simm.s32 @!p1 $0x0  }
0x14: {  	s2 =	sld [smem:$0x3F8E];
	s0 =	simm.s32 @p1 $0x1  }
0x15: {  	[smem:$0x3FAB] =	sst s0;
	s0 =	simm.s32 @!p2 $0x0  }
0x16: {  	s3 =	sld [smem:$0x3FDB];
	s0 =	simm.s32 @p2 $0x1  }
0x17: {  	s4 =	simm.s32 $0x1BF5;
	[smem:$0x3FAD] =	sst s0  }
0x18: {  	s0 =	sld [smem:$0x3F90];
	_ =	swait.ge [sflag:s4], $0x0  }
0x19: {  	s7 =	sld [smem:$0x3F91]  }
0x1a: {  	s8 =	sadd.s32 $0xFFFFE003, lr  }
0x1b: {  	s9 =	sadd.s32 $0xFFFFFEF7, lr;
	s5 =	simm.s32 $0xFFFFFFFF;
	p2 =	slt.u32 s8, $0xFFFFF086  }
0x1c: {  	p1 =	slt.u32 s9, $0xF7A;
	s5 =	simm.s32 @!p2 $0x0  }
0x1d: {  	s5 =	simm.s32 @p1 $0x1;
	p0 =	seq.s32 s7, s2  }
0x1e: {  	s7 =	smul.u32 @!p0 $0xF7A, s2;
	p2 =	seq.s32 @!p0 s5, $0x0  }
0x1f: {  	s9 =	smul.u32 $0xF7A, s1;
	s8 =	simm.s32 @!p0 $0x1BF5;
	p2 =	por !p2, p0  }
0x20: {  	[sflag:s8] =	ssyncset.s32 @!p0 $0xFFFFF086;
	s6 =	sadd.s32 @!p0 s3, s7;
	s7 =	simm.s32 @!p0 $0x108  }
0x21: {  	s3 =	sadd.s32 s3, s9;
	s6 =	sadd.s32 @!p0 $0x88, s6;
	s7 =	simm.s32 @p2 $0x1082  }
0x22: {  	[simem:s7], [sflag:s8] =	dma.local @!p0 [hbm:s6], $0xF7A  }
0x23: {  	s9 =	sor.u32 $0xD0000000, s2;
	s6 =	simm.s32 $0x108;
	_ =	swait.ge @!p0 [sflag:s8], $0x0  }
0x24: {  	s3 =	sadd.s32 $0x88, s3;
	s6 =	simm.s32 @!p1 $0x1082;
	[sflag:s4] =	ssyncset.s32 $0xFFFFF086  }
0x25: {  	[simem:s6], [sflag:s4] =	dma.local [hbm:s3], $0xF7A  }
0x26: {  	[smem:$0x3F91] =	sst s1;
	(tag) =	ssettag s2;
	_ =	strace s9  }
0x27: {  	s1 =	sld [smem:$0x3FA1]  }
0x28: {  	s2 =	sld [smem:$0x3FA2]  }
0x29: {  	s4 =	sld [smem:$0x3FA4]  }
0x2a: {  	p0 =	seq.s32 s5, $0x0;
	s5 =	sld [smem:$0x3FA5]  }
0x2b: {  	s6 =	sld [smem:$0x3FA6]  }
0x2c: {  	s7 =	sld [smem:$0x3FA7]  }
0x2d: {  	s3 =	simm.s32 $0x108;
	s8 =	sld [smem:$0x3FA8]  }
0x2e: {  	s3 =	simm.s32 @!p0 $0x1082;
	s9 =	sld [smem:$0x3FA9]  }
0x2f: {  	lr =	sadd.s32 s0, s3;
	s0 =	sld [smem:$0x3FA0]  }
0x30: {  	s3 =	sld [smem:$0x3FA3]  }
0x31: {  	[smem:$0x3FAC] =	sst s10  }
0x32: {  	s10 =	sld [smem:$0x3FAA];
	_ =	sdelay $0x3  }
0x33: {  	p0 =	seq.s32 s10, $0x1;
	s10 =	sld [smem:$0x3FAC];
	_ =	sdelay $0x3  }
0x34: {  	[smem:$0x3FAC] =	sst s10  }
0x35: {  	s10 =	sld [smem:$0x3FAB];
	_ =	sdelay $0x3  }
0x36: {  	p1 =	seq.s32 s10, $0x1;
	s10 =	sld [smem:$0x3FAC];
	_ =	sdelay $0x3  }
0x37: {  	[smem:$0x3FAC] =	sst s10  }
0x38: {  	s10 =	sld [smem:$0x3FAD]  }
0x39: {  	_ = 	snop;
	(pc) =	sbr.ind lr, $3  }
0x3a: {  	_ = 	snop  }
0x3b: {  	_ = 	snop  }
0x3c: {  	p2 =	seq.s32 s10, $0x1;
	s10 =	sld [smem:$0x3FAC]  }
0x3d: {  	_ =	shalt  }
0x3e: {  	_ =	shalt  }
0x3f: {  	_ =	shalt  }
0x40: {  	_ =	shalt  }
0x41: {  	_ =	shalt  }
0x42: {  	_ =	shalt  }
0x43: {  	_ =	shalt  }
0x44: {  	_ =	shalt  }
0x45: {  	_ =	shalt  }
0x46: {  	_ =	shalt  }
0x47: {  	_ =	shalt  }
0x48: {  	_ =	shalt  }
0x49: {  	_ =	shalt  }
0x4a: {  	_ =	shalt  }
0x4b: {  	_ =	shalt  }
0x4c: {  	_ =	shalt  }
0x4d: {  	_ =	shalt  }
0x4e: {  	_ =	shalt  }
0x4f: {  	_ =	shalt  }
0x50: {  	_ =	shalt  }
0x51: {  	_ =	shalt  }
0x52: {  	_ =	shalt  }
0x53: {  	_ =	shalt  }
0x54: {  	_ =	shalt  }
0x55: {  	_ =	shalt  }
0x56: {  	_ =	shalt  }
0x57: {  	_ =	shalt  }
0x58: {  	_ =	shalt  }
0x59: {  	_ =	shalt  }
0x5a: {  	_ =	shalt  }
0x5b: {  	_ =	shalt  }
0x5c: {  	_ =	shalt  }
0x5d: {  	_ =	shalt  }
0x5e: {  	_ =	shalt  }
0x5f: {  	_ =	shalt  }
0x60: {  	_ =	shalt  }
0x61: {  	_ =	shalt  }
0x62: {  	_ =	shalt  }
0x63: {  	_ =	shalt  }
0x64: {  	_ =	shalt  }
0x65: {  	_ =	shalt  }
0x66: {  	_ =	shalt  }
0x67: {  	_ =	shalt  }
0x68: {  	_ =	shalt  }
0x69: {  	_ =	shalt  }
0x6a: {  	_ =	shalt  }
0x6b: {  	_ =	shalt  }
0x6c: {  	_ =	shalt  }
0x6d: {  	_ =	shalt  }
0x6e: {  	_ =	shalt  }
0x6f: {  	_ =	shalt  }
0x70: {  	_ =	shalt  }
0x71: {  	_ =	shalt  }
0x72: {  	_ =	shalt  }
0x73: {  	_ =	shalt  }
0x74: {  	_ =	shalt  }
0x75: {  	_ =	shalt  }
0x76: {  	_ =	shalt  }
0x77: {  	_ =	shalt  }
0x78: {  	_ =	shalt  }
0x79: {  	_ =	shalt  }
0x7a: {  	_ =	shalt  }
0x7b: {  	_ =	shalt  }
0x7c: {  	_ =	shalt  }
0x7d: {  	_ =	shalt  }
0x7e: {  	_ =	shalt  }
0x7f: {  	_ =	shalt  }
0x80: {  	_ =	shalt  }
0x81: {  	_ =	shalt  }
0x82: {  	_ =	shalt  }
0x83: {  	_ =	shalt  }
0x84: {  	_ =	shalt  }
0x85: {  	_ =	shalt  }
0x86: {  	_ =	shalt  }
0x87: {  	_ =	shalt  }
.Lfunc_end0:
.L_simem_size_0:
called_computation.3_lowered:
.L_overlay_start_0:
0x88: {  	s2 =	sld [smem:$0x3FD9]  }
0x89: {  	s3 =	sld [smem:$0x3FFE];
	_ =	sdelay $0x1  }
0x8a: {  	s1 =	srdreg.scid  }
0x8b: {  	s0 =	sand.u32 $0x1, s1  }
0x8c: {  	s17 =	sshll.u32 s0, $0xA;
	s2 =	sadd.s32 s3, s2  }
0x8d: {  	s2 =	sadd.s32 s2, s17  }
0x8e: {  	[smem:$0x3FB8] =	sst s2  }
0x8f: {  	_ = 	snop  }
0x90: {  	s2 =	sld [smem:$0x3FD0];
	(tm) =	ssettm $0x1  }
0x91: {  	s18 =	sld [smem:$0x3FFB];
	_ =	sdelay $0x3  }
0x92: {  	_ =	strace s18  }
0x93: {  	s3 =	sld [smem:$0x3FFC];
	_ =	sdelay $0x3  }
0x94: {  	_ =	strace s3  }
0x95: {  	s3 =	sld [smem:$0x3FFD];
	_ =	sdelay $0x3  }
0x96: {  	_ =	strace s3  }
0x97: {  	_ =	strace $0x8FFFFFFF  }
0x98: {  	s19 =	sld [smem:$0x3FDB];
	_ =	sdelay $0x1  }
0x99: {  	s4 =	simm.s32 $_scs_section_size  }
0x9a: {  	s5 =	simm.s32 $_size__tile_overlayer_lowered;
	s6 =	simm.s32 $_tile_overlayer_lowered  }
0x9b: {  	s22 =	simm.s32 $0x1BFF;
	s21 =	sshll.u32 s6, $0x1;
	s3 =	sadd.s32 s4, s19  }
0x9c: {  	s7 =	simm.s32 $0x0;
	s20 =	sshll.u32 s5, $0x1;
	s5 =	sadd.s32 s21, s3  }
0x9d: {  	[timem:s7], [sflag:s22] =	dma.local [hbm:s5], s20  }
0x9e: {  	_ =	swait.ge [sflag:s22], s20  }
0x9f: {  	s4 =	ssub.s32 $0x0, s20;
	[sflag:s22] =	ssyncset.done $0x0  }
0xa0: {  	[sflag:s22] =	ssyncadd.s32 s4;
	_ =	sdelay $0x1  }
0xa1: {  	s23 =	simm.s32 $0x1B8B  }
0xa2: {  	_ =	swait.ge [sflag:s23], $0x1  }
0xa3: {  	[sflag:s23] =	ssyncset.done $0x0  }
0xa4: {  	s25 =	simm.s32 $0x1B8E;
	s24 =	sld [smem:$0x3FFE];
	[sflag:s23] =	ssyncadd.s32 $0xFFFFFFFF  }
0xa5: {  	s26 =	simm.s32 $execute0_lowered;
	[smem:$0x3FD2] =	sst s25  }
0xa6: {  	s5 =	sshll.u32 s26, $0x1;
	_ =	strace $0x8000004F;
	[dreg:$0x1] =	wrdreg $0xFFFFFFFF  }
0xa7: {  	s28 =	simm.s32 $_size_execute0_lowered;
	s3 =	sadd.s32 s3, s5;
	[dreg:$0x0] =	wrdreg $0x0  }
0xa8: {  	s5 =	sshll.u32 s28, $0x1;
	[dreg:$0x2] =	wrdreg s3  }
0xa9: {  	[dreg:$0x3] =	wrdreg s5  }
0xaa: {  	[dreg:$0x4] =	wrdreg $0xC0  }
0xab: {  	_ =	task [dreg:s7], $0x5FFFF  }
0xac: {  	[dreg:$0x1] =	wrdreg $0xFFFFFFFF  }
0xad: {  	[dreg:$0x0] =	wrdreg $0x60  }
0xae: {  	[dreg:$0x2] =	wrdreg s24  }
0xaf: {  	[dreg:$0x3] =	wrdreg s2  }
0xb0: {  	[dreg:$0x4] =	wrdreg $0x0  }
0xb1: {  	[dreg:$0x5] =	wrdreg $0x9  }
0xb2: {  	_ =	task.clear_ibuf [dreg:s7], $0x6FFFF;
	_ =	strace $0x9000004F  }
0xb3: {  	s29 =	simm.s32 $0x9;
	_ =	strace $0x80000051  }
0xb4: {  	_ =	swait.ge [sflag:s29], $0x1  }
0xb5: {  	[sflag:s29] =	ssyncadd.s32 $0xFFFFFFFF  }
0xb6: {  	_ =	strace $0x90000051  }
0xb7: {  	_ =	sfence  }
0xb8: {  	s30 =	sld [smem:$0x0];
	_ =	sdelay $0x2  }
0xb9: {  	s31 =	sshll.u32 s1, $0xD;
	s1 =	sshrl.u32 s1, $0x2  }
0xba: {  	s3 =	sand.u32 $0x4000, s31;
	s1 =	sadd.s32 s1, s30  }
0xbb: {  	s0 =	sor.u32 s3, s0;
	s1 =	sshll.u32 s1, $0x11  }
0xbc: {  	s0 =	sor.u32 s1, s0  }
0xbd: {  	s0 =	sadd.s32 $0x8F2B, s0  }
0xbe: {  	[sflag:s0] =	ssyncadd.remote.s32 $0x1  }
0xbf: {  	_ =	sfence.sel $0xFFFF  }
0xc0: {  	[dreg:$0x0] =	wrdreg $0xFFFFFFFF;
	(pc) =	sbr.abs _section_cstart, $3  }
0xc1: {  	[dreg:$0x1] =	wrdreg $0xFFFFFFFF  }
0xc2: {  	_ =	task.clear_ibuf [dreg:s7], $0x2FFFF;
	_ =	strace $0x9FFFFFFF  }
0xc3: {  	(tm) =	ssettm $0x7FFFFFFF  }
tec
execute0_lowered:
.L_overlay_start_1:
0x0: {  	(tag) =	ssettag $0x1  }
0x1: {  	s5 =	rddreg [dreg:$0x0]  }
0x2: {  	s1 =	srdreg.scid;
	s8 =	rddreg [dreg:$0x1]  }
0x3: {  	s0 =	stileid.u32;
	s2 =	rddreg [dreg:$0x2];
	s3 =	simm.s32 $0x0  }
0x4: {  	s15 =	simm.s32 $0x80;
	s16 =	simm.s32 $0x4F00;
	s17 =	simm.s32 $0x5F00  }
0x5: {  	s18 =	simm.s32 $0x6F00;
	s19 =	simm.s32 $0x7F00;
	s20 =	simm.s32 $0x1  }
0x6: {  	s21 =	simm.s32 $0x8F00;
	s22 =	simm.s32 $0x9F00;
	s23 =	simm.s32 $0xAF00  }
0x7: {  	s24 =	simm.s32 $0xBF00;
	s25 =	simm.s32 $0x2;
	s26 =	simm.s32 $0x0  }
0x8: {  	s6 =	sand.u32 $0x1, s1;
	s30 =	sshll.u32 s0, $0x1;
	s7 =	smul.u32 $0x4F00, s0  }
0x9: {  	[smem:$0x7FF] =	sst s3;
	s4 =	sadd.s32 $0x4000, s5;
	s31 =	sshll.u32 s0, $0x6  }
0xa: {  	s1 =	sor.u32 s6, s30;
	s10 =	smul.u32 $0x4F000, s6;
	_ =	strace $0x80000050  }
0xb: {  	s6 =	ssub.s32 $0x2, s6;
	s9 =	smul.u32 $0x500, s1;
	s12 =	sshrl.u32 s7, $0x3  }
0xc: {  	s13 =	sshrl.u32 s6, $0x1;
	s14 =	sadd.s32 s7, s2;
	s10 =	sadd.s32 s7, s10  }
0xd: {  	s12 =	sadd.s32 s12, s5;
	s13 =	ssub.s32 s6, s13;
	s6 =	sor.u32 $0x1C03, s31  }
0xe: {  	s11 =	sadd.s32 s9, s5;
	s10 =	sshrl.u32 s10, $0x3;
	s8 =	sadd.s32 s8, s9  }
0xf: {  	s10 =	sadd.s32 s10, s5;
	s5 =	sadd.s32 $0x1D000, s12;
	s7 =	sadd.s32 $0x13000, s11  }
0x10: {  	s11 =	sshrl.u32 s14, $0x3;
	s12 =	simm.s32 $0x3;
	s14 =	simm.s32 $0xF700  }
0x11: {  	s9 =	sadd.s32 $0x26E00, s10;
	s10 =	smax.u32 s13, $0x1;
	s13 =	simm.s32 $0xCF00  }
.LBB2_1:
0x12: {  	[spmem:s11], [sflag:s6] =	dma.local [hbm:s5], $0x9E0  }
0x13: {  	_ =	swait.ge [sflag:s12], $0x9E0  }
0x14: {  	[sflag:s12] =	ssyncset.done $0x0  }
0x15: {  	[sflag:s12] =	ssyncadd.s32 $0xFFFFF620  }
0x16: {  	[bflag:$0x0] =	sbarrier.arrive $0xFFFF  }
0x17: {  	[tilespmem:s13], [sflag:$0x3] =	stream.linear.gather [hbm4b:s7+s3], $0x2800, $0x38;
	[tilespmem:$0x11F00] =	vst v63  }
0x18: {  	_ =	swait.ge [sflag:s12], $0x2800  }
0x19: {  	[sflag:s12] =	ssyncset.done $0x0  }
0x1a: {  	[sflag:s12] =	ssyncadd.s32 $0xFFFFD800  }
0x1b: {  	[tilespmem:s14], [sflag:$0x3] =	stream.linear.gather [hbm4b:s8+s3], $0x2800, $0x38;
	[tilespmem:$0x11F00] =	vst v63  }
0x1c: {  	_ =	swait.ge [sflag:s12], $0x2800  }
0x1d: {  	[sflag:s12] =	ssyncset.done $0x0  }
0x1e: {  	s28 =	simm.s32 $0xCF00;
	[sflag:s12] =	ssyncadd.s32 $0xFFFFD800  }
0x1f: {  	[tilespmem:s16], [sflag:$0x1] =	stream.indirect.gather [hbm4b:s4+s15], $0x20, s28, s15, $0xb8;
	[tilespmem:$0x11F00] =	vst v63  }
0x20: {  	s28 =	simm.s32 $0xCF80  }
0x21: {  	[tilespmem:s17], [sflag:$0x1] =	stream.indirect.gather [hbm4b:s4+s15], $0x20, s28, s15, $0xb8;
	[tilespmem:$0x11F00] =	vst v63  }
0x22: {  	s28 =	simm.s32 $0xD000  }
0x23: {  	[tilespmem:s18], [sflag:$0x1] =	stream.indirect.gather [hbm4b:s4+s15], $0x20, s28, s15, $0xb8;
	[tilespmem:$0x11F00] =	vst v63  }
0x24: {  	s28 =	simm.s32 $0xD080  }
0x25: {  	[tilespmem:s19], [sflag:$0x1] =	stream.indirect.gather [hbm4b:s4+s15], $0x20, s28, s15, $0xb8;
	[tilespmem:$0x11F00] =	vst v63  }
0x26: {  	_ =	swait.ge [sflag:s20], $0x1000  }
0x27: {  	[sflag:s20] =	ssyncset.done $0x0  }
0x28: {  	[sflag:s20] =	ssyncadd.s32 $0xFFFFF000  }
0x29: {  	_ =	swait.ge [sflag:s20], $0x1000  }
0x2a: {  	[sflag:s20] =	ssyncset.done $0x0  }
0x2b: {  	[sflag:s20] =	ssyncadd.s32 $0xFFFFF000  }
0x2c: {  	_ =	swait.ge [sflag:s20], $0x1000  }
0x2d: {  	[sflag:s20] =	ssyncset.done $0x0  }
0x2e: {  	[sflag:s20] =	ssyncadd.s32 $0xFFFFF000  }
0x2f: {  	_ =	swait.ge [sflag:s20], $0x1000  }
0x30: {  	[sflag:s20] =	ssyncset.done $0x0  }
0x31: {  	s28 =	simm.s32 $0xF700;
	[sflag:s20] =	ssyncadd.s32 $0xFFFFF000  }
0x32: {  	[spmem:s2] =	stream.indirect.scatter.add.f32 [tilespmem:s16], [sflag:$0x2], $0x20, s28, s15, $0xb8;
	[tilespmem:$0x11F00] =	vst v63  }
0x33: {  	s28 =	simm.s32 $0xF780  }
0x34: {  	[spmem:s2] =	stream.indirect.scatter.add.f32 [tilespmem:s17], [sflag:$0x2], $0x20, s28, s15, $0xb8;
	[tilespmem:$0x11F00] =	vst v63  }
0x35: {  	s28 =	simm.s32 $0xF800  }
0x36: {  	[spmem:s2] =	stream.indirect.scatter.add.f32 [tilespmem:s18], [sflag:$0x2], $0x20, s28, s15, $0xb8;
	[tilespmem:$0x11F00] =	vst v63  }
0x37: {  	s28 =	simm.s32 $0xF880  }
0x38: {  	[spmem:s2] =	stream.indirect.scatter.add.f32 [tilespmem:s19], [sflag:$0x2], $0x20, s28, s15, $0xb8;
	[tilespmem:$0x11F00] =	vst v63  }
0x39: {  	s28 =	simm.s32 $0xD100  }
0x3a: {  	[tilespmem:s21], [sflag:$0x1] =	stream.indirect.gather [hbm4b:s4+s15], $0x20, s28, s15, $0xb8;
	[tilespmem:$0x11F00] =	vst v63  }
0x3b: {  	s28 =	simm.s32 $0xD180  }
0x3c: {  	[tilespmem:s22], [sflag:$0x1] =	stream.indirect.gather [hbm4b:s4+s15], $0x20, s28, s15, $0xb8;
	[tilespmem:$0x11F00] =	vst v63  }
0x3d: {  	s28 =	simm.s32 $0xD200  }
0x3e: {  	[tilespmem:s23], [sflag:$0x1] =	stream.indirect.gather [hbm4b:s4+s15], $0x20, s28, s15, $0xb8;
	[tilespmem:$0x11F00] =	vst v63  }
0x3f: {  	s28 =	simm.s32 $0xD280  }
0x40: {  	[tilespmem:s24], [sflag:$0x1] =	stream.indirect.gather [hbm4b:s4+s15], $0x20, s28, s15, $0xb8;
	[tilespmem:$0x11F00] =	vst v63  }
0x41: {  	_ =	swait.ge [sflag:s20], $0x1000  }
0x42: {  	[sflag:s20] =	ssyncset.done $0x0  }
0x43: {  	[sflag:s20] =	ssyncadd.s32 $0xFFFFF000  }
0x44: {  	_ =	swait.ge [sflag:s20], $0x1000  }
0x45: {  	[sflag:s20] =	ssyncset.done $0x0  }
0x46: {  	[sflag:s20] =	ssyncadd.s32 $0xFFFFF000  }
0x47: {  	_ =	swait.ge [sflag:s20], $0x1000  }
0x48: {  	[sflag:s20] =	ssyncset.done $0x0  }
0x49: {  	[sflag:s20] =	ssyncadd.s32 $0xFFFFF000  }
0x4a: {  	_ =	swait.ge [sflag:s20], $0x1000  }
0x4b: {  	[sflag:s20] =	ssyncset.done $0x0  }
0x4c: {  	s28 =	simm.s32 $0xF900;
	[sflag:s20] =	ssyncadd.s32 $0xFFFFF000  }
0x4d: {  	[spmem:s2] =	stream.indirect.scatter.add.f32 [tilespmem:s21], [sflag:$0x2], $0x20, s28, s15, $0xb8;
	[tilespmem:$0x11F00] =	vst v63  }
0x4e: {  	s28 =	simm.s32 $0xF980  }
0x4f: {  	[spmem:s2] =	stream.indirect.scatter.add.f32 [tilespmem:s22], [sflag:$0x2], $0x20, s28, s15, $0xb8;
	[tilespmem:$0x11F00] =	vst v63  }
0x50: {  	s28 =	simm.s32 $0xFA00  }
0x51: {  	[spmem:s2] =	stream.indirect.scatter.add.f32 [tilespmem:s23], [sflag:$0x2], $0x20, s28, s15, $0xb8;
	[tilespmem:$0x11F00] =	vst v63  }
0x52: {  	s28 =	simm.s32 $0xFA80  }
0x53: {  	[spmem:s2] =	stream.indirect.scatter.add.f32 [tilespmem:s24], [sflag:$0x2], $0x20, s28, s15, $0xb8;
	[tilespmem:$0x11F00] =	vst v63  }
0x54: {  	_ =	swait.ge [sflag:s25], $0x1000  }
0x55: {  	[sflag:s25] =	ssyncset.done $0x0  }
0x56: {  	[sflag:s25] =	ssyncadd.s32 $0xFFFFF000  }
0x57: {  	_ =	swait.ge [sflag:s25], $0x1000  }
0x58: {  	[sflag:s25] =	ssyncset.done $0x0  }
0x59: {  	[sflag:s25] =	ssyncadd.s32 $0xFFFFF000  }
0x5a: {  	_ =	swait.ge [sflag:s25], $0x1000  }
0x5b: {  	[sflag:s25] =	ssyncset.done $0x0  }
0x5c: {  	[sflag:s25] =	ssyncadd.s32 $0xFFFFF000  }
0x5d: {  	_ =	swait.ge [sflag:s25], $0x1000  }
0x5e: {  	[sflag:s25] =	ssyncset.done $0x0  }
0x5f: {  	[sflag:s25] =	ssyncadd.s32 $0xFFFFF000  }
0x60: {  	_ =	swait.ge [sflag:s25], $0x1000  }
0x61: {  	[sflag:s25] =	ssyncset.done $0x0  }
0x62: {  	[sflag:s25] =	ssyncadd.s32 $0xFFFFF000  }
0x63: {  	_ =	swait.ge [sflag:s25], $0x1000  }
0x64: {  	[sflag:s25] =	ssyncset.done $0x0  }
0x65: {  	[sflag:s25] =	ssyncadd.s32 $0xFFFFF000  }
0x66: {  	_ =	swait.ge [sflag:s25], $0x1000  }
0x67: {  	[sflag:s25] =	ssyncset.done $0x0  }
0x68: {  	[sflag:s25] =	ssyncadd.s32 $0xFFFFF000  }
0x69: {  	_ =	swait.ge [sflag:s25], $0x1000  }
0x6a: {  	s31 =	simm.s32 $0x2000;
	s28 =	simm.s32 $0x400;
	[sflag:s25] =	ssyncset.done $0x0  }
.LBB2_2:
0x6b: {  	s1 =	sadd.s32 $0xCF00, s28  }
0x6c: {  	[sflag:s25] =	ssyncadd.s32 $0xFFFFF000;
	s30 =	smov.u32 s31;
	s29 =	sadd.s32 $0x1000, s31  }
0x6d: {  	[tilespmem:s16], [sflag:$0x1] =	stream.indirect.gather [hbm4b:s4+s15], $0x20, s1, s15, $0xb8;
	[tilespmem:$0x11F00] =	vst v63  }
0x6e: {  	p0 =	sne.s32 s31, $0x9000;
	s1 =	sadd.s32 $0xCF80, s28  }
0x6f: {  	[tilespmem:s17], [sflag:$0x1] =	stream.indirect.gather [hbm4b:s4+s15], $0x20, s1, s15, $0xb8;
	[tilespmem:$0x11F00] =	vst v63  }
0x70: {  	s1 =	sadd.s32 $0xD000, s28  }
0x71: {  	[tilespmem:s18], [sflag:$0x1] =	stream.indirect.gather [hbm4b:s4+s15], $0x20, s1, s15, $0xb8;
	[tilespmem:$0x11F00] =	vst v63  }
0x72: {  	s1 =	sadd.s32 $0xD080, s28  }
0x73: {  	[tilespmem:s19], [sflag:$0x1] =	stream.indirect.gather [hbm4b:s4+s15], $0x20, s1, s15, $0xb8;
	[tilespmem:$0x11F00] =	vst v63  }
0x74: {  	_ =	swait.ge [sflag:s20], $0x1000  }
0x75: {  	[sflag:s20] =	ssyncset.done $0x0  }
0x76: {  	[sflag:s20] =	ssyncadd.s32 $0xFFFFF000  }
0x77: {  	_ =	swait.ge [sflag:s20], $0x1000  }
0x78: {  	[sflag:s20] =	ssyncset.done $0x0  }
0x79: {  	[sflag:s20] =	ssyncadd.s32 $0xFFFFF000  }
0x7a: {  	_ =	swait.ge [sflag:s20], $0x1000  }
0x7b: {  	[sflag:s20] =	ssyncset.done $0x0  }
0x7c: {  	[sflag:s20] =	ssyncadd.s32 $0xFFFFF000  }
0x7d: {  	_ =	swait.ge [sflag:s20], $0x1000  }
0x7e: {  	[sflag:s20] =	ssyncset.done $0x0  }
0x7f: {  	s1 =	sadd.s32 $0xF700, s28;
	[sflag:s20] =	ssyncadd.s32 $0xFFFFF000  }
0x80: {  	[spmem:s2] =	stream.indirect.scatter.add.f32 [tilespmem:s16], [sflag:$0x2], $0x20, s1, s15, $0xb8;
	[tilespmem:$0x11F00] =	vst v63  }
0x81: {  	s1 =	sadd.s32 $0xF780, s28  }
0x82: {  	[spmem:s2] =	stream.indirect.scatter.add.f32 [tilespmem:s17], [sflag:$0x2], $0x20, s1, s15, $0xb8;
	[tilespmem:$0x11F00] =	vst v63  }
0x83: {  	s1 =	sadd.s32 $0xF800, s28  }
0x84: {  	[spmem:s2] =	stream.indirect.scatter.add.f32 [tilespmem:s18], [sflag:$0x2], $0x20, s1, s15, $0xb8;
	[tilespmem:$0x11F00] =	vst v63  }
0x85: {  	s1 =	sadd.s32 $0xF880, s28  }
0x86: {  	[spmem:s2] =	stream.indirect.scatter.add.f32 [tilespmem:s19], [sflag:$0x2], $0x20, s1, s15, $0xb8;
	[tilespmem:$0x11F00] =	vst v63  }
0x87: {  	s1 =	sadd.s32 $0xD100, s28  }
0x88: {  	[tilespmem:s21], [sflag:$0x1] =	stream.indirect.gather [hbm4b:s4+s15], $0x20, s1, s15, $0xb8;
	[tilespmem:$0x11F00] =	vst v63  }
0x89: {  	s1 =	sadd.s32 $0xD180, s28  }
0x8a: {  	[tilespmem:s22], [sflag:$0x1] =	stream.indirect.gather [hbm4b:s4+s15], $0x20, s1, s15, $0xb8;
	[tilespmem:$0x11F00] =	vst v63  }
0x8b: {  	s1 =	sadd.s32 $0xD200, s28  }
0x8c: {  	[tilespmem:s23], [sflag:$0x1] =	stream.indirect.gather [hbm4b:s4+s15], $0x20, s1, s15, $0xb8;
	[tilespmem:$0x11F00] =	vst v63  }
0x8d: {  	s1 =	sadd.s32 $0xD280, s28  }
0x8e: {  	[tilespmem:s24], [sflag:$0x1] =	stream.indirect.gather [hbm4b:s4+s15], $0x20, s1, s15, $0xb8;
	[tilespmem:$0x11F00] =	vst v63  }
0x8f: {  	_ =	swait.ge [sflag:s20], $0x1000  }
0x90: {  	[sflag:s20] =	ssyncset.done $0x0  }
0x91: {  	[sflag:s20] =	ssyncadd.s32 $0xFFFFF000  }
0x92: {  	_ =	swait.ge [sflag:s20], $0x1000  }
0x93: {  	[sflag:s20] =	ssyncset.done $0x0  }
0x94: {  	[sflag:s20] =	ssyncadd.s32 $0xFFFFF000  }
0x95: {  	_ =	swait.ge [sflag:s20], $0x1000  }
0x96: {  	[sflag:s20] =	ssyncset.done $0x0  }
0x97: {  	[sflag:s20] =	ssyncadd.s32 $0xFFFFF000  }
0x98: {  	_ =	swait.ge [sflag:s20], $0x1000  }
0x99: {  	[sflag:s20] =	ssyncset.done $0x0  }
0x9a: {  	s1 =	sadd.s32 $0xF900, s28;
	[sflag:s20] =	ssyncadd.s32 $0xFFFFF000  }
0x9b: {  	[spmem:s2] =	stream.indirect.scatter.add.f32 [tilespmem:s21], [sflag:$0x2], $0x20, s1, s15, $0xb8;
	[tilespmem:$0x11F00] =	vst v63  }
0x9c: {  	s1 =	sadd.s32 $0xF980, s28  }
0x9d: {  	[spmem:s2] =	stream.indirect.scatter.add.f32 [tilespmem:s22], [sflag:$0x2], $0x20, s1, s15, $0xb8;
	[tilespmem:$0x11F00] =	vst v63  }
0x9e: {  	s1 =	sadd.s32 $0xFA00, s28  }
0x9f: {  	[spmem:s2] =	stream.indirect.scatter.add.f32 [tilespmem:s23], [sflag:$0x2], $0x20, s1, s15, $0xb8;
	[tilespmem:$0x11F00] =	vst v63  }
0xa0: {  	s1 =	sadd.s32 $0xFA80, s28  }
0xa1: {  	[spmem:s2] =	stream.indirect.scatter.add.f32 [tilespmem:s24], [sflag:$0x2], $0x20, s1, s15, $0xb8;
	[tilespmem:$0x11F00] =	vst v63  }
0xa2: {  	_ =	swait.ge [sflag:s25], $0x1000  }
0xa3: {  	[sflag:s25] =	ssyncset.done $0x0  }
0xa4: {  	[sflag:s25] =	ssyncadd.s32 $0xFFFFF000  }
0xa5: {  	_ =	swait.ge [sflag:s25], $0x1000  }
0xa6: {  	[sflag:s25] =	ssyncset.done $0x0  }
0xa7: {  	[sflag:s25] =	ssyncadd.s32 $0xFFFFF000  }
0xa8: {  	_ =	swait.ge [sflag:s25], $0x1000  }
0xa9: {  	[sflag:s25] =	ssyncset.done $0x0  }
0xaa: {  	[sflag:s25] =	ssyncadd.s32 $0xFFFFF000  }
0xab: {  	_ =	swait.ge [sflag:s25], $0x1000  }
0xac: {  	[sflag:s25] =	ssyncset.done $0x0  }
0xad: {  	[sflag:s25] =	ssyncadd.s32 $0xFFFFF000  }
0xae: {  	_ =	swait.ge [sflag:s25], $0x1000  }
0xaf: {  	[sflag:s25] =	ssyncset.done $0x0  }
0xb0: {  	[sflag:s25] =	ssyncadd.s32 $0xFFFFF000  }
0xb1: {  	_ =	swait.ge [sflag:s25], $0x1000  }
0xb2: {  	[sflag:s25] =	ssyncset.done $0x0  }
0xb3: {  	[sflag:s25] =	ssyncadd.s32 $0xFFFFF000  }
.Ltmp0:
0xb4: {  	_ =	swait.ge [sflag:s25], $0x1000;
	(pc) =	sbr.rel @p0 .LBB2_2-.Ltmp0, $4  }
0xb5: {  	[sflag:s25] =	ssyncset.done $0x0  }
0xb6: {  	[sflag:s25] =	ssyncadd.s32 $0xFFFFF000  }
0xb7: {  	_ =	swait.ge [sflag:s25], $0x1000  }
0xb8: {  	s31 =	smov.u32 s29;
	s28 =	sshra.s32 s30, $0x2;
	[sflag:s25] =	ssyncset.done $0x0  }
0xb9: {  	s1 =	sadd.s32 $0xCF00, s28;
	[sflag:s25] =	ssyncadd.s32 $0xFFFFF000  }
0xba: {  	[tilespmem:s16], [sflag:$0x1] =	stream.indirect.gather [hbm4b:s4+s15], $0x20, s1, s15, $0xb8;
	[tilespmem:$0x11F00] =	vst v63  }
0xbb: {  	s29 =	sadd.s32 $0xCF80, s28  }
0xbc: {  	[tilespmem:s17], [sflag:$0x1] =	stream.indirect.gather [hbm4b:s4+s15], $0x20, s29, s15, $0xb8;
	[tilespmem:$0x11F00] =	vst v63  }
0xbd: {  	s30 =	sadd.s32 $0xD000, s28  }
0xbe: {  	[tilespmem:s18], [sflag:$0x1] =	stream.indirect.gather [hbm4b:s4+s15], $0x20, s30, s15, $0xb8;
	[tilespmem:$0x11F00] =	vst v63  }
0xbf: {  	s31 =	sadd.s32 $0xD080, s28  }
0xc0: {  	[tilespmem:s19], [sflag:$0x1] =	stream.indirect.gather [hbm4b:s4+s15], $0x20, s31, s15, $0xb8;
	[tilespmem:$0x11F00] =	vst v63  }
0xc1: {  	_ =	swait.ge [sflag:s20], $0x1000  }
0xc2: {  	[sflag:s20] =	ssyncset.done $0x0  }
0xc3: {  	[sflag:s20] =	ssyncadd.s32 $0xFFFFF000  }
0xc4: {  	_ =	swait.ge [sflag:s20], $0x1000  }
0xc5: {  	[sflag:s20] =	ssyncset.done $0x0  }
0xc6: {  	[sflag:s20] =	ssyncadd.s32 $0xFFFFF000  }
0xc7: {  	_ =	swait.ge [sflag:s20], $0x1000  }
0xc8: {  	[sflag:s20] =	ssyncset.done $0x0  }
0xc9: {  	[sflag:s20] =	ssyncadd.s32 $0xFFFFF000  }
0xca: {  	_ =	swait.ge [sflag:s20], $0x1000  }
0xcb: {  	[sflag:s20] =	ssyncset.done $0x0  }
0xcc: {  	s29 =	sadd.s32 $0xF700, s28;
	[sflag:s20] =	ssyncadd.s32 $0xFFFFF000  }
0xcd: {  	[spmem:s2] =	stream.indirect.scatter.add.f32 [tilespmem:s16], [sflag:$0x2], $0x20, s29, s15, $0xb8;
	[tilespmem:$0x11F00] =	vst v63  }
0xce: {  	s30 =	sadd.s32 $0xF780, s28  }
0xcf: {  	[spmem:s2] =	stream.indirect.scatter.add.f32 [tilespmem:s17], [sflag:$0x2], $0x20, s30, s15, $0xb8;
	[tilespmem:$0x11F00] =	vst v63  }
0xd0: {  	s31 =	sadd.s32 $0xF800, s28  }
0xd1: {  	[spmem:s2] =	stream.indirect.scatter.add.f32 [tilespmem:s18], [sflag:$0x2], $0x20, s31, s15, $0xb8;
	[tilespmem:$0x11F00] =	vst v63  }
0xd2: {  	s29 =	sadd.s32 $0xF880, s28  }
0xd3: {  	[spmem:s2] =	stream.indirect.scatter.add.f32 [tilespmem:s19], [sflag:$0x2], $0x20, s29, s15, $0xb8;
	[tilespmem:$0x11F00] =	vst v63  }
0xd4: {  	s30 =	sadd.s32 $0xD100, s28  }
0xd5: {  	[tilespmem:s21], [sflag:$0x1] =	stream.indirect.gather [hbm4b:s4+s15], $0x20, s30, s15, $0xb8;
	[tilespmem:$0x11F00] =	vst v63  }
0xd6: {  	s31 =	sadd.s32 $0xD180, s28  }
0xd7: {  	[tilespmem:s22], [sflag:$0x1] =	stream.indirect.gather [hbm4b:s4+s15], $0x20, s31, s15, $0xb8;
	[tilespmem:$0x11F00] =	vst v63  }
0xd8: {  	s29 =	sadd.s32 $0xD200, s28  }
0xd9: {  	[tilespmem:s23], [sflag:$0x1] =	stream.indirect.gather [hbm4b:s4+s15], $0x20, s29, s15, $0xb8;
	[tilespmem:$0x11F00] =	vst v63  }
0xda: {  	s30 =	sadd.s32 $0xD280, s28  }
0xdb: {  	[tilespmem:s24], [sflag:$0x1] =	stream.indirect.gather [hbm4b:s4+s15], $0x20, s30, s15, $0xb8;
	[tilespmem:$0x11F00] =	vst v63  }
0xdc: {  	_ =	swait.ge [sflag:s20], $0x1000  }
0xdd: {  	[sflag:s20] =	ssyncset.done $0x0  }
0xde: {  	[sflag:s20] =	ssyncadd.s32 $0xFFFFF000  }
0xdf: {  	_ =	swait.ge [sflag:s20], $0x1000  }
0xe0: {  	[sflag:s20] =	ssyncset.done $0x0  }
0xe1: {  	[sflag:s20] =	ssyncadd.s32 $0xFFFFF000  }
0xe2: {  	_ =	swait.ge [sflag:s20], $0x1000  }
0xe3: {  	[sflag:s20] =	ssyncset.done $0x0  }
0xe4: {  	[sflag:s20] =	ssyncadd.s32 $0xFFFFF000  }
0xe5: {  	_ =	swait.ge [sflag:s20], $0x1000  }
0xe6: {  	[sflag:s20] =	ssyncset.done $0x0  }
0xe7: {  	s31 =	sadd.s32 $0xF900, s28;
	[sflag:s20] =	ssyncadd.s32 $0xFFFFF000  }
0xe8: {  	[spmem:s2] =	stream.indirect.scatter.add.f32 [tilespmem:s21], [sflag:$0x2], $0x20, s31, s15, $0xb8;
	[tilespmem:$0x11F00] =	vst v63  }
0xe9: {  	s29 =	sadd.s32 $0xF980, s28  }
0xea: {  	[spmem:s2] =	stream.indirect.scatter.add.f32 [tilespmem:s22], [sflag:$0x2], $0x20, s29, s15, $0xb8;
	[tilespmem:$0x11F00] =	vst v63  }
0xeb: {  	s30 =	sadd.s32 $0xFA00, s28  }
0xec: {  	[spmem:s2] =	stream.indirect.scatter.add.f32 [tilespmem:s23], [sflag:$0x2], $0x20, s30, s15, $0xb8;
	[tilespmem:$0x11F00] =	vst v63  }
0xed: {  	s31 =	sadd.s32 $0xFA80, s28  }
0xee: {  	[spmem:s2] =	stream.indirect.scatter.add.f32 [tilespmem:s24], [sflag:$0x2], $0x20, s31, s15, $0xb8;
	[tilespmem:$0x11F00] =	vst v63  }
0xef: {  	_ =	swait.ge [sflag:s25], $0x1000  }
0xf0: {  	[sflag:s25] =	ssyncset.done $0x0  }
0xf1: {  	[sflag:s25] =	ssyncadd.s32 $0xFFFFF000  }
0xf2: {  	_ =	swait.ge [sflag:s25], $0x1000  }
0xf3: {  	[sflag:s25] =	ssyncset.done $0x0  }
0xf4: {  	[sflag:s25] =	ssyncadd.s32 $0xFFFFF000  }
0xf5: {  	_ =	swait.ge [sflag:s25], $0x1000  }
0xf6: {  	[sflag:s25] =	ssyncset.done $0x0  }
0xf7: {  	[sflag:s25] =	ssyncadd.s32 $0xFFFFF000  }
0xf8: {  	_ =	swait.ge [sflag:s25], $0x1000  }
0xf9: {  	[sflag:s25] =	ssyncset.done $0x0  }
0xfa: {  	[sflag:s25] =	ssyncadd.s32 $0xFFFFF000  }
0xfb: {  	_ =	swait.ge [sflag:s25], $0x1000  }
0xfc: {  	[sflag:s25] =	ssyncset.done $0x0  }
0xfd: {  	[sflag:s25] =	ssyncadd.s32 $0xFFFFF000  }
0xfe: {  	_ =	swait.ge [sflag:s25], $0x1000  }
0xff: {  	[sflag:s25] =	ssyncset.done $0x0  }
0x100: {  	[sflag:s25] =	ssyncadd.s32 $0xFFFFF000  }
0x101: {  	_ =	swait.ge [sflag:s25], $0x1000  }
0x102: {  	[sflag:s25] =	ssyncset.done $0x0  }
0x103: {  	[sflag:s25] =	ssyncadd.s32 $0xFFFFF000  }
0x104: {  	_ =	swait.ge [sflag:s25], $0x1000  }
0x105: {  	s26 =	sadd.s32 $0x1, s26;
	[sflag:s25] =	ssyncset.done $0x0  }
0x106: {  	p0 =	sne.s32 s26, s10;
	[sflag:s25] =	ssyncadd.s32 $0xFFFFF000  }
.Ltmp1:
0x107: {  	[bflag:$0x0] =	sbarrier.arrive $0xFFFF;
	(pc) =	sbr.rel @p0 .LBB2_1-.Ltmp1, $4  }
0x108: {  	[hbm:s9], [sflag:s6] =	dma.local [spmem:s11], $0x9E0  }
0x109: {  	_ =	swait.ge [sflag:s12], $0x9E0  }
0x10a: {  	[sflag:s12] =	ssyncset.done $0x0  }
0x10b: {  	[sflag:s12] =	ssyncadd.s32 $0xFFFFF620  }
0x10c: {  	_ =	sfence.sel $0x180000  }
0x10d: {  	[bflag:$0x0] =	sbarrier.arrive $0xFFFF  }
0x10e: {  	_ =	strace $0x90000050  }
0x10f: {  	[bflag:$0x2] =	sbarrier.arrive $0xFFFF  }
0x110: {  	p0 =	sne.s32 s0, $0x0;
	s0 =	rddreg [dreg:$0x3]  }
0x111: {  	s0 =	sadd.s32 @!p0 $0x100000, s0  }
0x112: {  	[sflag:s0] =	ssyncadd.tile.s32 @!p0 $0x1;
	_ =	shalt  }
.Lfunc_end2:
_tile_overlayer_lowered:
.L_overlay_start_2:
0x113: {  	(tag) =	ssettag $0x2  }
0x114: {  	s0 =	rddreg [dreg:$0x0];
	s2 =	stileid.u32  }
0x115: {  	s1 =	rddreg [dreg:$0x1];
	p0 =	sne.s32 s2, $0x0  }
0x116: {  	s3 =	rddreg [dreg:$0x2];
	[bflag:$0x3] =	sbarrier.arrive $0xFFFF;
	s2 =	simm.s32 @!p0 $0x1C03  }
0x117: {  	[timem:s3], [sflag:s2] =	dma.local @!p0 [hbm:s0], s1  }
0x118: {  	s0 =	simm.s32 @!p0 $0x3  }
0x119: {  	_ =	swait.ge @!p0 [sflag:s0], s1  }
0x11a: {  	s1 =	ssub.s32 @!p0 $0x0, s1;
	[sflag:s0] =	ssyncset.done @!p0 $0x0  }
0x11b: {  	[sflag:s0] =	ssyncadd.s32 @!p0 s1  }
0x11c: {  	[bflag:$0x3] =	sbarrier.arrive $0xFFFF  }
0x11d: {  	_ =	shalt  }

// kernel: kernel.24.cloned.1.call-start
scs
__scs_entry_jumppad:
0x0: {  	(pc) =	sbr.rel $0x88, $3  }
0x1: {  	(tag) =	ssettag $0x0;
	lr =	simm.s32 $0x1  }
0x2: {  	[smem:$0x3F91] =	sst lr;
	_ =	strace $0xD0000000  }
0x3: {  	_ = 	snop  }
0x4: {  	_ = 	snop  }
0x5: {  	_ = 	snop  }
0x6: {  	_ = 	snop  }
0x7: {  	_ = 	snop  }
__scs_overlays_trampoline_lowered:
0x8: {  	[smem:$0x3FA0] =	sst s0  }
0x9: {  	[smem:$0x3FA1] =	sst s1  }
0xa: {  	[smem:$0x3FA2] =	sst s2  }
0xb: {  	[smem:$0x3FA3] =	sst s3  }
0xc: {  	[smem:$0x3FA4] =	sst s4  }
0xd: {  	[smem:$0x3FA5] =	sst s5  }
0xe: {  	[smem:$0x3FA6] =	sst s6  }
0xf: {  	[smem:$0x3FA7] =	sst s7  }
0x10: {  	[smem:$0x3FA8] =	sst s8  }
0x11: {  	[smem:$0x3FA9] =	sst s9;
	s0 =	simm.s32 @!p0 $0x0  }
0x12: {  	s1 =	sld [smem:$0x3F8F];
	s0 =	simm.s32 @p0 $0x1  }
0x13: {  	[smem:$0x3FAA] =	sst s0;
	s0 =	simm.s32 @!p1 $0x0  }
0x14: {  	s2 =	sld [smem:$0x3F8E];
	s0 =	simm.s32 @p1 $0x1  }
0x15: {  	[smem:$0x3FAB] =	sst s0;
	s0 =	simm.s32 @!p2 $0x0  }
0x16: {  	s3 =	sld [smem:$0x3FDB];
	s0 =	simm.s32 @p2 $0x1  }
0x17: {  	s4 =	simm.s32 $0x1BF5;
	[smem:$0x3FAD] =	sst s0  }
0x18: {  	s0 =	sld [smem:$0x3F90];
	_ =	swait.ge [sflag:s4], $0x0  }
0x19: {  	s7 =	sld [smem:$0x3F91]  }
0x1a: {  	s8 =	sadd.s32 $0xFFFFE003, lr  }
0x1b: {  	s9 =	sadd.s32 $0xFFFFFEF7, lr;
	s5 =	simm.s32 $0xFFFFFFFF;
	p2 =	slt.u32 s8, $0xFFFFF086  }
0x1c: {  	p1 =	slt.u32 s9, $0xF7A;
	s5 =	simm.s32 @!p2 $0x0  }
0x1d: {  	s5 =	simm.s32 @p1 $0x1;
	p0 =	seq.s32 s7, s2  }
0x1e: {  	s7 =	smul.u32 @!p0 $0xF7A, s2;
	p2 =	seq.s32 @!p0 s5, $0x0  }
0x1f: {  	s9 =	smul.u32 $0xF7A, s1;
	s8 =	simm.s32 @!p0 $0x1BF5;
	p2 =	por !p2, p0  }
0x20: {  	[sflag:s8] =	ssyncset.s32 @!p0 $0xFFFFF086;
	s6 =	sadd.s32 @!p0 s3, s7;
	s7 =	simm.s32 @!p0 $0x108  }
0x21: {  	s3 =	sadd.s32 s3, s9;
	s6 =	sadd.s32 @!p0 $0x88, s6;
	s7 =	simm.s32 @p2 $0x1082  }
0x22: {  	[simem:s7], [sflag:s8] =	dma.local @!p0 [hbm:s6], $0xF7A  }
0x23: {  	s9 =	sor.u32 $0xD0000000, s2;
	s6 =	simm.s32 $0x108;
	_ =	swait.ge @!p0 [sflag:s8], $0x0  }
0x24: {  	s3 =	sadd.s32 $0x88, s3;
	s6 =	simm.s32 @!p1 $0x1082;
	[sflag:s4] =	ssyncset.s32 $0xFFFFF086  }
0x25: {  	[simem:s6], [sflag:s4] =	dma.local [hbm:s3], $0xF7A  }
0x26: {  	[smem:$0x3F91] =	sst s1;
	(tag) =	ssettag s2;
	_ =	strace s9  }
0x27: {  	s1 =	sld [smem:$0x3FA1]  }
0x28: {  	s2 =	sld [smem:$0x3FA2]  }
0x29: {  	s4 =	sld [smem:$0x3FA4]  }
0x2a: {  	p0 =	seq.s32 s5, $0x0;
	s5 =	sld [smem:$0x3FA5]  }
0x2b: {  	s6 =	sld [smem:$0x3FA6]  }
0x2c: {  	s7 =	sld [smem:$0x3FA7]  }
0x2d: {  	s3 =	simm.s32 $0x108;
	s8 =	sld [smem:$0x3FA8]  }
0x2e: {  	s3 =	simm.s32 @!p0 $0x1082;
	s9 =	sld [smem:$0x3FA9]  }
0x2f: {  	lr =	sadd.s32 s0, s3;
	s0 =	sld [smem:$0x3FA0]  }
0x30: {  	s3 =	sld [smem:$0x3FA3]  }
0x31: {  	[smem:$0x3FAC] =	sst s10  }
0x32: {  	s10 =	sld [smem:$0x3FAA];
	_ =	sdelay $0x3  }
0x33: {  	p0 =	seq.s32 s10, $0x1;
	s10 =	sld [smem:$0x3FAC];
	_ =	sdelay $0x3  }
0x34: {  	[smem:$0x3FAC] =	sst s10  }
0x35: {  	s10 =	sld [smem:$0x3FAB];
	_ =	sdelay $0x3  }
0x36: {  	p1 =	seq.s32 s10, $0x1;
	s10 =	sld [smem:$0x3FAC];
	_ =	sdelay $0x3  }
0x37: {  	[smem:$0x3FAC] =	sst s10  }
0x38: {  	s10 =	sld [smem:$0x3FAD]  }
0x39: {  	_ = 	snop;
	(pc) =	sbr.ind lr, $3  }
0x3a: {  	_ = 	snop  }
0x3b: {  	_ = 	snop  }
0x3c: {  	p2 =	seq.s32 s10, $0x1;
	s10 =	sld [smem:$0x3FAC]  }
0x3d: {  	_ =	shalt  }
0x3e: {  	_ =	shalt  }
0x3f: {  	_ =	shalt  }
0x40: {  	_ =	shalt  }
0x41: {  	_ =	shalt  }
0x42: {  	_ =	shalt  }
0x43: {  	_ =	shalt  }
0x44: {  	_ =	shalt  }
0x45: {  	_ =	shalt  }
0x46: {  	_ =	shalt  }
0x47: {  	_ =	shalt  }
0x48: {  	_ =	shalt  }
0x49: {  	_ =	shalt  }
0x4a: {  	_ =	shalt  }
0x4b: {  	_ =	shalt  }
0x4c: {  	_ =	shalt  }
0x4d: {  	_ =	shalt  }
0x4e: {  	_ =	shalt  }
0x4f: {  	_ =	shalt  }
0x50: {  	_ =	shalt  }
0x51: {  	_ =	shalt  }
0x52: {  	_ =	shalt  }
0x53: {  	_ =	shalt  }
0x54: {  	_ =	shalt  }
0x55: {  	_ =	shalt  }
0x56: {  	_ =	shalt  }
0x57: {  	_ =	shalt  }
0x58: {  	_ =	shalt  }
0x59: {  	_ =	shalt  }
0x5a: {  	_ =	shalt  }
0x5b: {  	_ =	shalt  }
0x5c: {  	_ =	shalt  }
0x5d: {  	_ =	shalt  }
0x5e: {  	_ =	shalt  }
0x5f: {  	_ =	shalt  }
0x60: {  	_ =	shalt  }
0x61: {  	_ =	shalt  }
0x62: {  	_ =	shalt  }
0x63: {  	_ =	shalt  }
0x64: {  	_ =	shalt  }
0x65: {  	_ =	shalt  }
0x66: {  	_ =	shalt  }
0x67: {  	_ =	shalt  }
0x68: {  	_ =	shalt  }
0x69: {  	_ =	shalt  }
0x6a: {  	_ =	shalt  }
0x6b: {  	_ =	shalt  }
0x6c: {  	_ =	shalt  }
0x6d: {  	_ =	shalt  }
0x6e: {  	_ =	shalt  }
0x6f: {  	_ =	shalt  }
0x70: {  	_ =	shalt  }
0x71: {  	_ =	shalt  }
0x72: {  	_ =	shalt  }
0x73: {  	_ =	shalt  }
0x74: {  	_ =	shalt  }
0x75: {  	_ =	shalt  }
0x76: {  	_ =	shalt  }
0x77: {  	_ =	shalt  }
0x78: {  	_ =	shalt  }
0x79: {  	_ =	shalt  }
0x7a: {  	_ =	shalt  }
0x7b: {  	_ =	shalt  }
0x7c: {  	_ =	shalt  }
0x7d: {  	_ =	shalt  }
0x7e: {  	_ =	shalt  }
0x7f: {  	_ =	shalt  }
0x80: {  	_ =	shalt  }
0x81: {  	_ =	shalt  }
0x82: {  	_ =	shalt  }
0x83: {  	_ =	shalt  }
0x84: {  	_ =	shalt  }
0x85: {  	_ =	shalt  }
0x86: {  	_ =	shalt  }
0x87: {  	_ =	shalt  }
.Lfunc_end0:
.L_simem_size_0:
called_computation.4_lowered:
.L_overlay_start_0:
0x88: {  	s2 =	sld [smem:$0x3FD9]  }
0x89: {  	s3 =	sld [smem:$0x3FFE];
	_ =	sdelay $0x1  }
0x8a: {  	s1 =	srdreg.scid  }
0x8b: {  	s0 =	sand.u32 $0x1, s1  }
0x8c: {  	s17 =	sshll.u32 s0, $0xA;
	s2 =	sadd.s32 s3, s2  }
0x8d: {  	s2 =	sadd.s32 s2, s17  }
0x8e: {  	[smem:$0x3FB8] =	sst s2  }
0x8f: {  	_ = 	snop  }
0x90: {  	s2 =	sld [smem:$0x3FD0];
	(tm) =	ssettm $0x1  }
0x91: {  	s18 =	sld [smem:$0x3FFB];
	_ =	sdelay $0x3  }
0x92: {  	_ =	strace s18  }
0x93: {  	s3 =	sld [smem:$0x3FFC];
	_ =	sdelay $0x3  }
0x94: {  	_ =	strace s3  }
0x95: {  	s3 =	sld [smem:$0x3FFD];
	_ =	sdelay $0x3  }
0x96: {  	_ =	strace s3  }
0x97: {  	_ =	strace $0x8FFFFFFF  }
0x98: {  	s19 =	sld [smem:$0x3FDB];
	_ =	sdelay $0x1  }
0x99: {  	s4 =	simm.s32 $_scs_section_size  }
0x9a: {  	s5 =	simm.s32 $_size__tile_overlayer_lowered;
	s6 =	simm.s32 $_tile_overlayer_lowered  }
0x9b: {  	s22 =	simm.s32 $0x1BFF;
	s21 =	sshll.u32 s6, $0x1;
	s3 =	sadd.s32 s4, s19  }
0x9c: {  	s7 =	simm.s32 $0x0;
	s20 =	sshll.u32 s5, $0x1;
	s5 =	sadd.s32 s21, s3  }
0x9d: {  	[timem:s7], [sflag:s22] =	dma.local [hbm:s5], s20  }
0x9e: {  	_ =	swait.ge [sflag:s22], s20  }
0x9f: {  	s4 =	ssub.s32 $0x0, s20;
	[sflag:s22] =	ssyncset.done $0x0  }
0xa0: {  	[sflag:s22] =	ssyncadd.s32 s4;
	_ =	sdelay $0x1  }
0xa1: {  	s23 =	simm.s32 $0x1B8B  }
0xa2: {  	_ =	swait.ge [sflag:s23], $0x1  }
0xa3: {  	[sflag:s23] =	ssyncset.done $0x0  }
0xa4: {  	s25 =	simm.s32 $0x1B8E;
	s24 =	sld [smem:$0x3FFE];
	[sflag:s23] =	ssyncadd.s32 $0xFFFFFFFF  }
0xa5: {  	s26 =	simm.s32 $execute0_lowered;
	[smem:$0x3FD2] =	sst s25  }
0xa6: {  	s5 =	sshll.u32 s26, $0x1;
	_ =	strace $0x80000052;
	[dreg:$0x1] =	wrdreg $0xFFFFFFFF  }
0xa7: {  	s28 =	simm.s32 $_size_execute0_lowered;
	s3 =	sadd.s32 s3, s5;
	[dreg:$0x0] =	wrdreg $0x0  }
0xa8: {  	s5 =	sshll.u32 s28, $0x1;
	[dreg:$0x2] =	wrdreg s3  }
0xa9: {  	[dreg:$0x3] =	wrdreg s5  }
0xaa: {  	[dreg:$0x4] =	wrdreg $0xC0  }
0xab: {  	_ =	task [dreg:s7], $0x5FFFF  }
0xac: {  	[dreg:$0x1] =	wrdreg $0xFFFFFFFF  }
0xad: {  	[dreg:$0x0] =	wrdreg $0x60  }
0xae: {  	[dreg:$0x2] =	wrdreg s24  }
0xaf: {  	[dreg:$0x3] =	wrdreg s2  }
0xb0: {  	[dreg:$0x4] =	wrdreg $0x9  }
0xb1: {  	_ =	task.clear_ibuf [dreg:s7], $0x5FFFF;
	_ =	strace $0x90000052  }
0xb2: {  	s29 =	simm.s32 $0x9;
	_ =	strace $0x80000054  }
0xb3: {  	_ =	swait.ge [sflag:s29], $0x1  }
0xb4: {  	[sflag:s29] =	ssyncadd.s32 $0xFFFFFFFF  }
0xb5: {  	_ =	strace $0x90000054  }
0xb6: {  	_ =	sfence  }
0xb7: {  	s30 =	sld [smem:$0x0];
	_ =	sdelay $0x2  }
0xb8: {  	s31 =	sshll.u32 s1, $0xD;
	s1 =	sshrl.u32 s1, $0x2  }
0xb9: {  	s3 =	sand.u32 $0x4000, s31;
	s1 =	sadd.s32 s1, s30  }
0xba: {  	s0 =	sor.u32 s3, s0;
	s1 =	sshll.u32 s1, $0x11  }
0xbb: {  	s0 =	sor.u32 s1, s0  }
0xbc: {  	s0 =	sadd.s32 $0x8F2B, s0  }
0xbd: {  	[sflag:s0] =	ssyncadd.remote.s32 $0x1  }
0xbe: {  	_ =	sfence.sel $0xFFFF  }
0xbf: {  	[dreg:$0x0] =	wrdreg $0xFFFFFFFF;
	(pc) =	sbr.abs _section_cstart, $3  }
0xc0: {  	[dreg:$0x1] =	wrdreg $0xFFFFFFFF  }
0xc1: {  	_ =	task.clear_ibuf [dreg:s7], $0x2FFFF;
	_ =	strace $0x9FFFFFFF  }
0xc2: {  	(tm) =	ssettm $0x7FFFFFFF  }
0xc3: {  	_ =	shalt  }
tec
execute0_lowered:
.L_overlay_start_1:
0x0: {  	(tag) =	ssettag $0x1  }
0x1: {  	s0 =	rddreg [dreg:$0x0]  }
0x2: {  	s1 =	srdreg.scid;
	s3 =	stileid.u32  }
0x3: {  	s5 =	rddreg [dreg:$0x1];
	s2 =	simm.s32 $0x0;
	s28 =	simm.s32 $0x2  }
0x4: {  	s29 =	simm.s32 $0x0;
	s1 =	sand.u32 $0x1, s1;
	s4 =	smul.u32 $0xA0000, s3  }
0x5: {  	[smem:$0x7FF] =	sst s2;
	s7 =	smul.u32 $0x5000, s3;
	s8 =	sshll.u32 s3, $0x1  }
0x6: {  	s3 =	sadd.s32 $0x4000, s0;
	s30 =	sadd.s32 $0x1D000, s0;
	s6 =	smul.u32 $0x50000, s1  }
0x7: {  	_ =	strace $0x80000053;
	s9 =	smul.u32 $0x2800, s1;
	s8 =	sor.u32 s1, s8  }
0x8: {  	s1 =	ssub.s32 $0x2, s1;
	s8 =	smul.u32 $0x2800, s8;
	s4 =	sadd.s32 s6, s4  }
0x9: {  	s6 =	sadd.s32 $0x15D000, s0;
	s7 =	sadd.s32 s9, s7;
	s4 =	sshrl.u32 s4, $0x3  }
0xa: {  	s7 =	sshll.u32 s7, $0x2;
	s8 =	sshrl.u32 s8, $0x3;
	s10 =	sadd.s32 s4, s6  }
0xb: {  	s4 =	sadd.s32 s4, s30;
	s31 =	sor.u32 $0xC00, s7;
	[dreg:$0x3] =	wrdreg s10  }
0xc: {  	s13 =	sor.u32 $0xA00, s7;
	[dreg:$0x4] =	wrdreg s4;
	s11 =	sadd.s32 s31, s30  }
0xd: {  	s16 =	sor.u32 $0x800, s7;
	s12 =	sadd.s32 s31, s6;
	[dreg:$0x5] =	wrdreg s11  }
0xe: {  	s0 =	sadd.s32 s8, s0;
	s14 =	sadd.s32 s13, s30;
	[dreg:$0x6] =	wrdreg s12  }
0xf: {  	s19 =	sor.u32 $0x600, s7;
	s15 =	sadd.s32 s13, s6;
	[dreg:$0x7] =	wrdreg s14  }
0x10: {  	s22 =	sor.u32 $0x400, s7;
	s17 =	sadd.s32 s16, s30;
	[dreg:$0x8] =	wrdreg s15  }
0x11: {  	s25 =	sor.u32 $0x200, s7;
	s18 =	sadd.s32 s16, s6;
	[dreg:$0x9] =	wrdreg s17  }
0x12: {  	s7 =	sor.u32 $0xE00, s7;
	s20 =	sadd.s32 s19, s30;
	[dreg:$0xa] =	wrdreg s18  }
0x13: {  	s5 =	sadd.s32 s5, s8;
	s21 =	sadd.s32 s19, s6;
	[dreg:$0xb] =	wrdreg s20  }
0x14: {  	s8 =	simm.s32 $0x3;
	s23 =	sadd.s32 s22, s30;
	[dreg:$0xc] =	wrdreg s21  }
0x15: {  	s24 =	sadd.s32 s22, s6;
	s26 =	sadd.s32 s25, s30;
	[dreg:$0xd] =	wrdreg s23  }
0x16: {  	s10 =	sadd.s32 s25, s6;
	s0 =	sadd.s32 $0x13000, s0;
	[dreg:$0xe] =	wrdreg s24  }
0x17: {  	s30 =	sadd.s32 s7, s30;
	s31 =	sadd.s32 s7, s6;
	[dreg:$0xf] =	wrdreg s26  }
0x18: {  	s13 =	simm.s32 $0x9000;
	s16 =	simm.s32 $0x3000;
	[dreg:$0x13] =	wrdreg s0  }
0x19: {  	s19 =	simm.s32 $0x4000;
	s22 =	simm.s32 $0xD000;
	[dreg:$0x10] =	wrdreg s10  }
0x1a: {  	s25 =	simm.s32 $0x7000;
	s11 =	sshrl.u32 s1, $0x1;
	[dreg:$0x11] =	wrdreg s30  }
0x1b: {  	[dreg:$0x12] =	wrdreg s31;
	s10 =	simm.s32 $0x80;
	s12 =	simm.s32 $0x1000  }
0x1c: {  	s14 =	simm.s32 $0x2000;
	s15 =	simm.s32 $0xA000;
	s17 =	simm.s32 $0xB000  }
0x1d: {  	s18 =	simm.s32 $0x1;
	s20 =	simm.s32 $0xC000;
	s21 =	simm.s32 $0x5000  }
0x1e: {  	s23 =	simm.s32 $0x6000;
	s24 =	simm.s32 $0xE000;
	s1 =	ssub.s32 s1, s11  }
0x1f: {  	s26 =	simm.s32 $0xF000;
	s11 =	simm.s32 $0x8000;
	s6 =	smax.u32 s1, $0x1  }
.LBB2_1:
0x20: {  	s0 =	rddreg [dreg:$0x13];
	s1 =	simm.s32 $0x10000  }
0x21: {  	[tilespmem:s1], [sflag:$0x3] =	stream.linear.gather [hbm4b:s0+s2], $0x2800, $0x38;
	[tilespmem:$0x15000] =	vst v63  }
0x22: {  	_ =	swait.ge [sflag:s8], $0x2800  }
0x23: {  	[sflag:s8] =	ssyncset.done $0x0  }
0x24: {  	s4 =	simm.s32 $0x12800;
	[sflag:s8] =	ssyncadd.s32 $0xFFFFD800  }
0x25: {  	[tilespmem:s4], [sflag:$0x3] =	stream.linear.gather [hbm4b:s5+s2], $0x2800, $0x38;
	[tilespmem:$0x15000] =	vst v63  }
0x26: {  	_ =	swait.ge [sflag:s8], $0x2800  }
0x27: {  	[sflag:s8] =	ssyncset.done $0x0  }
0x28: {  	s7 =	simm.s32 $0x10000;
	[sflag:s8] =	ssyncadd.s32 $0xFFFFD800  }
0x29: {  	[tilespmem:s2], [sflag:$0x1] =	stream.indirect.gather [hbm4b:s3+s10], $0x20, s7, s10, $0xb8;
	[tilespmem:$0x15000] =	vst v63  }
0x2a: {  	s9 =	simm.s32 $0x12800  }
0x2b: {  	[tilespmem:s11], [sflag:$0x1] =	stream.indirect.gather [hbm4b:s3+s10], $0x20, s9, s10, $0xb8;
	[tilespmem:$0x15000] =	vst v63  }
0x2c: {  	s1 =	simm.s32 $0x10080  }
0x2d: {  	[tilespmem:s12], [sflag:$0x1] =	stream.indirect.gather [hbm4b:s3+s10], $0x20, s1, s10, $0xb8;
	[tilespmem:$0x15000] =	vst v63  }
0x2e: {  	s4 =	simm.s32 $0x12880  }
0x2f: {  	[tilespmem:s13], [sflag:$0x1] =	stream.indirect.gather [hbm4b:s3+s10], $0x20, s4, s10, $0xb8;
	[tilespmem:$0x15000] =	vst v63  }
0x30: {  	s7 =	simm.s32 $0x10100  }
0x31: {  	[tilespmem:s14], [sflag:$0x1] =	stream.indirect.gather [hbm4b:s3+s10], $0x20, s7, s10, $0xb8;
	[tilespmem:$0x15000] =	vst v63  }
0x32: {  	s9 =	simm.s32 $0x12900  }
0x33: {  	[tilespmem:s15], [sflag:$0x1] =	stream.indirect.gather [hbm4b:s3+s10], $0x20, s9, s10, $0xb8;
	[tilespmem:$0x15000] =	vst v63  }
0x34: {  	s1 =	simm.s32 $0x10180  }
0x35: {  	[tilespmem:s16], [sflag:$0x1] =	stream.indirect.gather [hbm4b:s3+s10], $0x20, s1, s10, $0xb8;
	[tilespmem:$0x15000] =	vst v63  }
0x36: {  	s4 =	simm.s32 $0x12980  }
0x37: {  	[tilespmem:s17], [sflag:$0x1] =	stream.indirect.gather [hbm4b:s3+s10], $0x20, s4, s10, $0xb8;
	[tilespmem:$0x15000] =	vst v63  }
0x38: {  	_ =	swait.ge [sflag:s18], $0x1000  }
0x39: {  	[sflag:s18] =	ssyncset.done $0x0  }
0x3a: {  	[sflag:s18] =	ssyncadd.s32 $0xFFFFF000  }
0x3b: {  	_ =	swait.ge [sflag:s18], $0x1000  }
0x3c: {  	[sflag:s18] =	ssyncset.done $0x0  }
0x3d: {  	[sflag:s18] =	ssyncadd.s32 $0xFFFFF000  }
0x3e: {  	_ =	swait.ge [sflag:s18], $0x1000  }
0x3f: {  	[sflag:s18] =	ssyncset.done $0x0  }
0x40: {  	[sflag:s18] =	ssyncadd.s32 $0xFFFFF000  }
0x41: {  	_ =	swait.ge [sflag:s18], $0x1000  }
0x42: {  	[sflag:s18] =	ssyncset.done $0x0  }
0x43: {  	[sflag:s18] =	ssyncadd.s32 $0xFFFFF000  }
0x44: {  	_ =	swait.ge [sflag:s18], $0x1000  }
0x45: {  	[sflag:s18] =	ssyncset.done $0x0  }
0x46: {  	[sflag:s18] =	ssyncadd.s32 $0xFFFFF000  }
0x47: {  	_ =	swait.ge [sflag:s18], $0x1000  }
0x48: {  	[sflag:s18] =	ssyncset.done $0x0  }
0x49: {  	[sflag:s18] =	ssyncadd.s32 $0xFFFFF000  }
0x4a: {  	_ =	swait.ge [sflag:s18], $0x1000  }
0x4b: {  	[sflag:s18] =	ssyncset.done $0x0  }
0x4c: {  	[sflag:s18] =	ssyncadd.s32 $0xFFFFF000  }
0x4d: {  	_ =	swait.ge [sflag:s18], $0x1000  }
0x4e: {  	s7 =	rddreg [dreg:$0x4];
	[sflag:s18] =	ssyncset.done $0x0  }
0x4f: {  	s9 =	rddreg [dreg:$0x3];
	[sflag:s18] =	ssyncadd.s32 $0xFFFFF000;
	s0 =	sadd.s32 $0x0, s7  }
0x50: {  	[hbm4b:s0+s2] =	stream.linear.scatter [tilespmem:s2], [sflag:$0x2], $0x1000, $0x38;
	[tilespmem:$0x15000] =	vst v63  }
0x51: {  	s7 =	rddreg [dreg:$0xf];
	s1 =	sadd.s32 $0x0, s9  }
0x52: {  	[hbm4b:s1+s2] =	stream.linear.scatter [tilespmem:s11], [sflag:$0x2], $0x1000, $0x38;
	[tilespmem:$0x15000] =	vst v63  }
0x53: {  	s4 =	rddreg [dreg:$0x10];
	s7 =	sadd.s32 $0x0, s7  }
0x54: {  	[hbm4b:s7+s2] =	stream.linear.scatter [tilespmem:s12], [sflag:$0x2], $0x1000, $0x38;
	[tilespmem:$0x15000] =	vst v63  }
0x55: {  	s9 =	rddreg [dreg:$0xd];
	s1 =	sadd.s32 $0x0, s4  }
0x56: {  	[hbm4b:s1+s2] =	stream.linear.scatter [tilespmem:s13], [sflag:$0x2], $0x1000, $0x38;
	[tilespmem:$0x15000] =	vst v63  }
0x57: {  	s4 =	rddreg [dreg:$0xe];
	s7 =	sadd.s32 $0x0, s9  }
0x58: {  	[hbm4b:s7+s2] =	stream.linear.scatter [tilespmem:s14], [sflag:$0x2], $0x1000, $0x38;
	[tilespmem:$0x15000] =	vst v63  }
0x59: {  	s9 =	rddreg [dreg:$0xb];
	s1 =	sadd.s32 $0x0, s4  }
0x5a: {  	[hbm4b:s1+s2] =	stream.linear.scatter [tilespmem:s15], [sflag:$0x2], $0x1000, $0x38;
	[tilespmem:$0x15000] =	vst v63  }
0x5b: {  	s9 =	sadd.s32 $0x0, s9;
	s4 =	rddreg [dreg:$0xc]  }
0x5c: {  	[hbm4b:s9+s2] =	stream.linear.scatter [tilespmem:s16], [sflag:$0x2], $0x1000, $0x38;
	[tilespmem:$0x15000] =	vst v63  }
0x5d: {  	s1 =	sadd.s32 $0x0, s4  }
0x5e: {  	[hbm4b:s1+s2] =	stream.linear.scatter [tilespmem:s17], [sflag:$0x2], $0x1000, $0x38;
	[tilespmem:$0x15000] =	vst v63  }
0x5f: {  	s4 =	simm.s32 $0x10200  }
0x60: {  	[tilespmem:s19], [sflag:$0x1] =	stream.indirect.gather [hbm4b:s3+s10], $0x20, s4, s10, $0xb8;
	[tilespmem:$0x15000] =	vst v63  }
0x61: {  	s7 =	simm.s32 $0x12A00  }
0x62: {  	[tilespmem:s20], [sflag:$0x1] =	stream.indirect.gather [hbm4b:s3+s10], $0x20, s7, s10, $0xb8;
	[tilespmem:$0x15000] =	vst v63  }
0x63: {  	s9 =	simm.s32 $0x10280  }
0x64: {  	[tilespmem:s21], [sflag:$0x1] =	stream.indirect.gather [hbm4b:s3+s10], $0x20, s9, s10, $0xb8;
	[tilespmem:$0x15000] =	vst v63  }
0x65: {  	s1 =	simm.s32 $0x12A80  }
0x66: {  	[tilespmem:s22], [sflag:$0x1] =	stream.indirect.gather [hbm4b:s3+s10], $0x20, s1, s10, $0xb8;
	[tilespmem:$0x15000] =	vst v63  }
0x67: {  	s4 =	simm.s32 $0x10300  }
0x68: {  	[tilespmem:s23], [sflag:$0x1] =	stream.indirect.gather [hbm4b:s3+s10], $0x20, s4, s10, $0xb8;
	[tilespmem:$0x15000] =	vst v63  }
0x69: {  	s7 =	simm.s32 $0x12B00  }
0x6a: {  	[tilespmem:s24], [sflag:$0x1] =	stream.indirect.gather [hbm4b:s3+s10], $0x20, s7, s10, $0xb8;
	[tilespmem:$0x15000] =	vst v63  }
0x6b: {  	s9 =	simm.s32 $0x10380  }
0x6c: {  	[tilespmem:s25], [sflag:$0x1] =	stream.indirect.gather [hbm4b:s3+s10], $0x20, s9, s10, $0xb8;
	[tilespmem:$0x15000] =	vst v63  }
0x6d: {  	s1 =	simm.s32 $0x12B80  }
0x6e: {  	[tilespmem:s26], [sflag:$0x1] =	stream.indirect.gather [hbm4b:s3+s10], $0x20, s1, s10, $0xb8;
	[tilespmem:$0x15000] =	vst v63  }
0x6f: {  	_ =	swait.ge [sflag:s18], $0x1000  }
0x70: {  	[sflag:s18] =	ssyncset.done $0x0  }
0x71: {  	[sflag:s18] =	ssyncadd.s32 $0xFFFFF000  }
0x72: {  	_ =	swait.ge [sflag:s18], $0x1000  }
0x73: {  	[sflag:s18] =	ssyncset.done $0x0  }
0x74: {  	[sflag:s18] =	ssyncadd.s32 $0xFFFFF000  }
0x75: {  	_ =	swait.ge [sflag:s18], $0x1000  }
0x76: {  	[sflag:s18] =	ssyncset.done $0x0  }
0x77: {  	[sflag:s18] =	ssyncadd.s32 $0xFFFFF000  }
0x78: {  	_ =	swait.ge [sflag:s18], $0x1000  }
0x79: {  	[sflag:s18] =	ssyncset.done $0x0  }
0x7a: {  	[sflag:s18] =	ssyncadd.s32 $0xFFFFF000  }
0x7b: {  	_ =	swait.ge [sflag:s18], $0x1000  }
0x7c: {  	[sflag:s18] =	ssyncset.done $0x0  }
0x7d: {  	[sflag:s18] =	ssyncadd.s32 $0xFFFFF000  }
0x7e: {  	_ =	swait.ge [sflag:s18], $0x1000  }
0x7f: {  	[sflag:s18] =	ssyncset.done $0x0  }
0x80: {  	[sflag:s18] =	ssyncadd.s32 $0xFFFFF000  }
0x81: {  	_ =	swait.ge [sflag:s18], $0x1000  }
0x82: {  	[sflag:s18] =	ssyncset.done $0x0  }
0x83: {  	[sflag:s18] =	ssyncadd.s32 $0xFFFFF000  }
0x84: {  	_ =	swait.ge [sflag:s18], $0x1000  }
0x85: {  	s4 =	rddreg [dreg:$0x9];
	[sflag:s18] =	ssyncset.done $0x0  }
0x86: {  	s7 =	rddreg [dreg:$0xa];
	[sflag:s18] =	ssyncadd.s32 $0xFFFFF000;
	s0 =	sadd.s32 $0x0, s4  }
0x87: {  	[hbm4b:s0+s2] =	stream.linear.scatter [tilespmem:s19], [sflag:$0x2], $0x1000, $0x38;
	[tilespmem:$0x15000] =	vst v63  }
0x88: {  	s9 =	rddreg [dreg:$0x7];
	s1 =	sadd.s32 $0x0, s7  }
0x89: {  	[hbm4b:s1+s2] =	stream.linear.scatter [tilespmem:s20], [sflag:$0x2], $0x1000, $0x38;
	[tilespmem:$0x15000] =	vst v63  }
0x8a: {  	s4 =	rddreg [dreg:$0x8];
	s7 =	sadd.s32 $0x0, s9  }
0x8b: {  	[hbm4b:s7+s2] =	stream.linear.scatter [tilespmem:s21], [sflag:$0x2], $0x1000, $0x38;
	[tilespmem:$0x15000] =	vst v63  }
0x8c: {  	s9 =	rddreg [dreg:$0x5];
	s1 =	sadd.s32 $0x0, s4  }
0x8d: {  	[hbm4b:s1+s2] =	stream.linear.scatter [tilespmem:s22], [sflag:$0x2], $0x1000, $0x38;
	[tilespmem:$0x15000] =	vst v63  }
0x8e: {  	s4 =	rddreg [dreg:$0x6];
	s7 =	sadd.s32 $0x0, s9  }
0x8f: {  	[hbm4b:s7+s2] =	stream.linear.scatter [tilespmem:s23], [sflag:$0x2], $0x1000, $0x38;
	[tilespmem:$0x15000] =	vst v63  }
0x90: {  	s9 =	rddreg [dreg:$0x11];
	s1 =	sadd.s32 $0x0, s4  }
0x91: {  	[hbm4b:s1+s2] =	stream.linear.scatter [tilespmem:s24], [sflag:$0x2], $0x1000, $0x38;
	[tilespmem:$0x15000] =	vst v63  }
0x92: {  	s4 =	rddreg [dreg:$0x12];
	s7 =	sadd.s32 $0x0, s9  }
0x93: {  	[hbm4b:s7+s2] =	stream.linear.scatter [tilespmem:s25], [sflag:$0x2], $0x1000, $0x38;
	[tilespmem:$0x15000] =	vst v63  }
0x94: {  	s9 =	sadd.s32 $0x0, s4  }
0x95: {  	[hbm4b:s9+s2] =	stream.linear.scatter [tilespmem:s26], [sflag:$0x2], $0x1000, $0x38;
	[tilespmem:$0x15000] =	vst v63  }
0x96: {  	_ =	swait.ge [sflag:s28], $0x1000  }
0x97: {  	[sflag:s28] =	ssyncset.done $0x0  }
0x98: {  	[sflag:s28] =	ssyncadd.s32 $0xFFFFF000  }
0x99: {  	_ =	swait.ge [sflag:s28], $0x1000  }
0x9a: {  	[sflag:s28] =	ssyncset.done $0x0  }
0x9b: {  	[sflag:s28] =	ssyncadd.s32 $0xFFFFF000  }
0x9c: {  	_ =	swait.ge [sflag:s28], $0x1000  }
0x9d: {  	[sflag:s28] =	ssyncset.done $0x0  }
0x9e: {  	[sflag:s28] =	ssyncadd.s32 $0xFFFFF000  }
0x9f: {  	_ =	swait.ge [sflag:s28], $0x1000  }
0xa0: {  	[sflag:s28] =	ssyncset.done $0x0  }
0xa1: {  	[sflag:s28] =	ssyncadd.s32 $0xFFFFF000  }
0xa2: {  	_ =	swait.ge [sflag:s28], $0x1000  }
0xa3: {  	[sflag:s28] =	ssyncset.done $0x0  }
0xa4: {  	[sflag:s28] =	ssyncadd.s32 $0xFFFFF000  }
0xa5: {  	_ =	swait.ge [sflag:s28], $0x1000  }
0xa6: {  	[sflag:s28] =	ssyncset.done $0x0  }
0xa7: {  	[sflag:s28] =	ssyncadd.s32 $0xFFFFF000  }
0xa8: {  	_ =	swait.ge [sflag:s28], $0x1000  }
0xa9: {  	[sflag:s28] =	ssyncset.done $0x0  }
0xaa: {  	[sflag:s28] =	ssyncadd.s32 $0xFFFFF000  }
0xab: {  	_ =	swait.ge [sflag:s28], $0x1000  }
0xac: {  	[sflag:s28] =	ssyncset.done $0x0  }
0xad: {  	[sflag:s28] =	ssyncadd.s32 $0xFFFFF000  }
0xae: {  	_ =	swait.ge [sflag:s28], $0x1000  }
0xaf: {  	[sflag:s28] =	ssyncset.done $0x0  }
0xb0: {  	[sflag:s28] =	ssyncadd.s32 $0xFFFFF000  }
0xb1: {  	_ =	swait.ge [sflag:s28], $0x1000  }
0xb2: {  	[sflag:s28] =	ssyncset.done $0x0  }
0xb3: {  	[sflag:s28] =	ssyncadd.s32 $0xFFFFF000  }
0xb4: {  	_ =	swait.ge [sflag:s28], $0x1000  }
0xb5: {  	[sflag:s28] =	ssyncset.done $0x0  }
0xb6: {  	[sflag:s28] =	ssyncadd.s32 $0xFFFFF000  }
0xb7: {  	_ =	swait.ge [sflag:s28], $0x1000  }
0xb8: {  	[sflag:s28] =	ssyncset.done $0x0  }
0xb9: {  	[sflag:s28] =	ssyncadd.s32 $0xFFFFF000  }
0xba: {  	_ =	swait.ge [sflag:s28], $0x1000  }
0xbb: {  	[sflag:s28] =	ssyncset.done $0x0  }
0xbc: {  	[sflag:s28] =	ssyncadd.s32 $0xFFFFF000  }
0xbd: {  	_ =	swait.ge [sflag:s28], $0x1000  }
0xbe: {  	[sflag:s28] =	ssyncset.done $0x0  }
0xbf: {  	[sflag:s28] =	ssyncadd.s32 $0xFFFFF000  }
0xc0: {  	_ =	swait.ge [sflag:s28], $0x1000  }
0xc1: {  	[sflag:s28] =	ssyncset.done $0x0  }
0xc2: {  	[sflag:s28] =	ssyncadd.s32 $0xFFFFF000  }
0xc3: {  	s30 =	simm.s32 $0x1000;
	_ =	swait.ge [sflag:s28], $0x1000  }
0xc4: {  	s31 =	simm.s32 $0x2000;
	s1 =	simm.s32 $0x400;
	[sflag:s28] =	ssyncset.done $0x0  }
.LBB2_2:
0xc5: {  	s9 =	sadd.s32 $0x10000, s1;
	[sflag:s28] =	ssyncadd.s32 $0xFFFFF000  }
0xc6: {  	[tilespmem:s2], [sflag:$0x1] =	stream.indirect.gather [hbm4b:s3+s10], $0x20, s9, s10, $0xb8;
	[tilespmem:$0x15000] =	vst v63  }
0xc7: {  	s4 =	sadd.s32 $0x12800, s1  }
0xc8: {  	[tilespmem:s11], [sflag:$0x1] =	stream.indirect.gather [hbm4b:s3+s10], $0x20, s4, s10, $0xb8;
	[tilespmem:$0x15000] =	vst v63  }
0xc9: {  	s4 =	sadd.s32 $0x10080, s1  }
0xca: {  	[tilespmem:s12], [sflag:$0x1] =	stream.indirect.gather [hbm4b:s3+s10], $0x20, s4, s10, $0xb8;
	[tilespmem:$0x15000] =	vst v63  }
0xcb: {  	s4 =	sadd.s32 $0x12880, s1  }
0xcc: {  	[tilespmem:s13], [sflag:$0x1] =	stream.indirect.gather [hbm4b:s3+s10], $0x20, s4, s10, $0xb8;
	[tilespmem:$0x15000] =	vst v63  }
0xcd: {  	s4 =	sadd.s32 $0x10100, s1  }
0xce: {  	[tilespmem:s14], [sflag:$0x1] =	stream.indirect.gather [hbm4b:s3+s10], $0x20, s4, s10, $0xb8;
	[tilespmem:$0x15000] =	vst v63  }
0xcf: {  	s4 =	sadd.s32 $0x12900, s1  }
0xd0: {  	[tilespmem:s15], [sflag:$0x1] =	stream.indirect.gather [hbm4b:s3+s10], $0x20, s4, s10, $0xb8;
	[tilespmem:$0x15000] =	vst v63  }
0xd1: {  	s4 =	sadd.s32 $0x10180, s1  }
0xd2: {  	[tilespmem:s16], [sflag:$0x1] =	stream.indirect.gather [hbm4b:s3+s10], $0x20, s4, s10, $0xb8;
	[tilespmem:$0x15000] =	vst v63  }
0xd3: {  	s4 =	sadd.s32 $0x12980, s1  }
0xd4: {  	[tilespmem:s17], [sflag:$0x1] =	stream.indirect.gather [hbm4b:s3+s10], $0x20, s4, s10, $0xb8;
	[tilespmem:$0x15000] =	vst v63  }
0xd5: {  	_ =	swait.ge [sflag:s18], $0x1000  }
0xd6: {  	[sflag:s18] =	ssyncset.done $0x0  }
0xd7: {  	[sflag:s18] =	ssyncadd.s32 $0xFFFFF000  }
0xd8: {  	_ =	swait.ge [sflag:s18], $0x1000  }
0xd9: {  	[sflag:s18] =	ssyncset.done $0x0  }
0xda: {  	[sflag:s18] =	ssyncadd.s32 $0xFFFFF000  }
0xdb: {  	_ =	swait.ge [sflag:s18], $0x1000  }
0xdc: {  	[sflag:s18] =	ssyncset.done $0x0  }
0xdd: {  	[sflag:s18] =	ssyncadd.s32 $0xFFFFF000  }
0xde: {  	_ =	swait.ge [sflag:s18], $0x1000  }
0xdf: {  	[sflag:s18] =	ssyncset.done $0x0  }
0xe0: {  	[sflag:s18] =	ssyncadd.s32 $0xFFFFF000  }
0xe1: {  	_ =	swait.ge [sflag:s18], $0x1000  }
0xe2: {  	[sflag:s18] =	ssyncset.done $0x0  }
0xe3: {  	[sflag:s18] =	ssyncadd.s32 $0xFFFFF000  }
0xe4: {  	_ =	swait.ge [sflag:s18], $0x1000  }
0xe5: {  	[sflag:s18] =	ssyncset.done $0x0  }
0xe6: {  	[sflag:s18] =	ssyncadd.s32 $0xFFFFF000  }
0xe7: {  	_ =	swait.ge [sflag:s18], $0x1000  }
0xe8: {  	[sflag:s18] =	ssyncset.done $0x0  }
0xe9: {  	[sflag:s18] =	ssyncadd.s32 $0xFFFFF000  }
0xea: {  	s0 =	smov.u32 s31;
	s7 =	sadd.s32 $0x1000, s31;
	_ =	swait.ge [sflag:s18], $0x1000  }
0xeb: {  	p0 =	sne.s32 s31, $0x9000;
	s4 =	rddreg [dreg:$0x4];
	[sflag:s18] =	ssyncset.done $0x0  }
0xec: {  	s31 =	rddreg [dreg:$0x3];
	[sflag:s18] =	ssyncadd.s32 $0xFFFFF000;
	s9 =	sadd.s32 s30, s4  }
0xed: {  	[hbm4b:s9+s2] =	stream.linear.scatter [tilespmem:s2], [sflag:$0x2], $0x1000, $0x38;
	[tilespmem:$0x15000] =	vst v63  }
0xee: {  	s4 =	rddreg [dreg:$0xf];
	s9 =	sadd.s32 s30, s31  }
0xef: {  	[hbm4b:s9+s2] =	stream.linear.scatter [tilespmem:s11], [sflag:$0x2], $0x1000, $0x38;
	[tilespmem:$0x15000] =	vst v63  }
0xf0: {  	s31 =	rddreg [dreg:$0x10];
	s4 =	sadd.s32 s30, s4  }
0xf1: {  	[hbm4b:s4+s2] =	stream.linear.scatter [tilespmem:s12], [sflag:$0x2], $0x1000, $0x38;
	[tilespmem:$0x15000] =	vst v63  }
0xf2: {  	s9 =	rddreg [dreg:$0xd];
	s4 =	sadd.s32 s30, s31  }
0xf3: {  	[hbm4b:s4+s2] =	stream.linear.scatter [tilespmem:s13], [sflag:$0x2], $0x1000, $0x38;
	[tilespmem:$0x15000] =	vst v63  }
0xf4: {  	s31 =	rddreg [dreg:$0xe];
	s4 =	sadd.s32 s30, s9  }
0xf5: {  	[hbm4b:s4+s2] =	stream.linear.scatter [tilespmem:s14], [sflag:$0x2], $0x1000, $0x38;
	[tilespmem:$0x15000] =	vst v63  }
0xf6: {  	s9 =	rddreg [dreg:$0xb];
	s4 =	sadd.s32 s30, s31  }
0xf7: {  	[hbm4b:s4+s2] =	stream.linear.scatter [tilespmem:s15], [sflag:$0x2], $0x1000, $0x38;
	[tilespmem:$0x15000] =	vst v63  }
0xf8: {  	s9 =	sadd.s32 s30, s9;
	s31 =	rddreg [dreg:$0xc]  }
0xf9: {  	[hbm4b:s9+s2] =	stream.linear.scatter [tilespmem:s16], [sflag:$0x2], $0x1000, $0x38;
	[tilespmem:$0x15000] =	vst v63  }
0xfa: {  	s9 =	sadd.s32 s30, s31  }
0xfb: {  	[hbm4b:s9+s2] =	stream.linear.scatter [tilespmem:s17], [sflag:$0x2], $0x1000, $0x38;
	[tilespmem:$0x15000] =	vst v63  }
0xfc: {  	s9 =	sadd.s32 $0x10200, s1  }
0xfd: {  	[tilespmem:s19], [sflag:$0x1] =	stream.indirect.gather [hbm4b:s3+s10], $0x20, s9, s10, $0xb8;
	[tilespmem:$0x15000] =	vst v63  }
0xfe: {  	s9 =	sadd.s32 $0x12A00, s1  }
0xff: {  	[tilespmem:s20], [sflag:$0x1] =	stream.indirect.gather [hbm4b:s3+s10], $0x20, s9, s10, $0xb8;
	[tilespmem:$0x15000] =	vst v63  }
0x100: {  	s9 =	sadd.s32 $0x10280, s1  }
0x101: {  	[tilespmem:s21], [sflag:$0x1] =	stream.indirect.gather [hbm4b:s3+s10], $0x20, s9, s10, $0xb8;
	[tilespmem:$0x15000] =	vst v63  }
0x102: {  	s9 =	sadd.s32 $0x12A80, s1  }
0x103: {  	[tilespmem:s22], [sflag:$0x1] =	stream.indirect.gather [hbm4b:s3+s10], $0x20, s9, s10, $0xb8;
	[tilespmem:$0x15000] =	vst v63  }
0x104: {  	s9 =	sadd.s32 $0x10300, s1  }
0x105: {  	[tilespmem:s23], [sflag:$0x1] =	stream.indirect.gather [hbm4b:s3+s10], $0x20, s9, s10, $0xb8;
	[tilespmem:$0x15000] =	vst v63  }
0x106: {  	s9 =	sadd.s32 $0x12B00, s1  }
0x107: {  	[tilespmem:s24], [sflag:$0x1] =	stream.indirect.gather [hbm4b:s3+s10], $0x20, s9, s10, $0xb8;
	[tilespmem:$0x15000] =	vst v63  }
0x108: {  	s9 =	sadd.s32 $0x10380, s1  }
0x109: {  	[tilespmem:s25], [sflag:$0x1] =	stream.indirect.gather [hbm4b:s3+s10], $0x20, s9, s10, $0xb8;
	[tilespmem:$0x15000] =	vst v63  }
0x10a: {  	s4 =	sadd.s32 $0x12B80, s1  }
0x10b: {  	[tilespmem:s26], [sflag:$0x1] =	stream.indirect.gather [hbm4b:s3+s10], $0x20, s4, s10, $0xb8;
	[tilespmem:$0x15000] =	vst v63  }
0x10c: {  	_ =	swait.ge [sflag:s18], $0x1000  }
0x10d: {  	[sflag:s18] =	ssyncset.done $0x0  }
0x10e: {  	[sflag:s18] =	ssyncadd.s32 $0xFFFFF000  }
0x10f: {  	_ =	swait.ge [sflag:s18], $0x1000  }
0x110: {  	[sflag:s18] =	ssyncset.done $0x0  }
0x111: {  	[sflag:s18] =	ssyncadd.s32 $0xFFFFF000  }
0x112: {  	_ =	swait.ge [sflag:s18], $0x1000  }
0x113: {  	[sflag:s18] =	ssyncset.done $0x0  }
0x114: {  	[sflag:s18] =	ssyncadd.s32 $0xFFFFF000  }
0x115: {  	_ =	swait.ge [sflag:s18], $0x1000  }
0x116: {  	[sflag:s18] =	ssyncset.done $0x0  }
0x117: {  	[sflag:s18] =	ssyncadd.s32 $0xFFFFF000  }
0x118: {  	_ =	swait.ge [sflag:s18], $0x1000  }
0x119: {  	[sflag:s18] =	ssyncset.done $0x0  }
0x11a: {  	[sflag:s18] =	ssyncadd.s32 $0xFFFFF000  }
0x11b: {  	_ =	swait.ge [sflag:s18], $0x1000  }
0x11c: {  	[sflag:s18] =	ssyncset.done $0x0  }
0x11d: {  	[sflag:s18] =	ssyncadd.s32 $0xFFFFF000  }
0x11e: {  	_ =	swait.ge [sflag:s18], $0x1000  }
0x11f: {  	[sflag:s18] =	ssyncset.done $0x0  }
0x120: {  	[sflag:s18] =	ssyncadd.s32 $0xFFFFF000  }
0x121: {  	_ =	swait.ge [sflag:s18], $0x1000  }
0x122: {  	s9 =	rddreg [dreg:$0x9];
	[sflag:s18] =	ssyncset.done $0x0  }
0x123: {  	s4 =	rddreg [dreg:$0xa];
	[sflag:s18] =	ssyncadd.s32 $0xFFFFF000;
	s1 =	sadd.s32 s30, s9  }
0x124: {  	[hbm4b:s1+s2] =	stream.linear.scatter [tilespmem:s19], [sflag:$0x2], $0x1000, $0x38;
	[tilespmem:$0x15000] =	vst v63  }
0x125: {  	s9 =	rddreg [dreg:$0x7];
	s1 =	sadd.s32 s30, s4  }
0x126: {  	[hbm4b:s1+s2] =	stream.linear.scatter [tilespmem:s20], [sflag:$0x2], $0x1000, $0x38;
	[tilespmem:$0x15000] =	vst v63  }
0x127: {  	s4 =	rddreg [dreg:$0x8];
	s1 =	sadd.s32 s30, s9  }
0x128: {  	[hbm4b:s1+s2] =	stream.linear.scatter [tilespmem:s21], [sflag:$0x2], $0x1000, $0x38;
	[tilespmem:$0x15000] =	vst v63  }
0x129: {  	s9 =	rddreg [dreg:$0x5];
	s1 =	sadd.s32 s30, s4  }
0x12a: {  	[hbm4b:s1+s2] =	stream.linear.scatter [tilespmem:s22], [sflag:$0x2], $0x1000, $0x38;
	[tilespmem:$0x15000] =	vst v63  }
0x12b: {  	s4 =	rddreg [dreg:$0x6];
	s1 =	sadd.s32 s30, s9  }
0x12c: {  	[hbm4b:s1+s2] =	stream.linear.scatter [tilespmem:s23], [sflag:$0x2], $0x1000, $0x38;
	[tilespmem:$0x15000] =	vst v63  }
0x12d: {  	s9 =	rddreg [dreg:$0x11];
	s1 =	sadd.s32 s30, s4  }
0x12e: {  	[hbm4b:s1+s2] =	stream.linear.scatter [tilespmem:s24], [sflag:$0x2], $0x1000, $0x38;
	[tilespmem:$0x15000] =	vst v63  }
0x12f: {  	s9 =	sadd.s32 s30, s9;
	s4 =	rddreg [dreg:$0x12]  }
0x130: {  	[hbm4b:s9+s2] =	stream.linear.scatter [tilespmem:s25], [sflag:$0x2], $0x1000, $0x38;
	[tilespmem:$0x15000] =	vst v63  }
0x131: {  	s9 =	sadd.s32 s30, s4  }
0x132: {  	[hbm4b:s9+s2] =	stream.linear.scatter [tilespmem:s26], [sflag:$0x2], $0x1000, $0x38;
	[tilespmem:$0x15000] =	vst v63  }
0x133: {  	_ =	swait.ge [sflag:s28], $0x1000  }
0x134: {  	[sflag:s28] =	ssyncset.done $0x0  }
0x135: {  	[sflag:s28] =	ssyncadd.s32 $0xFFFFF000  }
0x136: {  	_ =	swait.ge [sflag:s28], $0x1000  }
0x137: {  	[sflag:s28] =	ssyncset.done $0x0  }
0x138: {  	[sflag:s28] =	ssyncadd.s32 $0xFFFFF000  }
0x139: {  	_ =	swait.ge [sflag:s28], $0x1000  }
0x13a: {  	[sflag:s28] =	ssyncset.done $0x0  }
0x13b: {  	[sflag:s28] =	ssyncadd.s32 $0xFFFFF000  }
0x13c: {  	_ =	swait.ge [sflag:s28], $0x1000  }
0x13d: {  	[sflag:s28] =	ssyncset.done $0x0  }
0x13e: {  	[sflag:s28] =	ssyncadd.s32 $0xFFFFF000  }
0x13f: {  	_ =	swait.ge [sflag:s28], $0x1000  }
0x140: {  	[sflag:s28] =	ssyncset.done $0x0  }
0x141: {  	[sflag:s28] =	ssyncadd.s32 $0xFFFFF000  }
0x142: {  	_ =	swait.ge [sflag:s28], $0x1000  }
0x143: {  	[sflag:s28] =	ssyncset.done $0x0  }
0x144: {  	[sflag:s28] =	ssyncadd.s32 $0xFFFFF000  }
0x145: {  	_ =	swait.ge [sflag:s28], $0x1000  }
0x146: {  	[sflag:s28] =	ssyncset.done $0x0  }
0x147: {  	[sflag:s28] =	ssyncadd.s32 $0xFFFFF000  }
0x148: {  	_ =	swait.ge [sflag:s28], $0x1000  }
0x149: {  	[sflag:s28] =	ssyncset.done $0x0  }
0x14a: {  	[sflag:s28] =	ssyncadd.s32 $0xFFFFF000  }
0x14b: {  	_ =	swait.ge [sflag:s28], $0x1000  }
0x14c: {  	[sflag:s28] =	ssyncset.done $0x0  }
0x14d: {  	[sflag:s28] =	ssyncadd.s32 $0xFFFFF000  }
0x14e: {  	_ =	swait.ge [sflag:s28], $0x1000  }
0x14f: {  	[sflag:s28] =	ssyncset.done $0x0  }
0x150: {  	[sflag:s28] =	ssyncadd.s32 $0xFFFFF000  }
0x151: {  	_ =	swait.ge [sflag:s28], $0x1000  }
0x152: {  	[sflag:s28] =	ssyncset.done $0x0  }
0x153: {  	[sflag:s28] =	ssyncadd.s32 $0xFFFFF000  }
0x154: {  	_ =	swait.ge [sflag:s28], $0x1000  }
0x155: {  	[sflag:s28] =	ssyncset.done $0x0  }
0x156: {  	[sflag:s28] =	ssyncadd.s32 $0xFFFFF000  }
0x157: {  	_ =	swait.ge [sflag:s28], $0x1000  }
0x158: {  	[sflag:s28] =	ssyncset.done $0x0  }
0x159: {  	[sflag:s28] =	ssyncadd.s32 $0xFFFFF000  }
0x15a: {  	_ =	swait.ge [sflag:s28], $0x1000  }
0x15b: {  	[sflag:s28] =	ssyncset.done $0x0  }
0x15c: {  	[sflag:s28] =	ssyncadd.s32 $0xFFFFF000  }
.Ltmp0:
0x15d: {  	_ =	swait.ge [sflag:s28], $0x1000;
	(pc) =	sbr.rel @p0 .LBB2_2-.Ltmp0, $4  }
0x15e: {  	[sflag:s28] =	ssyncset.done $0x0  }
0x15f: {  	[sflag:s28] =	ssyncadd.s32 $0xFFFFF000  }
0x160: {  	s30 =	smov.u32 s0;
	_ =	swait.ge [sflag:s28], $0x1000  }
0x161: {  	s31 =	smov.u32 s7;
	s1 =	sshra.s32 s30, $0x2;
	[sflag:s28] =	ssyncset.done $0x0  }
0x162: {  	s0 =	sadd.s32 $0x10000, s1;
	[sflag:s28] =	ssyncadd.s32 $0xFFFFF000  }
0x163: {  	[tilespmem:s2], [sflag:$0x1] =	stream.indirect.gather [hbm4b:s3+s10], $0x20, s0, s10, $0xb8;
	[tilespmem:$0x15000] =	vst v63  }
0x164: {  	s31 =	sadd.s32 $0x12800, s1  }
0x165: {  	[tilespmem:s11], [sflag:$0x1] =	stream.indirect.gather [hbm4b:s3+s10], $0x20, s31, s10, $0xb8;
	[tilespmem:$0x15000] =	vst v63  }
0x166: {  	s4 =	sadd.s32 $0x10080, s1  }
0x167: {  	[tilespmem:s12], [sflag:$0x1] =	stream.indirect.gather [hbm4b:s3+s10], $0x20, s4, s10, $0xb8;
	[tilespmem:$0x15000] =	vst v63  }
0x168: {  	s7 =	sadd.s32 $0x12880, s1  }
0x169: {  	[tilespmem:s13], [sflag:$0x1] =	stream.indirect.gather [hbm4b:s3+s10], $0x20, s7, s10, $0xb8;
	[tilespmem:$0x15000] =	vst v63  }
0x16a: {  	s9 =	sadd.s32 $0x10100, s1  }
0x16b: {  	[tilespmem:s14], [sflag:$0x1] =	stream.indirect.gather [hbm4b:s3+s10], $0x20, s9, s10, $0xb8;
	[tilespmem:$0x15000] =	vst v63  }
0x16c: {  	s31 =	sadd.s32 $0x12900, s1  }
0x16d: {  	[tilespmem:s15], [sflag:$0x1] =	stream.indirect.gather [hbm4b:s3+s10], $0x20, s31, s10, $0xb8;
	[tilespmem:$0x15000] =	vst v63  }
0x16e: {  	s4 =	sadd.s32 $0x10180, s1  }
0x16f: {  	[tilespmem:s16], [sflag:$0x1] =	stream.indirect.gather [hbm4b:s3+s10], $0x20, s4, s10, $0xb8;
	[tilespmem:$0x15000] =	vst v63  }
0x170: {  	s7 =	sadd.s32 $0x12980, s1  }
0x171: {  	[tilespmem:s17], [sflag:$0x1] =	stream.indirect.gather [hbm4b:s3+s10], $0x20, s7, s10, $0xb8;
	[tilespmem:$0x15000] =	vst v63  }
0x172: {  	_ =	swait.ge [sflag:s18], $0x1000  }
0x173: {  	[sflag:s18] =	ssyncset.done $0x0  }
0x174: {  	[sflag:s18] =	ssyncadd.s32 $0xFFFFF000  }
0x175: {  	_ =	swait.ge [sflag:s18], $0x1000  }
0x176: {  	[sflag:s18] =	ssyncset.done $0x0  }
0x177: {  	[sflag:s18] =	ssyncadd.s32 $0xFFFFF000  }
0x178: {  	_ =	swait.ge [sflag:s18], $0x1000  }
0x179: {  	[sflag:s18] =	ssyncset.done $0x0  }
0x17a: {  	[sflag:s18] =	ssyncadd.s32 $0xFFFFF000  }
0x17b: {  	_ =	swait.ge [sflag:s18], $0x1000  }
0x17c: {  	[sflag:s18] =	ssyncset.done $0x0  }
0x17d: {  	[sflag:s18] =	ssyncadd.s32 $0xFFFFF000  }
0x17e: {  	_ =	swait.ge [sflag:s18], $0x1000  }
0x17f: {  	[sflag:s18] =	ssyncset.done $0x0  }
0x180: {  	[sflag:s18] =	ssyncadd.s32 $0xFFFFF000  }
0x181: {  	_ =	swait.ge [sflag:s18], $0x1000  }
0x182: {  	[sflag:s18] =	ssyncset.done $0x0  }
0x183: {  	[sflag:s18] =	ssyncadd.s32 $0xFFFFF000  }
0x184: {  	_ =	swait.ge [sflag:s18], $0x1000  }
0x185: {  	[sflag:s18] =	ssyncset.done $0x0  }
0x186: {  	[sflag:s18] =	ssyncadd.s32 $0xFFFFF000  }
0x187: {  	_ =	swait.ge [sflag:s18], $0x1000  }
0x188: {  	s9 =	rddreg [dreg:$0x4];
	[sflag:s18] =	ssyncset.done $0x0  }
0x189: {  	s4 =	rddreg [dreg:$0x3];
	[sflag:s18] =	ssyncadd.s32 $0xFFFFF000;
	s0 =	sadd.s32 s30, s9  }
0x18a: {  	[hbm4b:s0+s2] =	stream.linear.scatter [tilespmem:s2], [sflag:$0x2], $0x1000, $0x38;
	[tilespmem:$0x15000] =	vst v63  }
0x18b: {  	s31 =	rddreg [dreg:$0xf];
	s4 =	sadd.s32 s30, s4  }
0x18c: {  	[hbm4b:s4+s2] =	stream.linear.scatter [tilespmem:s11], [sflag:$0x2], $0x1000, $0x38;
	[tilespmem:$0x15000] =	vst v63  }
0x18d: {  	s7 =	rddreg [dreg:$0x10];
	s0 =	sadd.s32 s30, s31  }
0x18e: {  	[hbm4b:s0+s2] =	stream.linear.scatter [tilespmem:s12], [sflag:$0x2], $0x1000, $0x38;
	[tilespmem:$0x15000] =	vst v63  }
0x18f: {  	s9 =	rddreg [dreg:$0xd];
	s4 =	sadd.s32 s30, s7  }
0x190: {  	[hbm4b:s4+s2] =	stream.linear.scatter [tilespmem:s13], [sflag:$0x2], $0x1000, $0x38;
	[tilespmem:$0x15000] =	vst v63  }
0x191: {  	s31 =	rddreg [dreg:$0xe];
	s0 =	sadd.s32 s30, s9  }
0x192: {  	[hbm4b:s0+s2] =	stream.linear.scatter [tilespmem:s14], [sflag:$0x2], $0x1000, $0x38;
	[tilespmem:$0x15000] =	vst v63  }
0x193: {  	s7 =	rddreg [dreg:$0xb];
	s4 =	sadd.s32 s30, s31  }
0x194: {  	[hbm4b:s4+s2] =	stream.linear.scatter [tilespmem:s15], [sflag:$0x2], $0x1000, $0x38;
	[tilespmem:$0x15000] =	vst v63  }
0x195: {  	s9 =	rddreg [dreg:$0xc];
	s0 =	sadd.s32 s30, s7  }
0x196: {  	[hbm4b:s0+s2] =	stream.linear.scatter [tilespmem:s16], [sflag:$0x2], $0x1000, $0x38;
	[tilespmem:$0x15000] =	vst v63  }
0x197: {  	s31 =	sadd.s32 s30, s9  }
0x198: {  	[hbm4b:s31+s2] =	stream.linear.scatter [tilespmem:s17], [sflag:$0x2], $0x1000, $0x38;
	[tilespmem:$0x15000] =	vst v63  }
0x199: {  	s4 =	sadd.s32 $0x10200, s1  }
0x19a: {  	[tilespmem:s19], [sflag:$0x1] =	stream.indirect.gather [hbm4b:s3+s10], $0x20, s4, s10, $0xb8;
	[tilespmem:$0x15000] =	vst v63  }
0x19b: {  	s7 =	sadd.s32 $0x12A00, s1  }
0x19c: {  	[tilespmem:s20], [sflag:$0x1] =	stream.indirect.gather [hbm4b:s3+s10], $0x20, s7, s10, $0xb8;
	[tilespmem:$0x15000] =	vst v63  }
0x19d: {  	s9 =	sadd.s32 $0x10280, s1  }
0x19e: {  	[tilespmem:s21], [sflag:$0x1] =	stream.indirect.gather [hbm4b:s3+s10], $0x20, s9, s10, $0xb8;
	[tilespmem:$0x15000] =	vst v63  }
0x19f: {  	s31 =	sadd.s32 $0x12A80, s1  }
0x1a0: {  	[tilespmem:s22], [sflag:$0x1] =	stream.indirect.gather [hbm4b:s3+s10], $0x20, s31, s10, $0xb8;
	[tilespmem:$0x15000] =	vst v63  }
0x1a1: {  	s4 =	sadd.s32 $0x10300, s1  }
0x1a2: {  	[tilespmem:s23], [sflag:$0x1] =	stream.indirect.gather [hbm4b:s3+s10], $0x20, s4, s10, $0xb8;
	[tilespmem:$0x15000] =	vst v63  }
0x1a3: {  	s7 =	sadd.s32 $0x12B00, s1  }
0x1a4: {  	[tilespmem:s24], [sflag:$0x1] =	stream.indirect.gather [hbm4b:s3+s10], $0x20, s7, s10, $0xb8;
	[tilespmem:$0x15000] =	vst v63  }
0x1a5: {  	s9 =	sadd.s32 $0x10380, s1  }
0x1a6: {  	[tilespmem:s25], [sflag:$0x1] =	stream.indirect.gather [hbm4b:s3+s10], $0x20, s9, s10, $0xb8;
	[tilespmem:$0x15000] =	vst v63  }
0x1a7: {  	s31 =	sadd.s32 $0x12B80, s1  }
0x1a8: {  	[tilespmem:s26], [sflag:$0x1] =	stream.indirect.gather [hbm4b:s3+s10], $0x20, s31, s10, $0xb8;
	[tilespmem:$0x15000] =	vst v63  }
0x1a9: {  	_ =	swait.ge [sflag:s18], $0x1000  }
0x1aa: {  	[sflag:s18] =	ssyncset.done $0x0  }
0x1ab: {  	[sflag:s18] =	ssyncadd.s32 $0xFFFFF000  }
0x1ac: {  	_ =	swait.ge [sflag:s18], $0x1000  }
0x1ad: {  	[sflag:s18] =	ssyncset.done $0x0  }
0x1ae: {  	[sflag:s18] =	ssyncadd.s32 $0xFFFFF000  }
0x1af: {  	_ =	swait.ge [sflag:s18], $0x1000  }
0x1b0: {  	[sflag:s18] =	ssyncset.done $0x0  }
0x1b1: {  	[sflag:s18] =	ssyncadd.s32 $0xFFFFF000  }
0x1b2: {  	_ =	swait.ge [sflag:s18], $0x1000  }
0x1b3: {  	[sflag:s18] =	ssyncset.done $0x0  }
0x1b4: {  	[sflag:s18] =	ssyncadd.s32 $0xFFFFF000  }
0x1b5: {  	_ =	swait.ge [sflag:s18], $0x1000  }
0x1b6: {  	[sflag:s18] =	ssyncset.done $0x0  }
0x1b7: {  	[sflag:s18] =	ssyncadd.s32 $0xFFFFF000  }
0x1b8: {  	_ =	swait.ge [sflag:s18], $0x1000  }
0x1b9: {  	[sflag:s18] =	ssyncset.done $0x0  }
0x1ba: {  	[sflag:s18] =	ssyncadd.s32 $0xFFFFF000  }
0x1bb: {  	_ =	swait.ge [sflag:s18], $0x1000  }
0x1bc: {  	[sflag:s18] =	ssyncset.done $0x0  }
0x1bd: {  	[sflag:s18] =	ssyncadd.s32 $0xFFFFF000  }
0x1be: {  	_ =	swait.ge [sflag:s18], $0x1000  }
0x1bf: {  	s1 =	rddreg [dreg:$0x9];
	[sflag:s18] =	ssyncset.done $0x0  }
0x1c0: {  	s4 =	rddreg [dreg:$0xa];
	[sflag:s18] =	ssyncadd.s32 $0xFFFFF000;
	s0 =	sadd.s32 s30, s1  }
0x1c1: {  	[hbm4b:s0+s2] =	stream.linear.scatter [tilespmem:s19], [sflag:$0x2], $0x1000, $0x38;
	[tilespmem:$0x15000] =	vst v63  }
0x1c2: {  	s7 =	rddreg [dreg:$0x7];
	s1 =	sadd.s32 s30, s4  }
0x1c3: {  	[hbm4b:s1+s2] =	stream.linear.scatter [tilespmem:s20], [sflag:$0x2], $0x1000, $0x38;
	[tilespmem:$0x15000] =	vst v63  }
0x1c4: {  	s9 =	rddreg [dreg:$0x8];
	s0 =	sadd.s32 s30, s7  }
0x1c5: {  	[hbm4b:s0+s2] =	stream.linear.scatter [tilespmem:s21], [sflag:$0x2], $0x1000, $0x38;
	[tilespmem:$0x15000] =	vst v63  }
0x1c6: {  	s31 =	rddreg [dreg:$0x5];
	s1 =	sadd.s32 s30, s9  }
0x1c7: {  	[hbm4b:s1+s2] =	stream.linear.scatter [tilespmem:s22], [sflag:$0x2], $0x1000, $0x38;
	[tilespmem:$0x15000] =	vst v63  }
0x1c8: {  	s4 =	rddreg [dreg:$0x6];
	s0 =	sadd.s32 s30, s31  }
0x1c9: {  	[hbm4b:s0+s2] =	stream.linear.scatter [tilespmem:s23], [sflag:$0x2], $0x1000, $0x38;
	[tilespmem:$0x15000] =	vst v63  }
0x1ca: {  	s7 =	rddreg [dreg:$0x11];
	s1 =	sadd.s32 s30, s4  }
0x1cb: {  	[hbm4b:s1+s2] =	stream.linear.scatter [tilespmem:s24], [sflag:$0x2], $0x1000, $0x38;
	[tilespmem:$0x15000] =	vst v63  }
0x1cc: {  	s9 =	rddreg [dreg:$0x12];
	s0 =	sadd.s32 s30, s7  }
0x1cd: {  	[hbm4b:s0+s2] =	stream.linear.scatter [tilespmem:s25], [sflag:$0x2], $0x1000, $0x38;
	[tilespmem:$0x15000] =	vst v63  }
0x1ce: {  	s31 =	sadd.s32 s30, s9  }
0x1cf: {  	[hbm4b:s31+s2] =	stream.linear.scatter [tilespmem:s26], [sflag:$0x2], $0x1000, $0x38;
	[tilespmem:$0x15000] =	vst v63  }
0x1d0: {  	_ =	swait.ge [sflag:s28], $0x1000  }
0x1d1: {  	[sflag:s28] =	ssyncset.done $0x0  }
0x1d2: {  	[sflag:s28] =	ssyncadd.s32 $0xFFFFF000  }
0x1d3: {  	_ =	swait.ge [sflag:s28], $0x1000  }
0x1d4: {  	[sflag:s28] =	ssyncset.done $0x0  }
0x1d5: {  	[sflag:s28] =	ssyncadd.s32 $0xFFFFF000  }
0x1d6: {  	_ =	swait.ge [sflag:s28], $0x1000  }
0x1d7: {  	[sflag:s28] =	ssyncset.done $0x0  }
0x1d8: {  	[sflag:s28] =	ssyncadd.s32 $0xFFFFF000  }
0x1d9: {  	_ =	swait.ge [sflag:s28], $0x1000  }
0x1da: {  	[sflag:s28] =	ssyncset.done $0x0  }
0x1db: {  	[sflag:s28] =	ssyncadd.s32 $0xFFFFF000  }
0x1dc: {  	_ =	swait.ge [sflag:s28], $0x1000  }
0x1dd: {  	[sflag:s28] =	ssyncset.done $0x0  }
0x1de: {  	[sflag:s28] =	ssyncadd.s32 $0xFFFFF000  }
0x1df: {  	_ =	swait.ge [sflag:s28], $0x1000  }
0x1e0: {  	[sflag:s28] =	ssyncset.done $0x0  }
0x1e1: {  	[sflag:s28] =	ssyncadd.s32 $0xFFFFF000  }
0x1e2: {  	_ =	swait.ge [sflag:s28], $0x1000  }
0x1e3: {  	[sflag:s28] =	ssyncset.done $0x0  }
0x1e4: {  	[sflag:s28] =	ssyncadd.s32 $0xFFFFF000  }
0x1e5: {  	_ =	swait.ge [sflag:s28], $0x1000  }
0x1e6: {  	[sflag:s28] =	ssyncset.done $0x0  }
0x1e7: {  	[sflag:s28] =	ssyncadd.s32 $0xFFFFF000  }
0x1e8: {  	_ =	swait.ge [sflag:s28], $0x1000  }
0x1e9: {  	[sflag:s28] =	ssyncset.done $0x0  }
0x1ea: {  	[sflag:s28] =	ssyncadd.s32 $0xFFFFF000  }
0x1eb: {  	_ =	swait.ge [sflag:s28], $0x1000  }
0x1ec: {  	[sflag:s28] =	ssyncset.done $0x0  }
0x1ed: {  	[sflag:s28] =	ssyncadd.s32 $0xFFFFF000  }
0x1ee: {  	_ =	swait.ge [sflag:s28], $0x1000  }
0x1ef: {  	[sflag:s28] =	ssyncset.done $0x0  }
0x1f0: {  	[sflag:s28] =	ssyncadd.s32 $0xFFFFF000  }
0x1f1: {  	_ =	swait.ge [sflag:s28], $0x1000  }
0x1f2: {  	[sflag:s28] =	ssyncset.done $0x0  }
0x1f3: {  	[sflag:s28] =	ssyncadd.s32 $0xFFFFF000  }
0x1f4: {  	_ =	swait.ge [sflag:s28], $0x1000  }
0x1f5: {  	[sflag:s28] =	ssyncset.done $0x0  }
0x1f6: {  	[sflag:s28] =	ssyncadd.s32 $0xFFFFF000  }
0x1f7: {  	_ =	swait.ge [sflag:s28], $0x1000  }
0x1f8: {  	[sflag:s28] =	ssyncset.done $0x0  }
0x1f9: {  	s29 =	sadd.s32 $0x1, s29;
	[sflag:s28] =	ssyncadd.s32 $0xFFFFF000  }
0x1fa: {  	p0 =	sne.s32 s29, s6;
	_ =	swait.ge [sflag:s28], $0x1000  }
.Ltmp1:
0x1fb: {  	[sflag:s28] =	ssyncset.done $0x0;
	(pc) =	sbr.rel @p0 .LBB2_1-.Ltmp1, $4  }
0x1fc: {  	[sflag:s28] =	ssyncadd.s32 $0xFFFFF000  }
0x1fd: {  	_ =	swait.ge [sflag:s28], $0x1000  }
0x1fe: {  	[sflag:s28] =	ssyncset.done $0x0  }
0x1ff: {  	[sflag:s28] =	ssyncadd.s32 $0xFFFFF000  }
0x200: {  	_ =	sfence.sel $0x180000  }
0x201: {  	[bflag:$0x0] =	sbarrier.arrive $0xFFFF  }
0x202: {  	_ =	strace $0x90000053  }
0x203: {  	s0 =	stileid.u32;
	[bflag:$0x2] =	sbarrier.arrive $0xFFFF  }
0x204: {  	p0 =	sne.s32 s0, $0x0;
	s0 =	rddreg [dreg:$0x2]  }
0x205: {  	s0 =	sadd.s32 @!p0 $0x100000, s0  }
0x206: {  	[sflag:s0] =	ssyncadd.tile.s32 @!p0 $0x1;
	_ =	shalt  }
.Lfunc_end2:
_tile_overlayer_lowered:
.L_overlay_start_2:
0x207: {  	(tag) =	ssettag $0x2  }
0x208: {  	s0 =	rddreg [dreg:$0x0];
	s2 =	stileid.u32  }
0x209: {  	s1 =	rddreg [dreg:$0x1];
	p0 =	sne.s32 s2, $0x0  }
0x20a: {  	s3 =	rddreg [dreg:$0x2];
	[bflag:$0x3] =	sbarrier.arrive $0xFFFF;
	s2 =	simm.s32 @!p0 $0x1C03  }
0x20b: {  	[timem:s3], [sflag:s2] =	dma.local @!p0 [hbm:s0], s1  }
0x20c: {  	s0 =	simm.s32 @!p0 $0x3  }
0x20d: {  	_ =	swait.ge @!p0 [sflag:s0], s1  }
0x20e: {  	s1 =	ssub.s32 @!p0 $0x0, s1;
	[sflag:s0] =	ssyncset.done @!p0 $0x0  }
0x20f: {  	[sflag:s0] =	ssyncadd.s32 @!p0 s1  }
0x210: {  	[bflag:$0x3] =	sbarrier.arrive $0xFFFF  }
0x211: {  	_ =	shalt  }

</sc_bundles>
